<compile_context>
chip_gen: v7x
topology: tpu7x:2x2x1
jax: 0.10.2.dev20260603
libtpu: 0.0.44.dev20260713+nightly
codegen_flags: <defaults>
</compile_context>

<pallas_src>
import functools

import jax
import jax.numpy as jnp
from jax import lax
from jax.experimental import pallas as pl
from jax.experimental.pallas import tpu as pltpu
from jax.experimental.pallas import tpu_sc as plsc

_D = 128
_NW = 32
_GC = 480
_GS = 20
_EPAD = _NW * _GC * _GS

_BLK = 2000


def _gate_body(occ_ref, sym_ref, wu_ref, bu_ref, wg1_ref, wg2_ref, bg_ref, out_ref):
    occ = occ_ref[...]
    sym = sym_ref[...]
    u = jnp.dot(sym, wu_ref[...], preferred_element_type=jnp.float32) + bu_ref[...]
    u = jnp.maximum(u, 0.0)
    z = (jnp.dot(occ, wg1_ref[...], preferred_element_type=jnp.float32)
         + jnp.dot(u, wg2_ref[...], preferred_element_type=jnp.float32)
         + bg_ref[...])
    g = jax.nn.sigmoid(z)
    out_ref[...] = g * occ + (1.0 - g) * u


def _copy_body(flat_ref, out_ref):
    out_ref[...] = flat_ref[...]


def _gate_alias_body(occ_ref, sym_ref, wu_ref, bu_ref, wg1_ref, wg2_ref,
                     bg_ref, v0_ref, out_ref):
    del v0_ref
    _gate_body(occ_ref, sym_ref, wu_ref, bu_ref, wg1_ref, wg2_ref, bg_ref,
               out_ref)


def _build_v(flat, occ, sym, Wu, bu, Wg1, Wg2, bg, e, bt):
    d = _D
    nv = e + bt
    row_spec = pl.BlockSpec((_BLK, d), lambda i: (i, 0))
    full_spec = pl.BlockSpec((d, d), lambda i: (0, 0))
    bias_spec = pl.BlockSpec((1, d), lambda i: (0, 0))
    ecols = e // _BLK
    v0 = pl.pallas_call(
        _copy_body,
        grid=(bt // _BLK,),
        in_specs=[row_spec],
        out_specs=pl.BlockSpec((_BLK, d), lambda i, ecols=ecols: (i + ecols, 0)),
        out_shape=jax.ShapeDtypeStruct((nv, d), jnp.float32),
    )(flat)
    return pl.pallas_call(
        _gate_alias_body,
        grid=(ecols,),
        in_specs=[row_spec, row_spec, full_spec, bias_spec, full_spec,
                  full_spec, bias_spec,
                  pl.BlockSpec(memory_space=pl.ANY)],
        out_specs=row_spec,
        out_shape=jax.ShapeDtypeStruct((nv, d), jnp.float32),
        input_output_aliases={7: 0},
    )(occ, sym, Wu, bu.reshape(1, d), Wg1, Wg2, bg.reshape(1, d), v0)


def _gather_two(flat, symbols, fidx_pad, sidx_pad):
    mesh = plsc.VectorSubcoreMesh(core_axis_name="c", subcore_axis_name="s")

    @functools.partial(
        pl.kernel,
        out_type=(jax.ShapeDtypeStruct((_EPAD, _D), jnp.float32),
                  jax.ShapeDtypeStruct((_EPAD, _D), jnp.float32)),
        mesh=mesh,
        scratch_types=[
            pltpu.VMEM((_GC,), jnp.int32),
            pltpu.VMEM((_GC,), jnp.int32),
            pltpu.VMEM((_GC, _D), jnp.float32),
            pltpu.VMEM((_GC, _D), jnp.float32),
            pltpu.SemaphoreType.DMA,
            pltpu.SemaphoreType.DMA,
        ],
    )
    def k(flat_hbm, sym_hbm, fidx_hbm, sidx_hbm, occ_hbm, symo_hbm,
          idx0, idx1, buf0, buf1, sem0, sem1):
        wid = lax.axis_index("s") * 2 + lax.axis_index("c")
        base = wid * (_GC * _GS)
        for tbl, ih, oh in ((flat_hbm, fidx_hbm, occ_hbm),
                            (sym_hbm, sidx_hbm, symo_hbm)):
            pltpu.sync_copy(ih.at[pl.ds(base, _GC)], idx0)
            pltpu.async_copy(tbl.at[idx0], buf0, sem0)
            pltpu.sync_copy(ih.at[pl.ds(base + _GC, _GC)], idx1)
            pltpu.async_copy(tbl.at[idx1], buf1, sem1)

            def pair(g, carry, tbl=tbl, ih=ih, oh=oh):
                for b, (idxb, bufb, semb) in enumerate(
                        ((idx0, buf0, sem0), (idx1, buf1, sem1))):
                    s = 2 * g + b
                    pltpu.make_async_copy(tbl.at[idxb], bufb, semb).wait()
                    pltpu.sync_copy(bufb, oh.at[pl.ds(base + s * _GC, _GC)])

                    @pl.when(s + 2 < _GS)
                    def _():
                        pltpu.sync_copy(ih.at[pl.ds(base + (s + 2) * _GC, _GC)],
                                        idxb)
                        pltpu.async_copy(tbl.at[idxb], bufb, semb)
                return carry

            lax.fori_loop(0, _GS // 2, pair, 0)

    return k(flat, symbols, fidx_pad, sidx_pad)


_WC = 19200
_WP = 12
_WCH = 960
_WNCH = 20
_WFLAT = _WNCH * _WCH


def _winner(widx_pad, bt, e):
    mesh = plsc.VectorSubcoreMesh(core_axis_name="c", subcore_axis_name="s",
                                  num_cores=1)
    nrow = bt + 8
    q = 15632

    @functools.partial(
        pl.kernel,
        out_type=jax.ShapeDtypeStruct((nrow,), jnp.int32),
        mesh=mesh,
        scratch_types=[
            pltpu.VMEM((_WC,), jnp.int32),
            pltpu.VMEM((_WC,), jnp.int32),
            pltpu.VMEM((_WC,), jnp.int32),
            pltpu.VMEM((_WFLAT,), jnp.int32),
            pltpu.VMEM((_WFLAT,), jnp.int32),
            pltpu.VMEM_SHARED((nrow,), jnp.int32),
            pltpu.SemaphoreType.DMA,
        ],
        compiler_params=pltpu.CompilerParams(needs_layout_passes=False),
    )
    def k(widx_hbm, ptr_hbm, idxb, keyb, gatb, cidx, ckey, shared, sem):
        cgat = gatb
        wid = lax.axis_index("s")
        iota = lax.iota(jnp.int32, 16)

        ibase = jnp.minimum(wid * q, nrow - q)

        def istep(j, _):
            gatb[pl.ds(16 * j, 16)] = ibase + 16 * j + iota + 1
            return 0
        lax.fori_loop(0, q // 16, istep, 0)
        pltpu.sync_copy(gatb.at[pl.ds(0, q)], shared.at[pl.ds(ibase, q)])

        wbase = wid * _WC
        pltpu.sync_copy(widx_hbm.at[pl.ds(wbase, _WC)], idxb)

        def kstep(j, _):
            keyb[pl.ds(16 * j, 16)] = -(wbase + 16 * j + iota)
            return 0
        lax.fori_loop(0, _WC // 16, kstep, 0)

        def pstep(t, _):
            sl = pl.ds(16 * t, 16)
            cidx[sl] = jnp.zeros((16,), jnp.int32) + bt
            ckey[sl] = jnp.zeros((16,), jnp.int32) + 1
            return 0
        lax.fori_loop(0, _WFLAT // 16, pstep, 0)

        plsc.subcore_barrier()
        pltpu.sync_copy(keyb, shared.at[idxb])
        plsc.subcore_barrier()

        pltpu.sync_copy(shared.at[idxb], gatb)

        def cmpstep(j, cnt):
            sl = pl.ds(16 * j, 16)
            k16 = keyb[sl]
            i16 = idxb[sl]
            m = k16 < gatb[sl]
            mi = m.astype(jnp.int32)
            pos = cnt + plsc.cumsum(mi) - 1
            plsc.store_scatter(cidx, [pos], i16, mask=m)
            plsc.store_scatter(ckey, [pos], k16, mask=m)
            gatb[sl] = jnp.where(m, i16, bt)
            return cnt + jnp.sum(mi)
        cnt = lax.fori_loop(0, _WC // 16, cmpstep, jnp.int32(0))
        pltpu.sync_copy(keyb, shared.at[gatb])
        plsc.subcore_barrier()

        def one_pass(p, _):
            for c in range(_WNCH):
                @pl.when(c * _WCH < cnt)
                def _(c=c):
                    rs = pl.ds(c * _WCH, _WCH)
                    pltpu.sync_copy(shared.at[cidx.at[rs]], cgat.at[rs])

            def fstep(t, _):
                sl = pl.ds(16 * t, 16)
                cgat[sl] = jnp.where(ckey[sl] < cgat[sl], cidx[sl], bt)
                return 0
            lax.fori_loop(0, _WFLAT // 16, fstep, 0)

            for c in range(_WNCH):
                @pl.when(c * _WCH < cnt)
                def _(c=c):
                    rs = pl.ds(c * _WCH, _WCH)
                    pltpu.sync_copy(ckey.at[rs], shared.at[cgat.at[rs]])
            plsc.subcore_barrier()
            return 0
        lax.fori_loop(0, _WP - 1, one_pass, 0)

        pltpu.sync_copy(shared.at[pl.ds(ibase, q)], gatb.at[pl.ds(0, q)])
        pltpu.sync_copy(gatb.at[pl.ds(0, q)], ptr_hbm.at[pl.ds(ibase, q)])

    return k(widx_pad)


_DC = 256
_DL = 32


def _dest(vtab, keytab, e, bt):
    mesh = plsc.VectorSubcoreMesh(core_axis_name="c", subcore_axis_name="s")
    cmax = bt // _DC
    lastbase = bt - _DC

    @functools.partial(
        pl.kernel,
        out_type=jax.ShapeDtypeStruct((bt, _D), jnp.float32),
        mesh=mesh,
        scratch_types=[
            pltpu.VMEM((_DC,), jnp.int32),
            pltpu.VMEM((_DC,), jnp.int32),
            pltpu.VMEM((_DC,), jnp.int32),
            pltpu.VMEM((_DC,), jnp.int32),
            pltpu.VMEM((_DC, _D), jnp.float32),
            pltpu.VMEM((_DC, _D), jnp.float32),
            pltpu.SemaphoreType.DMA,
            pltpu.SemaphoreType.DMA,
        ],
    )
    def k(v_hbm, key_hbm, out_hbm, ptr0, vr0, ptr1, vr1, buf0, buf1,
          sem0, sem1):
        wid = lax.axis_index("s") * 2 + lax.axis_index("c")
        iota16 = lax.iota(jnp.int32, 16)
        del iota16

        def base_of(l):
            c = jnp.minimum(wid + _NW * l, cmax)
            return jnp.minimum(c * _DC, lastbase)

        def load_start(l, ptrb, vrb, bufb, semb):
            bs = base_of(l)
            pltpu.sync_copy(key_hbm.at[pl.ds(bs, _DC)], ptrb)

            def vstep(i, _):
                sl = pl.ds(16 * i, 16)
                key = ptrb[sl]
                vrb[sl] = jnp.where(key <= 0, -key, e + key - 1)
                return 0
            lax.fori_loop(0, _DC // 16, vstep, 0)
            pltpu.async_copy(v_hbm.at[vrb], bufb, semb)

        bufs = ((ptr0, vr0, buf0, sem0), (ptr1, vr1, buf1, sem1))
        load_start(0, *bufs[0])
        load_start(1, *bufs[1])

        def pair(j, carry):
            for bb, (ptrb, vrb, bufb, semb) in enumerate(bufs):
                l = 2 * j + bb
                pltpu.make_async_copy(v_hbm.at[vrb], bufb, semb).wait()
                pltpu.sync_copy(bufb, out_hbm.at[pl.ds(base_of(l), _DC)])

                @pl.when(l + 2 < _DL)
                def _():
                    load_start(l + 2, ptrb, vrb, bufb, semb)
            return carry

        lax.fori_loop(0, _DL // 2, pair, 0)

    return k(vtab, keytab)


def kernel(expressions_encodings, symbols_encodings, expr_idx, token_idx,
           symbol_idx, Wu, bu, Wg, bg):
    b, t, d = expressions_encodings.shape
    e = expr_idx.shape[0]
    flat = expressions_encodings.reshape(b * t, d)
    flat_idx = (t * expr_idx + token_idx).astype(jnp.int32)
    fidx_pad = jnp.pad(flat_idx, (0, _EPAD - e))
    sidx_pad = jnp.pad(symbol_idx.astype(jnp.int32), (0, _EPAD - e))
    occ_p, sym_p = _gather_two(flat, symbols_encodings, fidx_pad, sidx_pad)
    bt = b * t
    vtab = _build_v(flat, occ_p, sym_p, Wu, bu, Wg[:d], Wg[d:], bg, e, bt)
    widx_pad = jnp.concatenate([flat_idx, jnp.full((_EPAD - e,), bt, jnp.int32)])
    keytab = _winner(widx_pad, bt, e)
    out = _dest(vtab, keytab, e, bt)
    return out.reshape(b, t, d)

# --- scband reference (transcript-rebuilt; emitter-appended) ---
"""Pipeline reference for scband-method-cfgencoder-64665027608673 (READ-ONLY COPY).

The authoritative reference and input builder live on the scoring server;
editing this copy changes nothing except your own understanding.
"""

import jax, jax.numpy as jnp
import numpy as np

B, T, D = 5000, 50, 128
E = 300000
S = 100000

def setup_inputs(seed: int = 0) -> dict:
    key = jax.random.key(seed)
    ks = jax.random.split(key, 8)
    expressions_encodings = jax.random.normal(ks[0], (B, T, D), dtype=jnp.float32)
    symbols_encodings = jax.random.normal(ks[1], (S, D), dtype=jnp.float32)
    expr_idx = jax.random.randint(ks[2], (E,), 0, B)
    token_idx = jax.random.randint(ks[3], (E,), 0, T)
    symbol_idx = jax.random.randint(ks[4], (E,), 0, S)
    # Gate parameters (update projection + sigmoid gate over [state, projected_update])
    Wu = jax.random.normal(ks[5], (D, D), dtype=jnp.float32) * 0.05
    bu = jnp.zeros((D,), dtype=jnp.float32)
    Wg = jax.random.normal(ks[6], (2 * D, D), dtype=jnp.float32) * 0.05
    bg = jnp.zeros((D,), dtype=jnp.float32)
    return {
        'expressions_encodings': expressions_encodings,
        'symbols_encodings': symbols_encodings,
        'expr_idx': expr_idx,
        'token_idx': token_idx,
        'symbol_idx': symbol_idx,
        'Wu': Wu, 'bu': bu, 'Wg': Wg, 'bg': bg,
    }

def reference(expressions_encodings, symbols_encodings, expr_idx, token_idx, symbol_idx, Wu, bu, Wg, bg):
    b, t, d = expressions_encodings.shape
    flat = expressions_encodings.reshape(b * t, d)
    # flat index of each symbol occurrence within the flattened token table
    flat_idx = t * expr_idx + token_idx
    # gather token encodings at symbol-occurrence positions (memory-bound gather)
    symbols_occurrences = jnp.take(flat, flat_idx, axis=0)
    # gather symbol encodings per occurrence
    symbols_encodings_for_occurrences = jnp.take(symbols_encodings, symbol_idx, axis=0)
    # Gate(previous_state=symbols_occurrences, state_update=symbols_encodings_for_occurrences)
    u = jax.nn.relu(symbols_encodings_for_occurrences @ Wu + bu)
    g = jax.nn.sigmoid(jnp.concatenate([symbols_occurrences, u], axis=-1) @ Wg + bg)
    updated_occurrences = g * symbols_occurrences + (1.0 - g) * u
    # scatter (overwrite) updated occurrences back into the flattened token table
    out = flat.at[flat_idx].set(updated_occurrences)
    return out.reshape(b, t, d)

if __name__ == "__main__":
    import jax
    _d = setup_inputs()
    print(jax.jit(kernel)(*tuple(_d.values())))

</pallas_src>

<mosaic_0001>
#map = affine_map<(d0, d1) -> (0)>
module attributes {stable_mosaic.version = 14 : i64} {
  func.func @k(%arg0: i32, %arg1: i32, %arg2: memref<307200xi32, #tpu.memory_space<hbm>>, %arg3: memref<250008xi32, #tpu.memory_space<hbm>>, %arg4: memref<19200xi32, #tpu.memory_space<vmem>>, %arg5: memref<19200xi32, #tpu.memory_space<vmem>>, %arg6: memref<19200xi32, #tpu.memory_space<vmem>>, %arg7: memref<19200xi32, #tpu.memory_space<vmem>>, %arg8: memref<19200xi32, #tpu.memory_space<vmem>>, %arg9: memref<250008xi32, #tpu.memory_space<vmem_shared>>, %arg10: memref<!tpu.dma_semaphore, #tpu.memory_space<semaphore_mem>>) attributes {dimension_semantics = [#tpu.dimension_semantics<core_parallel>, #tpu.dimension_semantics<subcore_parallel>], iteration_bounds = array<i64: 1, 16>, scalar_prefetch = 0 : i64, scratch_operands = 7 : i64, tpu.core_type = #tpu.core_type<sc_vector_subcore>, window_params = [{transform_indices = #map}, {transform_indices = #map}]} {
    %iota3A = tpu.iota {dimensions = array<i32: 0>} : vector<16xi32>
    %mul3A = arith.constant 15632 : i32
    %mul3A_0 = arith.muli %arg1, %mul3A : i32
    %min3A = arith.constant 234376 : i32
    %min3A_1 = arith.minsi %mul3A_0, %min3A : i32
    %scan3A = arith.constant 0 : i32
    %scan3A_2 = arith.constant 0 : i32
    %scan3A_3 = arith.constant 977 : i32
    %scan3A_4 = arith.addi %scan3A_2, %scan3A_3 : i32
    %scan3A_5 = arith.constant 1 : i32
    %scan3A_6 = scf.for %scan3A_40 = %scan3A_2 to %scan3A_4 step %scan3A_5 iter_args(%scan3A_41 = %scan3A) -> (i32)  : i32 {
      %mul3A_42 = arith.constant 16 : i32
      %mul3A_43 = arith.muli %mul3A_42, %scan3A_40 : i32
      %add3A = arith.addi %min3A_1, %mul3A_43 : i32
      %add3A_44 = vector.broadcast %add3A : i32 to vector<16xi32>
      %add3A_45 = arith.addi %add3A_44, %iota3A : vector<16xi32>
      %add3A_46 = arith.constant 1 : i32
      %add3A_47 = vector.broadcast %add3A_46 : i32 to vector<16xi32>
      %add3A_48 = arith.addi %add3A_45, %add3A_47 : vector<16xi32>
      %mul3A_49 = arith.constant 16 : i32
      %mul3A_50 = arith.muli %mul3A_49, %scan3A_40 : i32
      %swap3A = arith.index_cast %mul3A_50 : i32 to index
      %swap3A_51 = tpu.vector_load %arg6[%swap3A] {strides = array<i32>} : memref<19200xi32, #tpu.memory_space<vmem>>, vector<16xi32>,
      tpu.vector_store %arg6[%swap3A], %add3A_48 {strides = array<i32>} : memref<19200xi32, #tpu.memory_space<vmem>>, vector<16xi32>,
      %scan3A_52 = arith.constant 0 : i32
      scf.yield %scan3A_52 : i32
    }
    %scan3A_7 = arith.constant 977 : i32
    "tpu.region"() ({
      %run_scoped3A = tpu.sem_alloc : memref<!tpu.dma_semaphore, #tpu.memory_space<semaphore_mem>>
      %dma_start3A = arith.constant 0 : i32
      %dma_start3A_40 = tpu.memref_slice %arg6[%dma_start3A] : memref<19200xi32, #tpu.memory_space<vmem>> -> memref<15632xi32, #tpu.memory_space<vmem>>
      %dma_start3A_41 = tpu.memref_slice %arg9[%min3A_1] : memref<250008xi32, #tpu.memory_space<vmem_shared>> -> memref<15632xi32, #tpu.memory_space<vmem_shared>>
      %dma_start3A_42 = tpu.memref_slice %arg9[%min3A_1] : memref<250008xi32, #tpu.memory_space<vmem_shared>> -> memref<15632xi32, #tpu.memory_space<vmem_shared>>
      %dma_start3A_43 = arith.constant 0 : i32
      %dma_start3A_44 = tpu.memref_slice %arg6[%dma_start3A_43] : memref<19200xi32, #tpu.memory_space<vmem>> -> memref<15632xi32, #tpu.memory_space<vmem>>
      tpu.enqueue_dma source(%dma_start3A_44 : memref<15632xi32, #tpu.memory_space<vmem>>) target(%dma_start3A_42 : memref<15632xi32, #tpu.memory_space<vmem_shared>>) target_semaphore(%run_scoped3A : memref<!tpu.dma_semaphore, #tpu.memory_space<semaphore_mem>>)
      %dma_wait3A = arith.constant 0 : i32
      %dma_wait3A_45 = tpu.memref_slice %arg6[%dma_wait3A] : memref<19200xi32, #tpu.memory_space<vmem>> -> memref<15632xi32, #tpu.memory_space<vmem>>
      %dma_wait3A_46 = tpu.memref_slice %arg9[%min3A_1] : memref<250008xi32, #tpu.memory_space<vmem_shared>> -> memref<15632xi32, #tpu.memory_space<vmem_shared>>
      %dma_wait3A_47 = tpu.memref_slice %arg9[%min3A_1] : memref<250008xi32, #tpu.memory_space<vmem_shared>> -> memref<15632xi32, #tpu.memory_space<vmem_shared>>
      %dma_wait3A_48 = arith.constant 0 : i32
      %dma_wait3A_49 = tpu.memref_slice %arg6[%dma_wait3A_48] : memref<19200xi32, #tpu.memory_space<vmem>> -> memref<15632xi32, #tpu.memory_space<vmem>>
      tpu.wait_dma2 semaphore(%run_scoped3A : memref<!tpu.dma_semaphore, #tpu.memory_space<semaphore_mem>>) src(%dma_wait3A_49 : memref<15632xi32, #tpu.memory_space<vmem>>) dst(%dma_wait3A_47 : memref<15632xi32, #tpu.memory_space<vmem_shared>>)
      tpu.yield
    }) : () -> ()
    %mul3A_8 = arith.constant 19200 : i32
    %mul3A_9 = arith.muli %arg1, %mul3A_8 : i32
    "tpu.region"() ({
      %run_scoped3A = tpu.sem_alloc : memref<!tpu.dma_semaphore, #tpu.memory_space<semaphore_mem>>
      %dma_start3A = tpu.memref_slice %arg2[%mul3A_9] : memref<307200xi32, #tpu.memory_space<hbm>> -> memref<19200xi32, #tpu.memory_space<hbm>>
      %dma_start3A_40 = tpu.memref_slice %arg2[%mul3A_9] : memref<307200xi32, #tpu.memory_space<hbm>> -> memref<19200xi32, #tpu.memory_space<hbm>>
      tpu.enqueue_dma source(%dma_start3A_40 : memref<19200xi32, #tpu.memory_space<hbm>>) target(%arg4 : memref<19200xi32, #tpu.memory_space<vmem>>) target_semaphore(%run_scoped3A : memref<!tpu.dma_semaphore, #tpu.memory_space<semaphore_mem>>)
      %dma_wait3A = tpu.memref_slice %arg2[%mul3A_9] : memref<307200xi32, #tpu.memory_space<hbm>> -> memref<19200xi32, #tpu.memory_space<hbm>>
      %dma_wait3A_41 = tpu.memref_slice %arg2[%mul3A_9] : memref<307200xi32, #tpu.memory_space<hbm>> -> memref<19200xi32, #tpu.memory_space<hbm>>
      tpu.wait_dma2 semaphore(%run_scoped3A : memref<!tpu.dma_semaphore, #tpu.memory_space<semaphore_mem>>) src(%dma_wait3A_41 : memref<19200xi32, #tpu.memory_space<hbm>>) dst(%arg4 : memref<19200xi32, #tpu.memory_space<vmem>>)
      tpu.yield
    }) : () -> ()
    %scan3A_10 = arith.constant 0 : i32
    %scan3A_11 = arith.constant 0 : i32
    %scan3A_12 = arith.constant 1200 : i32
    %scan3A_13 = arith.addi %scan3A_11, %scan3A_12 : i32
    %scan3A_14 = arith.constant 1 : i32
    %scan3A_15 = scf.for %scan3A_40 = %scan3A_11 to %scan3A_13 step %scan3A_14 iter_args(%scan3A_41 = %scan3A_10) -> (i32)  : i32 {
      %mul3A_42 = arith.constant 16 : i32
      %mul3A_43 = arith.muli %mul3A_42, %scan3A_40 : i32
      %add3A = arith.addi %mul3A_9, %mul3A_43 : i32
      %add3A_44 = vector.broadcast %add3A : i32 to vector<16xi32>
      %add3A_45 = arith.addi %add3A_44, %iota3A : vector<16xi32>
      %neg3A = arith.constant 0 : i32
      %neg3A_46 = vector.broadcast %neg3A : i32 to vector<16xi32>
      %neg3A_47 = arith.subi %neg3A_46, %add3A_45 : vector<16xi32>
      %mul3A_48 = arith.constant 16 : i32
      %mul3A_49 = arith.muli %mul3A_48, %scan3A_40 : i32
      %swap3A = arith.index_cast %mul3A_49 : i32 to index
      %swap3A_50 = tpu.vector_load %arg5[%swap3A] {strides = array<i32>} : memref<19200xi32, #tpu.memory_space<vmem>>, vector<16xi32>,
      tpu.vector_store %arg5[%swap3A], %neg3A_47 {strides = array<i32>} : memref<19200xi32, #tpu.memory_space<vmem>>, vector<16xi32>,
      %scan3A_51 = arith.constant 0 : i32
      scf.yield %scan3A_51 : i32
    }
    %scan3A_16 = arith.constant 1200 : i32
    %scan3A_17 = arith.constant 0 : i32
    %scan3A_18 = arith.constant 0 : i32
    %scan3A_19 = arith.constant 1200 : i32
    %scan3A_20 = arith.addi %scan3A_18, %scan3A_19 : i32
    %scan3A_21 = arith.constant 1 : i32
    %scan3A_22 = scf.for %scan3A_40 = %scan3A_18 to %scan3A_20 step %scan3A_21 iter_args(%scan3A_41 = %scan3A_17) -> (i32)  : i32 {
      %mul3A_42 = arith.constant 16 : i32
      %mul3A_43 = arith.muli %mul3A_42, %scan3A_40 : i32
      %broadcast_in_dim3A = arith.constant 0 : i32
      %broadcast_in_dim3A_44 = vector.broadcast %broadcast_in_dim3A : i32 to vector<16xi32>
      %add3A = arith.constant 250000 : i32
      %add3A_45 = vector.broadcast %add3A : i32 to vector<16xi32>
      %add3A_46 = arith.addi %broadcast_in_dim3A_44, %add3A_45 : vector<16xi32>
      %swap3A = arith.index_cast %mul3A_43 : i32 to index
      %swap3A_47 = tpu.vector_load %arg7[%swap3A] {strides = array<i32>} : memref<19200xi32, #tpu.memory_space<vmem>>, vector<16xi32>,
      tpu.vector_store %arg7[%swap3A], %add3A_46 {strides = array<i32>} : memref<19200xi32, #tpu.memory_space<vmem>>, vector<16xi32>,
      %broadcast_in_dim3A_48 = arith.constant 0 : i32
      %broadcast_in_dim3A_49 = vector.broadcast %broadcast_in_dim3A_48 : i32 to vector<16xi32>
      %add3A_50 = arith.constant 1 : i32
      %add3A_51 = vector.broadcast %add3A_50 : i32 to vector<16xi32>
      %add3A_52 = arith.addi %broadcast_in_dim3A_49, %add3A_51 : vector<16xi32>
      %swap3A_53 = arith.index_cast %mul3A_43 : i32 to index
      %swap3A_54 = tpu.vector_load %arg8[%swap3A_53] {strides = array<i32>} : memref<19200xi32, #tpu.memory_space<vmem>>, vector<16xi32>,
      tpu.vector_store %arg8[%swap3A_53], %add3A_52 {strides = array<i32>} : memref<19200xi32, #tpu.memory_space<vmem>>, vector<16xi32>,
      %scan3A_55 = arith.constant 0 : i32
      scf.yield %scan3A_55 : i32
    }
    %scan3A_23 = arith.constant 1200 : i32
    %barrier3A = arith.constant 0 : index
    tpu.barrier barrier_id(%barrier3A)
    "tpu.region"() ({
      %run_scoped3A = tpu.sem_alloc : memref<!tpu.dma_semaphore, #tpu.memory_space<semaphore_mem>>
      %dma_start3A = arith.constant 0 : i32
      %dma_start3A_40 = tpu.memref_slice %arg9[%dma_start3A] : memref<250008xi32, #tpu.memory_space<vmem_shared>> -> memref<250008xi32, #tpu.memory_space<vmem_shared>>
      tpu.enqueue_indirect_dma source(%arg5 : memref<19200xi32, #tpu.memory_space<vmem>>) target(%dma_start3A_40 : memref<250008xi32, #tpu.memory_space<vmem_shared>>) offsets(%arg4 : memref<19200xi32, #tpu.memory_space<vmem>>) semaphore(%run_scoped3A : memref<!tpu.dma_semaphore, #tpu.memory_space<semaphore_mem>>)
      %dma_wait3A = arith.constant 0 : i32
      %dma_wait3A_41 = tpu.memref_slice %arg9[%dma_wait3A] : memref<250008xi32, #tpu.memory_space<vmem_shared>> -> memref<250008xi32, #tpu.memory_space<vmem_shared>>
      tpu.wait_indirect_dma semaphore(%run_scoped3A : memref<!tpu.dma_semaphore, #tpu.memory_space<semaphore_mem>>) src(%arg5 : memref<19200xi32, #tpu.memory_space<vmem>>) dst(%dma_wait3A_41 : memref<250008xi32, #tpu.memory_space<vmem_shared>>)
      tpu.yield
    }) : () -> ()
    %barrier3A_24 = arith.constant 0 : index
    tpu.barrier barrier_id(%barrier3A_24)
    "tpu.region"() ({
      %run_scoped3A = tpu.sem_alloc : memref<!tpu.dma_semaphore, #tpu.memory_space<semaphore_mem>>
      %dma_start3A = arith.constant 0 : i32
      %dma_start3A_40 = tpu.memref_slice %arg9[%dma_start3A] : memref<250008xi32, #tpu.memory_space<vmem_shared>> -> memref<250008xi32, #tpu.memory_space<vmem_shared>>
      tpu.enqueue_indirect_dma source(%dma_start3A_40 : memref<250008xi32, #tpu.memory_space<vmem_shared>>) target(%arg6 : memref<19200xi32, #tpu.memory_space<vmem>>) offsets(%arg4 : memref<19200xi32, #tpu.memory_space<vmem>>) semaphore(%run_scoped3A : memref<!tpu.dma_semaphore, #tpu.memory_space<semaphore_mem>>)
      %dma_wait3A = arith.constant 0 : i32
      %dma_wait3A_41 = tpu.memref_slice %arg9[%dma_wait3A] : memref<250008xi32, #tpu.memory_space<vmem_shared>> -> memref<250008xi32, #tpu.memory_space<vmem_shared>>
      tpu.wait_indirect_dma semaphore(%run_scoped3A : memref<!tpu.dma_semaphore, #tpu.memory_space<semaphore_mem>>) src(%dma_wait3A_41 : memref<250008xi32, #tpu.memory_space<vmem_shared>>) dst(%arg6 : memref<19200xi32, #tpu.memory_space<vmem>>)
      tpu.yield
    }) : () -> ()
    %scan3A_25 = arith.constant 0 : i32
    %scan3A_26 = arith.constant 0 : i32
    %scan3A_27 = arith.constant 1200 : i32
    %scan3A_28 = arith.addi %scan3A_26, %scan3A_27 : i32
    %scan3A_29 = arith.constant 1 : i32
    %scan3A_30 = scf.for %scan3A_40 = %scan3A_26 to %scan3A_28 step %scan3A_29 iter_args(%scan3A_41 = %scan3A_25) -> (i32)  : i32 {
      %mul3A_42 = arith.constant 16 : i32
      %mul3A_43 = arith.muli %mul3A_42, %scan3A_40 : i32
      %get3A = arith.index_cast %mul3A_43 : i32 to index
      %get3A_44 = tpu.vector_load %arg5[%get3A] {strides = array<i32>} : memref<19200xi32, #tpu.memory_space<vmem>>, vector<16xi32>,
      %get3A_45 = arith.index_cast %mul3A_43 : i32 to index
      %get3A_46 = tpu.vector_load %arg4[%get3A_45] {strides = array<i32>} : memref<19200xi32, #tpu.memory_space<vmem>>, vector<16xi32>,
      %get3A_47 = arith.index_cast %mul3A_43 : i32 to index
      %get3A_48 = tpu.vector_load %arg6[%get3A_47] {strides = array<i32>} : memref<19200xi32, #tpu.memory_space<vmem>>, vector<16xi32>,
      %lt3A = arith.cmpi slt, %get3A_44, %get3A_48 : vector<16xi32>
      %convert_element_type3A = arith.extui %lt3A : vector<16xi1> to vector<16xi32>
      %broadcast_in_dim3A = arith.constant true
      %broadcast_in_dim3A_49 = vector.broadcast %broadcast_in_dim3A : i1 to vector<16xi1>
      %masked_cumsum3A = tpu.scan <sum>, %convert_element_type3A masked %broadcast_in_dim3A_49 : vector<16xi32>, vector<16xi1> -> vector<16xi32>
      %add3A = vector.broadcast %scan3A_41 : i32 to vector<16xi32>
      %add3A_50 = arith.addi %add3A, %masked_cumsum3A : vector<16xi32>
      %sub3A = arith.constant 1 : i32
      %sub3A_51 = vector.broadcast %sub3A : i32 to vector<16xi32>
      %sub3A_52 = arith.subi %add3A_50, %sub3A_51 : vector<16xi32>
      tpu.vector_store_idx %arg7[%sub3A_52], %get3A_46 masked %lt3A : memref<19200xi32, #tpu.memory_space<vmem>>[vector<16xi32>], vector<16xi32>, vector<16xi1>
      tpu.vector_store_idx %arg8[%sub3A_52], %get3A_44 masked %lt3A : memref<19200xi32, #tpu.memory_space<vmem>>[vector<16xi32>], vector<16xi32>, vector<16xi1>
      %jit3A = arith.constant 250000 : i32
      %broadcast_in_dim3A_53 = vector.broadcast %jit3A : i32 to vector<16xi32>
      %select_n3A = arith.select %lt3A, %get3A_46, %broadcast_in_dim3A_53 : vector<16xi1>, vector<16xi32>
      %swap3A = arith.index_cast %mul3A_43 : i32 to index
      %swap3A_54 = tpu.vector_load %arg6[%swap3A] {strides = array<i32>} : memref<19200xi32, #tpu.memory_space<vmem>>, vector<16xi32>,
      tpu.vector_store %arg6[%swap3A], %select_n3A {strides = array<i32>} : memref<19200xi32, #tpu.memory_space<vmem>>, vector<16xi32>,
      %reduce_sum3A = arith.constant true
      %reduce_sum3A_55 = vector.broadcast %reduce_sum3A : i1 to vector<16xi1>
      %reduce_sum3A_56 = tpu.scan <sum>, %convert_element_type3A masked %reduce_sum3A_55 : vector<16xi32>, vector<16xi1> -> vector<16xi32>
      %reduce_sum3A_57 = vector.extract %reduce_sum3A_56[15] : i32 from vector<16xi32>
      %add3A_58 = arith.addi %scan3A_41, %reduce_sum3A_57 : i32
      scf.yield %add3A_58 : i32
    }
    %scan3A_31 = arith.constant 1200 : i32
    "tpu.region"() ({
      %run_scoped3A = tpu.sem_alloc : memref<!tpu.dma_semaphore, #tpu.memory_space<semaphore_mem>>
      %dma_start3A = arith.constant 0 : i32
      %dma_start3A_40 = tpu.memref_slice %arg9[%dma_start3A] : memref<250008xi32, #tpu.memory_space<vmem_shared>> -> memref<250008xi32, #tpu.memory_space<vmem_shared>>
      tpu.enqueue_indirect_dma source(%arg5 : memref<19200xi32, #tpu.memory_space<vmem>>) target(%dma_start3A_40 : memref<250008xi32, #tpu.memory_space<vmem_shared>>) offsets(%arg6 : memref<19200xi32, #tpu.memory_space<vmem>>) semaphore(%run_scoped3A : memref<!tpu.dma_semaphore, #tpu.memory_space<semaphore_mem>>)
      %dma_wait3A = arith.constant 0 : i32
      %dma_wait3A_41 = tpu.memref_slice %arg9[%dma_wait3A] : memref<250008xi32, #tpu.memory_space<vmem_shared>> -> memref<250008xi32, #tpu.memory_space<vmem_shared>>
      tpu.wait_indirect_dma semaphore(%run_scoped3A : memref<!tpu.dma_semaphore, #tpu.memory_space<semaphore_mem>>) src(%arg5 : memref<19200xi32, #tpu.memory_space<vmem>>) dst(%dma_wait3A_41 : memref<250008xi32, #tpu.memory_space<vmem_shared>>)
      tpu.yield
    }) : () -> ()
    %barrier3A_32 = arith.constant 0 : index
    tpu.barrier barrier_id(%barrier3A_32)
    %scan3A_33 = arith.constant 0 : i32
    %scan3A_34 = arith.constant 0 : i32
    %scan3A_35 = arith.constant 11 : i32
    %scan3A_36 = arith.addi %scan3A_34, %scan3A_35 : i32
    %scan3A_37 = arith.constant 1 : i32
    %scan3A_38 = scf.for %scan3A_40 = %scan3A_34 to %scan3A_36 step %scan3A_37 iter_args(%scan3A_41 = %scan3A_33) -> (i32)  : i32 {
      %gt3A = arith.constant 0 : i32
      %gt3A_42 = arith.cmpi sgt, %scan3A_30, %gt3A : i32
      %convert_element_type3A = arith.extui %gt3A_42 : i1 to i32
      %cond3A = arith.constant 0 : i32
      %cond3A_43 = arith.cmpi ne, %convert_element_type3A, %cond3A : i32
      scf.if %cond3A_43 {
        "tpu.region"() ({
          %run_scoped3A = tpu.sem_alloc : memref<!tpu.dma_semaphore, #tpu.memory_space<semaphore_mem>>
          %dma_start3A = arith.constant 0 : i32
          %dma_start3A_248 = tpu.memref_slice %arg6[%dma_start3A] : memref<19200xi32, #tpu.memory_space<vmem>> -> memref<960xi32, #tpu.memory_space<vmem>>
          %dma_start3A_249 = arith.constant 0 : i32
          %dma_start3A_250 = tpu.memref_slice %arg7[%dma_start3A_249] : memref<19200xi32, #tpu.memory_space<vmem>> -> memref<960xi32, #tpu.memory_space<vmem>>
          %dma_start3A_251 = arith.constant 0 : i32
          %dma_start3A_252 = tpu.memref_slice %arg9[%dma_start3A_251] : memref<250008xi32, #tpu.memory_space<vmem_shared>> -> memref<250008xi32, #tpu.memory_space<vmem_shared>>
          tpu.enqueue_indirect_dma source(%dma_start3A_252 : memref<250008xi32, #tpu.memory_space<vmem_shared>>) target(%dma_start3A_248 : memref<960xi32, #tpu.memory_space<vmem>>) offsets(%dma_start3A_250 : memref<960xi32, #tpu.memory_space<vmem>>) semaphore(%run_scoped3A : memref<!tpu.dma_semaphore, #tpu.memory_space<semaphore_mem>>)
          %dma_wait3A = arith.constant 0 : i32
          %dma_wait3A_253 = tpu.memref_slice %arg6[%dma_wait3A] : memref<19200xi32, #tpu.memory_space<vmem>> -> memref<960xi32, #tpu.memory_space<vmem>>
          %dma_wait3A_254 = arith.constant 0 : i32
          %dma_wait3A_255 = tpu.memref_slice %arg7[%dma_wait3A_254] : memref<19200xi32, #tpu.memory_space<vmem>> -> memref<960xi32, #tpu.memory_space<vmem>>
          %dma_wait3A_256 = arith.constant 0 : i32
          %dma_wait3A_257 = tpu.memref_slice %arg9[%dma_wait3A_256] : memref<250008xi32, #tpu.memory_space<vmem_shared>> -> memref<250008xi32, #tpu.memory_space<vmem_shared>>
          tpu.wait_indirect_dma semaphore(%run_scoped3A : memref<!tpu.dma_semaphore, #tpu.memory_space<semaphore_mem>>) src(%dma_wait3A_257 : memref<250008xi32, #tpu.memory_space<vmem_shared>>) dst(%dma_wait3A_253 : memref<960xi32, #tpu.memory_space<vmem>>)
          tpu.yield
        }) : () -> ()
      } else {
      }
      %gt3A_44 = arith.constant 960 : i32
      %gt3A_45 = arith.cmpi sgt, %scan3A_30, %gt3A_44 : i32
      %convert_element_type3A_46 = arith.extui %gt3A_45 : i1 to i32
      %cond3A_47 = arith.constant 0 : i32
      %cond3A_48 = arith.cmpi ne, %convert_element_type3A_46, %cond3A_47 : i32
      scf.if %cond3A_48 {
        "tpu.region"() ({
          %run_scoped3A = tpu.sem_alloc : memref<!tpu.dma_semaphore, #tpu.memory_space<semaphore_mem>>
          %dma_start3A = arith.constant 960 : i32
          %dma_start3A_248 = tpu.memref_slice %arg6[%dma_start3A] : memref<19200xi32, #tpu.memory_space<vmem>> -> memref<960xi32, #tpu.memory_space<vmem>>
          %dma_start3A_249 = arith.constant 960 : i32
          %dma_start3A_250 = tpu.memref_slice %arg7[%dma_start3A_249] : memref<19200xi32, #tpu.memory_space<vmem>> -> memref<960xi32, #tpu.memory_space<vmem>>
          %dma_start3A_251 = arith.constant 0 : i32
          %dma_start3A_252 = tpu.memref_slice %arg9[%dma_start3A_251] : memref<250008xi32, #tpu.memory_space<vmem_shared>> -> memref<250008xi32, #tpu.memory_space<vmem_shared>>
          tpu.enqueue_indirect_dma source(%dma_start3A_252 : memref<250008xi32, #tpu.memory_space<vmem_shared>>) target(%dma_start3A_248 : memref<960xi32, #tpu.memory_space<vmem>>) offsets(%dma_start3A_250 : memref<960xi32, #tpu.memory_space<vmem>>) semaphore(%run_scoped3A : memref<!tpu.dma_semaphore, #tpu.memory_space<semaphore_mem>>)
          %dma_wait3A = arith.constant 960 : i32
          %dma_wait3A_253 = tpu.memref_slice %arg6[%dma_wait3A] : memref<19200xi32, #tpu.memory_space<vmem>> -> memref<960xi32, #tpu.memory_space<vmem>>
          %dma_wait3A_254 = arith.constant 960 : i32
          %dma_wait3A_255 = tpu.memref_slice %arg7[%dma_wait3A_254] : memref<19200xi32, #tpu.memory_space<vmem>> -> memref<960xi32, #tpu.memory_space<vmem>>
          %dma_wait3A_256 = arith.constant 0 : i32
          %dma_wait3A_257 = tpu.memref_slice %arg9[%dma_wait3A_256] : memref<250008xi32, #tpu.memory_space<vmem_shared>> -> memref<250008xi32, #tpu.memory_space<vmem_shared>>
          tpu.wait_indirect_dma semaphore(%run_scoped3A : memref<!tpu.dma_semaphore, #tpu.memory_space<semaphore_mem>>) src(%dma_wait3A_257 : memref<250008xi32, #tpu.memory_space<vmem_shared>>) dst(%dma_wait3A_253 : memref<960xi32, #tpu.memory_space<vmem>>)
          tpu.yield
        }) : () -> ()
      } else {
      }
      %gt3A_49 = arith.constant 1920 : i32
      %gt3A_50 = arith.cmpi sgt, %scan3A_30, %gt3A_49 : i32
      %convert_element_type3A_51 = arith.extui %gt3A_50 : i1 to i32
      %cond3A_52 = arith.constant 0 : i32
      %cond3A_53 = arith.cmpi ne, %convert_element_type3A_51, %cond3A_52 : i32
      scf.if %cond3A_53 {
        "tpu.region"() ({
          %run_scoped3A = tpu.sem_alloc : memref<!tpu.dma_semaphore, #tpu.memory_space<semaphore_mem>>
          %dma_start3A = arith.constant 1920 : i32
          %dma_start3A_248 = tpu.memref_slice %arg6[%dma_start3A] : memref<19200xi32, #tpu.memory_space<vmem>> -> memref<960xi32, #tpu.memory_space<vmem>>
          %dma_start3A_249 = arith.constant 1920 : i32
          %dma_start3A_250 = tpu.memref_slice %arg7[%dma_start3A_249] : memref<19200xi32, #tpu.memory_space<vmem>> -> memref<960xi32, #tpu.memory_space<vmem>>
          %dma_start3A_251 = arith.constant 0 : i32
          %dma_start3A_252 = tpu.memref_slice %arg9[%dma_start3A_251] : memref<250008xi32, #tpu.memory_space<vmem_shared>> -> memref<250008xi32, #tpu.memory_space<vmem_shared>>
          tpu.enqueue_indirect_dma source(%dma_start3A_252 : memref<250008xi32, #tpu.memory_space<vmem_shared>>) target(%dma_start3A_248 : memref<960xi32, #tpu.memory_space<vmem>>) offsets(%dma_start3A_250 : memref<960xi32, #tpu.memory_space<vmem>>) semaphore(%run_scoped3A : memref<!tpu.dma_semaphore, #tpu.memory_space<semaphore_mem>>)
          %dma_wait3A = arith.constant 1920 : i32
          %dma_wait3A_253 = tpu.memref_slice %arg6[%dma_wait3A] : memref<19200xi32, #tpu.memory_space<vmem>> -> memref<960xi32, #tpu.memory_space<vmem>>
          %dma_wait3A_254 = arith.constant 1920 : i32
          %dma_wait3A_255 = tpu.memref_slice %arg7[%dma_wait3A_254] : memref<19200xi32, #tpu.memory_space<vmem>> -> memref<960xi32, #tpu.memory_space<vmem>>
          %dma_wait3A_256 = arith.constant 0 : i32
          %dma_wait3A_257 = tpu.memref_slice %arg9[%dma_wait3A_256] : memref<250008xi32, #tpu.memory_space<vmem_shared>> -> memref<250008xi32, #tpu.memory_space<vmem_shared>>
          tpu.wait_indirect_dma semaphore(%run_scoped3A : memref<!tpu.dma_semaphore, #tpu.memory_space<semaphore_mem>>) src(%dma_wait3A_257 : memref<250008xi32, #tpu.memory_space<vmem_shared>>) dst(%dma_wait3A_253 : memref<960xi32, #tpu.memory_space<vmem>>)
          tpu.yield
        }) : () -> ()
      } else {
      }
      %gt3A_54 = arith.constant 2880 : i32
      %gt3A_55 = arith.cmpi sgt, %scan3A_30, %gt3A_54 : i32
      %convert_element_type3A_56 = arith.extui %gt3A_55 : i1 to i32
      %cond3A_57 = arith.constant 0 : i32
      %cond3A_58 = arith.cmpi ne, %convert_element_type3A_56, %cond3A_57 : i32
      scf.if %cond3A_58 {
        "tpu.region"() ({
          %run_scoped3A = tpu.sem_alloc : memref<!tpu.dma_semaphore, #tpu.memory_space<semaphore_mem>>
          %dma_start3A = arith.constant 2880 : i32
          %dma_start3A_248 = tpu.memref_slice %arg6[%dma_start3A] : memref<19200xi32, #tpu.memory_space<vmem>> -> memref<960xi32, #tpu.memory_space<vmem>>
          %dma_start3A_249 = arith.constant 2880 : i32
          %dma_start3A_250 = tpu.memref_slice %arg7[%dma_start3A_249] : memref<19200xi32, #tpu.memory_space<vmem>> -> memref<960xi32, #tpu.memory_space<vmem>>
          %dma_start3A_251 = arith.constant 0 : i32
          %dma_start3A_252 = tpu.memref_slice %arg9[%dma_start3A_251] : memref<250008xi32, #tpu.memory_space<vmem_shared>> -> memref<250008xi32, #tpu.memory_space<vmem_shared>>
          tpu.enqueue_indirect_dma source(%dma_start3A_252 : memref<250008xi32, #tpu.memory_space<vmem_shared>>) target(%dma_start3A_248 : memref<960xi32, #tpu.memory_space<vmem>>) offsets(%dma_start3A_250 : memref<960xi32, #tpu.memory_space<vmem>>) semaphore(%run_scoped3A : memref<!tpu.dma_semaphore, #tpu.memory_space<semaphore_mem>>)
          %dma_wait3A = arith.constant 2880 : i32
          %dma_wait3A_253 = tpu.memref_slice %arg6[%dma_wait3A] : memref<19200xi32, #tpu.memory_space<vmem>> -> memref<960xi32, #tpu.memory_space<vmem>>
          %dma_wait3A_254 = arith.constant 2880 : i32
          %dma_wait3A_255 = tpu.memref_slice %arg7[%dma_wait3A_254] : memref<19200xi32, #tpu.memory_space<vmem>> -> memref<960xi32, #tpu.memory_space<vmem>>
          %dma_wait3A_256 = arith.constant 0 : i32
          %dma_wait3A_257 = tpu.memref_slice %arg9[%dma_wait3A_256] : memref<250008xi32, #tpu.memory_space<vmem_shared>> -> memref<250008xi32, #tpu.memory_space<vmem_shared>>
          tpu.wait_indirect_dma semaphore(%run_scoped3A : memref<!tpu.dma_semaphore, #tpu.memory_space<semaphore_mem>>) src(%dma_wait3A_257 : memref<250008xi32, #tpu.memory_space<vmem_shared>>) dst(%dma_wait3A_253 : memref<960xi32, #tpu.memory_space<vmem>>)
          tpu.yield
        }) : () -> ()
      } else {
      }
      %gt3A_59 = arith.constant 3840 : i32
      %gt3A_60 = arith.cmpi sgt, %scan3A_30, %gt3A_59 : i32
      %convert_element_type3A_61 = arith.extui %gt3A_60 : i1 to i32
      %cond3A_62 = arith.constant 0 : i32
      %cond3A_63 = arith.cmpi ne, %convert_element_type3A_61, %cond3A_62 : i32
      scf.if %cond3A_63 {
        "tpu.region"() ({
          %run_scoped3A = tpu.sem_alloc : memref<!tpu.dma_semaphore, #tpu.memory_space<semaphore_mem>>
          %dma_start3A = arith.constant 3840 : i32
          %dma_start3A_248 = tpu.memref_slice %arg6[%dma_start3A] : memref<19200xi32, #tpu.memory_space<vmem>> -> memref<960xi32, #tpu.memory_space<vmem>>
          %dma_start3A_249 = arith.constant 3840 : i32
          %dma_start3A_250 = tpu.memref_slice %arg7[%dma_start3A_249] : memref<19200xi32, #tpu.memory_space<vmem>> -> memref<960xi32, #tpu.memory_space<vmem>>
          %dma_start3A_251 = arith.constant 0 : i32
          %dma_start3A_252 = tpu.memref_slice %arg9[%dma_start3A_251] : memref<250008xi32, #tpu.memory_space<vmem_shared>> -> memref<250008xi32, #tpu.memory_space<vmem_shared>>
          tpu.enqueue_indirect_dma source(%dma_start3A_252 : memref<250008xi32, #tpu.memory_space<vmem_shared>>) target(%dma_start3A_248 : memref<960xi32, #tpu.memory_space<vmem>>) offsets(%dma_start3A_250 : memref<960xi32, #tpu.memory_space<vmem>>) semaphore(%run_scoped3A : memref<!tpu.dma_semaphore, #tpu.memory_space<semaphore_mem>>)
          %dma_wait3A = arith.constant 3840 : i32
          %dma_wait3A_253 = tpu.memref_slice %arg6[%dma_wait3A] : memref<19200xi32, #tpu.memory_space<vmem>> -> memref<960xi32, #tpu.memory_space<vmem>>
          %dma_wait3A_254 = arith.constant 3840 : i32
          %dma_wait3A_255 = tpu.memref_slice %arg7[%dma_wait3A_254] : memref<19200xi32, #tpu.memory_space<vmem>> -> memref<960xi32, #tpu.memory_space<vmem>>
          %dma_wait3A_256 = arith.constant 0 : i32
          %dma_wait3A_257 = tpu.memref_slice %arg9[%dma_wait3A_256] : memref<250008xi32, #tpu.memory_space<vmem_shared>> -> memref<250008xi32, #tpu.memory_space<vmem_shared>>
          tpu.wait_indirect_dma semaphore(%run_scoped3A : memref<!tpu.dma_semaphore, #tpu.memory_space<semaphore_mem>>) src(%dma_wait3A_257 : memref<250008xi32, #tpu.memory_space<vmem_shared>>) dst(%dma_wait3A_253 : memref<960xi32, #tpu.memory_space<vmem>>)
          tpu.yield
        }) : () -> ()
      } else {
      }
      %gt3A_64 = arith.constant 4800 : i32
      %gt3A_65 = arith.cmpi sgt, %scan3A_30, %gt3A_64 : i32
      %convert_element_type3A_66 = arith.extui %gt3A_65 : i1 to i32
      %cond3A_67 = arith.constant 0 : i32
      %cond3A_68 = arith.cmpi ne, %convert_element_type3A_66, %cond3A_67 : i32
      scf.if %cond3A_68 {
        "tpu.region"() ({
          %run_scoped3A = tpu.sem_alloc : memref<!tpu.dma_semaphore, #tpu.memory_space<semaphore_mem>>
          %dma_start3A = arith.constant 4800 : i32
          %dma_start3A_248 = tpu.memref_slice %arg6[%dma_start3A] : memref<19200xi32, #tpu.memory_space<vmem>> -> memref<960xi32, #tpu.memory_space<vmem>>
          %dma_start3A_249 = arith.constant 4800 : i32
          %dma_start3A_250 = tpu.memref_slice %arg7[%dma_start3A_249] : memref<19200xi32, #tpu.memory_space<vmem>> -> memref<960xi32, #tpu.memory_space<vmem>>
          %dma_start3A_251 = arith.constant 0 : i32
          %dma_start3A_252 = tpu.memref_slice %arg9[%dma_start3A_251] : memref<250008xi32, #tpu.memory_space<vmem_shared>> -> memref<250008xi32, #tpu.memory_space<vmem_shared>>
          tpu.enqueue_indirect_dma source(%dma_start3A_252 : memref<250008xi32, #tpu.memory_space<vmem_shared>>) target(%dma_start3A_248 : memref<960xi32, #tpu.memory_space<vmem>>) offsets(%dma_start3A_250 : memref<960xi32, #tpu.memory_space<vmem>>) semaphore(%run_scoped3A : memref<!tpu.dma_semaphore, #tpu.memory_space<semaphore_mem>>)
          %dma_wait3A = arith.constant 4800 : i32
          %dma_wait3A_253 = tpu.memref_slice %arg6[%dma_wait3A] : memref<19200xi32, #tpu.memory_space<vmem>> -> memref<960xi32, #tpu.memory_space<vmem>>
          %dma_wait3A_254 = arith.constant 4800 : i32
          %dma_wait3A_255 = tpu.memref_slice %arg7[%dma_wait3A_254] : memref<19200xi32, #tpu.memory_space<vmem>> -> memref<960xi32, #tpu.memory_space<vmem>>
          %dma_wait3A_256 = arith.constant 0 : i32
          %dma_wait3A_257 = tpu.memref_slice %arg9[%dma_wait3A_256] : memref<250008xi32, #tpu.memory_space<vmem_shared>> -> memref<250008xi32, #tpu.memory_space<vmem_shared>>
          tpu.wait_indirect_dma semaphore(%run_scoped3A : memref<!tpu.dma_semaphore, #tpu.memory_space<semaphore_mem>>) src(%dma_wait3A_257 : memref<250008xi32, #tpu.memory_space<vmem_shared>>) dst(%dma_wait3A_253 : memref<960xi32, #tpu.memory_space<vmem>>)
          tpu.yield
        }) : () -> ()
      } else {
      }
      %gt3A_69 = arith.constant 5760 : i32
      %gt3A_70 = arith.cmpi sgt, %scan3A_30, %gt3A_69 : i32
      %convert_element_type3A_71 = arith.extui %gt3A_70 : i1 to i32
      %cond3A_72 = arith.constant 0 : i32
      %cond3A_73 = arith.cmpi ne, %convert_element_type3A_71, %cond3A_72 : i32
      scf.if %cond3A_73 {
        "tpu.region"() ({
          %run_scoped3A = tpu.sem_alloc : memref<!tpu.dma_semaphore, #tpu.memory_space<semaphore_mem>>
          %dma_start3A = arith.constant 5760 : i32
          %dma_start3A_248 = tpu.memref_slice %arg6[%dma_start3A] : memref<19200xi32, #tpu.memory_space<vmem>> -> memref<960xi32, #tpu.memory_space<vmem>>
          %dma_start3A_249 = arith.constant 5760 : i32
          %dma_start3A_250 = tpu.memref_slice %arg7[%dma_start3A_249] : memref<19200xi32, #tpu.memory_space<vmem>> -> memref<960xi32, #tpu.memory_space<vmem>>
          %dma_start3A_251 = arith.constant 0 : i32
          %dma_start3A_252 = tpu.memref_slice %arg9[%dma_start3A_251] : memref<250008xi32, #tpu.memory_space<vmem_shared>> -> memref<250008xi32, #tpu.memory_space<vmem_shared>>
          tpu.enqueue_indirect_dma source(%dma_start3A_252 : memref<250008xi32, #tpu.memory_space<vmem_shared>>) target(%dma_start3A_248 : memref<960xi32, #tpu.memory_space<vmem>>) offsets(%dma_start3A_250 : memref<960xi32, #tpu.memory_space<vmem>>) semaphore(%run_scoped3A : memref<!tpu.dma_semaphore, #tpu.memory_space<semaphore_mem>>)
          %dma_wait3A = arith.constant 5760 : i32
          %dma_wait3A_253 = tpu.memref_slice %arg6[%dma_wait3A] : memref<19200xi32, #tpu.memory_space<vmem>> -> memref<960xi32, #tpu.memory_space<vmem>>
          %dma_wait3A_254 = arith.constant 5760 : i32
          %dma_wait3A_255 = tpu.memref_slice %arg7[%dma_wait3A_254] : memref<19200xi32, #tpu.memory_space<vmem>> -> memref<960xi32, #tpu.memory_space<vmem>>
          %dma_wait3A_256 = arith.constant 0 : i32
          %dma_wait3A_257 = tpu.memref_slice %arg9[%dma_wait3A_256] : memref<250008xi32, #tpu.memory_space<vmem_shared>> -> memref<250008xi32, #tpu.memory_space<vmem_shared>>
          tpu.wait_indirect_dma semaphore(%run_scoped3A : memref<!tpu.dma_semaphore, #tpu.memory_space<semaphore_mem>>) src(%dma_wait3A_257 : memref<250008xi32, #tpu.memory_space<vmem_shared>>) dst(%dma_wait3A_253 : memref<960xi32, #tpu.memory_space<vmem>>)
          tpu.yield
        }) : () -> ()
      } else {
      }
      %gt3A_74 = arith.constant 6720 : i32
      %gt3A_75 = arith.cmpi sgt, %scan3A_30, %gt3A_74 : i32
      %convert_element_type3A_76 = arith.extui %gt3A_75 : i1 to i32
      %cond3A_77 = arith.constant 0 : i32
      %cond3A_78 = arith.cmpi ne, %convert_element_type3A_76, %cond3A_77 : i32
      scf.if %cond3A_78 {
        "tpu.region"() ({
          %run_scoped3A = tpu.sem_alloc : memref<!tpu.dma_semaphore, #tpu.memory_space<semaphore_mem>>
          %dma_start3A = arith.constant 6720 : i32
          %dma_start3A_248 = tpu.memref_slice %arg6[%dma_start3A] : memref<19200xi32, #tpu.memory_space<vmem>> -> memref<960xi32, #tpu.memory_space<vmem>>
          %dma_start3A_249 = arith.constant 6720 : i32
          %dma_start3A_250 = tpu.memref_slice %arg7[%dma_start3A_249] : memref<19200xi32, #tpu.memory_space<vmem>> -> memref<960xi32, #tpu.memory_space<vmem>>
          %dma_start3A_251 = arith.constant 0 : i32
          %dma_start3A_252 = tpu.memref_slice %arg9[%dma_start3A_251] : memref<250008xi32, #tpu.memory_space<vmem_shared>> -> memref<250008xi32, #tpu.memory_space<vmem_shared>>
          tpu.enqueue_indirect_dma source(%dma_start3A_252 : memref<250008xi32, #tpu.memory_space<vmem_shared>>) target(%dma_start3A_248 : memref<960xi32, #tpu.memory_space<vmem>>) offsets(%dma_start3A_250 : memref<960xi32, #tpu.memory_space<vmem>>) semaphore(%run_scoped3A : memref<!tpu.dma_semaphore, #tpu.memory_space<semaphore_mem>>)
          %dma_wait3A = arith.constant 6720 : i32
          %dma_wait3A_253 = tpu.memref_slice %arg6[%dma_wait3A] : memref<19200xi32, #tpu.memory_space<vmem>> -> memref<960xi32, #tpu.memory_space<vmem>>
          %dma_wait3A_254 = arith.constant 6720 : i32
          %dma_wait3A_255 = tpu.memref_slice %arg7[%dma_wait3A_254] : memref<19200xi32, #tpu.memory_space<vmem>> -> memref<960xi32, #tpu.memory_space<vmem>>
          %dma_wait3A_256 = arith.constant 0 : i32
          %dma_wait3A_257 = tpu.memref_slice %arg9[%dma_wait3A_256] : memref<250008xi32, #tpu.memory_space<vmem_shared>> -> memref<250008xi32, #tpu.memory_space<vmem_shared>>
          tpu.wait_indirect_dma semaphore(%run_scoped3A : memref<!tpu.dma_semaphore, #tpu.memory_space<semaphore_mem>>) src(%dma_wait3A_257 : memref<250008xi32, #tpu.memory_space<vmem_shared>>) dst(%dma_wait3A_253 : memref<960xi32, #tpu.memory_space<vmem>>)
          tpu.yield
        }) : () -> ()
      } else {
      }
      %gt3A_79 = arith.constant 7680 : i32
      %gt3A_80 = arith.cmpi sgt, %scan3A_30, %gt3A_79 : i32
      %convert_element_type3A_81 = arith.extui %gt3A_80 : i1 to i32
      %cond3A_82 = arith.constant 0 : i32
      %cond3A_83 = arith.cmpi ne, %convert_element_type3A_81, %cond3A_82 : i32
      scf.if %cond3A_83 {
        "tpu.region"() ({
          %run_scoped3A = tpu.sem_alloc : memref<!tpu.dma_semaphore, #tpu.memory_space<semaphore_mem>>
          %dma_start3A = arith.constant 7680 : i32
          %dma_start3A_248 = tpu.memref_slice %arg6[%dma_start3A] : memref<19200xi32, #tpu.memory_space<vmem>> -> memref<960xi32, #tpu.memory_space<vmem>>
          %dma_start3A_249 = arith.constant 7680 : i32
          %dma_start3A_250 = tpu.memref_slice %arg7[%dma_start3A_249] : memref<19200xi32, #tpu.memory_space<vmem>> -> memref<960xi32, #tpu.memory_space<vmem>>
          %dma_start3A_251 = arith.constant 0 : i32
          %dma_start3A_252 = tpu.memref_slice %arg9[%dma_start3A_251] : memref<250008xi32, #tpu.memory_space<vmem_shared>> -> memref<250008xi32, #tpu.memory_space<vmem_shared>>
          tpu.enqueue_indirect_dma source(%dma_start3A_252 : memref<250008xi32, #tpu.memory_space<vmem_shared>>) target(%dma_start3A_248 : memref<960xi32, #tpu.memory_space<vmem>>) offsets(%dma_start3A_250 : memref<960xi32, #tpu.memory_space<vmem>>) semaphore(%run_scoped3A : memref<!tpu.dma_semaphore, #tpu.memory_space<semaphore_mem>>)
          %dma_wait3A = arith.constant 7680 : i32
          %dma_wait3A_253 = tpu.memref_slice %arg6[%dma_wait3A] : memref<19200xi32, #tpu.memory_space<vmem>> -> memref<960xi32, #tpu.memory_space<vmem>>
          %dma_wait3A_254 = arith.constant 7680 : i32
          %dma_wait3A_255 = tpu.memref_slice %arg7[%dma_wait3A_254] : memref<19200xi32, #tpu.memory_space<vmem>> -> memref<960xi32, #tpu.memory_space<vmem>>
          %dma_wait3A_256 = arith.constant 0 : i32
          %dma_wait3A_257 = tpu.memref_slice %arg9[%dma_wait3A_256] : memref<250008xi32, #tpu.memory_space<vmem_shared>> -> memref<250008xi32, #tpu.memory_space<vmem_shared>>
          tpu.wait_indirect_dma semaphore(%run_scoped3A : memref<!tpu.dma_semaphore, #tpu.memory_space<semaphore_mem>>) src(%dma_wait3A_257 : memref<250008xi32, #tpu.memory_space<vmem_shared>>) dst(%dma_wait3A_253 : memref<960xi32, #tpu.memory_space<vmem>>)
          tpu.yield
        }) : () -> ()
      } else {
      }
      %gt3A_84 = arith.constant 8640 : i32
      %gt3A_85 = arith.cmpi sgt, %scan3A_30, %gt3A_84 : i32
      %convert_element_type3A_86 = arith.extui %gt3A_85 : i1 to i32
      %cond3A_87 = arith.constant 0 : i32
      %cond3A_88 = arith.cmpi ne, %convert_element_type3A_86, %cond3A_87 : i32
      scf.if %cond3A_88 {
        "tpu.region"() ({
          %run_scoped3A = tpu.sem_alloc : memref<!tpu.dma_semaphore, #tpu.memory_space<semaphore_mem>>
          %dma_start3A = arith.constant 8640 : i32
          %dma_start3A_248 = tpu.memref_slice %arg6[%dma_start3A] : memref<19200xi32, #tpu.memory_space<vmem>> -> memref<960xi32, #tpu.memory_space<vmem>>
          %dma_start3A_249 = arith.constant 8640 : i32
          %dma_start3A_250 = tpu.memref_slice %arg7[%dma_start3A_249] : memref<19200xi32, #tpu.memory_space<vmem>> -> memref<960xi32, #tpu.memory_space<vmem>>
          %dma_start3A_251 = arith.constant 0 : i32
          %dma_start3A_252 = tpu.memref_slice %arg9[%dma_start3A_251] : memref<250008xi32, #tpu.memory_space<vmem_shared>> -> memref<250008xi32, #tpu.memory_space<vmem_shared>>
          tpu.enqueue_indirect_dma source(%dma_start3A_252 : memref<250008xi32, #tpu.memory_space<vmem_shared>>) target(%dma_start3A_248 : memref<960xi32, #tpu.memory_space<vmem>>) offsets(%dma_start3A_250 : memref<960xi32, #tpu.memory_space<vmem>>) semaphore(%run_scoped3A : memref<!tpu.dma_semaphore, #tpu.memory_space<semaphore_mem>>)
          %dma_wait3A = arith.constant 8640 : i32
          %dma_wait3A_253 = tpu.memref_slice %arg6[%dma_wait3A] : memref<19200xi32, #tpu.memory_space<vmem>> -> memref<960xi32, #tpu.memory_space<vmem>>
          %dma_wait3A_254 = arith.constant 8640 : i32
          %dma_wait3A_255 = tpu.memref_slice %arg7[%dma_wait3A_254] : memref<19200xi32, #tpu.memory_space<vmem>> -> memref<960xi32, #tpu.memory_space<vmem>>
          %dma_wait3A_256 = arith.constant 0 : i32
          %dma_wait3A_257 = tpu.memref_slice %arg9[%dma_wait3A_256] : memref<250008xi32, #tpu.memory_space<vmem_shared>> -> memref<250008xi32, #tpu.memory_space<vmem_shared>>
          tpu.wait_indirect_dma semaphore(%run_scoped3A : memref<!tpu.dma_semaphore, #tpu.memory_space<semaphore_mem>>) src(%dma_wait3A_257 : memref<250008xi32, #tpu.memory_space<vmem_shared>>) dst(%dma_wait3A_253 : memref<960xi32, #tpu.memory_space<vmem>>)
          tpu.yield
        }) : () -> ()
      } else {
      }
      %gt3A_89 = arith.constant 9600 : i32
      %gt3A_90 = arith.cmpi sgt, %scan3A_30, %gt3A_89 : i32
      %convert_element_type3A_91 = arith.extui %gt3A_90 : i1 to i32
      %cond3A_92 = arith.constant 0 : i32
      %cond3A_93 = arith.cmpi ne, %convert_element_type3A_91, %cond3A_92 : i32
      scf.if %cond3A_93 {
        "tpu.region"() ({
          %run_scoped3A = tpu.sem_alloc : memref<!tpu.dma_semaphore, #tpu.memory_space<semaphore_mem>>
          %dma_start3A = arith.constant 9600 : i32
          %dma_start3A_248 = tpu.memref_slice %arg6[%dma_start3A] : memref<19200xi32, #tpu.memory_space<vmem>> -> memref<960xi32, #tpu.memory_space<vmem>>
          %dma_start3A_249 = arith.constant 9600 : i32
          %dma_start3A_250 = tpu.memref_slice %arg7[%dma_start3A_249] : memref<19200xi32, #tpu.memory_space<vmem>> -> memref<960xi32, #tpu.memory_space<vmem>>
          %dma_start3A_251 = arith.constant 0 : i32
          %dma_start3A_252 = tpu.memref_slice %arg9[%dma_start3A_251] : memref<250008xi32, #tpu.memory_space<vmem_shared>> -> memref<250008xi32, #tpu.memory_space<vmem_shared>>
          tpu.enqueue_indirect_dma source(%dma_start3A_252 : memref<250008xi32, #tpu.memory_space<vmem_shared>>) target(%dma_start3A_248 : memref<960xi32, #tpu.memory_space<vmem>>) offsets(%dma_start3A_250 : memref<960xi32, #tpu.memory_space<vmem>>) semaphore(%run_scoped3A : memref<!tpu.dma_semaphore, #tpu.memory_space<semaphore_mem>>)
          %dma_wait3A = arith.constant 9600 : i32
          %dma_wait3A_253 = tpu.memref_slice %arg6[%dma_wait3A] : memref<19200xi32, #tpu.memory_space<vmem>> -> memref<960xi32, #tpu.memory_space<vmem>>
          %dma_wait3A_254 = arith.constant 9600 : i32
          %dma_wait3A_255 = tpu.memref_slice %arg7[%dma_wait3A_254] : memref<19200xi32, #tpu.memory_space<vmem>> -> memref<960xi32, #tpu.memory_space<vmem>>
          %dma_wait3A_256 = arith.constant 0 : i32
          %dma_wait3A_257 = tpu.memref_slice %arg9[%dma_wait3A_256] : memref<250008xi32, #tpu.memory_space<vmem_shared>> -> memref<250008xi32, #tpu.memory_space<vmem_shared>>
          tpu.wait_indirect_dma semaphore(%run_scoped3A : memref<!tpu.dma_semaphore, #tpu.memory_space<semaphore_mem>>) src(%dma_wait3A_257 : memref<250008xi32, #tpu.memory_space<vmem_shared>>) dst(%dma_wait3A_253 : memref<960xi32, #tpu.memory_space<vmem>>)
          tpu.yield
        }) : () -> ()
      } else {
      }
      %gt3A_94 = arith.constant 10560 : i32
      %gt3A_95 = arith.cmpi sgt, %scan3A_30, %gt3A_94 : i32
      %convert_element_type3A_96 = arith.extui %gt3A_95 : i1 to i32
      %cond3A_97 = arith.constant 0 : i32
      %cond3A_98 = arith.cmpi ne, %convert_element_type3A_96, %cond3A_97 : i32
      scf.if %cond3A_98 {
        "tpu.region"() ({
          %run_scoped3A = tpu.sem_alloc : memref<!tpu.dma_semaphore, #tpu.memory_space<semaphore_mem>>
          %dma_start3A = arith.constant 10560 : i32
          %dma_start3A_248 = tpu.memref_slice %arg6[%dma_start3A] : memref<19200xi32, #tpu.memory_space<vmem>> -> memref<960xi32, #tpu.memory_space<vmem>>
          %dma_start3A_249 = arith.constant 10560 : i32
          %dma_start3A_250 = tpu.memref_slice %arg7[%dma_start3A_249] : memref<19200xi32, #tpu.memory_space<vmem>> -> memref<960xi32, #tpu.memory_space<vmem>>
          %dma_start3A_251 = arith.constant 0 : i32
          %dma_start3A_252 = tpu.memref_slice %arg9[%dma_start3A_251] : memref<250008xi32, #tpu.memory_space<vmem_shared>> -> memref<250008xi32, #tpu.memory_space<vmem_shared>>
          tpu.enqueue_indirect_dma source(%dma_start3A_252 : memref<250008xi32, #tpu.memory_space<vmem_shared>>) target(%dma_start3A_248 : memref<960xi32, #tpu.memory_space<vmem>>) offsets(%dma_start3A_250 : memref<960xi32, #tpu.memory_space<vmem>>) semaphore(%run_scoped3A : memref<!tpu.dma_semaphore, #tpu.memory_space<semaphore_mem>>)
          %dma_wait3A = arith.constant 10560 : i32
          %dma_wait3A_253 = tpu.memref_slice %arg6[%dma_wait3A] : memref<19200xi32, #tpu.memory_space<vmem>> -> memref<960xi32, #tpu.memory_space<vmem>>
          %dma_wait3A_254 = arith.constant 10560 : i32
          %dma_wait3A_255 = tpu.memref_slice %arg7[%dma_wait3A_254] : memref<19200xi32, #tpu.memory_space<vmem>> -> memref<960xi32, #tpu.memory_space<vmem>>
          %dma_wait3A_256 = arith.constant 0 : i32
          %dma_wait3A_257 = tpu.memref_slice %arg9[%dma_wait3A_256] : memref<250008xi32, #tpu.memory_space<vmem_shared>> -> memref<250008xi32, #tpu.memory_space<vmem_shared>>
          tpu.wait_indirect_dma semaphore(%run_scoped3A : memref<!tpu.dma_semaphore, #tpu.memory_space<semaphore_mem>>) src(%dma_wait3A_257 : memref<250008xi32, #tpu.memory_space<vmem_shared>>) dst(%dma_wait3A_253 : memref<960xi32, #tpu.memory_space<vmem>>)
          tpu.yield
        }) : () -> ()
      } else {
      }
      %gt3A_99 = arith.constant 11520 : i32
      %gt3A_100 = arith.cmpi sgt, %scan3A_30, %gt3A_99 : i32
      %convert_element_type3A_101 = arith.extui %gt3A_100 : i1 to i32
      %cond3A_102 = arith.constant 0 : i32
      %cond3A_103 = arith.cmpi ne, %convert_element_type3A_101, %cond3A_102 : i32
      scf.if %cond3A_103 {
        "tpu.region"() ({
          %run_scoped3A = tpu.sem_alloc : memref<!tpu.dma_semaphore, #tpu.memory_space<semaphore_mem>>
          %dma_start3A = arith.constant 11520 : i32
          %dma_start3A_248 = tpu.memref_slice %arg6[%dma_start3A] : memref<19200xi32, #tpu.memory_space<vmem>> -> memref<960xi32, #tpu.memory_space<vmem>>
          %dma_start3A_249 = arith.constant 11520 : i32
          %dma_start3A_250 = tpu.memref_slice %arg7[%dma_start3A_249] : memref<19200xi32, #tpu.memory_space<vmem>> -> memref<960xi32, #tpu.memory_space<vmem>>
          %dma_start3A_251 = arith.constant 0 : i32
          %dma_start3A_252 = tpu.memref_slice %arg9[%dma_start3A_251] : memref<250008xi32, #tpu.memory_space<vmem_shared>> -> memref<250008xi32, #tpu.memory_space<vmem_shared>>
          tpu.enqueue_indirect_dma source(%dma_start3A_252 : memref<250008xi32, #tpu.memory_space<vmem_shared>>) target(%dma_start3A_248 : memref<960xi32, #tpu.memory_space<vmem>>) offsets(%dma_start3A_250 : memref<960xi32, #tpu.memory_space<vmem>>) semaphore(%run_scoped3A : memref<!tpu.dma_semaphore, #tpu.memory_space<semaphore_mem>>)
          %dma_wait3A = arith.constant 11520 : i32
          %dma_wait3A_253 = tpu.memref_slice %arg6[%dma_wait3A] : memref<19200xi32, #tpu.memory_space<vmem>> -> memref<960xi32, #tpu.memory_space<vmem>>
          %dma_wait3A_254 = arith.constant 11520 : i32
          %dma_wait3A_255 = tpu.memref_slice %arg7[%dma_wait3A_254] : memref<19200xi32, #tpu.memory_space<vmem>> -> memref<960xi32, #tpu.memory_space<vmem>>
          %dma_wait3A_256 = arith.constant 0 : i32
          %dma_wait3A_257 = tpu.memref_slice %arg9[%dma_wait3A_256] : memref<250008xi32, #tpu.memory_space<vmem_shared>> -> memref<250008xi32, #tpu.memory_space<vmem_shared>>
          tpu.wait_indirect_dma semaphore(%run_scoped3A : memref<!tpu.dma_semaphore, #tpu.memory_space<semaphore_mem>>) src(%dma_wait3A_257 : memref<250008xi32, #tpu.memory_space<vmem_shared>>) dst(%dma_wait3A_253 : memref<960xi32, #tpu.memory_space<vmem>>)
          tpu.yield
        }) : () -> ()
      } else {
      }
      %gt3A_104 = arith.constant 12480 : i32
      %gt3A_105 = arith.cmpi sgt, %scan3A_30, %gt3A_104 : i32
      %convert_element_type3A_106 = arith.extui %gt3A_105 : i1 to i32
      %cond3A_107 = arith.constant 0 : i32
      %cond3A_108 = arith.cmpi ne, %convert_element_type3A_106, %cond3A_107 : i32
      scf.if %cond3A_108 {
        "tpu.region"() ({
          %run_scoped3A = tpu.sem_alloc : memref<!tpu.dma_semaphore, #tpu.memory_space<semaphore_mem>>
          %dma_start3A = arith.constant 12480 : i32
          %dma_start3A_248 = tpu.memref_slice %arg6[%dma_start3A] : memref<19200xi32, #tpu.memory_space<vmem>> -> memref<960xi32, #tpu.memory_space<vmem>>
          %dma_start3A_249 = arith.constant 12480 : i32
          %dma_start3A_250 = tpu.memref_slice %arg7[%dma_start3A_249] : memref<19200xi32, #tpu.memory_space<vmem>> -> memref<960xi32, #tpu.memory_space<vmem>>
          %dma_start3A_251 = arith.constant 0 : i32
          %dma_start3A_252 = tpu.memref_slice %arg9[%dma_start3A_251] : memref<250008xi32, #tpu.memory_space<vmem_shared>> -> memref<250008xi32, #tpu.memory_space<vmem_shared>>
          tpu.enqueue_indirect_dma source(%dma_start3A_252 : memref<250008xi32, #tpu.memory_space<vmem_shared>>) target(%dma_start3A_248 : memref<960xi32, #tpu.memory_space<vmem>>) offsets(%dma_start3A_250 : memref<960xi32, #tpu.memory_space<vmem>>) semaphore(%run_scoped3A : memref<!tpu.dma_semaphore, #tpu.memory_space<semaphore_mem>>)
          %dma_wait3A = arith.constant 12480 : i32
          %dma_wait3A_253 = tpu.memref_slice %arg6[%dma_wait3A] : memref<19200xi32, #tpu.memory_space<vmem>> -> memref<960xi32, #tpu.memory_space<vmem>>
          %dma_wait3A_254 = arith.constant 12480 : i32
          %dma_wait3A_255 = tpu.memref_slice %arg7[%dma_wait3A_254] : memref<19200xi32, #tpu.memory_space<vmem>> -> memref<960xi32, #tpu.memory_space<vmem>>
          %dma_wait3A_256 = arith.constant 0 : i32
          %dma_wait3A_257 = tpu.memref_slice %arg9[%dma_wait3A_256] : memref<250008xi32, #tpu.memory_space<vmem_shared>> -> memref<250008xi32, #tpu.memory_space<vmem_shared>>
          tpu.wait_indirect_dma semaphore(%run_scoped3A : memref<!tpu.dma_semaphore, #tpu.memory_space<semaphore_mem>>) src(%dma_wait3A_257 : memref<250008xi32, #tpu.memory_space<vmem_shared>>) dst(%dma_wait3A_253 : memref<960xi32, #tpu.memory_space<vmem>>)
          tpu.yield
        }) : () -> ()
      } else {
      }
      %gt3A_109 = arith.constant 13440 : i32
      %gt3A_110 = arith.cmpi sgt, %scan3A_30, %gt3A_109 : i32
      %convert_element_type3A_111 = arith.extui %gt3A_110 : i1 to i32
      %cond3A_112 = arith.constant 0 : i32
      %cond3A_113 = arith.cmpi ne, %convert_element_type3A_111, %cond3A_112 : i32
      scf.if %cond3A_113 {
        "tpu.region"() ({
          %run_scoped3A = tpu.sem_alloc : memref<!tpu.dma_semaphore, #tpu.memory_space<semaphore_mem>>
          %dma_start3A = arith.constant 13440 : i32
          %dma_start3A_248 = tpu.memref_slice %arg6[%dma_start3A] : memref<19200xi32, #tpu.memory_space<vmem>> -> memref<960xi32, #tpu.memory_space<vmem>>
          %dma_start3A_249 = arith.constant 13440 : i32
          %dma_start3A_250 = tpu.memref_slice %arg7[%dma_start3A_249] : memref<19200xi32, #tpu.memory_space<vmem>> -> memref<960xi32, #tpu.memory_space<vmem>>
          %dma_start3A_251 = arith.constant 0 : i32
          %dma_start3A_252 = tpu.memref_slice %arg9[%dma_start3A_251] : memref<250008xi32, #tpu.memory_space<vmem_shared>> -> memref<250008xi32, #tpu.memory_space<vmem_shared>>
          tpu.enqueue_indirect_dma source(%dma_start3A_252 : memref<250008xi32, #tpu.memory_space<vmem_shared>>) target(%dma_start3A_248 : memref<960xi32, #tpu.memory_space<vmem>>) offsets(%dma_start3A_250 : memref<960xi32, #tpu.memory_space<vmem>>) semaphore(%run_scoped3A : memref<!tpu.dma_semaphore, #tpu.memory_space<semaphore_mem>>)
          %dma_wait3A = arith.constant 13440 : i32
          %dma_wait3A_253 = tpu.memref_slice %arg6[%dma_wait3A] : memref<19200xi32, #tpu.memory_space<vmem>> -> memref<960xi32, #tpu.memory_space<vmem>>
          %dma_wait3A_254 = arith.constant 13440 : i32
          %dma_wait3A_255 = tpu.memref_slice %arg7[%dma_wait3A_254] : memref<19200xi32, #tpu.memory_space<vmem>> -> memref<960xi32, #tpu.memory_space<vmem>>
          %dma_wait3A_256 = arith.constant 0 : i32
          %dma_wait3A_257 = tpu.memref_slice %arg9[%dma_wait3A_256] : memref<250008xi32, #tpu.memory_space<vmem_shared>> -> memref<250008xi32, #tpu.memory_space<vmem_shared>>
          tpu.wait_indirect_dma semaphore(%run_scoped3A : memref<!tpu.dma_semaphore, #tpu.memory_space<semaphore_mem>>) src(%dma_wait3A_257 : memref<250008xi32, #tpu.memory_space<vmem_shared>>) dst(%dma_wait3A_253 : memref<960xi32, #tpu.memory_space<vmem>>)
          tpu.yield
        }) : () -> ()
      } else {
      }
      %gt3A_114 = arith.constant 14400 : i32
      %gt3A_115 = arith.cmpi sgt, %scan3A_30, %gt3A_114 : i32
      %convert_element_type3A_116 = arith.extui %gt3A_115 : i1 to i32
      %cond3A_117 = arith.constant 0 : i32
      %cond3A_118 = arith.cmpi ne, %convert_element_type3A_116, %cond3A_117 : i32
      scf.if %cond3A_118 {
        "tpu.region"() ({
          %run_scoped3A = tpu.sem_alloc : memref<!tpu.dma_semaphore, #tpu.memory_space<semaphore_mem>>
          %dma_start3A = arith.constant 14400 : i32
          %dma_start3A_248 = tpu.memref_slice %arg6[%dma_start3A] : memref<19200xi32, #tpu.memory_space<vmem>> -> memref<960xi32, #tpu.memory_space<vmem>>
          %dma_start3A_249 = arith.constant 14400 : i32
          %dma_start3A_250 = tpu.memref_slice %arg7[%dma_start3A_249] : memref<19200xi32, #tpu.memory_space<vmem>> -> memref<960xi32, #tpu.memory_space<vmem>>
          %dma_start3A_251 = arith.constant 0 : i32
          %dma_start3A_252 = tpu.memref_slice %arg9[%dma_start3A_251] : memref<250008xi32, #tpu.memory_space<vmem_shared>> -> memref<250008xi32, #tpu.memory_space<vmem_shared>>
          tpu.enqueue_indirect_dma source(%dma_start3A_252 : memref<250008xi32, #tpu.memory_space<vmem_shared>>) target(%dma_start3A_248 : memref<960xi32, #tpu.memory_space<vmem>>) offsets(%dma_start3A_250 : memref<960xi32, #tpu.memory_space<vmem>>) semaphore(%run_scoped3A : memref<!tpu.dma_semaphore, #tpu.memory_space<semaphore_mem>>)
          %dma_wait3A = arith.constant 14400 : i32
          %dma_wait3A_253 = tpu.memref_slice %arg6[%dma_wait3A] : memref<19200xi32, #tpu.memory_space<vmem>> -> memref<960xi32, #tpu.memory_space<vmem>>
          %dma_wait3A_254 = arith.constant 14400 : i32
          %dma_wait3A_255 = tpu.memref_slice %arg7[%dma_wait3A_254] : memref<19200xi32, #tpu.memory_space<vmem>> -> memref<960xi32, #tpu.memory_space<vmem>>
          %dma_wait3A_256 = arith.constant 0 : i32
          %dma_wait3A_257 = tpu.memref_slice %arg9[%dma_wait3A_256] : memref<250008xi32, #tpu.memory_space<vmem_shared>> -> memref<250008xi32, #tpu.memory_space<vmem_shared>>
          tpu.wait_indirect_dma semaphore(%run_scoped3A : memref<!tpu.dma_semaphore, #tpu.memory_space<semaphore_mem>>) src(%dma_wait3A_257 : memref<250008xi32, #tpu.memory_space<vmem_shared>>) dst(%dma_wait3A_253 : memref<960xi32, #tpu.memory_space<vmem>>)
          tpu.yield
        }) : () -> ()
      } else {
      }
      %gt3A_119 = arith.constant 15360 : i32
      %gt3A_120 = arith.cmpi sgt, %scan3A_30, %gt3A_119 : i32
      %convert_element_type3A_121 = arith.extui %gt3A_120 : i1 to i32
      %cond3A_122 = arith.constant 0 : i32
      %cond3A_123 = arith.cmpi ne, %convert_element_type3A_121, %cond3A_122 : i32
      scf.if %cond3A_123 {
        "tpu.region"() ({
          %run_scoped3A = tpu.sem_alloc : memref<!tpu.dma_semaphore, #tpu.memory_space<semaphore_mem>>
          %dma_start3A = arith.constant 15360 : i32
          %dma_start3A_248 = tpu.memref_slice %arg6[%dma_start3A] : memref<19200xi32, #tpu.memory_space<vmem>> -> memref<960xi32, #tpu.memory_space<vmem>>
          %dma_start3A_249 = arith.constant 15360 : i32
          %dma_start3A_250 = tpu.memref_slice %arg7[%dma_start3A_249] : memref<19200xi32, #tpu.memory_space<vmem>> -> memref<960xi32, #tpu.memory_space<vmem>>
          %dma_start3A_251 = arith.constant 0 : i32
          %dma_start3A_252 = tpu.memref_slice %arg9[%dma_start3A_251] : memref<250008xi32, #tpu.memory_space<vmem_shared>> -> memref<250008xi32, #tpu.memory_space<vmem_shared>>
          tpu.enqueue_indirect_dma source(%dma_start3A_252 : memref<250008xi32, #tpu.memory_space<vmem_shared>>) target(%dma_start3A_248 : memref<960xi32, #tpu.memory_space<vmem>>) offsets(%dma_start3A_250 : memref<960xi32, #tpu.memory_space<vmem>>) semaphore(%run_scoped3A : memref<!tpu.dma_semaphore, #tpu.memory_space<semaphore_mem>>)
          %dma_wait3A = arith.constant 15360 : i32
          %dma_wait3A_253 = tpu.memref_slice %arg6[%dma_wait3A] : memref<19200xi32, #tpu.memory_space<vmem>> -> memref<960xi32, #tpu.memory_space<vmem>>
          %dma_wait3A_254 = arith.constant 15360 : i32
          %dma_wait3A_255 = tpu.memref_slice %arg7[%dma_wait3A_254] : memref<19200xi32, #tpu.memory_space<vmem>> -> memref<960xi32, #tpu.memory_space<vmem>>
          %dma_wait3A_256 = arith.constant 0 : i32
          %dma_wait3A_257 = tpu.memref_slice %arg9[%dma_wait3A_256] : memref<250008xi32, #tpu.memory_space<vmem_shared>> -> memref<250008xi32, #tpu.memory_space<vmem_shared>>
          tpu.wait_indirect_dma semaphore(%run_scoped3A : memref<!tpu.dma_semaphore, #tpu.memory_space<semaphore_mem>>) src(%dma_wait3A_257 : memref<250008xi32, #tpu.memory_space<vmem_shared>>) dst(%dma_wait3A_253 : memref<960xi32, #tpu.memory_space<vmem>>)
          tpu.yield
        }) : () -> ()
      } else {
      }
      %gt3A_124 = arith.constant 16320 : i32
      %gt3A_125 = arith.cmpi sgt, %scan3A_30, %gt3A_124 : i32
      %convert_element_type3A_126 = arith.extui %gt3A_125 : i1 to i32
      %cond3A_127 = arith.constant 0 : i32
      %cond3A_128 = arith.cmpi ne, %convert_element_type3A_126, %cond3A_127 : i32
      scf.if %cond3A_128 {
        "tpu.region"() ({
          %run_scoped3A = tpu.sem_alloc : memref<!tpu.dma_semaphore, #tpu.memory_space<semaphore_mem>>
          %dma_start3A = arith.constant 16320 : i32
          %dma_start3A_248 = tpu.memref_slice %arg6[%dma_start3A] : memref<19200xi32, #tpu.memory_space<vmem>> -> memref<960xi32, #tpu.memory_space<vmem>>
          %dma_start3A_249 = arith.constant 16320 : i32
          %dma_start3A_250 = tpu.memref_slice %arg7[%dma_start3A_249] : memref<19200xi32, #tpu.memory_space<vmem>> -> memref<960xi32, #tpu.memory_space<vmem>>
          %dma_start3A_251 = arith.constant 0 : i32
          %dma_start3A_252 = tpu.memref_slice %arg9[%dma_start3A_251] : memref<250008xi32, #tpu.memory_space<vmem_shared>> -> memref<250008xi32, #tpu.memory_space<vmem_shared>>
          tpu.enqueue_indirect_dma source(%dma_start3A_252 : memref<250008xi32, #tpu.memory_space<vmem_shared>>) target(%dma_start3A_248 : memref<960xi32, #tpu.memory_space<vmem>>) offsets(%dma_start3A_250 : memref<960xi32, #tpu.memory_space<vmem>>) semaphore(%run_scoped3A : memref<!tpu.dma_semaphore, #tpu.memory_space<semaphore_mem>>)
          %dma_wait3A = arith.constant 16320 : i32
          %dma_wait3A_253 = tpu.memref_slice %arg6[%dma_wait3A] : memref<19200xi32, #tpu.memory_space<vmem>> -> memref<960xi32, #tpu.memory_space<vmem>>
          %dma_wait3A_254 = arith.constant 16320 : i32
          %dma_wait3A_255 = tpu.memref_slice %arg7[%dma_wait3A_254] : memref<19200xi32, #tpu.memory_space<vmem>> -> memref<960xi32, #tpu.memory_space<vmem>>
          %dma_wait3A_256 = arith.constant 0 : i32
          %dma_wait3A_257 = tpu.memref_slice %arg9[%dma_wait3A_256] : memref<250008xi32, #tpu.memory_space<vmem_shared>> -> memref<250008xi32, #tpu.memory_space<vmem_shared>>
          tpu.wait_indirect_dma semaphore(%run_scoped3A : memref<!tpu.dma_semaphore, #tpu.memory_space<semaphore_mem>>) src(%dma_wait3A_257 : memref<250008xi32, #tpu.memory_space<vmem_shared>>) dst(%dma_wait3A_253 : memref<960xi32, #tpu.memory_space<vmem>>)
          tpu.yield
        }) : () -> ()
      } else {
      }
      %gt3A_129 = arith.constant 17280 : i32
      %gt3A_130 = arith.cmpi sgt, %scan3A_30, %gt3A_129 : i32
      %convert_element_type3A_131 = arith.extui %gt3A_130 : i1 to i32
      %cond3A_132 = arith.constant 0 : i32
      %cond3A_133 = arith.cmpi ne, %convert_element_type3A_131, %cond3A_132 : i32
      scf.if %cond3A_133 {
        "tpu.region"() ({
          %run_scoped3A = tpu.sem_alloc : memref<!tpu.dma_semaphore, #tpu.memory_space<semaphore_mem>>
          %dma_start3A = arith.constant 17280 : i32
          %dma_start3A_248 = tpu.memref_slice %arg6[%dma_start3A] : memref<19200xi32, #tpu.memory_space<vmem>> -> memref<960xi32, #tpu.memory_space<vmem>>
          %dma_start3A_249 = arith.constant 17280 : i32
          %dma_start3A_250 = tpu.memref_slice %arg7[%dma_start3A_249] : memref<19200xi32, #tpu.memory_space<vmem>> -> memref<960xi32, #tpu.memory_space<vmem>>
          %dma_start3A_251 = arith.constant 0 : i32
          %dma_start3A_252 = tpu.memref_slice %arg9[%dma_start3A_251] : memref<250008xi32, #tpu.memory_space<vmem_shared>> -> memref<250008xi32, #tpu.memory_space<vmem_shared>>
          tpu.enqueue_indirect_dma source(%dma_start3A_252 : memref<250008xi32, #tpu.memory_space<vmem_shared>>) target(%dma_start3A_248 : memref<960xi32, #tpu.memory_space<vmem>>) offsets(%dma_start3A_250 : memref<960xi32, #tpu.memory_space<vmem>>) semaphore(%run_scoped3A : memref<!tpu.dma_semaphore, #tpu.memory_space<semaphore_mem>>)
          %dma_wait3A = arith.constant 17280 : i32
          %dma_wait3A_253 = tpu.memref_slice %arg6[%dma_wait3A] : memref<19200xi32, #tpu.memory_space<vmem>> -> memref<960xi32, #tpu.memory_space<vmem>>
          %dma_wait3A_254 = arith.constant 17280 : i32
          %dma_wait3A_255 = tpu.memref_slice %arg7[%dma_wait3A_254] : memref<19200xi32, #tpu.memory_space<vmem>> -> memref<960xi32, #tpu.memory_space<vmem>>
          %dma_wait3A_256 = arith.constant 0 : i32
          %dma_wait3A_257 = tpu.memref_slice %arg9[%dma_wait3A_256] : memref<250008xi32, #tpu.memory_space<vmem_shared>> -> memref<250008xi32, #tpu.memory_space<vmem_shared>>
          tpu.wait_indirect_dma semaphore(%run_scoped3A : memref<!tpu.dma_semaphore, #tpu.memory_space<semaphore_mem>>) src(%dma_wait3A_257 : memref<250008xi32, #tpu.memory_space<vmem_shared>>) dst(%dma_wait3A_253 : memref<960xi32, #tpu.memory_space<vmem>>)
          tpu.yield
        }) : () -> ()
      } else {
      }
      %gt3A_134 = arith.constant 18240 : i32
      %gt3A_135 = arith.cmpi sgt, %scan3A_30, %gt3A_134 : i32
      %convert_element_type3A_136 = arith.extui %gt3A_135 : i1 to i32
      %cond3A_137 = arith.constant 0 : i32
      %cond3A_138 = arith.cmpi ne, %convert_element_type3A_136, %cond3A_137 : i32
      scf.if %cond3A_138 {
        "tpu.region"() ({
          %run_scoped3A = tpu.sem_alloc : memref<!tpu.dma_semaphore, #tpu.memory_space<semaphore_mem>>
          %dma_start3A = arith.constant 18240 : i32
          %dma_start3A_248 = tpu.memref_slice %arg6[%dma_start3A] : memref<19200xi32, #tpu.memory_space<vmem>> -> memref<960xi32, #tpu.memory_space<vmem>>
          %dma_start3A_249 = arith.constant 18240 : i32
          %dma_start3A_250 = tpu.memref_slice %arg7[%dma_start3A_249] : memref<19200xi32, #tpu.memory_space<vmem>> -> memref<960xi32, #tpu.memory_space<vmem>>
          %dma_start3A_251 = arith.constant 0 : i32
          %dma_start3A_252 = tpu.memref_slice %arg9[%dma_start3A_251] : memref<250008xi32, #tpu.memory_space<vmem_shared>> -> memref<250008xi32, #tpu.memory_space<vmem_shared>>
          tpu.enqueue_indirect_dma source(%dma_start3A_252 : memref<250008xi32, #tpu.memory_space<vmem_shared>>) target(%dma_start3A_248 : memref<960xi32, #tpu.memory_space<vmem>>) offsets(%dma_start3A_250 : memref<960xi32, #tpu.memory_space<vmem>>) semaphore(%run_scoped3A : memref<!tpu.dma_semaphore, #tpu.memory_space<semaphore_mem>>)
          %dma_wait3A = arith.constant 18240 : i32
          %dma_wait3A_253 = tpu.memref_slice %arg6[%dma_wait3A] : memref<19200xi32, #tpu.memory_space<vmem>> -> memref<960xi32, #tpu.memory_space<vmem>>
          %dma_wait3A_254 = arith.constant 18240 : i32
          %dma_wait3A_255 = tpu.memref_slice %arg7[%dma_wait3A_254] : memref<19200xi32, #tpu.memory_space<vmem>> -> memref<960xi32, #tpu.memory_space<vmem>>
          %dma_wait3A_256 = arith.constant 0 : i32
          %dma_wait3A_257 = tpu.memref_slice %arg9[%dma_wait3A_256] : memref<250008xi32, #tpu.memory_space<vmem_shared>> -> memref<250008xi32, #tpu.memory_space<vmem_shared>>
          tpu.wait_indirect_dma semaphore(%run_scoped3A : memref<!tpu.dma_semaphore, #tpu.memory_space<semaphore_mem>>) src(%dma_wait3A_257 : memref<250008xi32, #tpu.memory_space<vmem_shared>>) dst(%dma_wait3A_253 : memref<960xi32, #tpu.memory_space<vmem>>)
          tpu.yield
        }) : () -> ()
      } else {
      }
      %scan3A_139 = arith.constant 0 : i32
      %scan3A_140 = arith.constant 0 : i32
      %scan3A_141 = arith.constant 1200 : i32
      %scan3A_142 = arith.addi %scan3A_140, %scan3A_141 : i32
      %scan3A_143 = arith.constant 1 : i32
      %scan3A_144 = scf.for %scan3A_248 = %scan3A_140 to %scan3A_142 step %scan3A_143 iter_args(%scan3A_249 = %scan3A_139) -> (i32)  : i32 {
        %mul3A_250 = arith.constant 16 : i32
        %mul3A_251 = arith.muli %mul3A_250, %scan3A_248 : i32
        %get3A = arith.index_cast %mul3A_251 : i32 to index
        %get3A_252 = tpu.vector_load %arg8[%get3A] {strides = array<i32>} : memref<19200xi32, #tpu.memory_space<vmem>>, vector<16xi32>,
        %get3A_253 = arith.index_cast %mul3A_251 : i32 to index
        %get3A_254 = tpu.vector_load %arg6[%get3A_253] {strides = array<i32>} : memref<19200xi32, #tpu.memory_space<vmem>>, vector<16xi32>,
        %lt3A = arith.cmpi slt, %get3A_252, %get3A_254 : vector<16xi32>
        %get3A_255 = arith.index_cast %mul3A_251 : i32 to index
        %get3A_256 = tpu.vector_load %arg7[%get3A_255] {strides = array<i32>} : memref<19200xi32, #tpu.memory_space<vmem>>, vector<16xi32>,
        %jit3A = arith.constant 250000 : i32
        %broadcast_in_dim3A = vector.broadcast %jit3A : i32 to vector<16xi32>
        %select_n3A = arith.select %lt3A, %get3A_256, %broadcast_in_dim3A : vector<16xi1>, vector<16xi32>
        %swap3A = arith.index_cast %mul3A_251 : i32 to index
        %swap3A_257 = tpu.vector_load %arg6[%swap3A] {strides = array<i32>} : memref<19200xi32, #tpu.memory_space<vmem>>, vector<16xi32>,
        tpu.vector_store %arg6[%swap3A], %select_n3A {strides = array<i32>} : memref<19200xi32, #tpu.memory_space<vmem>>, vector<16xi32>,
        %scan3A_258 = arith.constant 0 : i32
        scf.yield %scan3A_258 : i32
      }
      %scan3A_145 = arith.constant 1200 : i32
      %gt3A_146 = arith.constant 0 : i32
      %gt3A_147 = arith.cmpi sgt, %scan3A_30, %gt3A_146 : i32
      %convert_element_type3A_148 = arith.extui %gt3A_147 : i1 to i32
      %cond3A_149 = arith.constant 0 : i32
      %cond3A_150 = arith.cmpi ne, %convert_element_type3A_148, %cond3A_149 : i32
      scf.if %cond3A_150 {
        "tpu.region"() ({
          %run_scoped3A = tpu.sem_alloc : memref<!tpu.dma_semaphore, #tpu.memory_space<semaphore_mem>>
          %dma_start3A = arith.constant 0 : i32
          %dma_start3A_248 = tpu.memref_slice %arg8[%dma_start3A] : memref<19200xi32, #tpu.memory_space<vmem>> -> memref<960xi32, #tpu.memory_space<vmem>>
          %dma_start3A_249 = arith.constant 0 : i32
          %dma_start3A_250 = tpu.memref_slice %arg6[%dma_start3A_249] : memref<19200xi32, #tpu.memory_space<vmem>> -> memref<960xi32, #tpu.memory_space<vmem>>
          %dma_start3A_251 = arith.constant 0 : i32
          %dma_start3A_252 = tpu.memref_slice %arg9[%dma_start3A_251] : memref<250008xi32, #tpu.memory_space<vmem_shared>> -> memref<250008xi32, #tpu.memory_space<vmem_shared>>
          tpu.enqueue_indirect_dma source(%dma_start3A_248 : memref<960xi32, #tpu.memory_space<vmem>>) target(%dma_start3A_252 : memref<250008xi32, #tpu.memory_space<vmem_shared>>) offsets(%dma_start3A_250 : memref<960xi32, #tpu.memory_space<vmem>>) semaphore(%run_scoped3A : memref<!tpu.dma_semaphore, #tpu.memory_space<semaphore_mem>>)
          %dma_wait3A = arith.constant 0 : i32
          %dma_wait3A_253 = tpu.memref_slice %arg8[%dma_wait3A] : memref<19200xi32, #tpu.memory_space<vmem>> -> memref<960xi32, #tpu.memory_space<vmem>>
          %dma_wait3A_254 = arith.constant 0 : i32
          %dma_wait3A_255 = tpu.memref_slice %arg6[%dma_wait3A_254] : memref<19200xi32, #tpu.memory_space<vmem>> -> memref<960xi32, #tpu.memory_space<vmem>>
          %dma_wait3A_256 = arith.constant 0 : i32
          %dma_wait3A_257 = tpu.memref_slice %arg9[%dma_wait3A_256] : memref<250008xi32, #tpu.memory_space<vmem_shared>> -> memref<250008xi32, #tpu.memory_space<vmem_shared>>
          tpu.wait_indirect_dma semaphore(%run_scoped3A : memref<!tpu.dma_semaphore, #tpu.memory_space<semaphore_mem>>) src(%dma_wait3A_253 : memref<960xi32, #tpu.memory_space<vmem>>) dst(%dma_wait3A_257 : memref<250008xi32, #tpu.memory_space<vmem_shared>>)
          tpu.yield
        }) : () -> ()
      } else {
      }
      %gt3A_151 = arith.constant 960 : i32
      %gt3A_152 = arith.cmpi sgt, %scan3A_30, %gt3A_151 : i32
      %convert_element_type3A_153 = arith.extui %gt3A_152 : i1 to i32
      %cond3A_154 = arith.constant 0 : i32
      %cond3A_155 = arith.cmpi ne, %convert_element_type3A_153, %cond3A_154 : i32
      scf.if %cond3A_155 {
        "tpu.region"() ({
          %run_scoped3A = tpu.sem_alloc : memref<!tpu.dma_semaphore, #tpu.memory_space<semaphore_mem>>
          %dma_start3A = arith.constant 960 : i32
          %dma_start3A_248 = tpu.memref_slice %arg8[%dma_start3A] : memref<19200xi32, #tpu.memory_space<vmem>> -> memref<960xi32, #tpu.memory_space<vmem>>
          %dma_start3A_249 = arith.constant 960 : i32
          %dma_start3A_250 = tpu.memref_slice %arg6[%dma_start3A_249] : memref<19200xi32, #tpu.memory_space<vmem>> -> memref<960xi32, #tpu.memory_space<vmem>>
          %dma_start3A_251 = arith.constant 0 : i32
          %dma_start3A_252 = tpu.memref_slice %arg9[%dma_start3A_251] : memref<250008xi32, #tpu.memory_space<vmem_shared>> -> memref<250008xi32, #tpu.memory_space<vmem_shared>>
          tpu.enqueue_indirect_dma source(%dma_start3A_248 : memref<960xi32, #tpu.memory_space<vmem>>) target(%dma_start3A_252 : memref<250008xi32, #tpu.memory_space<vmem_shared>>) offsets(%dma_start3A_250 : memref<960xi32, #tpu.memory_space<vmem>>) semaphore(%run_scoped3A : memref<!tpu.dma_semaphore, #tpu.memory_space<semaphore_mem>>)
          %dma_wait3A = arith.constant 960 : i32
          %dma_wait3A_253 = tpu.memref_slice %arg8[%dma_wait3A] : memref<19200xi32, #tpu.memory_space<vmem>> -> memref<960xi32, #tpu.memory_space<vmem>>
          %dma_wait3A_254 = arith.constant 960 : i32
          %dma_wait3A_255 = tpu.memref_slice %arg6[%dma_wait3A_254] : memref<19200xi32, #tpu.memory_space<vmem>> -> memref<960xi32, #tpu.memory_space<vmem>>
          %dma_wait3A_256 = arith.constant 0 : i32
          %dma_wait3A_257 = tpu.memref_slice %arg9[%dma_wait3A_256] : memref<250008xi32, #tpu.memory_space<vmem_shared>> -> memref<250008xi32, #tpu.memory_space<vmem_shared>>
          tpu.wait_indirect_dma semaphore(%run_scoped3A : memref<!tpu.dma_semaphore, #tpu.memory_space<semaphore_mem>>) src(%dma_wait3A_253 : memref<960xi32, #tpu.memory_space<vmem>>) dst(%dma_wait3A_257 : memref<250008xi32, #tpu.memory_space<vmem_shared>>)
          tpu.yield
        }) : () -> ()
      } else {
      }
      %gt3A_156 = arith.constant 1920 : i32
      %gt3A_157 = arith.cmpi sgt, %scan3A_30, %gt3A_156 : i32
      %convert_element_type3A_158 = arith.extui %gt3A_157 : i1 to i32
      %cond3A_159 = arith.constant 0 : i32
      %cond3A_160 = arith.cmpi ne, %convert_element_type3A_158, %cond3A_159 : i32
      scf.if %cond3A_160 {
        "tpu.region"() ({
          %run_scoped3A = tpu.sem_alloc : memref<!tpu.dma_semaphore, #tpu.memory_space<semaphore_mem>>
          %dma_start3A = arith.constant 1920 : i32
          %dma_start3A_248 = tpu.memref_slice %arg8[%dma_start3A] : memref<19200xi32, #tpu.memory_space<vmem>> -> memref<960xi32, #tpu.memory_space<vmem>>
          %dma_start3A_249 = arith.constant 1920 : i32
          %dma_start3A_250 = tpu.memref_slice %arg6[%dma_start3A_249] : memref<19200xi32, #tpu.memory_space<vmem>> -> memref<960xi32, #tpu.memory_space<vmem>>
          %dma_start3A_251 = arith.constant 0 : i32
          %dma_start3A_252 = tpu.memref_slice %arg9[%dma_start3A_251] : memref<250008xi32, #tpu.memory_space<vmem_shared>> -> memref<250008xi32, #tpu.memory_space<vmem_shared>>
          tpu.enqueue_indirect_dma source(%dma_start3A_248 : memref<960xi32, #tpu.memory_space<vmem>>) target(%dma_start3A_252 : memref<250008xi32, #tpu.memory_space<vmem_shared>>) offsets(%dma_start3A_250 : memref<960xi32, #tpu.memory_space<vmem>>) semaphore(%run_scoped3A : memref<!tpu.dma_semaphore, #tpu.memory_space<semaphore_mem>>)
          %dma_wait3A = arith.constant 1920 : i32
          %dma_wait3A_253 = tpu.memref_slice %arg8[%dma_wait3A] : memref<19200xi32, #tpu.memory_space<vmem>> -> memref<960xi32, #tpu.memory_space<vmem>>
          %dma_wait3A_254 = arith.constant 1920 : i32
          %dma_wait3A_255 = tpu.memref_slice %arg6[%dma_wait3A_254] : memref<19200xi32, #tpu.memory_space<vmem>> -> memref<960xi32, #tpu.memory_space<vmem>>
          %dma_wait3A_256 = arith.constant 0 : i32
          %dma_wait3A_257 = tpu.memref_slice %arg9[%dma_wait3A_256] : memref<250008xi32, #tpu.memory_space<vmem_shared>> -> memref<250008xi32, #tpu.memory_space<vmem_shared>>
          tpu.wait_indirect_dma semaphore(%run_scoped3A : memref<!tpu.dma_semaphore, #tpu.memory_space<semaphore_mem>>) src(%dma_wait3A_253 : memref<960xi32, #tpu.memory_space<vmem>>) dst(%dma_wait3A_257 : memref<250008xi32, #tpu.memory_space<vmem_shared>>)
          tpu.yield
        }) : () -> ()
      } else {
      }
      %gt3A_161 = arith.constant 2880 : i32
      %gt3A_162 = arith.cmpi sgt, %scan3A_30, %gt3A_161 : i32
      %convert_element_type3A_163 = arith.extui %gt3A_162 : i1 to i32
      %cond3A_164 = arith.constant 0 : i32
      %cond3A_165 = arith.cmpi ne, %convert_element_type3A_163, %cond3A_164 : i32
      scf.if %cond3A_165 {
        "tpu.region"() ({
          %run_scoped3A = tpu.sem_alloc : memref<!tpu.dma_semaphore, #tpu.memory_space<semaphore_mem>>
          %dma_start3A = arith.constant 2880 : i32
          %dma_start3A_248 = tpu.memref_slice %arg8[%dma_start3A] : memref<19200xi32, #tpu.memory_space<vmem>> -> memref<960xi32, #tpu.memory_space<vmem>>
          %dma_start3A_249 = arith.constant 2880 : i32
          %dma_start3A_250 = tpu.memref_slice %arg6[%dma_start3A_249] : memref<19200xi32, #tpu.memory_space<vmem>> -> memref<960xi32, #tpu.memory_space<vmem>>
          %dma_start3A_251 = arith.constant 0 : i32
          %dma_start3A_252 = tpu.memref_slice %arg9[%dma_start3A_251] : memref<250008xi32, #tpu.memory_space<vmem_shared>> -> memref<250008xi32, #tpu.memory_space<vmem_shared>>
          tpu.enqueue_indirect_dma source(%dma_start3A_248 : memref<960xi32, #tpu.memory_space<vmem>>) target(%dma_start3A_252 : memref<250008xi32, #tpu.memory_space<vmem_shared>>) offsets(%dma_start3A_250 : memref<960xi32, #tpu.memory_space<vmem>>) semaphore(%run_scoped3A : memref<!tpu.dma_semaphore, #tpu.memory_space<semaphore_mem>>)
          %dma_wait3A = arith.constant 2880 : i32
          %dma_wait3A_253 = tpu.memref_slice %arg8[%dma_wait3A] : memref<19200xi32, #tpu.memory_space<vmem>> -> memref<960xi32, #tpu.memory_space<vmem>>
          %dma_wait3A_254 = arith.constant 2880 : i32
          %dma_wait3A_255 = tpu.memref_slice %arg6[%dma_wait3A_254] : memref<19200xi32, #tpu.memory_space<vmem>> -> memref<960xi32, #tpu.memory_space<vmem>>
          %dma_wait3A_256 = arith.constant 0 : i32
          %dma_wait3A_257 = tpu.memref_slice %arg9[%dma_wait3A_256] : memref<250008xi32, #tpu.memory_space<vmem_shared>> -> memref<250008xi32, #tpu.memory_space<vmem_shared>>
          tpu.wait_indirect_dma semaphore(%run_scoped3A : memref<!tpu.dma_semaphore, #tpu.memory_space<semaphore_mem>>) src(%dma_wait3A_253 : memref<960xi32, #tpu.memory_space<vmem>>) dst(%dma_wait3A_257 : memref<250008xi32, #tpu.memory_space<vmem_shared>>)
          tpu.yield
        }) : () -> ()
      } else {
      }
      %gt3A_166 = arith.constant 3840 : i32
      %gt3A_167 = arith.cmpi sgt, %scan3A_30, %gt3A_166 : i32
      %convert_element_type3A_168 = arith.extui %gt3A_167 : i1 to i32
      %cond3A_169 = arith.constant 0 : i32
      %cond3A_170 = arith.cmpi ne, %convert_element_type3A_168, %cond3A_169 : i32
      scf.if %cond3A_170 {
        "tpu.region"() ({
          %run_scoped3A = tpu.sem_alloc : memref<!tpu.dma_semaphore, #tpu.memory_space<semaphore_mem>>
          %dma_start3A = arith.constant 3840 : i32
          %dma_start3A_248 = tpu.memref_slice %arg8[%dma_start3A] : memref<19200xi32, #tpu.memory_space<vmem>> -> memref<960xi32, #tpu.memory_space<vmem>>
          %dma_start3A_249 = arith.constant 3840 : i32
          %dma_start3A_250 = tpu.memref_slice %arg6[%dma_start3A_249] : memref<19200xi32, #tpu.memory_space<vmem>> -> memref<960xi32, #tpu.memory_space<vmem>>
          %dma_start3A_251 = arith.constant 0 : i32
          %dma_start3A_252 = tpu.memref_slice %arg9[%dma_start3A_251] : memref<250008xi32, #tpu.memory_space<vmem_shared>> -> memref<250008xi32, #tpu.memory_space<vmem_shared>>
          tpu.enqueue_indirect_dma source(%dma_start3A_248 : memref<960xi32, #tpu.memory_space<vmem>>) target(%dma_start3A_252 : memref<250008xi32, #tpu.memory_space<vmem_shared>>) offsets(%dma_start3A_250 : memref<960xi32, #tpu.memory_space<vmem>>) semaphore(%run_scoped3A : memref<!tpu.dma_semaphore, #tpu.memory_space<semaphore_mem>>)
          %dma_wait3A = arith.constant 3840 : i32
          %dma_wait3A_253 = tpu.memref_slice %arg8[%dma_wait3A] : memref<19200xi32, #tpu.memory_space<vmem>> -> memref<960xi32, #tpu.memory_space<vmem>>
          %dma_wait3A_254 = arith.constant 3840 : i32
          %dma_wait3A_255 = tpu.memref_slice %arg6[%dma_wait3A_254] : memref<19200xi32, #tpu.memory_space<vmem>> -> memref<960xi32, #tpu.memory_space<vmem>>
          %dma_wait3A_256 = arith.constant 0 : i32
          %dma_wait3A_257 = tpu.memref_slice %arg9[%dma_wait3A_256] : memref<250008xi32, #tpu.memory_space<vmem_shared>> -> memref<250008xi32, #tpu.memory_space<vmem_shared>>
          tpu.wait_indirect_dma semaphore(%run_scoped3A : memref<!tpu.dma_semaphore, #tpu.memory_space<semaphore_mem>>) src(%dma_wait3A_253 : memref<960xi32, #tpu.memory_space<vmem>>) dst(%dma_wait3A_257 : memref<250008xi32, #tpu.memory_space<vmem_shared>>)
          tpu.yield
        }) : () -> ()
      } else {
      }
      %gt3A_171 = arith.constant 4800 : i32
      %gt3A_172 = arith.cmpi sgt, %scan3A_30, %gt3A_171 : i32
      %convert_element_type3A_173 = arith.extui %gt3A_172 : i1 to i32
      %cond3A_174 = arith.constant 0 : i32
      %cond3A_175 = arith.cmpi ne, %convert_element_type3A_173, %cond3A_174 : i32
      scf.if %cond3A_175 {
        "tpu.region"() ({
          %run_scoped3A = tpu.sem_alloc : memref<!tpu.dma_semaphore, #tpu.memory_space<semaphore_mem>>
          %dma_start3A = arith.constant 4800 : i32
          %dma_start3A_248 = tpu.memref_slice %arg8[%dma_start3A] : memref<19200xi32, #tpu.memory_space<vmem>> -> memref<960xi32, #tpu.memory_space<vmem>>
          %dma_start3A_249 = arith.constant 4800 : i32
          %dma_start3A_250 = tpu.memref_slice %arg6[%dma_start3A_249] : memref<19200xi32, #tpu.memory_space<vmem>> -> memref<960xi32, #tpu.memory_space<vmem>>
          %dma_start3A_251 = arith.constant 0 : i32
          %dma_start3A_252 = tpu.memref_slice %arg9[%dma_start3A_251] : memref<250008xi32, #tpu.memory_space<vmem_shared>> -> memref<250008xi32, #tpu.memory_space<vmem_shared>>
          tpu.enqueue_indirect_dma source(%dma_start3A_248 : memref<960xi32, #tpu.memory_space<vmem>>) target(%dma_start3A_252 : memref<250008xi32, #tpu.memory_space<vmem_shared>>) offsets(%dma_start3A_250 : memref<960xi32, #tpu.memory_space<vmem>>) semaphore(%run_scoped3A : memref<!tpu.dma_semaphore, #tpu.memory_space<semaphore_mem>>)
          %dma_wait3A = arith.constant 4800 : i32
          %dma_wait3A_253 = tpu.memref_slice %arg8[%dma_wait3A] : memref<19200xi32, #tpu.memory_space<vmem>> -> memref<960xi32, #tpu.memory_space<vmem>>
          %dma_wait3A_254 = arith.constant 4800 : i32
          %dma_wait3A_255 = tpu.memref_slice %arg6[%dma_wait3A_254] : memref<19200xi32, #tpu.memory_space<vmem>> -> memref<960xi32, #tpu.memory_space<vmem>>
          %dma_wait3A_256 = arith.constant 0 : i32
          %dma_wait3A_257 = tpu.memref_slice %arg9[%dma_wait3A_256] : memref<250008xi32, #tpu.memory_space<vmem_shared>> -> memref<250008xi32, #tpu.memory_space<vmem_shared>>
          tpu.wait_indirect_dma semaphore(%run_scoped3A : memref<!tpu.dma_semaphore, #tpu.memory_space<semaphore_mem>>) src(%dma_wait3A_253 : memref<960xi32, #tpu.memory_space<vmem>>) dst(%dma_wait3A_257 : memref<250008xi32, #tpu.memory_space<vmem_shared>>)
          tpu.yield
        }) : () -> ()
      } else {
      }
      %gt3A_176 = arith.constant 5760 : i32
      %gt3A_177 = arith.cmpi sgt, %scan3A_30, %gt3A_176 : i32
      %convert_element_type3A_178 = arith.extui %gt3A_177 : i1 to i32
      %cond3A_179 = arith.constant 0 : i32
      %cond3A_180 = arith.cmpi ne, %convert_element_type3A_178, %cond3A_179 : i32
      scf.if %cond3A_180 {
        "tpu.region"() ({
          %run_scoped3A = tpu.sem_alloc : memref<!tpu.dma_semaphore, #tpu.memory_space<semaphore_mem>>
          %dma_start3A = arith.constant 5760 : i32
          %dma_start3A_248 = tpu.memref_slice %arg8[%dma_start3A] : memref<19200xi32, #tpu.memory_space<vmem>> -> memref<960xi32, #tpu.memory_space<vmem>>
          %dma_start3A_249 = arith.constant 5760 : i32
          %dma_start3A_250 = tpu.memref_slice %arg6[%dma_start3A_249] : memref<19200xi32, #tpu.memory_space<vmem>> -> memref<960xi32, #tpu.memory_space<vmem>>
          %dma_start3A_251 = arith.constant 0 : i32
          %dma_start3A_252 = tpu.memref_slice %arg9[%dma_start3A_251] : memref<250008xi32, #tpu.memory_space<vmem_shared>> -> memref<250008xi32, #tpu.memory_space<vmem_shared>>
          tpu.enqueue_indirect_dma source(%dma_start3A_248 : memref<960xi32, #tpu.memory_space<vmem>>) target(%dma_start3A_252 : memref<250008xi32, #tpu.memory_space<vmem_shared>>) offsets(%dma_start3A_250 : memref<960xi32, #tpu.memory_space<vmem>>) semaphore(%run_scoped3A : memref<!tpu.dma_semaphore, #tpu.memory_space<semaphore_mem>>)
          %dma_wait3A = arith.constant 5760 : i32
          %dma_wait3A_253 = tpu.memref_slice %arg8[%dma_wait3A] : memref<19200xi32, #tpu.memory_space<vmem>> -> memref<960xi32, #tpu.memory_space<vmem>>
          %dma_wait3A_254 = arith.constant 5760 : i32
          %dma_wait3A_255 = tpu.memref_slice %arg6[%dma_wait3A_254] : memref<19200xi32, #tpu.memory_space<vmem>> -> memref<960xi32, #tpu.memory_space<vmem>>
          %dma_wait3A_256 = arith.constant 0 : i32
          %dma_wait3A_257 = tpu.memref_slice %arg9[%dma_wait3A_256] : memref<250008xi32, #tpu.memory_space<vmem_shared>> -> memref<250008xi32, #tpu.memory_space<vmem_shared>>
          tpu.wait_indirect_dma semaphore(%run_scoped3A : memref<!tpu.dma_semaphore, #tpu.memory_space<semaphore_mem>>) src(%dma_wait3A_253 : memref<960xi32, #tpu.memory_space<vmem>>) dst(%dma_wait3A_257 : memref<250008xi32, #tpu.memory_space<vmem_shared>>)
          tpu.yield
        }) : () -> ()
      } else {
      }
      %gt3A_181 = arith.constant 6720 : i32
      %gt3A_182 = arith.cmpi sgt, %scan3A_30, %gt3A_181 : i32
      %convert_element_type3A_183 = arith.extui %gt3A_182 : i1 to i32
      %cond3A_184 = arith.constant 0 : i32
      %cond3A_185 = arith.cmpi ne, %convert_element_type3A_183, %cond3A_184 : i32
      scf.if %cond3A_185 {
        "tpu.region"() ({
          %run_scoped3A = tpu.sem_alloc : memref<!tpu.dma_semaphore, #tpu.memory_space<semaphore_mem>>
          %dma_start3A = arith.constant 6720 : i32
          %dma_start3A_248 = tpu.memref_slice %arg8[%dma_start3A] : memref<19200xi32, #tpu.memory_space<vmem>> -> memref<960xi32, #tpu.memory_space<vmem>>
          %dma_start3A_249 = arith.constant 6720 : i32
          %dma_start3A_250 = tpu.memref_slice %arg6[%dma_start3A_249] : memref<19200xi32, #tpu.memory_space<vmem>> -> memref<960xi32, #tpu.memory_space<vmem>>
          %dma_start3A_251 = arith.constant 0 : i32
          %dma_start3A_252 = tpu.memref_slice %arg9[%dma_start3A_251] : memref<250008xi32, #tpu.memory_space<vmem_shared>> -> memref<250008xi32, #tpu.memory_space<vmem_shared>>
          tpu.enqueue_indirect_dma source(%dma_start3A_248 : memref<960xi32, #tpu.memory_space<vmem>>) target(%dma_start3A_252 : memref<250008xi32, #tpu.memory_space<vmem_shared>>) offsets(%dma_start3A_250 : memref<960xi32, #tpu.memory_space<vmem>>) semaphore(%run_scoped3A : memref<!tpu.dma_semaphore, #tpu.memory_space<semaphore_mem>>)
          %dma_wait3A = arith.constant 6720 : i32
          %dma_wait3A_253 = tpu.memref_slice %arg8[%dma_wait3A] : memref<19200xi32, #tpu.memory_space<vmem>> -> memref<960xi32, #tpu.memory_space<vmem>>
          %dma_wait3A_254 = arith.constant 6720 : i32
          %dma_wait3A_255 = tpu.memref_slice %arg6[%dma_wait3A_254] : memref<19200xi32, #tpu.memory_space<vmem>> -> memref<960xi32, #tpu.memory_space<vmem>>
          %dma_wait3A_256 = arith.constant 0 : i32
          %dma_wait3A_257 = tpu.memref_slice %arg9[%dma_wait3A_256] : memref<250008xi32, #tpu.memory_space<vmem_shared>> -> memref<250008xi32, #tpu.memory_space<vmem_shared>>
          tpu.wait_indirect_dma semaphore(%run_scoped3A : memref<!tpu.dma_semaphore, #tpu.memory_space<semaphore_mem>>) src(%dma_wait3A_253 : memref<960xi32, #tpu.memory_space<vmem>>) dst(%dma_wait3A_257 : memref<250008xi32, #tpu.memory_space<vmem_shared>>)
          tpu.yield
        }) : () -> ()
      } else {
      }
      %gt3A_186 = arith.constant 7680 : i32
      %gt3A_187 = arith.cmpi sgt, %scan3A_30, %gt3A_186 : i32
      %convert_element_type3A_188 = arith.extui %gt3A_187 : i1 to i32
      %cond3A_189 = arith.constant 0 : i32
      %cond3A_190 = arith.cmpi ne, %convert_element_type3A_188, %cond3A_189 : i32
      scf.if %cond3A_190 {
        "tpu.region"() ({
          %run_scoped3A = tpu.sem_alloc : memref<!tpu.dma_semaphore, #tpu.memory_space<semaphore_mem>>
          %dma_start3A = arith.constant 7680 : i32
          %dma_start3A_248 = tpu.memref_slice %arg8[%dma_start3A] : memref<19200xi32, #tpu.memory_space<vmem>> -> memref<960xi32, #tpu.memory_space<vmem>>
          %dma_start3A_249 = arith.constant 7680 : i32
          %dma_start3A_250 = tpu.memref_slice %arg6[%dma_start3A_249] : memref<19200xi32, #tpu.memory_space<vmem>> -> memref<960xi32, #tpu.memory_space<vmem>>
          %dma_start3A_251 = arith.constant 0 : i32
          %dma_start3A_252 = tpu.memref_slice %arg9[%dma_start3A_251] : memref<250008xi32, #tpu.memory_space<vmem_shared>> -> memref<250008xi32, #tpu.memory_space<vmem_shared>>
          tpu.enqueue_indirect_dma source(%dma_start3A_248 : memref<960xi32, #tpu.memory_space<vmem>>) target(%dma_start3A_252 : memref<250008xi32, #tpu.memory_space<vmem_shared>>) offsets(%dma_start3A_250 : memref<960xi32, #tpu.memory_space<vmem>>) semaphore(%run_scoped3A : memref<!tpu.dma_semaphore, #tpu.memory_space<semaphore_mem>>)
          %dma_wait3A = arith.constant 7680 : i32
          %dma_wait3A_253 = tpu.memref_slice %arg8[%dma_wait3A] : memref<19200xi32, #tpu.memory_space<vmem>> -> memref<960xi32, #tpu.memory_space<vmem>>
          %dma_wait3A_254 = arith.constant 7680 : i32
          %dma_wait3A_255 = tpu.memref_slice %arg6[%dma_wait3A_254] : memref<19200xi32, #tpu.memory_space<vmem>> -> memref<960xi32, #tpu.memory_space<vmem>>
          %dma_wait3A_256 = arith.constant 0 : i32
          %dma_wait3A_257 = tpu.memref_slice %arg9[%dma_wait3A_256] : memref<250008xi32, #tpu.memory_space<vmem_shared>> -> memref<250008xi32, #tpu.memory_space<vmem_shared>>
          tpu.wait_indirect_dma semaphore(%run_scoped3A : memref<!tpu.dma_semaphore, #tpu.memory_space<semaphore_mem>>) src(%dma_wait3A_253 : memref<960xi32, #tpu.memory_space<vmem>>) dst(%dma_wait3A_257 : memref<250008xi32, #tpu.memory_space<vmem_shared>>)
          tpu.yield
        }) : () -> ()
      } else {
      }
      %gt3A_191 = arith.constant 8640 : i32
      %gt3A_192 = arith.cmpi sgt, %scan3A_30, %gt3A_191 : i32
      %convert_element_type3A_193 = arith.extui %gt3A_192 : i1 to i32
      %cond3A_194 = arith.constant 0 : i32
      %cond3A_195 = arith.cmpi ne, %convert_element_type3A_193, %cond3A_194 : i32
      scf.if %cond3A_195 {
        "tpu.region"() ({
          %run_scoped3A = tpu.sem_alloc : memref<!tpu.dma_semaphore, #tpu.memory_space<semaphore_mem>>
          %dma_start3A = arith.constant 8640 : i32
          %dma_start3A_248 = tpu.memref_slice %arg8[%dma_start3A] : memref<19200xi32, #tpu.memory_space<vmem>> -> memref<960xi32, #tpu.memory_space<vmem>>
          %dma_start3A_249 = arith.constant 8640 : i32
          %dma_start3A_250 = tpu.memref_slice %arg6[%dma_start3A_249] : memref<19200xi32, #tpu.memory_space<vmem>> -> memref<960xi32, #tpu.memory_space<vmem>>
          %dma_start3A_251 = arith.constant 0 : i32
          %dma_start3A_252 = tpu.memref_slice %arg9[%dma_start3A_251] : memref<250008xi32, #tpu.memory_space<vmem_shared>> -> memref<250008xi32, #tpu.memory_space<vmem_shared>>
          tpu.enqueue_indirect_dma source(%dma_start3A_248 : memref<960xi32, #tpu.memory_space<vmem>>) target(%dma_start3A_252 : memref<250008xi32, #tpu.memory_space<vmem_shared>>) offsets(%dma_start3A_250 : memref<960xi32, #tpu.memory_space<vmem>>) semaphore(%run_scoped3A : memref<!tpu.dma_semaphore, #tpu.memory_space<semaphore_mem>>)
          %dma_wait3A = arith.constant 8640 : i32
          %dma_wait3A_253 = tpu.memref_slice %arg8[%dma_wait3A] : memref<19200xi32, #tpu.memory_space<vmem>> -> memref<960xi32, #tpu.memory_space<vmem>>
          %dma_wait3A_254 = arith.constant 8640 : i32
          %dma_wait3A_255 = tpu.memref_slice %arg6[%dma_wait3A_254] : memref<19200xi32, #tpu.memory_space<vmem>> -> memref<960xi32, #tpu.memory_space<vmem>>
          %dma_wait3A_256 = arith.constant 0 : i32
          %dma_wait3A_257 = tpu.memref_slice %arg9[%dma_wait3A_256] : memref<250008xi32, #tpu.memory_space<vmem_shared>> -> memref<250008xi32, #tpu.memory_space<vmem_shared>>
          tpu.wait_indirect_dma semaphore(%run_scoped3A : memref<!tpu.dma_semaphore, #tpu.memory_space<semaphore_mem>>) src(%dma_wait3A_253 : memref<960xi32, #tpu.memory_space<vmem>>) dst(%dma_wait3A_257 : memref<250008xi32, #tpu.memory_space<vmem_shared>>)
          tpu.yield
        }) : () -> ()
      } else {
      }
      %gt3A_196 = arith.constant 9600 : i32
      %gt3A_197 = arith.cmpi sgt, %scan3A_30, %gt3A_196 : i32
      %convert_element_type3A_198 = arith.extui %gt3A_197 : i1 to i32
      %cond3A_199 = arith.constant 0 : i32
      %cond3A_200 = arith.cmpi ne, %convert_element_type3A_198, %cond3A_199 : i32
      scf.if %cond3A_200 {
        "tpu.region"() ({
          %run_scoped3A = tpu.sem_alloc : memref<!tpu.dma_semaphore, #tpu.memory_space<semaphore_mem>>
          %dma_start3A = arith.constant 9600 : i32
          %dma_start3A_248 = tpu.memref_slice %arg8[%dma_start3A] : memref<19200xi32, #tpu.memory_space<vmem>> -> memref<960xi32, #tpu.memory_space<vmem>>
          %dma_start3A_249 = arith.constant 9600 : i32
          %dma_start3A_250 = tpu.memref_slice %arg6[%dma_start3A_249] : memref<19200xi32, #tpu.memory_space<vmem>> -> memref<960xi32, #tpu.memory_space<vmem>>
          %dma_start3A_251 = arith.constant 0 : i32
          %dma_start3A_252 = tpu.memref_slice %arg9[%dma_start3A_251] : memref<250008xi32, #tpu.memory_space<vmem_shared>> -> memref<250008xi32, #tpu.memory_space<vmem_shared>>
          tpu.enqueue_indirect_dma source(%dma_start3A_248 : memref<960xi32, #tpu.memory_space<vmem>>) target(%dma_start3A_252 : memref<250008xi32, #tpu.memory_space<vmem_shared>>) offsets(%dma_start3A_250 : memref<960xi32, #tpu.memory_space<vmem>>) semaphore(%run_scoped3A : memref<!tpu.dma_semaphore, #tpu.memory_space<semaphore_mem>>)
          %dma_wait3A = arith.constant 9600 : i32
          %dma_wait3A_253 = tpu.memref_slice %arg8[%dma_wait3A] : memref<19200xi32, #tpu.memory_space<vmem>> -> memref<960xi32, #tpu.memory_space<vmem>>
          %dma_wait3A_254 = arith.constant 9600 : i32
          %dma_wait3A_255 = tpu.memref_slice %arg6[%dma_wait3A_254] : memref<19200xi32, #tpu.memory_space<vmem>> -> memref<960xi32, #tpu.memory_space<vmem>>
          %dma_wait3A_256 = arith.constant 0 : i32
          %dma_wait3A_257 = tpu.memref_slice %arg9[%dma_wait3A_256] : memref<250008xi32, #tpu.memory_space<vmem_shared>> -> memref<250008xi32, #tpu.memory_space<vmem_shared>>
          tpu.wait_indirect_dma semaphore(%run_scoped3A : memref<!tpu.dma_semaphore, #tpu.memory_space<semaphore_mem>>) src(%dma_wait3A_253 : memref<960xi32, #tpu.memory_space<vmem>>) dst(%dma_wait3A_257 : memref<250008xi32, #tpu.memory_space<vmem_shared>>)
          tpu.yield
        }) : () -> ()
      } else {
      }
      %gt3A_201 = arith.constant 10560 : i32
      %gt3A_202 = arith.cmpi sgt, %scan3A_30, %gt3A_201 : i32
      %convert_element_type3A_203 = arith.extui %gt3A_202 : i1 to i32
      %cond3A_204 = arith.constant 0 : i32
      %cond3A_205 = arith.cmpi ne, %convert_element_type3A_203, %cond3A_204 : i32
      scf.if %cond3A_205 {
        "tpu.region"() ({
          %run_scoped3A = tpu.sem_alloc : memref<!tpu.dma_semaphore, #tpu.memory_space<semaphore_mem>>
          %dma_start3A = arith.constant 10560 : i32
          %dma_start3A_248 = tpu.memref_slice %arg8[%dma_start3A] : memref<19200xi32, #tpu.memory_space<vmem>> -> memref<960xi32, #tpu.memory_space<vmem>>
          %dma_start3A_249 = arith.constant 10560 : i32
          %dma_start3A_250 = tpu.memref_slice %arg6[%dma_start3A_249] : memref<19200xi32, #tpu.memory_space<vmem>> -> memref<960xi32, #tpu.memory_space<vmem>>
          %dma_start3A_251 = arith.constant 0 : i32
          %dma_start3A_252 = tpu.memref_slice %arg9[%dma_start3A_251] : memref<250008xi32, #tpu.memory_space<vmem_shared>> -> memref<250008xi32, #tpu.memory_space<vmem_shared>>
          tpu.enqueue_indirect_dma source(%dma_start3A_248 : memref<960xi32, #tpu.memory_space<vmem>>) target(%dma_start3A_252 : memref<250008xi32, #tpu.memory_space<vmem_shared>>) offsets(%dma_start3A_250 : memref<960xi32, #tpu.memory_space<vmem>>) semaphore(%run_scoped3A : memref<!tpu.dma_semaphore, #tpu.memory_space<semaphore_mem>>)
          %dma_wait3A = arith.constant 10560 : i32
          %dma_wait3A_253 = tpu.memref_slice %arg8[%dma_wait3A] : memref<19200xi32, #tpu.memory_space<vmem>> -> memref<960xi32, #tpu.memory_space<vmem>>
          %dma_wait3A_254 = arith.constant 10560 : i32
          %dma_wait3A_255 = tpu.memref_slice %arg6[%dma_wait3A_254] : memref<19200xi32, #tpu.memory_space<vmem>> -> memref<960xi32, #tpu.memory_space<vmem>>
          %dma_wait3A_256 = arith.constant 0 : i32
          %dma_wait3A_257 = tpu.memref_slice %arg9[%dma_wait3A_256] : memref<250008xi32, #tpu.memory_space<vmem_shared>> -> memref<250008xi32, #tpu.memory_space<vmem_shared>>
          tpu.wait_indirect_dma semaphore(%run_scoped3A : memref<!tpu.dma_semaphore, #tpu.memory_space<semaphore_mem>>) src(%dma_wait3A_253 : memref<960xi32, #tpu.memory_space<vmem>>) dst(%dma_wait3A_257 : memref<250008xi32, #tpu.memory_space<vmem_shared>>)
          tpu.yield
        }) : () -> ()
      } else {
      }
      %gt3A_206 = arith.constant 11520 : i32
      %gt3A_207 = arith.cmpi sgt, %scan3A_30, %gt3A_206 : i32
      %convert_element_type3A_208 = arith.extui %gt3A_207 : i1 to i32
      %cond3A_209 = arith.constant 0 : i32
      %cond3A_210 = arith.cmpi ne, %convert_element_type3A_208, %cond3A_209 : i32
      scf.if %cond3A_210 {
        "tpu.region"() ({
          %run_scoped3A = tpu.sem_alloc : memref<!tpu.dma_semaphore, #tpu.memory_space<semaphore_mem>>
          %dma_start3A = arith.constant 11520 : i32
          %dma_start3A_248 = tpu.memref_slice %arg8[%dma_start3A] : memref<19200xi32, #tpu.memory_space<vmem>> -> memref<960xi32, #tpu.memory_space<vmem>>
          %dma_start3A_249 = arith.constant 11520 : i32
          %dma_start3A_250 = tpu.memref_slice %arg6[%dma_start3A_249] : memref<19200xi32, #tpu.memory_space<vmem>> -> memref<960xi32, #tpu.memory_space<vmem>>
          %dma_start3A_251 = arith.constant 0 : i32
          %dma_start3A_252 = tpu.memref_slice %arg9[%dma_start3A_251] : memref<250008xi32, #tpu.memory_space<vmem_shared>> -> memref<250008xi32, #tpu.memory_space<vmem_shared>>
          tpu.enqueue_indirect_dma source(%dma_start3A_248 : memref<960xi32, #tpu.memory_space<vmem>>) target(%dma_start3A_252 : memref<250008xi32, #tpu.memory_space<vmem_shared>>) offsets(%dma_start3A_250 : memref<960xi32, #tpu.memory_space<vmem>>) semaphore(%run_scoped3A : memref<!tpu.dma_semaphore, #tpu.memory_space<semaphore_mem>>)
          %dma_wait3A = arith.constant 11520 : i32
          %dma_wait3A_253 = tpu.memref_slice %arg8[%dma_wait3A] : memref<19200xi32, #tpu.memory_space<vmem>> -> memref<960xi32, #tpu.memory_space<vmem>>
          %dma_wait3A_254 = arith.constant 11520 : i32
          %dma_wait3A_255 = tpu.memref_slice %arg6[%dma_wait3A_254] : memref<19200xi32, #tpu.memory_space<vmem>> -> memref<960xi32, #tpu.memory_space<vmem>>
          %dma_wait3A_256 = arith.constant 0 : i32
          %dma_wait3A_257 = tpu.memref_slice %arg9[%dma_wait3A_256] : memref<250008xi32, #tpu.memory_space<vmem_shared>> -> memref<250008xi32, #tpu.memory_space<vmem_shared>>
          tpu.wait_indirect_dma semaphore(%run_scoped3A : memref<!tpu.dma_semaphore, #tpu.memory_space<semaphore_mem>>) src(%dma_wait3A_253 : memref<960xi32, #tpu.memory_space<vmem>>) dst(%dma_wait3A_257 : memref<250008xi32, #tpu.memory_space<vmem_shared>>)
          tpu.yield
        }) : () -> ()
      } else {
      }
      %gt3A_211 = arith.constant 12480 : i32
      %gt3A_212 = arith.cmpi sgt, %scan3A_30, %gt3A_211 : i32
      %convert_element_type3A_213 = arith.extui %gt3A_212 : i1 to i32
      %cond3A_214 = arith.constant 0 : i32
      %cond3A_215 = arith.cmpi ne, %convert_element_type3A_213, %cond3A_214 : i32
      scf.if %cond3A_215 {
        "tpu.region"() ({
          %run_scoped3A = tpu.sem_alloc : memref<!tpu.dma_semaphore, #tpu.memory_space<semaphore_mem>>
          %dma_start3A = arith.constant 12480 : i32
          %dma_start3A_248 = tpu.memref_slice %arg8[%dma_start3A] : memref<19200xi32, #tpu.memory_space<vmem>> -> memref<960xi32, #tpu.memory_space<vmem>>
          %dma_start3A_249 = arith.constant 12480 : i32
          %dma_start3A_250 = tpu.memref_slice %arg6[%dma_start3A_249] : memref<19200xi32, #tpu.memory_space<vmem>> -> memref<960xi32, #tpu.memory_space<vmem>>
          %dma_start3A_251 = arith.constant 0 : i32
          %dma_start3A_252 = tpu.memref_slice %arg9[%dma_start3A_251] : memref<250008xi32, #tpu.memory_space<vmem_shared>> -> memref<250008xi32, #tpu.memory_space<vmem_shared>>
          tpu.enqueue_indirect_dma source(%dma_start3A_248 : memref<960xi32, #tpu.memory_space<vmem>>) target(%dma_start3A_252 : memref<250008xi32, #tpu.memory_space<vmem_shared>>) offsets(%dma_start3A_250 : memref<960xi32, #tpu.memory_space<vmem>>) semaphore(%run_scoped3A : memref<!tpu.dma_semaphore, #tpu.memory_space<semaphore_mem>>)
          %dma_wait3A = arith.constant 12480 : i32
          %dma_wait3A_253 = tpu.memref_slice %arg8[%dma_wait3A] : memref<19200xi32, #tpu.memory_space<vmem>> -> memref<960xi32, #tpu.memory_space<vmem>>
          %dma_wait3A_254 = arith.constant 12480 : i32
          %dma_wait3A_255 = tpu.memref_slice %arg6[%dma_wait3A_254] : memref<19200xi32, #tpu.memory_space<vmem>> -> memref<960xi32, #tpu.memory_space<vmem>>
          %dma_wait3A_256 = arith.constant 0 : i32
          %dma_wait3A_257 = tpu.memref_slice %arg9[%dma_wait3A_256] : memref<250008xi32, #tpu.memory_space<vmem_shared>> -> memref<250008xi32, #tpu.memory_space<vmem_shared>>
          tpu.wait_indirect_dma semaphore(%run_scoped3A : memref<!tpu.dma_semaphore, #tpu.memory_space<semaphore_mem>>) src(%dma_wait3A_253 : memref<960xi32, #tpu.memory_space<vmem>>) dst(%dma_wait3A_257 : memref<250008xi32, #tpu.memory_space<vmem_shared>>)
          tpu.yield
        }) : () -> ()
      } else {
      }
      %gt3A_216 = arith.constant 13440 : i32
      %gt3A_217 = arith.cmpi sgt, %scan3A_30, %gt3A_216 : i32
      %convert_element_type3A_218 = arith.extui %gt3A_217 : i1 to i32
      %cond3A_219 = arith.constant 0 : i32
      %cond3A_220 = arith.cmpi ne, %convert_element_type3A_218, %cond3A_219 : i32
      scf.if %cond3A_220 {
        "tpu.region"() ({
          %run_scoped3A = tpu.sem_alloc : memref<!tpu.dma_semaphore, #tpu.memory_space<semaphore_mem>>
          %dma_start3A = arith.constant 13440 : i32
          %dma_start3A_248 = tpu.memref_slice %arg8[%dma_start3A] : memref<19200xi32, #tpu.memory_space<vmem>> -> memref<960xi32, #tpu.memory_space<vmem>>
          %dma_start3A_249 = arith.constant 13440 : i32
          %dma_start3A_250 = tpu.memref_slice %arg6[%dma_start3A_249] : memref<19200xi32, #tpu.memory_space<vmem>> -> memref<960xi32, #tpu.memory_space<vmem>>
          %dma_start3A_251 = arith.constant 0 : i32
          %dma_start3A_252 = tpu.memref_slice %arg9[%dma_start3A_251] : memref<250008xi32, #tpu.memory_space<vmem_shared>> -> memref<250008xi32, #tpu.memory_space<vmem_shared>>
          tpu.enqueue_indirect_dma source(%dma_start3A_248 : memref<960xi32, #tpu.memory_space<vmem>>) target(%dma_start3A_252 : memref<250008xi32, #tpu.memory_space<vmem_shared>>) offsets(%dma_start3A_250 : memref<960xi32, #tpu.memory_space<vmem>>) semaphore(%run_scoped3A : memref<!tpu.dma_semaphore, #tpu.memory_space<semaphore_mem>>)
          %dma_wait3A = arith.constant 13440 : i32
          %dma_wait3A_253 = tpu.memref_slice %arg8[%dma_wait3A] : memref<19200xi32, #tpu.memory_space<vmem>> -> memref<960xi32, #tpu.memory_space<vmem>>
          %dma_wait3A_254 = arith.constant 13440 : i32
          %dma_wait3A_255 = tpu.memref_slice %arg6[%dma_wait3A_254] : memref<19200xi32, #tpu.memory_space<vmem>> -> memref<960xi32, #tpu.memory_space<vmem>>
          %dma_wait3A_256 = arith.constant 0 : i32
          %dma_wait3A_257 = tpu.memref_slice %arg9[%dma_wait3A_256] : memref<250008xi32, #tpu.memory_space<vmem_shared>> -> memref<250008xi32, #tpu.memory_space<vmem_shared>>
          tpu.wait_indirect_dma semaphore(%run_scoped3A : memref<!tpu.dma_semaphore, #tpu.memory_space<semaphore_mem>>) src(%dma_wait3A_253 : memref<960xi32, #tpu.memory_space<vmem>>) dst(%dma_wait3A_257 : memref<250008xi32, #tpu.memory_space<vmem_shared>>)
          tpu.yield
        }) : () -> ()
      } else {
      }
      %gt3A_221 = arith.constant 14400 : i32
      %gt3A_222 = arith.cmpi sgt, %scan3A_30, %gt3A_221 : i32
      %convert_element_type3A_223 = arith.extui %gt3A_222 : i1 to i32
      %cond3A_224 = arith.constant 0 : i32
      %cond3A_225 = arith.cmpi ne, %convert_element_type3A_223, %cond3A_224 : i32
      scf.if %cond3A_225 {
        "tpu.region"() ({
          %run_scoped3A = tpu.sem_alloc : memref<!tpu.dma_semaphore, #tpu.memory_space<semaphore_mem>>
          %dma_start3A = arith.constant 14400 : i32
          %dma_start3A_248 = tpu.memref_slice %arg8[%dma_start3A] : memref<19200xi32, #tpu.memory_space<vmem>> -> memref<960xi32, #tpu.memory_space<vmem>>
          %dma_start3A_249 = arith.constant 14400 : i32
          %dma_start3A_250 = tpu.memref_slice %arg6[%dma_start3A_249] : memref<19200xi32, #tpu.memory_space<vmem>> -> memref<960xi32, #tpu.memory_space<vmem>>
          %dma_start3A_251 = arith.constant 0 : i32
          %dma_start3A_252 = tpu.memref_slice %arg9[%dma_start3A_251] : memref<250008xi32, #tpu.memory_space<vmem_shared>> -> memref<250008xi32, #tpu.memory_space<vmem_shared>>
          tpu.enqueue_indirect_dma source(%dma_start3A_248 : memref<960xi32, #tpu.memory_space<vmem>>) target(%dma_start3A_252 : memref<250008xi32, #tpu.memory_space<vmem_shared>>) offsets(%dma_start3A_250 : memref<960xi32, #tpu.memory_space<vmem>>) semaphore(%run_scoped3A : memref<!tpu.dma_semaphore, #tpu.memory_space<semaphore_mem>>)
          %dma_wait3A = arith.constant 14400 : i32
          %dma_wait3A_253 = tpu.memref_slice %arg8[%dma_wait3A] : memref<19200xi32, #tpu.memory_space<vmem>> -> memref<960xi32, #tpu.memory_space<vmem>>
          %dma_wait3A_254 = arith.constant 14400 : i32
          %dma_wait3A_255 = tpu.memref_slice %arg6[%dma_wait3A_254] : memref<19200xi32, #tpu.memory_space<vmem>> -> memref<960xi32, #tpu.memory_space<vmem>>
          %dma_wait3A_256 = arith.constant 0 : i32
          %dma_wait3A_257 = tpu.memref_slice %arg9[%dma_wait3A_256] : memref<250008xi32, #tpu.memory_space<vmem_shared>> -> memref<250008xi32, #tpu.memory_space<vmem_shared>>
          tpu.wait_indirect_dma semaphore(%run_scoped3A : memref<!tpu.dma_semaphore, #tpu.memory_space<semaphore_mem>>) src(%dma_wait3A_253 : memref<960xi32, #tpu.memory_space<vmem>>) dst(%dma_wait3A_257 : memref<250008xi32, #tpu.memory_space<vmem_shared>>)
          tpu.yield
        }) : () -> ()
      } else {
      }
      %gt3A_226 = arith.constant 15360 : i32
      %gt3A_227 = arith.cmpi sgt, %scan3A_30, %gt3A_226 : i32
      %convert_element_type3A_228 = arith.extui %gt3A_227 : i1 to i32
      %cond3A_229 = arith.constant 0 : i32
      %cond3A_230 = arith.cmpi ne, %convert_element_type3A_228, %cond3A_229 : i32
      scf.if %cond3A_230 {
        "tpu.region"() ({
          %run_scoped3A = tpu.sem_alloc : memref<!tpu.dma_semaphore, #tpu.memory_space<semaphore_mem>>
          %dma_start3A = arith.constant 15360 : i32
          %dma_start3A_248 = tpu.memref_slice %arg8[%dma_start3A] : memref<19200xi32, #tpu.memory_space<vmem>> -> memref<960xi32, #tpu.memory_space<vmem>>
          %dma_start3A_249 = arith.constant 15360 : i32
          %dma_start3A_250 = tpu.memref_slice %arg6[%dma_start3A_249] : memref<19200xi32, #tpu.memory_space<vmem>> -> memref<960xi32, #tpu.memory_space<vmem>>
          %dma_start3A_251 = arith.constant 0 : i32
          %dma_start3A_252 = tpu.memref_slice %arg9[%dma_start3A_251] : memref<250008xi32, #tpu.memory_space<vmem_shared>> -> memref<250008xi32, #tpu.memory_space<vmem_shared>>
          tpu.enqueue_indirect_dma source(%dma_start3A_248 : memref<960xi32, #tpu.memory_space<vmem>>) target(%dma_start3A_252 : memref<250008xi32, #tpu.memory_space<vmem_shared>>) offsets(%dma_start3A_250 : memref<960xi32, #tpu.memory_space<vmem>>) semaphore(%run_scoped3A : memref<!tpu.dma_semaphore, #tpu.memory_space<semaphore_mem>>)
          %dma_wait3A = arith.constant 15360 : i32
          %dma_wait3A_253 = tpu.memref_slice %arg8[%dma_wait3A] : memref<19200xi32, #tpu.memory_space<vmem>> -> memref<960xi32, #tpu.memory_space<vmem>>
          %dma_wait3A_254 = arith.constant 15360 : i32
          %dma_wait3A_255 = tpu.memref_slice %arg6[%dma_wait3A_254] : memref<19200xi32, #tpu.memory_space<vmem>> -> memref<960xi32, #tpu.memory_space<vmem>>
          %dma_wait3A_256 = arith.constant 0 : i32
          %dma_wait3A_257 = tpu.memref_slice %arg9[%dma_wait3A_256] : memref<250008xi32, #tpu.memory_space<vmem_shared>> -> memref<250008xi32, #tpu.memory_space<vmem_shared>>
          tpu.wait_indirect_dma semaphore(%run_scoped3A : memref<!tpu.dma_semaphore, #tpu.memory_space<semaphore_mem>>) src(%dma_wait3A_253 : memref<960xi32, #tpu.memory_space<vmem>>) dst(%dma_wait3A_257 : memref<250008xi32, #tpu.memory_space<vmem_shared>>)
          tpu.yield
        }) : () -> ()
      } else {
      }
      %gt3A_231 = arith.constant 16320 : i32
      %gt3A_232 = arith.cmpi sgt, %scan3A_30, %gt3A_231 : i32
      %convert_element_type3A_233 = arith.extui %gt3A_232 : i1 to i32
      %cond3A_234 = arith.constant 0 : i32
      %cond3A_235 = arith.cmpi ne, %convert_element_type3A_233, %cond3A_234 : i32
      scf.if %cond3A_235 {
        "tpu.region"() ({
          %run_scoped3A = tpu.sem_alloc : memref<!tpu.dma_semaphore, #tpu.memory_space<semaphore_mem>>
          %dma_start3A = arith.constant 16320 : i32
          %dma_start3A_248 = tpu.memref_slice %arg8[%dma_start3A] : memref<19200xi32, #tpu.memory_space<vmem>> -> memref<960xi32, #tpu.memory_space<vmem>>
          %dma_start3A_249 = arith.constant 16320 : i32
          %dma_start3A_250 = tpu.memref_slice %arg6[%dma_start3A_249] : memref<19200xi32, #tpu.memory_space<vmem>> -> memref<960xi32, #tpu.memory_space<vmem>>
          %dma_start3A_251 = arith.constant 0 : i32
          %dma_start3A_252 = tpu.memref_slice %arg9[%dma_start3A_251] : memref<250008xi32, #tpu.memory_space<vmem_shared>> -> memref<250008xi32, #tpu.memory_space<vmem_shared>>
          tpu.enqueue_indirect_dma source(%dma_start3A_248 : memref<960xi32, #tpu.memory_space<vmem>>) target(%dma_start3A_252 : memref<250008xi32, #tpu.memory_space<vmem_shared>>) offsets(%dma_start3A_250 : memref<960xi32, #tpu.memory_space<vmem>>) semaphore(%run_scoped3A : memref<!tpu.dma_semaphore, #tpu.memory_space<semaphore_mem>>)
          %dma_wait3A = arith.constant 16320 : i32
          %dma_wait3A_253 = tpu.memref_slice %arg8[%dma_wait3A] : memref<19200xi32, #tpu.memory_space<vmem>> -> memref<960xi32, #tpu.memory_space<vmem>>
          %dma_wait3A_254 = arith.constant 16320 : i32
          %dma_wait3A_255 = tpu.memref_slice %arg6[%dma_wait3A_254] : memref<19200xi32, #tpu.memory_space<vmem>> -> memref<960xi32, #tpu.memory_space<vmem>>
          %dma_wait3A_256 = arith.constant 0 : i32
          %dma_wait3A_257 = tpu.memref_slice %arg9[%dma_wait3A_256] : memref<250008xi32, #tpu.memory_space<vmem_shared>> -> memref<250008xi32, #tpu.memory_space<vmem_shared>>
          tpu.wait_indirect_dma semaphore(%run_scoped3A : memref<!tpu.dma_semaphore, #tpu.memory_space<semaphore_mem>>) src(%dma_wait3A_253 : memref<960xi32, #tpu.memory_space<vmem>>) dst(%dma_wait3A_257 : memref<250008xi32, #tpu.memory_space<vmem_shared>>)
          tpu.yield
        }) : () -> ()
      } else {
      }
      %gt3A_236 = arith.constant 17280 : i32
      %gt3A_237 = arith.cmpi sgt, %scan3A_30, %gt3A_236 : i32
      %convert_element_type3A_238 = arith.extui %gt3A_237 : i1 to i32
      %cond3A_239 = arith.constant 0 : i32
      %cond3A_240 = arith.cmpi ne, %convert_element_type3A_238, %cond3A_239 : i32
      scf.if %cond3A_240 {
        "tpu.region"() ({
          %run_scoped3A = tpu.sem_alloc : memref<!tpu.dma_semaphore, #tpu.memory_space<semaphore_mem>>
          %dma_start3A = arith.constant 17280 : i32
          %dma_start3A_248 = tpu.memref_slice %arg8[%dma_start3A] : memref<19200xi32, #tpu.memory_space<vmem>> -> memref<960xi32, #tpu.memory_space<vmem>>
          %dma_start3A_249 = arith.constant 17280 : i32
          %dma_start3A_250 = tpu.memref_slice %arg6[%dma_start3A_249] : memref<19200xi32, #tpu.memory_space<vmem>> -> memref<960xi32, #tpu.memory_space<vmem>>
          %dma_start3A_251 = arith.constant 0 : i32
          %dma_start3A_252 = tpu.memref_slice %arg9[%dma_start3A_251] : memref<250008xi32, #tpu.memory_space<vmem_shared>> -> memref<250008xi32, #tpu.memory_space<vmem_shared>>
          tpu.enqueue_indirect_dma source(%dma_start3A_248 : memref<960xi32, #tpu.memory_space<vmem>>) target(%dma_start3A_252 : memref<250008xi32, #tpu.memory_space<vmem_shared>>) offsets(%dma_start3A_250 : memref<960xi32, #tpu.memory_space<vmem>>) semaphore(%run_scoped3A : memref<!tpu.dma_semaphore, #tpu.memory_space<semaphore_mem>>)
          %dma_wait3A = arith.constant 17280 : i32
          %dma_wait3A_253 = tpu.memref_slice %arg8[%dma_wait3A] : memref<19200xi32, #tpu.memory_space<vmem>> -> memref<960xi32, #tpu.memory_space<vmem>>
          %dma_wait3A_254 = arith.constant 17280 : i32
          %dma_wait3A_255 = tpu.memref_slice %arg6[%dma_wait3A_254] : memref<19200xi32, #tpu.memory_space<vmem>> -> memref<960xi32, #tpu.memory_space<vmem>>
          %dma_wait3A_256 = arith.constant 0 : i32
          %dma_wait3A_257 = tpu.memref_slice %arg9[%dma_wait3A_256] : memref<250008xi32, #tpu.memory_space<vmem_shared>> -> memref<250008xi32, #tpu.memory_space<vmem_shared>>
          tpu.wait_indirect_dma semaphore(%run_scoped3A : memref<!tpu.dma_semaphore, #tpu.memory_space<semaphore_mem>>) src(%dma_wait3A_253 : memref<960xi32, #tpu.memory_space<vmem>>) dst(%dma_wait3A_257 : memref<250008xi32, #tpu.memory_space<vmem_shared>>)
          tpu.yield
        }) : () -> ()
      } else {
      }
      %gt3A_241 = arith.constant 18240 : i32
      %gt3A_242 = arith.cmpi sgt, %scan3A_30, %gt3A_241 : i32
      %convert_element_type3A_243 = arith.extui %gt3A_242 : i1 to i32
      %cond3A_244 = arith.constant 0 : i32
      %cond3A_245 = arith.cmpi ne, %convert_element_type3A_243, %cond3A_244 : i32
      scf.if %cond3A_245 {
        "tpu.region"() ({
          %run_scoped3A = tpu.sem_alloc : memref<!tpu.dma_semaphore, #tpu.memory_space<semaphore_mem>>
          %dma_start3A = arith.constant 18240 : i32
          %dma_start3A_248 = tpu.memref_slice %arg8[%dma_start3A] : memref<19200xi32, #tpu.memory_space<vmem>> -> memref<960xi32, #tpu.memory_space<vmem>>
          %dma_start3A_249 = arith.constant 18240 : i32
          %dma_start3A_250 = tpu.memref_slice %arg6[%dma_start3A_249] : memref<19200xi32, #tpu.memory_space<vmem>> -> memref<960xi32, #tpu.memory_space<vmem>>
          %dma_start3A_251 = arith.constant 0 : i32
          %dma_start3A_252 = tpu.memref_slice %arg9[%dma_start3A_251] : memref<250008xi32, #tpu.memory_space<vmem_shared>> -> memref<250008xi32, #tpu.memory_space<vmem_shared>>
          tpu.enqueue_indirect_dma source(%dma_start3A_248 : memref<960xi32, #tpu.memory_space<vmem>>) target(%dma_start3A_252 : memref<250008xi32, #tpu.memory_space<vmem_shared>>) offsets(%dma_start3A_250 : memref<960xi32, #tpu.memory_space<vmem>>) semaphore(%run_scoped3A : memref<!tpu.dma_semaphore, #tpu.memory_space<semaphore_mem>>)
          %dma_wait3A = arith.constant 18240 : i32
          %dma_wait3A_253 = tpu.memref_slice %arg8[%dma_wait3A] : memref<19200xi32, #tpu.memory_space<vmem>> -> memref<960xi32, #tpu.memory_space<vmem>>
          %dma_wait3A_254 = arith.constant 18240 : i32
          %dma_wait3A_255 = tpu.memref_slice %arg6[%dma_wait3A_254] : memref<19200xi32, #tpu.memory_space<vmem>> -> memref<960xi32, #tpu.memory_space<vmem>>
          %dma_wait3A_256 = arith.constant 0 : i32
          %dma_wait3A_257 = tpu.memref_slice %arg9[%dma_wait3A_256] : memref<250008xi32, #tpu.memory_space<vmem_shared>> -> memref<250008xi32, #tpu.memory_space<vmem_shared>>
          tpu.wait_indirect_dma semaphore(%run_scoped3A : memref<!tpu.dma_semaphore, #tpu.memory_space<semaphore_mem>>) src(%dma_wait3A_253 : memref<960xi32, #tpu.memory_space<vmem>>) dst(%dma_wait3A_257 : memref<250008xi32, #tpu.memory_space<vmem_shared>>)
          tpu.yield
        }) : () -> ()
      } else {
      }
      %barrier3A_246 = arith.constant 0 : index
      tpu.barrier barrier_id(%barrier3A_246)
      %scan3A_247 = arith.constant 0 : i32
      scf.yield %scan3A_247 : i32
    }
    %scan3A_39 = arith.constant 11 : i32
    "tpu.region"() ({
      %run_scoped3A = tpu.sem_alloc : memref<!tpu.dma_semaphore, #tpu.memory_space<semaphore_mem>>
      %dma_start3A = arith.constant 0 : i32
      %dma_start3A_40 = tpu.memref_slice %arg6[%dma_start3A] : memref<19200xi32, #tpu.memory_space<vmem>> -> memref<15632xi32, #tpu.memory_space<vmem>>
      %dma_start3A_41 = tpu.memref_slice %arg9[%min3A_1] : memref<250008xi32, #tpu.memory_space<vmem_shared>> -> memref<15632xi32, #tpu.memory_space<vmem_shared>>
      %dma_start3A_42 = arith.constant 0 : i32
      %dma_start3A_43 = tpu.memref_slice %arg6[%dma_start3A_42] : memref<19200xi32, #tpu.memory_space<vmem>> -> memref<15632xi32, #tpu.memory_space<vmem>>
      %dma_start3A_44 = tpu.memref_slice %arg9[%min3A_1] : memref<250008xi32, #tpu.memory_space<vmem_shared>> -> memref<15632xi32, #tpu.memory_space<vmem_shared>>
      tpu.enqueue_dma source(%dma_start3A_44 : memref<15632xi32, #tpu.memory_space<vmem_shared>>) target(%dma_start3A_43 : memref<15632xi32, #tpu.memory_space<vmem>>) target_semaphore(%run_scoped3A : memref<!tpu.dma_semaphore, #tpu.memory_space<semaphore_mem>>)
      %dma_wait3A = arith.constant 0 : i32
      %dma_wait3A_45 = tpu.memref_slice %arg6[%dma_wait3A] : memref<19200xi32, #tpu.memory_space<vmem>> -> memref<15632xi32, #tpu.memory_space<vmem>>
      %dma_wait3A_46 = tpu.memref_slice %arg9[%min3A_1] : memref<250008xi32, #tpu.memory_space<vmem_shared>> -> memref<15632xi32, #tpu.memory_space<vmem_shared>>
      %dma_wait3A_47 = arith.constant 0 : i32
      %dma_wait3A_48 = tpu.memref_slice %arg6[%dma_wait3A_47] : memref<19200xi32, #tpu.memory_space<vmem>> -> memref<15632xi32, #tpu.memory_space<vmem>>
      %dma_wait3A_49 = tpu.memref_slice %arg9[%min3A_1] : memref<250008xi32, #tpu.memory_space<vmem_shared>> -> memref<15632xi32, #tpu.memory_space<vmem_shared>>
      tpu.wait_dma2 semaphore(%run_scoped3A : memref<!tpu.dma_semaphore, #tpu.memory_space<semaphore_mem>>) src(%dma_wait3A_49 : memref<15632xi32, #tpu.memory_space<vmem_shared>>) dst(%dma_wait3A_48 : memref<15632xi32, #tpu.memory_space<vmem>>)
      tpu.yield
    }) : () -> ()
    "tpu.region"() ({
      %run_scoped3A = tpu.sem_alloc : memref<!tpu.dma_semaphore, #tpu.memory_space<semaphore_mem>>
      %dma_start3A = arith.constant 0 : i32
      %dma_start3A_40 = tpu.memref_slice %arg6[%dma_start3A] : memref<19200xi32, #tpu.memory_space<vmem>> -> memref<15632xi32, #tpu.memory_space<vmem>>
      %dma_start3A_41 = tpu.memref_slice %arg3[%min3A_1] : memref<250008xi32, #tpu.memory_space<hbm>> -> memref<15632xi32, #tpu.memory_space<hbm>>
      %dma_start3A_42 = tpu.memref_slice %arg3[%min3A_1] : memref<250008xi32, #tpu.memory_space<hbm>> -> memref<15632xi32, #tpu.memory_space<hbm>>
      %dma_start3A_43 = arith.constant 0 : i32
      %dma_start3A_44 = tpu.memref_slice %arg6[%dma_start3A_43] : memref<19200xi32, #tpu.memory_space<vmem>> -> memref<15632xi32, #tpu.memory_space<vmem>>
      tpu.enqueue_dma source(%dma_start3A_44 : memref<15632xi32, #tpu.memory_space<vmem>>) target(%dma_start3A_42 : memref<15632xi32, #tpu.memory_space<hbm>>) target_semaphore(%run_scoped3A : memref<!tpu.dma_semaphore, #tpu.memory_space<semaphore_mem>>)
      %dma_wait3A = arith.constant 0 : i32
      %dma_wait3A_45 = tpu.memref_slice %arg6[%dma_wait3A] : memref<19200xi32, #tpu.memory_space<vmem>> -> memref<15632xi32, #tpu.memory_space<vmem>>
      %dma_wait3A_46 = tpu.memref_slice %arg3[%min3A_1] : memref<250008xi32, #tpu.memory_space<hbm>> -> memref<15632xi32, #tpu.memory_space<hbm>>
      %dma_wait3A_47 = tpu.memref_slice %arg3[%min3A_1] : memref<250008xi32, #tpu.memory_space<hbm>> -> memref<15632xi32, #tpu.memory_space<hbm>>
      %dma_wait3A_48 = arith.constant 0 : i32
      %dma_wait3A_49 = tpu.memref_slice %arg6[%dma_wait3A_48] : memref<19200xi32, #tpu.memory_space<vmem>> -> memref<15632xi32, #tpu.memory_space<vmem>>
      tpu.wait_dma2 semaphore(%run_scoped3A : memref<!tpu.dma_semaphore, #tpu.memory_space<semaphore_mem>>) src(%dma_wait3A_49 : memref<15632xi32, #tpu.memory_space<vmem>>) dst(%dma_wait3A_47 : memref<15632xi32, #tpu.memory_space<hbm>>)
      tpu.yield
    }) : () -> ()
    return
  }
}

#map = affine_map<(d0, d1) -> (0, 0)>
#map1 = affine_map<(d0, d1) -> (0)>
module attributes {stable_mosaic.version = 14 : i64} {
  func.func @k(%arg0: i32, %arg1: i32, %arg2: memref<550000x128xf32, #tpu.memory_space<hbm>>, %arg3: memref<250008xi32, #tpu.memory_space<hbm>>, %arg4: memref<250000x128xf32, #tpu.memory_space<hbm>>, %arg5: memref<256xi32, #tpu.memory_space<vmem>>, %arg6: memref<256xi32, #tpu.memory_space<vmem>>, %arg7: memref<256xi32, #tpu.memory_space<vmem>>, %arg8: memref<256xi32, #tpu.memory_space<vmem>>, %arg9: memref<256x128xf32, #tpu.memory_space<vmem>>, %arg10: memref<256x128xf32, #tpu.memory_space<vmem>>, %arg11: memref<!tpu.dma_semaphore, #tpu.memory_space<semaphore_mem>>, %arg12: memref<!tpu.dma_semaphore, #tpu.memory_space<semaphore_mem>>) attributes {dimension_semantics = [#tpu.dimension_semantics<core_parallel>, #tpu.dimension_semantics<subcore_parallel>], iteration_bounds = array<i64: 2, 16>, scalar_prefetch = 0 : i64, scratch_operands = 8 : i64, tpu.core_type = #tpu.core_type<sc_vector_subcore>, window_params = [{transform_indices = #map}, {transform_indices = #map1}, {transform_indices = #map}]} {
    %mul3A = arith.constant 2 : i32
    %mul3A_0 = arith.muli %arg1, %mul3A : i32
    %add3A = arith.addi %mul3A_0, %arg0 : i32
    %iota3A = tpu.iota {dimensions = array<i32: 0>} : vector<16xi32>
    %add3A_1 = arith.constant 0 : i32
    %add3A_2 = arith.addi %add3A, %add3A_1 : i32
    %min3A = arith.constant 976 : i32
    %min3A_3 = arith.minsi %add3A_2, %min3A : i32
    %mul3A_4 = arith.constant 256 : i32
    %mul3A_5 = arith.muli %min3A_3, %mul3A_4 : i32
    %min3A_6 = arith.constant 249744 : i32
    %min3A_7 = arith.minsi %mul3A_5, %min3A_6 : i32
    "tpu.region"() ({
      %run_scoped3A = tpu.sem_alloc : memref<!tpu.dma_semaphore, #tpu.memory_space<semaphore_mem>>
      %dma_start3A_40 = tpu.memref_slice %arg3[%min3A_7] : memref<250008xi32, #tpu.memory_space<hbm>> -> memref<256xi32, #tpu.memory_space<hbm>>
      %dma_start3A_41 = tpu.memref_slice %arg3[%min3A_7] : memref<250008xi32, #tpu.memory_space<hbm>> -> memref<256xi32, #tpu.memory_space<hbm>>
      tpu.enqueue_dma source(%dma_start3A_41 : memref<256xi32, #tpu.memory_space<hbm>>) target(%arg5 : memref<256xi32, #tpu.memory_space<vmem>>) target_semaphore(%run_scoped3A : memref<!tpu.dma_semaphore, #tpu.memory_space<semaphore_mem>>)
      %dma_wait3A = tpu.memref_slice %arg3[%min3A_7] : memref<250008xi32, #tpu.memory_space<hbm>> -> memref<256xi32, #tpu.memory_space<hbm>>
      %dma_wait3A_42 = tpu.memref_slice %arg3[%min3A_7] : memref<250008xi32, #tpu.memory_space<hbm>> -> memref<256xi32, #tpu.memory_space<hbm>>
      tpu.wait_dma2 semaphore(%run_scoped3A : memref<!tpu.dma_semaphore, #tpu.memory_space<semaphore_mem>>) src(%dma_wait3A_42 : memref<256xi32, #tpu.memory_space<hbm>>) dst(%arg5 : memref<256xi32, #tpu.memory_space<vmem>>)
      tpu.yield
    }) : () -> ()
    %scan3A = arith.constant 0 : i32
    %scan3A_8 = arith.constant 0 : i32
    %scan3A_9 = arith.constant 16 : i32
    %scan3A_10 = arith.addi %scan3A_8, %scan3A_9 : i32
    %scan3A_11 = arith.constant 1 : i32
    %scan3A_12 = scf.for %scan3A_40 = %scan3A_8 to %scan3A_10 step %scan3A_11 iter_args(%scan3A_41 = %scan3A) -> (i32)  : i32 {
      %mul3A_42 = arith.constant 16 : i32
      %mul3A_43 = arith.muli %mul3A_42, %scan3A_40 : i32
      %get3A = arith.index_cast %mul3A_43 : i32 to index
      %get3A_44 = tpu.vector_load %arg5[%get3A] {strides = array<i32>} : memref<256xi32, #tpu.memory_space<vmem>>, vector<16xi32>,
      %get3A_45 = vector.shape_cast %get3A_44 : vector<16xi32> to vector<16xi32>
      %le3A = arith.constant 0 : i32
      %le3A_46 = vector.broadcast %le3A : i32 to vector<16xi32>
      %le3A_47 = arith.cmpi sle, %get3A_45, %le3A_46 : vector<16xi32>
      %neg3A = arith.constant 0 : i32
      %neg3A_48 = vector.broadcast %neg3A : i32 to vector<16xi32>
      %neg3A_49 = arith.subi %neg3A_48, %get3A_45 : vector<16xi32>
      %add3A_50 = arith.constant 300000 : i32
      %add3A_51 = vector.broadcast %add3A_50 : i32 to vector<16xi32>
      %add3A_52 = arith.addi %add3A_51, %get3A_45 : vector<16xi32>
      %sub3A = arith.constant 1 : i32
      %sub3A_53 = vector.broadcast %sub3A : i32 to vector<16xi32>
      %sub3A_54 = arith.subi %add3A_52, %sub3A_53 : vector<16xi32>
      %select_n3A = arith.select %le3A_47, %neg3A_49, %sub3A_54 : vector<16xi1>, vector<16xi32>
      %swap3A = arith.index_cast %mul3A_43 : i32 to index
      %swap3A_55 = tpu.vector_load %arg6[%swap3A] {strides = array<i32>} : memref<256xi32, #tpu.memory_space<vmem>>, vector<16xi32>,
      %swap3A_56 = vector.shape_cast %swap3A_55 : vector<16xi32> to vector<16xi32>
      %swap3A_57 = vector.shape_cast %select_n3A : vector<16xi32> to vector<16xi32>
      tpu.vector_store %arg6[%swap3A], %swap3A_57 {strides = array<i32>} : memref<256xi32, #tpu.memory_space<vmem>>, vector<16xi32>,
      %scan3A_58 = arith.constant 0 : i32
      scf.yield %scan3A_58 : i32
    }
    %scan3A_13 = arith.constant 16 : i32
    %dma_start3A = arith.constant 0 : i32
    %dma_start3A_14 = arith.constant 0 : i32
    %dma_start3A_15 = tpu.memref_slice %arg2[%dma_start3A, %dma_start3A_14] : memref<550000x128xf32, #tpu.memory_space<hbm>> -> memref<550000x128xf32, #tpu.memory_space<hbm>>
    tpu.enqueue_indirect_dma source(%dma_start3A_15 : memref<550000x128xf32, #tpu.memory_space<hbm>>) target(%arg9 : memref<256x128xf32, #tpu.memory_space<vmem>>) offsets(%arg6 : memref<256xi32, #tpu.memory_space<vmem>>) semaphore(%arg11 : memref<!tpu.dma_semaphore, #tpu.memory_space<semaphore_mem>>)
    %add3A_16 = arith.constant 32 : i32
    %add3A_17 = arith.addi %add3A, %add3A_16 : i32
    %min3A_18 = arith.constant 976 : i32
    %min3A_19 = arith.minsi %add3A_17, %min3A_18 : i32
    %mul3A_20 = arith.constant 256 : i32
    %mul3A_21 = arith.muli %min3A_19, %mul3A_20 : i32
    %min3A_22 = arith.constant 249744 : i32
    %min3A_23 = arith.minsi %mul3A_21, %min3A_22 : i32
    "tpu.region"() ({
      %run_scoped3A = tpu.sem_alloc : memref<!tpu.dma_semaphore, #tpu.memory_space<semaphore_mem>>
      %dma_start3A_40 = tpu.memref_slice %arg3[%min3A_23] : memref<250008xi32, #tpu.memory_space<hbm>> -> memref<256xi32, #tpu.memory_space<hbm>>
      %dma_start3A_41 = tpu.memref_slice %arg3[%min3A_23] : memref<250008xi32, #tpu.memory_space<hbm>> -> memref<256xi32, #tpu.memory_space<hbm>>
      tpu.enqueue_dma source(%dma_start3A_41 : memref<256xi32, #tpu.memory_space<hbm>>) target(%arg7 : memref<256xi32, #tpu.memory_space<vmem>>) target_semaphore(%run_scoped3A : memref<!tpu.dma_semaphore, #tpu.memory_space<semaphore_mem>>)
      %dma_wait3A = tpu.memref_slice %arg3[%min3A_23] : memref<250008xi32, #tpu.memory_space<hbm>> -> memref<256xi32, #tpu.memory_space<hbm>>
      %dma_wait3A_42 = tpu.memref_slice %arg3[%min3A_23] : memref<250008xi32, #tpu.memory_space<hbm>> -> memref<256xi32, #tpu.memory_space<hbm>>
      tpu.wait_dma2 semaphore(%run_scoped3A : memref<!tpu.dma_semaphore, #tpu.memory_space<semaphore_mem>>) src(%dma_wait3A_42 : memref<256xi32, #tpu.memory_space<hbm>>) dst(%arg7 : memref<256xi32, #tpu.memory_space<vmem>>)
      tpu.yield
    }) : () -> ()
    %scan3A_24 = arith.constant 0 : i32
    %scan3A_25 = arith.constant 0 : i32
    %scan3A_26 = arith.constant 16 : i32
    %scan3A_27 = arith.addi %scan3A_25, %scan3A_26 : i32
    %scan3A_28 = arith.constant 1 : i32
    %scan3A_29 = scf.for %scan3A_40 = %scan3A_25 to %scan3A_27 step %scan3A_28 iter_args(%scan3A_41 = %scan3A_24) -> (i32)  : i32 {
      %mul3A_42 = arith.constant 16 : i32
      %mul3A_43 = arith.muli %mul3A_42, %scan3A_40 : i32
      %get3A = arith.index_cast %mul3A_43 : i32 to index
      %get3A_44 = tpu.vector_load %arg7[%get3A] {strides = array<i32>} : memref<256xi32, #tpu.memory_space<vmem>>, vector<16xi32>,
      %get3A_45 = vector.shape_cast %get3A_44 : vector<16xi32> to vector<16xi32>
      %le3A = arith.constant 0 : i32
      %le3A_46 = vector.broadcast %le3A : i32 to vector<16xi32>
      %le3A_47 = arith.cmpi sle, %get3A_45, %le3A_46 : vector<16xi32>
      %neg3A = arith.constant 0 : i32
      %neg3A_48 = vector.broadcast %neg3A : i32 to vector<16xi32>
      %neg3A_49 = arith.subi %neg3A_48, %get3A_45 : vector<16xi32>
      %add3A_50 = arith.constant 300000 : i32
      %add3A_51 = vector.broadcast %add3A_50 : i32 to vector<16xi32>
      %add3A_52 = arith.addi %add3A_51, %get3A_45 : vector<16xi32>
      %sub3A = arith.constant 1 : i32
      %sub3A_53 = vector.broadcast %sub3A : i32 to vector<16xi32>
      %sub3A_54 = arith.subi %add3A_52, %sub3A_53 : vector<16xi32>
      %select_n3A = arith.select %le3A_47, %neg3A_49, %sub3A_54 : vector<16xi1>, vector<16xi32>
      %swap3A = arith.index_cast %mul3A_43 : i32 to index
      %swap3A_55 = tpu.vector_load %arg8[%swap3A] {strides = array<i32>} : memref<256xi32, #tpu.memory_space<vmem>>, vector<16xi32>,
      %swap3A_56 = vector.shape_cast %swap3A_55 : vector<16xi32> to vector<16xi32>
      %swap3A_57 = vector.shape_cast %select_n3A : vector<16xi32> to vector<16xi32>
      tpu.vector_store %arg8[%swap3A], %swap3A_57 {strides = array<i32>} : memref<256xi32, #tpu.memory_space<vmem>>, vector<16xi32>,
      %scan3A_58 = arith.constant 0 : i32
      scf.yield %scan3A_58 : i32
    }
    %scan3A_30 = arith.constant 16 : i32
    %dma_start3A_31 = arith.constant 0 : i32
    %dma_start3A_32 = arith.constant 0 : i32
    %dma_start3A_33 = tpu.memref_slice %arg2[%dma_start3A_31, %dma_start3A_32] : memref<550000x128xf32, #tpu.memory_space<hbm>> -> memref<550000x128xf32, #tpu.memory_space<hbm>>
    tpu.enqueue_indirect_dma source(%dma_start3A_33 : memref<550000x128xf32, #tpu.memory_space<hbm>>) target(%arg10 : memref<256x128xf32, #tpu.memory_space<vmem>>) offsets(%arg8 : memref<256xi32, #tpu.memory_space<vmem>>) semaphore(%arg12 : memref<!tpu.dma_semaphore, #tpu.memory_space<semaphore_mem>>)
    %scan3A_34 = arith.constant 0 : i32
    %scan3A_35 = arith.constant 0 : i32
    %scan3A_36 = arith.constant 16 : i32
    %scan3A_37 = arith.addi %scan3A_35, %scan3A_36 : i32
    %scan3A_38 = arith.constant 1 : i32
    scf.for %scan3A_40 = %scan3A_35 to %scan3A_37 step %scan3A_38  : i32 {
      %mul3A_41 = arith.constant 2 : i32
      %mul3A_42 = arith.muli %mul3A_41, %scan3A_40 : i32
      %add3A_43 = arith.constant 0 : i32
      %add3A_44 = arith.addi %mul3A_42, %add3A_43 : i32
      %dma_wait3A = arith.constant 0 : i32
      %dma_wait3A_45 = arith.constant 0 : i32
      %dma_wait3A_46 = tpu.memref_slice %arg2[%dma_wait3A, %dma_wait3A_45] : memref<550000x128xf32, #tpu.memory_space<hbm>> -> memref<550000x128xf32, #tpu.memory_space<hbm>>
      tpu.wait_indirect_dma semaphore(%arg11 : memref<!tpu.dma_semaphore, #tpu.memory_space<semaphore_mem>>) src(%dma_wait3A_46 : memref<550000x128xf32, #tpu.memory_space<hbm>>) dst(%arg9 : memref<256x128xf32, #tpu.memory_space<vmem>>)
      %mul3A_47 = arith.constant 32 : i32
      %mul3A_48 = arith.muli %mul3A_47, %add3A_44 : i32
      %add3A_49 = arith.addi %add3A, %mul3A_48 : i32
      %min3A_50 = arith.constant 976 : i32
      %min3A_51 = arith.minsi %add3A_49, %min3A_50 : i32
      %mul3A_52 = arith.constant 256 : i32
      %mul3A_53 = arith.muli %min3A_51, %mul3A_52 : i32
      %min3A_54 = arith.constant 249744 : i32
      %min3A_55 = arith.minsi %mul3A_53, %min3A_54 : i32
      "tpu.region"() ({
        %run_scoped3A = tpu.sem_alloc : memref<!tpu.dma_semaphore, #tpu.memory_space<semaphore_mem>>
        %dma_start3A_83 = arith.constant 0 : i32
        %dma_start3A_84 = tpu.memref_slice %arg4[%min3A_55, %dma_start3A_83] : memref<250000x128xf32, #tpu.memory_space<hbm>> -> memref<256x128xf32, #tpu.memory_space<hbm>>
        %dma_start3A_85 = arith.constant 0 : i32
        %dma_start3A_86 = tpu.memref_slice %arg4[%min3A_55, %dma_start3A_85] : memref<250000x128xf32, #tpu.memory_space<hbm>> -> memref<256x128xf32, #tpu.memory_space<hbm>>
        tpu.enqueue_dma source(%arg9 : memref<256x128xf32, #tpu.memory_space<vmem>>) target(%dma_start3A_86 : memref<256x128xf32, #tpu.memory_space<hbm>>) target_semaphore(%run_scoped3A : memref<!tpu.dma_semaphore, #tpu.memory_space<semaphore_mem>>)
        %dma_wait3A_87 = arith.constant 0 : i32
        %dma_wait3A_88 = tpu.memref_slice %arg4[%min3A_55, %dma_wait3A_87] : memref<250000x128xf32, #tpu.memory_space<hbm>> -> memref<256x128xf32, #tpu.memory_space<hbm>>
        %dma_wait3A_89 = arith.constant 0 : i32
        %dma_wait3A_90 = tpu.memref_slice %arg4[%min3A_55, %dma_wait3A_89] : memref<250000x128xf32, #tpu.memory_space<hbm>> -> memref<256x128xf32, #tpu.memory_space<hbm>>
        tpu.wait_dma2 semaphore(%run_scoped3A : memref<!tpu.dma_semaphore, #tpu.memory_space<semaphore_mem>>) src(%arg9 : memref<256x128xf32, #tpu.memory_space<vmem>>) dst(%dma_wait3A_90 : memref<256x128xf32, #tpu.memory_space<hbm>>)
        tpu.yield
      }) : () -> ()
      %add3A_56 = arith.constant 2 : i32
      %add3A_57 = arith.addi %add3A_44, %add3A_56 : i32
      %lt3A = arith.constant 32 : i32
      %lt3A_58 = arith.cmpi slt, %add3A_57, %lt3A : i32
      %convert_element_type3A = arith.extui %lt3A_58 : i1 to i32
      %cond3A = arith.constant 0 : i32
      %cond3A_59 = arith.cmpi ne, %convert_element_type3A, %cond3A : i32
      scf.if %cond3A_59 {
        %add3A_83 = arith.constant 2 : i32
        %add3A_84 = arith.addi %add3A_44, %add3A_83 : i32
        %mul3A_85 = arith.constant 32 : i32
        %mul3A_86 = arith.muli %mul3A_85, %add3A_84 : i32
        %add3A_87 = arith.addi %add3A, %mul3A_86 : i32
        %min3A_88 = arith.constant 976 : i32
        %min3A_89 = arith.minsi %add3A_87, %min3A_88 : i32
        %mul3A_90 = arith.constant 256 : i32
        %mul3A_91 = arith.muli %min3A_89, %mul3A_90 : i32
        %min3A_92 = arith.constant 249744 : i32
        %min3A_93 = arith.minsi %mul3A_91, %min3A_92 : i32
        "tpu.region"() ({
          %run_scoped3A = tpu.sem_alloc : memref<!tpu.dma_semaphore, #tpu.memory_space<semaphore_mem>>
          %dma_start3A_104 = tpu.memref_slice %arg3[%min3A_93] : memref<250008xi32, #tpu.memory_space<hbm>> -> memref<256xi32, #tpu.memory_space<hbm>>
          %dma_start3A_105 = tpu.memref_slice %arg3[%min3A_93] : memref<250008xi32, #tpu.memory_space<hbm>> -> memref<256xi32, #tpu.memory_space<hbm>>
          tpu.enqueue_dma source(%dma_start3A_105 : memref<256xi32, #tpu.memory_space<hbm>>) target(%arg5 : memref<256xi32, #tpu.memory_space<vmem>>) target_semaphore(%run_scoped3A : memref<!tpu.dma_semaphore, #tpu.memory_space<semaphore_mem>>)
          %dma_wait3A_106 = tpu.memref_slice %arg3[%min3A_93] : memref<250008xi32, #tpu.memory_space<hbm>> -> memref<256xi32, #tpu.memory_space<hbm>>
          %dma_wait3A_107 = tpu.memref_slice %arg3[%min3A_93] : memref<250008xi32, #tpu.memory_space<hbm>> -> memref<256xi32, #tpu.memory_space<hbm>>
          tpu.wait_dma2 semaphore(%run_scoped3A : memref<!tpu.dma_semaphore, #tpu.memory_space<semaphore_mem>>) src(%dma_wait3A_107 : memref<256xi32, #tpu.memory_space<hbm>>) dst(%arg5 : memref<256xi32, #tpu.memory_space<vmem>>)
          tpu.yield
        }) : () -> ()
        %scan3A_94 = arith.constant 0 : i32
        %scan3A_95 = arith.constant 0 : i32
        %scan3A_96 = arith.constant 16 : i32
        %scan3A_97 = arith.addi %scan3A_95, %scan3A_96 : i32
        %scan3A_98 = arith.constant 1 : i32
        %scan3A_99 = scf.for %scan3A_104 = %scan3A_95 to %scan3A_97 step %scan3A_98 iter_args(%scan3A_105 = %scan3A_94) -> (i32)  : i32 {
          %mul3A_106 = arith.constant 16 : i32
          %mul3A_107 = arith.muli %mul3A_106, %scan3A_104 : i32
          %get3A = arith.index_cast %mul3A_107 : i32 to index
          %get3A_108 = tpu.vector_load %arg5[%get3A] {strides = array<i32>} : memref<256xi32, #tpu.memory_space<vmem>>, vector<16xi32>,
          %get3A_109 = vector.shape_cast %get3A_108 : vector<16xi32> to vector<16xi32>
          %le3A = arith.constant 0 : i32
          %le3A_110 = vector.broadcast %le3A : i32 to vector<16xi32>
          %le3A_111 = arith.cmpi sle, %get3A_109, %le3A_110 : vector<16xi32>
          %neg3A = arith.constant 0 : i32
          %neg3A_112 = vector.broadcast %neg3A : i32 to vector<16xi32>
          %neg3A_113 = arith.subi %neg3A_112, %get3A_109 : vector<16xi32>
          %add3A_114 = arith.constant 300000 : i32
          %add3A_115 = vector.broadcast %add3A_114 : i32 to vector<16xi32>
          %add3A_116 = arith.addi %add3A_115, %get3A_109 : vector<16xi32>
          %sub3A = arith.constant 1 : i32
          %sub3A_117 = vector.broadcast %sub3A : i32 to vector<16xi32>
          %sub3A_118 = arith.subi %add3A_116, %sub3A_117 : vector<16xi32>
          %select_n3A = arith.select %le3A_111, %neg3A_113, %sub3A_118 : vector<16xi1>, vector<16xi32>
          %swap3A = arith.index_cast %mul3A_107 : i32 to index
          %swap3A_119 = tpu.vector_load %arg6[%swap3A] {strides = array<i32>} : memref<256xi32, #tpu.memory_space<vmem>>, vector<16xi32>,
          %swap3A_120 = vector.shape_cast %swap3A_119 : vector<16xi32> to vector<16xi32>
          %swap3A_121 = vector.shape_cast %select_n3A : vector<16xi32> to vector<16xi32>
          tpu.vector_store %arg6[%swap3A], %swap3A_121 {strides = array<i32>} : memref<256xi32, #tpu.memory_space<vmem>>, vector<16xi32>,
          %scan3A_122 = arith.constant 0 : i32
          scf.yield %scan3A_122 : i32
        }
        %scan3A_100 = arith.constant 16 : i32
        %dma_start3A_101 = arith.constant 0 : i32
        %dma_start3A_102 = arith.constant 0 : i32
        %dma_start3A_103 = tpu.memref_slice %arg2[%dma_start3A_101, %dma_start3A_102] : memref<550000x128xf32, #tpu.memory_space<hbm>> -> memref<550000x128xf32, #tpu.memory_space<hbm>>
        tpu.enqueue_indirect_dma source(%dma_start3A_103 : memref<550000x128xf32, #tpu.memory_space<hbm>>) target(%arg9 : memref<256x128xf32, #tpu.memory_space<vmem>>) offsets(%arg6 : memref<256xi32, #tpu.memory_space<vmem>>) semaphore(%arg11 : memref<!tpu.dma_semaphore, #tpu.memory_space<semaphore_mem>>)
      } else {
      }
      %mul3A_60 = arith.constant 2 : i32
      %mul3A_61 = arith.muli %mul3A_60, %scan3A_40 : i32
      %add3A_62 = arith.constant 1 : i32
      %add3A_63 = arith.addi %mul3A_61, %add3A_62 : i32
      %dma_wait3A_64 = arith.constant 0 : i32
      %dma_wait3A_65 = arith.constant 0 : i32
      %dma_wait3A_66 = tpu.memref_slice %arg2[%dma_wait3A_64, %dma_wait3A_65] : memref<550000x128xf32, #tpu.memory_space<hbm>> -> memref<550000x128xf32, #tpu.memory_space<hbm>>
      tpu.wait_indirect_dma semaphore(%arg12 : memref<!tpu.dma_semaphore, #tpu.memory_space<semaphore_mem>>) src(%dma_wait3A_66 : memref<550000x128xf32, #tpu.memory_space<hbm>>) dst(%arg10 : memref<256x128xf32, #tpu.memory_space<vmem>>)
      %mul3A_67 = arith.constant 32 : i32
      %mul3A_68 = arith.muli %mul3A_67, %add3A_63 : i32
      %add3A_69 = arith.addi %add3A, %mul3A_68 : i32
      %min3A_70 = arith.constant 976 : i32
      %min3A_71 = arith.minsi %add3A_69, %min3A_70 : i32
      %mul3A_72 = arith.constant 256 : i32
      %mul3A_73 = arith.muli %min3A_71, %mul3A_72 : i32
      %min3A_74 = arith.constant 249744 : i32
      %min3A_75 = arith.minsi %mul3A_73, %min3A_74 : i32
      "tpu.region"() ({
        %run_scoped3A = tpu.sem_alloc : memref<!tpu.dma_semaphore, #tpu.memory_space<semaphore_mem>>
        %dma_start3A_83 = arith.constant 0 : i32
        %dma_start3A_84 = tpu.memref_slice %arg4[%min3A_75, %dma_start3A_83] : memref<250000x128xf32, #tpu.memory_space<hbm>> -> memref<256x128xf32, #tpu.memory_space<hbm>>
        %dma_start3A_85 = arith.constant 0 : i32
        %dma_start3A_86 = tpu.memref_slice %arg4[%min3A_75, %dma_start3A_85] : memref<250000x128xf32, #tpu.memory_space<hbm>> -> memref<256x128xf32, #tpu.memory_space<hbm>>
        tpu.enqueue_dma source(%arg10 : memref<256x128xf32, #tpu.memory_space<vmem>>) target(%dma_start3A_86 : memref<256x128xf32, #tpu.memory_space<hbm>>) target_semaphore(%run_scoped3A : memref<!tpu.dma_semaphore, #tpu.memory_space<semaphore_mem>>)
        %dma_wait3A_87 = arith.constant 0 : i32
        %dma_wait3A_88 = tpu.memref_slice %arg4[%min3A_75, %dma_wait3A_87] : memref<250000x128xf32, #tpu.memory_space<hbm>> -> memref<256x128xf32, #tpu.memory_space<hbm>>
        %dma_wait3A_89 = arith.constant 0 : i32
        %dma_wait3A_90 = tpu.memref_slice %arg4[%min3A_75, %dma_wait3A_89] : memref<250000x128xf32, #tpu.memory_space<hbm>> -> memref<256x128xf32, #tpu.memory_space<hbm>>
        tpu.wait_dma2 semaphore(%run_scoped3A : memref<!tpu.dma_semaphore, #tpu.memory_space<semaphore_mem>>) src(%arg10 : memref<256x128xf32, #tpu.memory_space<vmem>>) dst(%dma_wait3A_90 : memref<256x128xf32, #tpu.memory_space<hbm>>)
        tpu.yield
      }) : () -> ()
      %add3A_76 = arith.constant 2 : i32
      %add3A_77 = arith.addi %add3A_63, %add3A_76 : i32
      %lt3A_78 = arith.constant 32 : i32
      %lt3A_79 = arith.cmpi slt, %add3A_77, %lt3A_78 : i32
      %convert_element_type3A_80 = arith.extui %lt3A_79 : i1 to i32
      %cond3A_81 = arith.constant 0 : i32
      %cond3A_82 = arith.cmpi ne, %convert_element_type3A_80, %cond3A_81 : i32
      scf.if %cond3A_82 {
        %add3A_83 = arith.constant 2 : i32
        %add3A_84 = arith.addi %add3A_63, %add3A_83 : i32
        %mul3A_85 = arith.constant 32 : i32
        %mul3A_86 = arith.muli %mul3A_85, %add3A_84 : i32
        %add3A_87 = arith.addi %add3A, %mul3A_86 : i32
        %min3A_88 = arith.constant 976 : i32
        %min3A_89 = arith.minsi %add3A_87, %min3A_88 : i32
        %mul3A_90 = arith.constant 256 : i32
        %mul3A_91 = arith.muli %min3A_89, %mul3A_90 : i32
        %min3A_92 = arith.constant 249744 : i32
        %min3A_93 = arith.minsi %mul3A_91, %min3A_92 : i32
        "tpu.region"() ({
          %run_scoped3A = tpu.sem_alloc : memref<!tpu.dma_semaphore, #tpu.memory_space<semaphore_mem>>
          %dma_start3A_104 = tpu.memref_slice %arg3[%min3A_93] : memref<250008xi32, #tpu.memory_space<hbm>> -> memref<256xi32, #tpu.memory_space<hbm>>
          %dma_start3A_105 = tpu.memref_slice %arg3[%min3A_93] : memref<250008xi32, #tpu.memory_space<hbm>> -> memref<256xi32, #tpu.memory_space<hbm>>
          tpu.enqueue_dma source(%dma_start3A_105 : memref<256xi32, #tpu.memory_space<hbm>>) target(%arg7 : memref<256xi32, #tpu.memory_space<vmem>>) target_semaphore(%run_scoped3A : memref<!tpu.dma_semaphore, #tpu.memory_space<semaphore_mem>>)
          %dma_wait3A_106 = tpu.memref_slice %arg3[%min3A_93] : memref<250008xi32, #tpu.memory_space<hbm>> -> memref<256xi32, #tpu.memory_space<hbm>>
          %dma_wait3A_107 = tpu.memref_slice %arg3[%min3A_93] : memref<250008xi32, #tpu.memory_space<hbm>> -> memref<256xi32, #tpu.memory_space<hbm>>
          tpu.wait_dma2 semaphore(%run_scoped3A : memref<!tpu.dma_semaphore, #tpu.memory_space<semaphore_mem>>) src(%dma_wait3A_107 : memref<256xi32, #tpu.memory_space<hbm>>) dst(%arg7 : memref<256xi32, #tpu.memory_space<vmem>>)
          tpu.yield
        }) : () -> ()
        %scan3A_94 = arith.constant 0 : i32
        %scan3A_95 = arith.constant 0 : i32
        %scan3A_96 = arith.constant 16 : i32
        %scan3A_97 = arith.addi %scan3A_95, %scan3A_96 : i32
        %scan3A_98 = arith.constant 1 : i32
        %scan3A_99 = scf.for %scan3A_104 = %scan3A_95 to %scan3A_97 step %scan3A_98 iter_args(%scan3A_105 = %scan3A_94) -> (i32)  : i32 {
          %mul3A_106 = arith.constant 16 : i32
          %mul3A_107 = arith.muli %mul3A_106, %scan3A_104 : i32
          %get3A = arith.index_cast %mul3A_107 : i32 to index
          %get3A_108 = tpu.vector_load %arg7[%get3A] {strides = array<i32>} : memref<256xi32, #tpu.memory_space<vmem>>, vector<16xi32>,
          %get3A_109 = vector.shape_cast %get3A_108 : vector<16xi32> to vector<16xi32>
          %le3A = arith.constant 0 : i32
          %le3A_110 = vector.broadcast %le3A : i32 to vector<16xi32>
          %le3A_111 = arith.cmpi sle, %get3A_109, %le3A_110 : vector<16xi32>
          %neg3A = arith.constant 0 : i32
          %neg3A_112 = vector.broadcast %neg3A : i32 to vector<16xi32>
          %neg3A_113 = arith.subi %neg3A_112, %get3A_109 : vector<16xi32>
          %add3A_114 = arith.constant 300000 : i32
          %add3A_115 = vector.broadcast %add3A_114 : i32 to vector<16xi32>
          %add3A_116 = arith.addi %add3A_115, %get3A_109 : vector<16xi32>
          %sub3A = arith.constant 1 : i32
          %sub3A_117 = vector.broadcast %sub3A : i32 to vector<16xi32>
          %sub3A_118 = arith.subi %add3A_116, %sub3A_117 : vector<16xi32>
          %select_n3A = arith.select %le3A_111, %neg3A_113, %sub3A_118 : vector<16xi1>, vector<16xi32>
          %swap3A = arith.index_cast %mul3A_107 : i32 to index
          %swap3A_119 = tpu.vector_load %arg8[%swap3A] {strides = array<i32>} : memref<256xi32, #tpu.memory_space<vmem>>, vector<16xi32>,
          %swap3A_120 = vector.shape_cast %swap3A_119 : vector<16xi32> to vector<16xi32>
          %swap3A_121 = vector.shape_cast %select_n3A : vector<16xi32> to vector<16xi32>
          tpu.vector_store %arg8[%swap3A], %swap3A_121 {strides = array<i32>} : memref<256xi32, #tpu.memory_space<vmem>>, vector<16xi32>,
          %scan3A_122 = arith.constant 0 : i32
          scf.yield %scan3A_122 : i32
        }
        %scan3A_100 = arith.constant 16 : i32
        %dma_start3A_101 = arith.constant 0 : i32
        %dma_start3A_102 = arith.constant 0 : i32
        %dma_start3A_103 = tpu.memref_slice %arg2[%dma_start3A_101, %dma_start3A_102] : memref<550000x128xf32, #tpu.memory_space<hbm>> -> memref<550000x128xf32, #tpu.memory_space<hbm>>
        tpu.enqueue_indirect_dma source(%dma_start3A_103 : memref<550000x128xf32, #tpu.memory_space<hbm>>) target(%arg10 : memref<256x128xf32, #tpu.memory_space<vmem>>) offsets(%arg8 : memref<256xi32, #tpu.memory_space<vmem>>) semaphore(%arg12 : memref<!tpu.dma_semaphore, #tpu.memory_space<semaphore_mem>>)
      } else {
      }
    }
    %scan3A_39 = arith.constant 16 : i32
    return
  }
}

#map = affine_map<(d0, d1) -> (0, 0)>
#map1 = affine_map<(d0, d1) -> (0)>
module attributes {stable_mosaic.version = 14 : i64} {
  func.func @k(%arg0: i32, %arg1: i32, %arg2: memref<250000x128xf32, #tpu.memory_space<hbm>>, %arg3: memref<100000x128xf32, #tpu.memory_space<hbm>>, %arg4: memref<307200xi32, #tpu.memory_space<hbm>>, %arg5: memref<307200xi32, #tpu.memory_space<hbm>>, %arg6: memref<307200x128xf32, #tpu.memory_space<hbm>>, %arg7: memref<307200x128xf32, #tpu.memory_space<hbm>>, %arg8: memref<480xi32, #tpu.memory_space<vmem>>, %arg9: memref<480xi32, #tpu.memory_space<vmem>>, %arg10: memref<480x128xf32, #tpu.memory_space<vmem>>, %arg11: memref<480x128xf32, #tpu.memory_space<vmem>>, %arg12: memref<!tpu.dma_semaphore, #tpu.memory_space<semaphore_mem>>, %arg13: memref<!tpu.dma_semaphore, #tpu.memory_space<semaphore_mem>>) attributes {dimension_semantics = [#tpu.dimension_semantics<core_parallel>, #tpu.dimension_semantics<subcore_parallel>], iteration_bounds = array<i64: 2, 16>, scalar_prefetch = 0 : i64, scratch_operands = 6 : i64, tpu.core_type = #tpu.core_type<sc_vector_subcore>, window_params = [{transform_indices = #map}, {transform_indices = #map}, {transform_indices = #map1}, {transform_indices = #map1}, {transform_indices = #map}, {transform_indices = #map}]} {
    %mul3A = arith.constant 2 : i32
    %mul3A_0 = arith.muli %arg1, %mul3A : i32
    %add3A = arith.addi %mul3A_0, %arg0 : i32
    %mul3A_1 = arith.constant 9600 : i32
    %mul3A_2 = arith.muli %add3A, %mul3A_1 : i32
    "tpu.region"() ({
      %run_scoped3A = tpu.sem_alloc : memref<!tpu.dma_semaphore, #tpu.memory_space<semaphore_mem>>
      %dma_start3A_29 = tpu.memref_slice %arg4[%mul3A_2] : memref<307200xi32, #tpu.memory_space<hbm>> -> memref<480xi32, #tpu.memory_space<hbm>>
      %dma_start3A_30 = tpu.memref_slice %arg4[%mul3A_2] : memref<307200xi32, #tpu.memory_space<hbm>> -> memref<480xi32, #tpu.memory_space<hbm>>
      tpu.enqueue_dma source(%dma_start3A_30 : memref<480xi32, #tpu.memory_space<hbm>>) target(%arg8 : memref<480xi32, #tpu.memory_space<vmem>>) target_semaphore(%run_scoped3A : memref<!tpu.dma_semaphore, #tpu.memory_space<semaphore_mem>>)
      %dma_wait3A = tpu.memref_slice %arg4[%mul3A_2] : memref<307200xi32, #tpu.memory_space<hbm>> -> memref<480xi32, #tpu.memory_space<hbm>>
      %dma_wait3A_31 = tpu.memref_slice %arg4[%mul3A_2] : memref<307200xi32, #tpu.memory_space<hbm>> -> memref<480xi32, #tpu.memory_space<hbm>>
      tpu.wait_dma2 semaphore(%run_scoped3A : memref<!tpu.dma_semaphore, #tpu.memory_space<semaphore_mem>>) src(%dma_wait3A_31 : memref<480xi32, #tpu.memory_space<hbm>>) dst(%arg8 : memref<480xi32, #tpu.memory_space<vmem>>)
      tpu.yield
    }) : () -> ()
    %dma_start3A = arith.constant 0 : i32
    %dma_start3A_3 = arith.constant 0 : i32
    %dma_start3A_4 = tpu.memref_slice %arg2[%dma_start3A, %dma_start3A_3] : memref<250000x128xf32, #tpu.memory_space<hbm>> -> memref<250000x128xf32, #tpu.memory_space<hbm>>
    tpu.enqueue_indirect_dma source(%dma_start3A_4 : memref<250000x128xf32, #tpu.memory_space<hbm>>) target(%arg10 : memref<480x128xf32, #tpu.memory_space<vmem>>) offsets(%arg8 : memref<480xi32, #tpu.memory_space<vmem>>) semaphore(%arg12 : memref<!tpu.dma_semaphore, #tpu.memory_space<semaphore_mem>>)
    %add3A_5 = arith.constant 480 : i32
    %add3A_6 = arith.addi %mul3A_2, %add3A_5 : i32
    "tpu.region"() ({
      %run_scoped3A = tpu.sem_alloc : memref<!tpu.dma_semaphore, #tpu.memory_space<semaphore_mem>>
      %dma_start3A_29 = tpu.memref_slice %arg4[%add3A_6] : memref<307200xi32, #tpu.memory_space<hbm>> -> memref<480xi32, #tpu.memory_space<hbm>>
      %dma_start3A_30 = tpu.memref_slice %arg4[%add3A_6] : memref<307200xi32, #tpu.memory_space<hbm>> -> memref<480xi32, #tpu.memory_space<hbm>>
      tpu.enqueue_dma source(%dma_start3A_30 : memref<480xi32, #tpu.memory_space<hbm>>) target(%arg9 : memref<480xi32, #tpu.memory_space<vmem>>) target_semaphore(%run_scoped3A : memref<!tpu.dma_semaphore, #tpu.memory_space<semaphore_mem>>)
      %dma_wait3A = tpu.memref_slice %arg4[%add3A_6] : memref<307200xi32, #tpu.memory_space<hbm>> -> memref<480xi32, #tpu.memory_space<hbm>>
      %dma_wait3A_31 = tpu.memref_slice %arg4[%add3A_6] : memref<307200xi32, #tpu.memory_space<hbm>> -> memref<480xi32, #tpu.memory_space<hbm>>
      tpu.wait_dma2 semaphore(%run_scoped3A : memref<!tpu.dma_semaphore, #tpu.memory_space<semaphore_mem>>) src(%dma_wait3A_31 : memref<480xi32, #tpu.memory_space<hbm>>) dst(%arg9 : memref<480xi32, #tpu.memory_space<vmem>>)
      tpu.yield
    }) : () -> ()
    %dma_start3A_7 = arith.constant 0 : i32
    %dma_start3A_8 = arith.constant 0 : i32
    %dma_start3A_9 = tpu.memref_slice %arg2[%dma_start3A_7, %dma_start3A_8] : memref<250000x128xf32, #tpu.memory_space<hbm>> -> memref<250000x128xf32, #tpu.memory_space<hbm>>
    tpu.enqueue_indirect_dma source(%dma_start3A_9 : memref<250000x128xf32, #tpu.memory_space<hbm>>) target(%arg11 : memref<480x128xf32, #tpu.memory_space<vmem>>) offsets(%arg9 : memref<480xi32, #tpu.memory_space<vmem>>) semaphore(%arg13 : memref<!tpu.dma_semaphore, #tpu.memory_space<semaphore_mem>>)
    %scan3A = arith.constant 0 : i32
    %scan3A_10 = arith.constant 0 : i32
    %scan3A_11 = arith.constant 10 : i32
    %scan3A_12 = arith.addi %scan3A_10, %scan3A_11 : i32
    %scan3A_13 = arith.constant 1 : i32
    scf.for %scan3A_29 = %scan3A_10 to %scan3A_12 step %scan3A_13  : i32 {
      %mul3A_30 = arith.constant 2 : i32
      %mul3A_31 = arith.muli %mul3A_30, %scan3A_29 : i32
      %add3A_32 = arith.constant 0 : i32
      %add3A_33 = arith.addi %mul3A_31, %add3A_32 : i32
      %dma_wait3A = arith.constant 0 : i32
      %dma_wait3A_34 = arith.constant 0 : i32
      %dma_wait3A_35 = tpu.memref_slice %arg2[%dma_wait3A, %dma_wait3A_34] : memref<250000x128xf32, #tpu.memory_space<hbm>> -> memref<250000x128xf32, #tpu.memory_space<hbm>>
      tpu.wait_indirect_dma semaphore(%arg12 : memref<!tpu.dma_semaphore, #tpu.memory_space<semaphore_mem>>) src(%dma_wait3A_35 : memref<250000x128xf32, #tpu.memory_space<hbm>>) dst(%arg10 : memref<480x128xf32, #tpu.memory_space<vmem>>)
      %mul3A_36 = arith.constant 480 : i32
      %mul3A_37 = arith.muli %add3A_33, %mul3A_36 : i32
      %add3A_38 = arith.addi %mul3A_2, %mul3A_37 : i32
      "tpu.region"() ({
        %run_scoped3A = tpu.sem_alloc : memref<!tpu.dma_semaphore, #tpu.memory_space<semaphore_mem>>
        %dma_start3A_60 = arith.constant 0 : i32
        %dma_start3A_61 = tpu.memref_slice %arg6[%add3A_38, %dma_start3A_60] : memref<307200x128xf32, #tpu.memory_space<hbm>> -> memref<480x128xf32, #tpu.memory_space<hbm>>
        %dma_start3A_62 = arith.constant 0 : i32
        %dma_start3A_63 = tpu.memref_slice %arg6[%add3A_38, %dma_start3A_62] : memref<307200x128xf32, #tpu.memory_space<hbm>> -> memref<480x128xf32, #tpu.memory_space<hbm>>
        tpu.enqueue_dma source(%arg10 : memref<480x128xf32, #tpu.memory_space<vmem>>) target(%dma_start3A_63 : memref<480x128xf32, #tpu.memory_space<hbm>>) target_semaphore(%run_scoped3A : memref<!tpu.dma_semaphore, #tpu.memory_space<semaphore_mem>>)
        %dma_wait3A_64 = arith.constant 0 : i32
        %dma_wait3A_65 = tpu.memref_slice %arg6[%add3A_38, %dma_wait3A_64] : memref<307200x128xf32, #tpu.memory_space<hbm>> -> memref<480x128xf32, #tpu.memory_space<hbm>>
        %dma_wait3A_66 = arith.constant 0 : i32
        %dma_wait3A_67 = tpu.memref_slice %arg6[%add3A_38, %dma_wait3A_66] : memref<307200x128xf32, #tpu.memory_space<hbm>> -> memref<480x128xf32, #tpu.memory_space<hbm>>
        tpu.wait_dma2 semaphore(%run_scoped3A : memref<!tpu.dma_semaphore, #tpu.memory_space<semaphore_mem>>) src(%arg10 : memref<480x128xf32, #tpu.memory_space<vmem>>) dst(%dma_wait3A_67 : memref<480x128xf32, #tpu.memory_space<hbm>>)
        tpu.yield
      }) : () -> ()
      %add3A_39 = arith.constant 2 : i32
      %add3A_40 = arith.addi %add3A_33, %add3A_39 : i32
      %lt3A = arith.constant 20 : i32
      %lt3A_41 = arith.cmpi slt, %add3A_40, %lt3A : i32
      %convert_element_type3A = arith.extui %lt3A_41 : i1 to i32
      %cond3A = arith.constant 0 : i32
      %cond3A_42 = arith.cmpi ne, %convert_element_type3A, %cond3A : i32
      scf.if %cond3A_42 {
        %add3A_60 = arith.constant 2 : i32
        %add3A_61 = arith.addi %add3A_33, %add3A_60 : i32
        %mul3A_62 = arith.constant 480 : i32
        %mul3A_63 = arith.muli %add3A_61, %mul3A_62 : i32
        %add3A_64 = arith.addi %mul3A_2, %mul3A_63 : i32
        "tpu.region"() ({
          %run_scoped3A = tpu.sem_alloc : memref<!tpu.dma_semaphore, #tpu.memory_space<semaphore_mem>>
          %dma_start3A_68 = tpu.memref_slice %arg4[%add3A_64] : memref<307200xi32, #tpu.memory_space<hbm>> -> memref<480xi32, #tpu.memory_space<hbm>>
          %dma_start3A_69 = tpu.memref_slice %arg4[%add3A_64] : memref<307200xi32, #tpu.memory_space<hbm>> -> memref<480xi32, #tpu.memory_space<hbm>>
          tpu.enqueue_dma source(%dma_start3A_69 : memref<480xi32, #tpu.memory_space<hbm>>) target(%arg8 : memref<480xi32, #tpu.memory_space<vmem>>) target_semaphore(%run_scoped3A : memref<!tpu.dma_semaphore, #tpu.memory_space<semaphore_mem>>)
          %dma_wait3A_70 = tpu.memref_slice %arg4[%add3A_64] : memref<307200xi32, #tpu.memory_space<hbm>> -> memref<480xi32, #tpu.memory_space<hbm>>
          %dma_wait3A_71 = tpu.memref_slice %arg4[%add3A_64] : memref<307200xi32, #tpu.memory_space<hbm>> -> memref<480xi32, #tpu.memory_space<hbm>>
          tpu.wait_dma2 semaphore(%run_scoped3A : memref<!tpu.dma_semaphore, #tpu.memory_space<semaphore_mem>>) src(%dma_wait3A_71 : memref<480xi32, #tpu.memory_space<hbm>>) dst(%arg8 : memref<480xi32, #tpu.memory_space<vmem>>)
          tpu.yield
        }) : () -> ()
        %dma_start3A_65 = arith.constant 0 : i32
        %dma_start3A_66 = arith.constant 0 : i32
        %dma_start3A_67 = tpu.memref_slice %arg2[%dma_start3A_65, %dma_start3A_66] : memref<250000x128xf32, #tpu.memory_space<hbm>> -> memref<250000x128xf32, #tpu.memory_space<hbm>>
        tpu.enqueue_indirect_dma source(%dma_start3A_67 : memref<250000x128xf32, #tpu.memory_space<hbm>>) target(%arg10 : memref<480x128xf32, #tpu.memory_space<vmem>>) offsets(%arg8 : memref<480xi32, #tpu.memory_space<vmem>>) semaphore(%arg12 : memref<!tpu.dma_semaphore, #tpu.memory_space<semaphore_mem>>)
      } else {
      }
      %mul3A_43 = arith.constant 2 : i32
      %mul3A_44 = arith.muli %mul3A_43, %scan3A_29 : i32
      %add3A_45 = arith.constant 1 : i32
      %add3A_46 = arith.addi %mul3A_44, %add3A_45 : i32
      %dma_wait3A_47 = arith.constant 0 : i32
      %dma_wait3A_48 = arith.constant 0 : i32
      %dma_wait3A_49 = tpu.memref_slice %arg2[%dma_wait3A_47, %dma_wait3A_48] : memref<250000x128xf32, #tpu.memory_space<hbm>> -> memref<250000x128xf32, #tpu.memory_space<hbm>>
      tpu.wait_indirect_dma semaphore(%arg13 : memref<!tpu.dma_semaphore, #tpu.memory_space<semaphore_mem>>) src(%dma_wait3A_49 : memref<250000x128xf32, #tpu.memory_space<hbm>>) dst(%arg11 : memref<480x128xf32, #tpu.memory_space<vmem>>)
      %mul3A_50 = arith.constant 480 : i32
      %mul3A_51 = arith.muli %add3A_46, %mul3A_50 : i32
      %add3A_52 = arith.addi %mul3A_2, %mul3A_51 : i32
      "tpu.region"() ({
        %run_scoped3A = tpu.sem_alloc : memref<!tpu.dma_semaphore, #tpu.memory_space<semaphore_mem>>
        %dma_start3A_60 = arith.constant 0 : i32
        %dma_start3A_61 = tpu.memref_slice %arg6[%add3A_52, %dma_start3A_60] : memref<307200x128xf32, #tpu.memory_space<hbm>> -> memref<480x128xf32, #tpu.memory_space<hbm>>
        %dma_start3A_62 = arith.constant 0 : i32
        %dma_start3A_63 = tpu.memref_slice %arg6[%add3A_52, %dma_start3A_62] : memref<307200x128xf32, #tpu.memory_space<hbm>> -> memref<480x128xf32, #tpu.memory_space<hbm>>
        tpu.enqueue_dma source(%arg11 : memref<480x128xf32, #tpu.memory_space<vmem>>) target(%dma_start3A_63 : memref<480x128xf32, #tpu.memory_space<hbm>>) target_semaphore(%run_scoped3A : memref<!tpu.dma_semaphore, #tpu.memory_space<semaphore_mem>>)
        %dma_wait3A_64 = arith.constant 0 : i32
        %dma_wait3A_65 = tpu.memref_slice %arg6[%add3A_52, %dma_wait3A_64] : memref<307200x128xf32, #tpu.memory_space<hbm>> -> memref<480x128xf32, #tpu.memory_space<hbm>>
        %dma_wait3A_66 = arith.constant 0 : i32
        %dma_wait3A_67 = tpu.memref_slice %arg6[%add3A_52, %dma_wait3A_66] : memref<307200x128xf32, #tpu.memory_space<hbm>> -> memref<480x128xf32, #tpu.memory_space<hbm>>
        tpu.wait_dma2 semaphore(%run_scoped3A : memref<!tpu.dma_semaphore, #tpu.memory_space<semaphore_mem>>) src(%arg11 : memref<480x128xf32, #tpu.memory_space<vmem>>) dst(%dma_wait3A_67 : memref<480x128xf32, #tpu.memory_space<hbm>>)
        tpu.yield
      }) : () -> ()
      %add3A_53 = arith.constant 2 : i32
      %add3A_54 = arith.addi %add3A_46, %add3A_53 : i32
      %lt3A_55 = arith.constant 20 : i32
      %lt3A_56 = arith.cmpi slt, %add3A_54, %lt3A_55 : i32
      %convert_element_type3A_57 = arith.extui %lt3A_56 : i1 to i32
      %cond3A_58 = arith.constant 0 : i32
      %cond3A_59 = arith.cmpi ne, %convert_element_type3A_57, %cond3A_58 : i32
      scf.if %cond3A_59 {
        %add3A_60 = arith.constant 2 : i32
        %add3A_61 = arith.addi %add3A_46, %add3A_60 : i32
        %mul3A_62 = arith.constant 480 : i32
        %mul3A_63 = arith.muli %add3A_61, %mul3A_62 : i32
        %add3A_64 = arith.addi %mul3A_2, %mul3A_63 : i32
        "tpu.region"() ({
          %run_scoped3A = tpu.sem_alloc : memref<!tpu.dma_semaphore, #tpu.memory_space<semaphore_mem>>
          %dma_start3A_68 = tpu.memref_slice %arg4[%add3A_64] : memref<307200xi32, #tpu.memory_space<hbm>> -> memref<480xi32, #tpu.memory_space<hbm>>
          %dma_start3A_69 = tpu.memref_slice %arg4[%add3A_64] : memref<307200xi32, #tpu.memory_space<hbm>> -> memref<480xi32, #tpu.memory_space<hbm>>
          tpu.enqueue_dma source(%dma_start3A_69 : memref<480xi32, #tpu.memory_space<hbm>>) target(%arg9 : memref<480xi32, #tpu.memory_space<vmem>>) target_semaphore(%run_scoped3A : memref<!tpu.dma_semaphore, #tpu.memory_space<semaphore_mem>>)
          %dma_wait3A_70 = tpu.memref_slice %arg4[%add3A_64] : memref<307200xi32, #tpu.memory_space<hbm>> -> memref<480xi32, #tpu.memory_space<hbm>>
          %dma_wait3A_71 = tpu.memref_slice %arg4[%add3A_64] : memref<307200xi32, #tpu.memory_space<hbm>> -> memref<480xi32, #tpu.memory_space<hbm>>
          tpu.wait_dma2 semaphore(%run_scoped3A : memref<!tpu.dma_semaphore, #tpu.memory_space<semaphore_mem>>) src(%dma_wait3A_71 : memref<480xi32, #tpu.memory_space<hbm>>) dst(%arg9 : memref<480xi32, #tpu.memory_space<vmem>>)
          tpu.yield
        }) : () -> ()
        %dma_start3A_65 = arith.constant 0 : i32
        %dma_start3A_66 = arith.constant 0 : i32
        %dma_start3A_67 = tpu.memref_slice %arg2[%dma_start3A_65, %dma_start3A_66] : memref<250000x128xf32, #tpu.memory_space<hbm>> -> memref<250000x128xf32, #tpu.memory_space<hbm>>
        tpu.enqueue_indirect_dma source(%dma_start3A_67 : memref<250000x128xf32, #tpu.memory_space<hbm>>) target(%arg11 : memref<480x128xf32, #tpu.memory_space<vmem>>) offsets(%arg9 : memref<480xi32, #tpu.memory_space<vmem>>) semaphore(%arg13 : memref<!tpu.dma_semaphore, #tpu.memory_space<semaphore_mem>>)
      } else {
      }
    }
    %scan3A_14 = arith.constant 10 : i32
    "tpu.region"() ({
      %run_scoped3A = tpu.sem_alloc : memref<!tpu.dma_semaphore, #tpu.memory_space<semaphore_mem>>
      %dma_start3A_29 = tpu.memref_slice %arg5[%mul3A_2] : memref<307200xi32, #tpu.memory_space<hbm>> -> memref<480xi32, #tpu.memory_space<hbm>>
      %dma_start3A_30 = tpu.memref_slice %arg5[%mul3A_2] : memref<307200xi32, #tpu.memory_space<hbm>> -> memref<480xi32, #tpu.memory_space<hbm>>
      tpu.enqueue_dma source(%dma_start3A_30 : memref<480xi32, #tpu.memory_space<hbm>>) target(%arg8 : memref<480xi32, #tpu.memory_space<vmem>>) target_semaphore(%run_scoped3A : memref<!tpu.dma_semaphore, #tpu.memory_space<semaphore_mem>>)
      %dma_wait3A = tpu.memref_slice %arg5[%mul3A_2] : memref<307200xi32, #tpu.memory_space<hbm>> -> memref<480xi32, #tpu.memory_space<hbm>>
      %dma_wait3A_31 = tpu.memref_slice %arg5[%mul3A_2] : memref<307200xi32, #tpu.memory_space<hbm>> -> memref<480xi32, #tpu.memory_space<hbm>>
      tpu.wait_dma2 semaphore(%run_scoped3A : memref<!tpu.dma_semaphore, #tpu.memory_space<semaphore_mem>>) src(%dma_wait3A_31 : memref<480xi32, #tpu.memory_space<hbm>>) dst(%arg8 : memref<480xi32, #tpu.memory_space<vmem>>)
      tpu.yield
    }) : () -> ()
    %dma_start3A_15 = arith.constant 0 : i32
    %dma_start3A_16 = arith.constant 0 : i32
    %dma_start3A_17 = tpu.memref_slice %arg3[%dma_start3A_15, %dma_start3A_16] : memref<100000x128xf32, #tpu.memory_space<hbm>> -> memref<100000x128xf32, #tpu.memory_space<hbm>>
    tpu.enqueue_indirect_dma source(%dma_start3A_17 : memref<100000x128xf32, #tpu.memory_space<hbm>>) target(%arg10 : memref<480x128xf32, #tpu.memory_space<vmem>>) offsets(%arg8 : memref<480xi32, #tpu.memory_space<vmem>>) semaphore(%arg12 : memref<!tpu.dma_semaphore, #tpu.memory_space<semaphore_mem>>)
    %add3A_18 = arith.constant 480 : i32
    %add3A_19 = arith.addi %mul3A_2, %add3A_18 : i32
    "tpu.region"() ({
      %run_scoped3A = tpu.sem_alloc : memref<!tpu.dma_semaphore, #tpu.memory_space<semaphore_mem>>
      %dma_start3A_29 = tpu.memref_slice %arg5[%add3A_19] : memref<307200xi32, #tpu.memory_space<hbm>> -> memref<480xi32, #tpu.memory_space<hbm>>
      %dma_start3A_30 = tpu.memref_slice %arg5[%add3A_19] : memref<307200xi32, #tpu.memory_space<hbm>> -> memref<480xi32, #tpu.memory_space<hbm>>
      tpu.enqueue_dma source(%dma_start3A_30 : memref<480xi32, #tpu.memory_space<hbm>>) target(%arg9 : memref<480xi32, #tpu.memory_space<vmem>>) target_semaphore(%run_scoped3A : memref<!tpu.dma_semaphore, #tpu.memory_space<semaphore_mem>>)
      %dma_wait3A = tpu.memref_slice %arg5[%add3A_19] : memref<307200xi32, #tpu.memory_space<hbm>> -> memref<480xi32, #tpu.memory_space<hbm>>
      %dma_wait3A_31 = tpu.memref_slice %arg5[%add3A_19] : memref<307200xi32, #tpu.memory_space<hbm>> -> memref<480xi32, #tpu.memory_space<hbm>>
      tpu.wait_dma2 semaphore(%run_scoped3A : memref<!tpu.dma_semaphore, #tpu.memory_space<semaphore_mem>>) src(%dma_wait3A_31 : memref<480xi32, #tpu.memory_space<hbm>>) dst(%arg9 : memref<480xi32, #tpu.memory_space<vmem>>)
      tpu.yield
    }) : () -> ()
    %dma_start3A_20 = arith.constant 0 : i32
    %dma_start3A_21 = arith.constant 0 : i32
    %dma_start3A_22 = tpu.memref_slice %arg3[%dma_start3A_20, %dma_start3A_21] : memref<100000x128xf32, #tpu.memory_space<hbm>> -> memref<100000x128xf32, #tpu.memory_space<hbm>>
    tpu.enqueue_indirect_dma source(%dma_start3A_22 : memref<100000x128xf32, #tpu.memory_space<hbm>>) target(%arg11 : memref<480x128xf32, #tpu.memory_space<vmem>>) offsets(%arg9 : memref<480xi32, #tpu.memory_space<vmem>>) semaphore(%arg13 : memref<!tpu.dma_semaphore, #tpu.memory_space<semaphore_mem>>)
    %scan3A_23 = arith.constant 0 : i32
    %scan3A_24 = arith.constant 0 : i32
    %scan3A_25 = arith.constant 10 : i32
    %scan3A_26 = arith.addi %scan3A_24, %scan3A_25 : i32
    %scan3A_27 = arith.constant 1 : i32
    scf.for %scan3A_29 = %scan3A_24 to %scan3A_26 step %scan3A_27  : i32 {
      %mul3A_30 = arith.constant 2 : i32
      %mul3A_31 = arith.muli %mul3A_30, %scan3A_29 : i32
      %add3A_32 = arith.constant 0 : i32
      %add3A_33 = arith.addi %mul3A_31, %add3A_32 : i32
      %dma_wait3A = arith.constant 0 : i32
      %dma_wait3A_34 = arith.constant 0 : i32
      %dma_wait3A_35 = tpu.memref_slice %arg3[%dma_wait3A, %dma_wait3A_34] : memref<100000x128xf32, #tpu.memory_space<hbm>> -> memref<100000x128xf32, #tpu.memory_space<hbm>>
      tpu.wait_indirect_dma semaphore(%arg12 : memref<!tpu.dma_semaphore, #tpu.memory_space<semaphore_mem>>) src(%dma_wait3A_35 : memref<100000x128xf32, #tpu.memory_space<hbm>>) dst(%arg10 : memref<480x128xf32, #tpu.memory_space<vmem>>)
      %mul3A_36 = arith.constant 480 : i32
      %mul3A_37 = arith.muli %add3A_33, %mul3A_36 : i32
      %add3A_38 = arith.addi %mul3A_2, %mul3A_37 : i32
      "tpu.region"() ({
        %run_scoped3A = tpu.sem_alloc : memref<!tpu.dma_semaphore, #tpu.memory_space<semaphore_mem>>
        %dma_start3A_60 = arith.constant 0 : i32
        %dma_start3A_61 = tpu.memref_slice %arg7[%add3A_38, %dma_start3A_60] : memref<307200x128xf32, #tpu.memory_space<hbm>> -> memref<480x128xf32, #tpu.memory_space<hbm>>
        %dma_start3A_62 = arith.constant 0 : i32
        %dma_start3A_63 = tpu.memref_slice %arg7[%add3A_38, %dma_start3A_62] : memref<307200x128xf32, #tpu.memory_space<hbm>> -> memref<480x128xf32, #tpu.memory_space<hbm>>
        tpu.enqueue_dma source(%arg10 : memref<480x128xf32, #tpu.memory_space<vmem>>) target(%dma_start3A_63 : memref<480x128xf32, #tpu.memory_space<hbm>>) target_semaphore(%run_scoped3A : memref<!tpu.dma_semaphore, #tpu.memory_space<semaphore_mem>>)
        %dma_wait3A_64 = arith.constant 0 : i32
        %dma_wait3A_65 = tpu.memref_slice %arg7[%add3A_38, %dma_wait3A_64] : memref<307200x128xf32, #tpu.memory_space<hbm>> -> memref<480x128xf32, #tpu.memory_space<hbm>>
        %dma_wait3A_66 = arith.constant 0 : i32
        %dma_wait3A_67 = tpu.memref_slice %arg7[%add3A_38, %dma_wait3A_66] : memref<307200x128xf32, #tpu.memory_space<hbm>> -> memref<480x128xf32, #tpu.memory_space<hbm>>
        tpu.wait_dma2 semaphore(%run_scoped3A : memref<!tpu.dma_semaphore, #tpu.memory_space<semaphore_mem>>) src(%arg10 : memref<480x128xf32, #tpu.memory_space<vmem>>) dst(%dma_wait3A_67 : memref<480x128xf32, #tpu.memory_space<hbm>>)
        tpu.yield
      }) : () -> ()
      %add3A_39 = arith.constant 2 : i32
      %add3A_40 = arith.addi %add3A_33, %add3A_39 : i32
      %lt3A = arith.constant 20 : i32
      %lt3A_41 = arith.cmpi slt, %add3A_40, %lt3A : i32
      %convert_element_type3A = arith.extui %lt3A_41 : i1 to i32
      %cond3A = arith.constant 0 : i32
      %cond3A_42 = arith.cmpi ne, %convert_element_type3A, %cond3A : i32
      scf.if %cond3A_42 {
        %add3A_60 = arith.constant 2 : i32
        %add3A_61 = arith.addi %add3A_33, %add3A_60 : i32
        %mul3A_62 = arith.constant 480 : i32
        %mul3A_63 = arith.muli %add3A_61, %mul3A_62 : i32
        %add3A_64 = arith.addi %mul3A_2, %mul3A_63 : i32
        "tpu.region"() ({
          %run_scoped3A = tpu.sem_alloc : memref<!tpu.dma_semaphore, #tpu.memory_space<semaphore_mem>>
          %dma_start3A_68 = tpu.memref_slice %arg5[%add3A_64] : memref<307200xi32, #tpu.memory_space<hbm>> -> memref<480xi32, #tpu.memory_space<hbm>>
          %dma_start3A_69 = tpu.memref_slice %arg5[%add3A_64] : memref<307200xi32, #tpu.memory_space<hbm>> -> memref<480xi32, #tpu.memory_space<hbm>>
          tpu.enqueue_dma source(%dma_start3A_69 : memref<480xi32, #tpu.memory_space<hbm>>) target(%arg8 : memref<480xi32, #tpu.memory_space<vmem>>) target_semaphore(%run_scoped3A : memref<!tpu.dma_semaphore, #tpu.memory_space<semaphore_mem>>)
          %dma_wait3A_70 = tpu.memref_slice %arg5[%add3A_64] : memref<307200xi32, #tpu.memory_space<hbm>> -> memref<480xi32, #tpu.memory_space<hbm>>
          %dma_wait3A_71 = tpu.memref_slice %arg5[%add3A_64] : memref<307200xi32, #tpu.memory_space<hbm>> -> memref<480xi32, #tpu.memory_space<hbm>>
          tpu.wait_dma2 semaphore(%run_scoped3A : memref<!tpu.dma_semaphore, #tpu.memory_space<semaphore_mem>>) src(%dma_wait3A_71 : memref<480xi32, #tpu.memory_space<hbm>>) dst(%arg8 : memref<480xi32, #tpu.memory_space<vmem>>)
          tpu.yield
        }) : () -> ()
        %dma_start3A_65 = arith.constant 0 : i32
        %dma_start3A_66 = arith.constant 0 : i32
        %dma_start3A_67 = tpu.memref_slice %arg3[%dma_start3A_65, %dma_start3A_66] : memref<100000x128xf32, #tpu.memory_space<hbm>> -> memref<100000x128xf32, #tpu.memory_space<hbm>>
        tpu.enqueue_indirect_dma source(%dma_start3A_67 : memref<100000x128xf32, #tpu.memory_space<hbm>>) target(%arg10 : memref<480x128xf32, #tpu.memory_space<vmem>>) offsets(%arg8 : memref<480xi32, #tpu.memory_space<vmem>>) semaphore(%arg12 : memref<!tpu.dma_semaphore, #tpu.memory_space<semaphore_mem>>)
      } else {
      }
      %mul3A_43 = arith.constant 2 : i32
      %mul3A_44 = arith.muli %mul3A_43, %scan3A_29 : i32
      %add3A_45 = arith.constant 1 : i32
      %add3A_46 = arith.addi %mul3A_44, %add3A_45 : i32
      %dma_wait3A_47 = arith.constant 0 : i32
      %dma_wait3A_48 = arith.constant 0 : i32
      %dma_wait3A_49 = tpu.memref_slice %arg3[%dma_wait3A_47, %dma_wait3A_48] : memref<100000x128xf32, #tpu.memory_space<hbm>> -> memref<100000x128xf32, #tpu.memory_space<hbm>>
      tpu.wait_indirect_dma semaphore(%arg13 : memref<!tpu.dma_semaphore, #tpu.memory_space<semaphore_mem>>) src(%dma_wait3A_49 : memref<100000x128xf32, #tpu.memory_space<hbm>>) dst(%arg11 : memref<480x128xf32, #tpu.memory_space<vmem>>)
      %mul3A_50 = arith.constant 480 : i32
      %mul3A_51 = arith.muli %add3A_46, %mul3A_50 : i32
      %add3A_52 = arith.addi %mul3A_2, %mul3A_51 : i32
      "tpu.region"() ({
        %run_scoped3A = tpu.sem_alloc : memref<!tpu.dma_semaphore, #tpu.memory_space<semaphore_mem>>
        %dma_start3A_60 = arith.constant 0 : i32
        %dma_start3A_61 = tpu.memref_slice %arg7[%add3A_52, %dma_start3A_60] : memref<307200x128xf32, #tpu.memory_space<hbm>> -> memref<480x128xf32, #tpu.memory_space<hbm>>
        %dma_start3A_62 = arith.constant 0 : i32
        %dma_start3A_63 = tpu.memref_slice %arg7[%add3A_52, %dma_start3A_62] : memref<307200x128xf32, #tpu.memory_space<hbm>> -> memref<480x128xf32, #tpu.memory_space<hbm>>
        tpu.enqueue_dma source(%arg11 : memref<480x128xf32, #tpu.memory_space<vmem>>) target(%dma_start3A_63 : memref<480x128xf32, #tpu.memory_space<hbm>>) target_semaphore(%run_scoped3A : memref<!tpu.dma_semaphore, #tpu.memory_space<semaphore_mem>>)
        %dma_wait3A_64 = arith.constant 0 : i32
        %dma_wait3A_65 = tpu.memref_slice %arg7[%add3A_52, %dma_wait3A_64] : memref<307200x128xf32, #tpu.memory_space<hbm>> -> memref<480x128xf32, #tpu.memory_space<hbm>>
        %dma_wait3A_66 = arith.constant 0 : i32
        %dma_wait3A_67 = tpu.memref_slice %arg7[%add3A_52, %dma_wait3A_66] : memref<307200x128xf32, #tpu.memory_space<hbm>> -> memref<480x128xf32, #tpu.memory_space<hbm>>
        tpu.wait_dma2 semaphore(%run_scoped3A : memref<!tpu.dma_semaphore, #tpu.memory_space<semaphore_mem>>) src(%arg11 : memref<480x128xf32, #tpu.memory_space<vmem>>) dst(%dma_wait3A_67 : memref<480x128xf32, #tpu.memory_space<hbm>>)
        tpu.yield
      }) : () -> ()
      %add3A_53 = arith.constant 2 : i32
      %add3A_54 = arith.addi %add3A_46, %add3A_53 : i32
      %lt3A_55 = arith.constant 20 : i32
      %lt3A_56 = arith.cmpi slt, %add3A_54, %lt3A_55 : i32
      %convert_element_type3A_57 = arith.extui %lt3A_56 : i1 to i32
      %cond3A_58 = arith.constant 0 : i32
      %cond3A_59 = arith.cmpi ne, %convert_element_type3A_57, %cond3A_58 : i32
      scf.if %cond3A_59 {
        %add3A_60 = arith.constant 2 : i32
        %add3A_61 = arith.addi %add3A_46, %add3A_60 : i32
        %mul3A_62 = arith.constant 480 : i32
        %mul3A_63 = arith.muli %add3A_61, %mul3A_62 : i32
        %add3A_64 = arith.addi %mul3A_2, %mul3A_63 : i32
        "tpu.region"() ({
          %run_scoped3A = tpu.sem_alloc : memref<!tpu.dma_semaphore, #tpu.memory_space<semaphore_mem>>
          %dma_start3A_68 = tpu.memref_slice %arg5[%add3A_64] : memref<307200xi32, #tpu.memory_space<hbm>> -> memref<480xi32, #tpu.memory_space<hbm>>
          %dma_start3A_69 = tpu.memref_slice %arg5[%add3A_64] : memref<307200xi32, #tpu.memory_space<hbm>> -> memref<480xi32, #tpu.memory_space<hbm>>
          tpu.enqueue_dma source(%dma_start3A_69 : memref<480xi32, #tpu.memory_space<hbm>>) target(%arg9 : memref<480xi32, #tpu.memory_space<vmem>>) target_semaphore(%run_scoped3A : memref<!tpu.dma_semaphore, #tpu.memory_space<semaphore_mem>>)
          %dma_wait3A_70 = tpu.memref_slice %arg5[%add3A_64] : memref<307200xi32, #tpu.memory_space<hbm>> -> memref<480xi32, #tpu.memory_space<hbm>>
          %dma_wait3A_71 = tpu.memref_slice %arg5[%add3A_64] : memref<307200xi32, #tpu.memory_space<hbm>> -> memref<480xi32, #tpu.memory_space<hbm>>
          tpu.wait_dma2 semaphore(%run_scoped3A : memref<!tpu.dma_semaphore, #tpu.memory_space<semaphore_mem>>) src(%dma_wait3A_71 : memref<480xi32, #tpu.memory_space<hbm>>) dst(%arg9 : memref<480xi32, #tpu.memory_space<vmem>>)
          tpu.yield
        }) : () -> ()
        %dma_start3A_65 = arith.constant 0 : i32
        %dma_start3A_66 = arith.constant 0 : i32
        %dma_start3A_67 = tpu.memref_slice %arg3[%dma_start3A_65, %dma_start3A_66] : memref<100000x128xf32, #tpu.memory_space<hbm>> -> memref<100000x128xf32, #tpu.memory_space<hbm>>
        tpu.enqueue_indirect_dma source(%dma_start3A_67 : memref<100000x128xf32, #tpu.memory_space<hbm>>) target(%arg11 : memref<480x128xf32, #tpu.memory_space<vmem>>) offsets(%arg9 : memref<480xi32, #tpu.memory_space<vmem>>) semaphore(%arg13 : memref<!tpu.dma_semaphore, #tpu.memory_space<semaphore_mem>>)
      } else {
      }
    }
    %scan3A_28 = arith.constant 10 : i32
    return
  }
}

module attributes {stable_mosaic.version = 14 : i64} {
  func.func @_copy_body(%arg0: i32, %arg1: memref<2000x128xf32, #tpu.memory_space<vmem>>, %arg2: memref<2000x128xf32, #tpu.memory_space<vmem>>) attributes {dimension_semantics = [#tpu.dimension_semantics<arbitrary>], iteration_bounds = array<i64: 125>, scalar_prefetch = 0 : i64, scratch_operands = 0 : i64, tpu.core_type = #tpu.core_type<tc>, window_params = [{transform_indices = @transform_0, window_bounds = array<i64: 2000, 128>}, {transform_indices = @transform_1, window_bounds = array<i64: 2000, 128>}]} {
    %get3A = arith.constant 0 : index
    %get3A_0 = arith.constant 0 : index
    %get3A_1 = vector.load %arg1[%get3A, %get3A_0] : memref<2000x128xf32, #tpu.memory_space<vmem>>, vector<2000x128xf32>
    %swap3A = arith.constant 0 : index
    %swap3A_2 = arith.constant 0 : index
    %swap3A_3 = vector.load %arg2[%swap3A, %swap3A_2] : memref<2000x128xf32, #tpu.memory_space<vmem>>, vector<2000x128xf32>
    tpu.vector_store %arg2[%swap3A, %swap3A_2], %get3A_1 {strides = array<i32>} : memref<2000x128xf32, #tpu.memory_space<vmem>>, vector<2000x128xf32>,
    return
  }
  func.func @transform_0(%arg0: i32) -> (i32, i32) {
    %c0_i32 = arith.constant 0 : i32
    %c0_i32_0 = arith.constant 0 : i32
    return %arg0, %c0_i32 : i32, i32
  }
  func.func @transform_1(%arg0: i32) -> (i32, i32) {
    %add3A = arith.constant 150 : i32
    %add3A_0 = arith.addi %arg0, %add3A : i32
    %c0_i32 = arith.constant 0 : i32
    %c0_i32_1 = arith.constant 0 : i32
    return %add3A_0, %c0_i32 : i32, i32
  }
}

module attributes {stable_mosaic.version = 14 : i64} {
  func.func @_gate_alias_body(%arg0: i32, %arg1: memref<2000x128xf32, #tpu.memory_space<vmem>>, %arg2: memref<2000x128xf32, #tpu.memory_space<vmem>>, %arg3: memref<128x128xf32, #tpu.memory_space<vmem>>, %arg4: memref<1x128xf32, #tpu.memory_space<vmem>>, %arg5: memref<128x128xf32, #tpu.memory_space<vmem>>, %arg6: memref<128x128xf32, #tpu.memory_space<vmem>>, %arg7: memref<1x128xf32, #tpu.memory_space<vmem>>, %arg8: memref<550000x128xf32, #tpu.memory_space<any>>, %arg9: memref<2000x128xf32, #tpu.memory_space<vmem>>) attributes {dimension_semantics = [#tpu.dimension_semantics<arbitrary>], iteration_bounds = array<i64: 150>, scalar_prefetch = 0 : i64, scratch_operands = 0 : i64, tpu.core_type = #tpu.core_type<tc>, window_params = [{transform_indices = @transform_0, window_bounds = array<i64: 2000, 128>}, {transform_indices = @transform_1, window_bounds = array<i64: 2000, 128>}, {pipeline_mode = #tpu.pipeline_mode<synchronous>, transform_indices = @transform_2, window_bounds = array<i64: 128, 128>}, {pipeline_mode = #tpu.pipeline_mode<synchronous>, transform_indices = @transform_3, window_bounds = array<i64: 1, 128>}, {pipeline_mode = #tpu.pipeline_mode<synchronous>, transform_indices = @transform_4, window_bounds = array<i64: 128, 128>}, {pipeline_mode = #tpu.pipeline_mode<synchronous>, transform_indices = @transform_5, window_bounds = array<i64: 128, 128>}, {pipeline_mode = #tpu.pipeline_mode<synchronous>, transform_indices = @transform_6, window_bounds = array<i64: 1, 128>}, {}, {transform_indices = @transform_8, window_bounds = array<i64: 2000, 128>}]} {
    %get3A = arith.constant 0 : index
    %get3A_0 = arith.constant 0 : index
    %get3A_1 = vector.load %arg1[%get3A, %get3A_0] : memref<2000x128xf32, #tpu.memory_space<vmem>>, vector<2000x128xf32>
    %get3A_2 = arith.constant 0 : index
    %get3A_3 = arith.constant 0 : index
    %get3A_4 = vector.load %arg2[%get3A_2, %get3A_3] : memref<2000x128xf32, #tpu.memory_space<vmem>>, vector<2000x128xf32>
    %get3A_5 = arith.constant 0 : index
    %get3A_6 = arith.constant 0 : index
    %get3A_7 = vector.load %arg3[%get3A_5, %get3A_6] : memref<128x128xf32, #tpu.memory_space<vmem>>, vector<128x128xf32>
    %dot_general3A = arith.constant dense<0.000000e+00> : vector<2000x128xf32>
    %dot_general3A_8 = tpu.matmul %get3A_4, %get3A_7, %dot_general3A {dimension_numbers = #tpu.dot_dimension_numbers<[1], [0], [0], [1], [0, 0, 1, 1], [], []>, transpose_lhs_hint = false} : vector<2000x128xf32>, vector<128x128xf32>, vector<2000x128xf32> -> vector<2000x128xf32>
    %get3A_9 = arith.constant 0 : index
    %get3A_10 = arith.constant 0 : index
    %get3A_11 = vector.load %arg4[%get3A_9, %get3A_10] : memref<1x128xf32, #tpu.memory_space<vmem>>, vector<1x128xf32>
    %add3A = vector.broadcast %get3A_11 : vector<1x128xf32> to vector<2000x128xf32>
    %add3A_12 = arith.addf %dot_general3A_8, %add3A : vector<2000x128xf32>
    %max3A = arith.constant 0.000000e+00 : f32
    %max3A_13 = vector.broadcast %max3A : f32 to vector<2000x128xf32>
    %max3A_14 = arith.maximumf %add3A_12, %max3A_13 : vector<2000x128xf32>
    %get3A_15 = arith.constant 0 : index
    %get3A_16 = arith.constant 0 : index
    %get3A_17 = vector.load %arg5[%get3A_15, %get3A_16] : memref<128x128xf32, #tpu.memory_space<vmem>>, vector<128x128xf32>
    %dot_general3A_18 = arith.constant dense<0.000000e+00> : vector<2000x128xf32>
    %dot_general3A_19 = tpu.matmul %get3A_1, %get3A_17, %dot_general3A_18 {dimension_numbers = #tpu.dot_dimension_numbers<[1], [0], [0], [1], [0, 0, 1, 1], [], []>, transpose_lhs_hint = false} : vector<2000x128xf32>, vector<128x128xf32>, vector<2000x128xf32> -> vector<2000x128xf32>
    %get3A_20 = arith.constant 0 : index
    %get3A_21 = arith.constant 0 : index
    %get3A_22 = vector.load %arg6[%get3A_20, %get3A_21] : memref<128x128xf32, #tpu.memory_space<vmem>>, vector<128x128xf32>
    %dot_general3A_23 = arith.constant dense<0.000000e+00> : vector<2000x128xf32>
    %dot_general3A_24 = tpu.matmul %max3A_14, %get3A_22, %dot_general3A_23 {dimension_numbers = #tpu.dot_dimension_numbers<[1], [0], [0], [1], [0, 0, 1, 1], [], []>, transpose_lhs_hint = false} : vector<2000x128xf32>, vector<128x128xf32>, vector<2000x128xf32> -> vector<2000x128xf32>
    %add3A_25 = arith.addf %dot_general3A_19, %dot_general3A_24 : vector<2000x128xf32>
    %get3A_26 = arith.constant 0 : index
    %get3A_27 = arith.constant 0 : index
    %get3A_28 = vector.load %arg7[%get3A_26, %get3A_27] : memref<1x128xf32, #tpu.memory_space<vmem>>, vector<1x128xf32>
    %add3A_29 = vector.broadcast %get3A_28 : vector<1x128xf32> to vector<2000x128xf32>
    %add3A_30 = arith.addf %add3A_25, %add3A_29 : vector<2000x128xf32>
    %logistic3A = arith.negf %add3A_30 : vector<2000x128xf32>
    %logistic3A_31 = math.exp %logistic3A : vector<2000x128xf32>
    %logistic3A_32 = arith.constant 1.000000e+00 : f32
    %logistic3A_33 = vector.broadcast %logistic3A_32 : f32 to vector<2000x128xf32>
    %logistic3A_34 = arith.addf %logistic3A_33, %logistic3A_31 : vector<2000x128xf32>
    %logistic3A_35 = arith.divf %logistic3A_33, %logistic3A_34 : vector<2000x128xf32>
    %mul3A = arith.mulf %logistic3A_35, %get3A_1 : vector<2000x128xf32>
    %sub3A = arith.constant 1.000000e+00 : f32
    %sub3A_36 = vector.broadcast %sub3A : f32 to vector<2000x128xf32>
    %sub3A_37 = arith.subf %sub3A_36, %logistic3A_35 : vector<2000x128xf32>
    %mul3A_38 = arith.mulf %sub3A_37, %max3A_14 : vector<2000x128xf32>
    %add3A_39 = arith.addf %mul3A, %mul3A_38 : vector<2000x128xf32>
    %swap3A = arith.constant 0 : index
    %swap3A_40 = arith.constant 0 : index
    %swap3A_41 = vector.load %arg9[%swap3A, %swap3A_40] : memref<2000x128xf32, #tpu.memory_space<vmem>>, vector<2000x128xf32>
    tpu.vector_store %arg9[%swap3A, %swap3A_40], %add3A_39 {strides = array<i32>} : memref<2000x128xf32, #tpu.memory_space<vmem>>, vector<2000x128xf32>,
    return
  }
  func.func @transform_0(%arg0: i32) -> (i32, i32) {
    %c0_i32 = arith.constant 0 : i32
    %c0_i32_0 = arith.constant 0 : i32
    return %arg0, %c0_i32 : i32, i32
  }
  func.func @transform_1(%arg0: i32) -> (i32, i32) {
    %c0_i32 = arith.constant 0 : i32
    %c0_i32_0 = arith.constant 0 : i32
    return %arg0, %c0_i32 : i32, i32
  }
  func.func @transform_2(%arg0: i32) -> (i32, i32) {
    %c0_i32 = arith.constant 0 : i32
    %c0_i32_0 = arith.constant 0 : i32
    %c0_i32_1 = arith.constant 0 : i32
    return %c0_i32, %c0_i32_0 : i32, i32
  }
  func.func @transform_3(%arg0: i32) -> (i32, i32) {
    %c0_i32 = arith.constant 0 : i32
    %c0_i32_0 = arith.constant 0 : i32
    %c0_i32_1 = arith.constant 0 : i32
    return %c0_i32, %c0_i32_0 : i32, i32
  }
  func.func @transform_4(%arg0: i32) -> (i32, i32) {
    %c0_i32 = arith.constant 0 : i32
    %c0_i32_0 = arith.constant 0 : i32
    %c0_i32_1 = arith.constant 0 : i32
    return %c0_i32, %c0_i32_0 : i32, i32
  }
  func.func @transform_5(%arg0: i32) -> (i32, i32) {
    %c0_i32 = arith.constant 0 : i32
    %c0_i32_0 = arith.constant 0 : i32
    %c0_i32_1 = arith.constant 0 : i32
    return %c0_i32, %c0_i32_0 : i32, i32
  }
  func.func @transform_6(%arg0: i32) -> (i32, i32) {
    %c0_i32 = arith.constant 0 : i32
    %c0_i32_0 = arith.constant 0 : i32
    %c0_i32_1 = arith.constant 0 : i32
    return %c0_i32, %c0_i32_0 : i32, i32
  }
  func.func @transform_8(%arg0: i32) -> (i32, i32) {
    %c0_i32 = arith.constant 0 : i32
    %c0_i32_0 = arith.constant 0 : i32
    return %arg0, %c0_i32 : i32, i32
  }
}

</mosaic_0001>

<sc_bundles>
// kernel: kernel.10.cloned.1.call-start
scs
__scs_entry_jumppad:
0x0: {  	(pc) =	sbr.rel $0x88, $3  }
0x1: {  	(tag) =	ssettag $0x0;
	lr =	simm.s32 $0x1  }
0x2: {  	[smem:$0x3F98] =	sst lr;
	_ =	strace $0xD0000000  }
0x3: {  	_ = 	snop  }
0x4: {  	_ = 	snop  }
0x5: {  	_ = 	snop  }
0x6: {  	_ = 	snop  }
0x7: {  	_ = 	snop  }
__scs_overlays_trampoline_lowered:
0x8: {  	[smem:$0x3FA7] =	sst s0  }
0x9: {  	[smem:$0x3FA8] =	sst s1  }
0xa: {  	[smem:$0x3FA9] =	sst s2  }
0xb: {  	[smem:$0x3FAA] =	sst s3  }
0xc: {  	[smem:$0x3FAB] =	sst s4  }
0xd: {  	[smem:$0x3FAC] =	sst s5  }
0xe: {  	[smem:$0x3FAD] =	sst s6  }
0xf: {  	[smem:$0x3FAE] =	sst s7  }
0x10: {  	[smem:$0x3FAF] =	sst s8  }
0x11: {  	[smem:$0x3FB0] =	sst s9;
	s0 =	simm.s32 @!p0 $0x0  }
0x12: {  	s1 =	sld [smem:$0x3F96];
	s0 =	simm.s32 @p0 $0x1  }
0x13: {  	[smem:$0x3FB1] =	sst s0;
	s0 =	simm.s32 @!p1 $0x0  }
0x14: {  	s2 =	sld [smem:$0x3F95];
	s0 =	simm.s32 @p1 $0x1  }
0x15: {  	[smem:$0x3FB2] =	sst s0;
	s0 =	simm.s32 @!p2 $0x0  }
0x16: {  	s3 =	sld [smem:$0x3FDB];
	s0 =	simm.s32 @p2 $0x1  }
0x17: {  	s4 =	simm.s32 $0x1BF5;
	[smem:$0x3FB4] =	sst s0  }
0x18: {  	s0 =	sld [smem:$0x3F97];
	_ =	swait.ge [sflag:s4], $0x0  }
0x19: {  	s7 =	sld [smem:$0x3F98]  }
0x1a: {  	s8 =	sadd.s32 $0xFFFFE003, lr  }
0x1b: {  	s9 =	sadd.s32 $0xFFFFFEF7, lr;
	s5 =	simm.s32 $0xFFFFFFFF;
	p2 =	slt.u32 s8, $0xFFFFF086  }
0x1c: {  	p1 =	slt.u32 s9, $0xF7A;
	s5 =	simm.s32 @!p2 $0x0  }
0x1d: {  	s5 =	simm.s32 @p1 $0x1;
	p0 =	seq.s32 s7, s2  }
0x1e: {  	s7 =	smul.u32 @!p0 $0xF7A, s2;
	p2 =	seq.s32 @!p0 s5, $0x0  }
0x1f: {  	s9 =	smul.u32 $0xF7A, s1;
	s8 =	simm.s32 @!p0 $0x1BF5;
	p2 =	por !p2, p0  }
0x20: {  	[sflag:s8] =	ssyncset.s32 @!p0 $0xFFFFF086;
	s6 =	sadd.s32 @!p0 s3, s7;
	s7 =	simm.s32 @!p0 $0x108  }
0x21: {  	s3 =	sadd.s32 s3, s9;
	s6 =	sadd.s32 @!p0 $0x88, s6;
	s7 =	simm.s32 @p2 $0x1082  }
0x22: {  	[simem:s7], [sflag:s8] =	dma.local @!p0 [hbm:s6], $0xF7A  }
0x23: {  	s9 =	sor.u32 $0xD0000000, s2;
	s6 =	simm.s32 $0x108;
	_ =	swait.ge @!p0 [sflag:s8], $0x0  }
0x24: {  	s3 =	sadd.s32 $0x88, s3;
	s6 =	simm.s32 @!p1 $0x1082;
	[sflag:s4] =	ssyncset.s32 $0xFFFFF086  }
0x25: {  	[simem:s6], [sflag:s4] =	dma.local [hbm:s3], $0xF7A  }
0x26: {  	[smem:$0x3F98] =	sst s1;
	(tag) =	ssettag s2;
	_ =	strace s9  }
0x27: {  	s1 =	sld [smem:$0x3FA8]  }
0x28: {  	s2 =	sld [smem:$0x3FA9]  }
0x29: {  	s4 =	sld [smem:$0x3FAB]  }
0x2a: {  	p0 =	seq.s32 s5, $0x0;
	s5 =	sld [smem:$0x3FAC]  }
0x2b: {  	s6 =	sld [smem:$0x3FAD]  }
0x2c: {  	s7 =	sld [smem:$0x3FAE]  }
0x2d: {  	s3 =	simm.s32 $0x108;
	s8 =	sld [smem:$0x3FAF]  }
0x2e: {  	s3 =	simm.s32 @!p0 $0x1082;
	s9 =	sld [smem:$0x3FB0]  }
0x2f: {  	lr =	sadd.s32 s0, s3;
	s0 =	sld [smem:$0x3FA7]  }
0x30: {  	s3 =	sld [smem:$0x3FAA]  }
0x31: {  	[smem:$0x3FB3] =	sst s10  }
0x32: {  	s10 =	sld [smem:$0x3FB1];
	_ =	sdelay $0x3  }
0x33: {  	p0 =	seq.s32 s10, $0x1;
	s10 =	sld [smem:$0x3FB3];
	_ =	sdelay $0x3  }
0x34: {  	[smem:$0x3FB3] =	sst s10  }
0x35: {  	s10 =	sld [smem:$0x3FB2];
	_ =	sdelay $0x3  }
0x36: {  	p1 =	seq.s32 s10, $0x1;
	s10 =	sld [smem:$0x3FB3];
	_ =	sdelay $0x3  }
0x37: {  	[smem:$0x3FB3] =	sst s10  }
0x38: {  	s10 =	sld [smem:$0x3FB4]  }
0x39: {  	_ = 	snop;
	(pc) =	sbr.ind lr, $3  }
0x3a: {  	_ = 	snop  }
0x3b: {  	_ = 	snop  }
0x3c: {  	p2 =	seq.s32 s10, $0x1;
	s10 =	sld [smem:$0x3FB3]  }
0x3d: {  	_ =	shalt  }
0x3e: {  	_ =	shalt  }
0x3f: {  	_ =	shalt  }
0x40: {  	_ =	shalt  }
0x41: {  	_ =	shalt  }
0x42: {  	_ =	shalt  }
0x43: {  	_ =	shalt  }
0x44: {  	_ =	shalt  }
0x45: {  	_ =	shalt  }
0x46: {  	_ =	shalt  }
0x47: {  	_ =	shalt  }
0x48: {  	_ =	shalt  }
0x49: {  	_ =	shalt  }
0x4a: {  	_ =	shalt  }
0x4b: {  	_ =	shalt  }
0x4c: {  	_ =	shalt  }
0x4d: {  	_ =	shalt  }
0x4e: {  	_ =	shalt  }
0x4f: {  	_ =	shalt  }
0x50: {  	_ =	shalt  }
0x51: {  	_ =	shalt  }
0x52: {  	_ =	shalt  }
0x53: {  	_ =	shalt  }
0x54: {  	_ =	shalt  }
0x55: {  	_ =	shalt  }
0x56: {  	_ =	shalt  }
0x57: {  	_ =	shalt  }
0x58: {  	_ =	shalt  }
0x59: {  	_ =	shalt  }
0x5a: {  	_ =	shalt  }
0x5b: {  	_ =	shalt  }
0x5c: {  	_ =	shalt  }
0x5d: {  	_ =	shalt  }
0x5e: {  	_ =	shalt  }
0x5f: {  	_ =	shalt  }
0x60: {  	_ =	shalt  }
0x61: {  	_ =	shalt  }
0x62: {  	_ =	shalt  }
0x63: {  	_ =	shalt  }
0x64: {  	_ =	shalt  }
0x65: {  	_ =	shalt  }
0x66: {  	_ =	shalt  }
0x67: {  	_ =	shalt  }
0x68: {  	_ =	shalt  }
0x69: {  	_ =	shalt  }
0x6a: {  	_ =	shalt  }
0x6b: {  	_ =	shalt  }
0x6c: {  	_ =	shalt  }
0x6d: {  	_ =	shalt  }
0x6e: {  	_ =	shalt  }
0x6f: {  	_ =	shalt  }
0x70: {  	_ =	shalt  }
0x71: {  	_ =	shalt  }
0x72: {  	_ =	shalt  }
0x73: {  	_ =	shalt  }
0x74: {  	_ =	shalt  }
0x75: {  	_ =	shalt  }
0x76: {  	_ =	shalt  }
0x77: {  	_ =	shalt  }
0x78: {  	_ =	shalt  }
0x79: {  	_ =	shalt  }
0x7a: {  	_ =	shalt  }
0x7b: {  	_ =	shalt  }
0x7c: {  	_ =	shalt  }
0x7d: {  	_ =	shalt  }
0x7e: {  	_ =	shalt  }
0x7f: {  	_ =	shalt  }
0x80: {  	_ =	shalt  }
0x81: {  	_ =	shalt  }
0x82: {  	_ =	shalt  }
0x83: {  	_ =	shalt  }
0x84: {  	_ =	shalt  }
0x85: {  	_ =	shalt  }
0x86: {  	_ =	shalt  }
0x87: {  	_ =	shalt  }
.Lfunc_end0:
.L_simem_size_0:
called_computation.2_lowered:
.L_overlay_start_0:
0x88: {  	s0 =	sld [smem:$0x3FD9]  }
0x89: {  	s1 =	sld [smem:$0x3FFE];
	_ =	sdelay $0x3  }
0x8a: {  	s0 =	sadd.s32 s1, s0  }
0x8b: {  	[smem:$0x3FBF] =	sst s0  }
0x8c: {  	_ = 	snop  }
0x8d: {  	(tm) =	ssettm $0x1  }
0x8e: {  	s15 =	sld [smem:$0x3FFB];
	_ =	sdelay $0x3  }
0x8f: {  	_ =	strace s15  }
0x90: {  	s0 =	sld [smem:$0x3FFC];
	_ =	sdelay $0x3  }
0x91: {  	_ =	strace s0  }
0x92: {  	s0 =	sld [smem:$0x3FFD];
	_ =	sdelay $0x3  }
0x93: {  	_ =	strace s0  }
0x94: {  	_ =	strace $0x8FFFFFFF  }
0x95: {  	s16 =	sld [smem:$0x3FDB];
	_ =	sdelay $0x1  }
0x96: {  	s17 =	simm.s32 $_scs_section_size  }
0x97: {  	s2 =	simm.s32 $_size__tile_overlayer_lowered;
	s3 =	simm.s32 $_tile_overlayer_lowered  }
0x98: {  	s20 =	simm.s32 $0x1BFF;
	s19 =	sshll.u32 s3, $0x1;
	s0 =	sadd.s32 s17, s16  }
0x99: {  	s4 =	simm.s32 $0x0;
	s18 =	sshll.u32 s2, $0x1;
	s2 =	sadd.s32 s19, s0  }
0x9a: {  	[timem:s4], [sflag:s20] =	dma.local [hbm:s2], s18  }
0x9b: {  	_ =	swait.ge [sflag:s20], s18  }
0x9c: {  	s1 =	ssub.s32 $0x0, s18;
	[sflag:s20] =	ssyncset.done $0x0  }
0x9d: {  	[sflag:s20] =	ssyncadd.s32 s1;
	_ =	sdelay $0x1  }
0x9e: {  	s21 =	simm.s32 $0x1B8B  }
0x9f: {  	_ =	swait.ge [sflag:s21], $0x1  }
0xa0: {  	[sflag:s21] =	ssyncset.done $0x0  }
0xa1: {  	s23 =	simm.s32 $0x1B8E;
	s22 =	sld [smem:$0x3FFE];
	[sflag:s21] =	ssyncadd.s32 $0xFFFFFFFF  }
0xa2: {  	s24 =	simm.s32 $execute0_lowered;
	[smem:$0x3FD2] =	sst s23  }
0xa3: {  	s2 =	sshll.u32 s24, $0x1;
	_ =	strace $0x80000049;
	[dreg:$0x1] =	wrdreg $0xFFFFFFFF  }
0xa4: {  	s25 =	simm.s32 $_size_execute0_lowered;
	s0 =	sadd.s32 s0, s2;
	[dreg:$0x0] =	wrdreg $0x0  }
0xa5: {  	s2 =	sshll.u32 s25, $0x1;
	[dreg:$0x2] =	wrdreg s0  }
0xa6: {  	[dreg:$0x3] =	wrdreg s2  }
0xa7: {  	[dreg:$0x4] =	wrdreg $0xC0  }
0xa8: {  	_ =	task [dreg:s4], $0x5FFFF  }
0xa9: {  	[dreg:$0x1] =	wrdreg $0xFFFFFFFF  }
0xaa: {  	[dreg:$0x0] =	wrdreg $0x60  }
0xab: {  	[dreg:$0x2] =	wrdreg s22  }
0xac: {  	[dreg:$0x3] =	wrdreg $0x177000  }
0xad: {  	[dreg:$0x4] =	wrdreg $0xA  }
0xae: {  	_ =	task.clear_ibuf [dreg:s4], $0x5FFFF;
	_ =	strace $0x90000049  }
0xaf: {  	s26 =	simm.s32 $0xA;
	_ =	strace $0x8000004B  }
0xb0: {  	_ =	swait.ge [sflag:s26], $0x1  }
0xb1: {  	[sflag:s26] =	ssyncadd.s32 $0xFFFFFFFF  }
0xb2: {  	_ =	strace $0x9000004B  }
0xb3: {  	_ =	sfence  }
0xb4: {  	s28 =	sld [smem:$0x0];
	_ =	sdelay $0x1  }
0xb5: {  	s29 =	srdreg.scid  }
0xb6: {  	s30 =	sshll.u32 s29, $0xD;
	s31 =	sshrl.u32 s29, $0x2  }
0xb7: {  	s1 =	sand.u32 $0x1, s29;
	s2 =	sand.u32 $0x4000, s30;
	s0 =	sadd.s32 s31, s28  }
0xb8: {  	s1 =	sor.u32 s2, s1;
	s0 =	sshll.u32 s0, $0x11  }
0xb9: {  	s0 =	sor.u32 s0, s1  }
0xba: {  	s0 =	sadd.s32 $0x8F2B, s0  }
0xbb: {  	[sflag:s0] =	ssyncadd.remote.s32 $0x1  }
0xbc: {  	_ =	sfence.sel $0xFFFF  }
0xbd: {  	[dreg:$0x0] =	wrdreg $0xFFFFFFFF;
	(pc) =	sbr.abs _section_cstart, $3  }
0xbe: {  	[dreg:$0x1] =	wrdreg $0xFFFFFFFF  }
0xbf: {  	_ =	task.clear_ibuf [dreg:s4], $0x2FFFF;
	_ =	strace $0x9FFFFFFF  }
0xc0: {  	(tm) =	ssettm $0x7FFFFFFF  }
0xc1: {  	_ =	shalt  }
tec
execute0_lowered:
.L_overlay_start_1:
0x0: {  	(tag) =	ssettag $0x1  }
0x1: {  	s3 =	rddreg [dreg:$0x0]  }
0x2: {  	s2 =	rddreg [dreg:$0x1];
	s1 =	stileid.u32  }
0x3: {  	s0 =	rddreg [dreg:$0x2];
	s4 =	simm.s32 $0x0;
	s5 =	smul.u32 $0x3D10, s1  }
0x4: {  	v0 =	vlaneseq.u32;
	s8 =	simm.s32 $0x0;
	[smem:$0x7FF] =	sst s4  }
0x5: {  	s6 =	sadd.s32 $0xB800, s3;
	v0 =	vadd.s32 $0x1, v0;
	s3 =	sadd.s32 $0x97E400, s3;
	s4 =	smin.u32 s5, $0x39388  }
0x6: {  	_ =	strace $0x8000004A;
	s5 =	simm.s32 $0x40;
	v1 =	vadd.s32 s4, v0;
	s7 =	smov.u32 s4  }
.LBB2_1:
0x7: {  	p0 =	sne.s32 s5, $0xF400  }
0x8: {  	[tilespmem:s8+$0x9600] =	vst v1;
	s7 =	sadd.s32 $0x10, s7;
	s8 =	smov.u32 s5;
	s5 =	sadd.s32 $0x40, s5  }
.Ltmp0:
0x9: {  	(pc) =	sbr.rel @p0 .LBB2_1-.Ltmp0, $2  }
0xa: {  	_ =	sdelay $0x2  }
0xb: {  	v1 =	vadd.s32 s7, v0;
	s8 =	sshra.s32 s8, $0x2  }
0xc: {  	[tilespmem:s8+$0x9600] =	vst v1;
	s5 =	sadd.s32 s4, s2;
	s7 =	simm.s32 $0x9600  }
0xd: {  	[spmem:s5] =	stream.linear.scatter [tilespmem:s7], [sflag:$0x1], $0x3D10, $0x38;
	[tilespmem:$0x1B410] =	vst v63  }
0xe: {  	s31 =	simm.s32 $0x1;
	s7 =	smul.u32 $0x4B00, s1  }
0xf: {  	_ =	swait.ge [sflag:s31], $0x3D10  }
0x10: {  	s9 =	sshrl.u32 s7, $0x3;
	[sflag:s31] =	ssyncset.done $0x0  }
0x11: {  	s9 =	sadd.s32 s6, s9;
	[sflag:s31] =	ssyncadd.s32 $0xFFFFC2F0;
	s6 =	simm.s32 $0x0  }
0x12: {  	[tilespmem:s6], [sflag:$0x1] =	stream.linear.gather [hbm4b:s9+s6], $0x4B00, $0x38;
	[tilespmem:$0x1B410] =	vst v63  }
0x13: {  	_ =	swait.ge [sflag:s31], $0x4B00  }
0x14: {  	v0 =	vlaneseq.u32;
	[sflag:s31] =	ssyncset.done $0x0  }
0x15: {  	v0 =	vmul.u32 $0xFFFFFFFF, v0;
	[sflag:s31] =	ssyncadd.s32 $0xFFFFB500  }
.LBB2_3:
0x16: {  	p0 =	sne.s32 s6, $0x12BC0  }
.Ltmp1:
0x17: {  	_ = 	snop;
	(pc) =	sbr.rel @p0 .LBB2_3-.Ltmp1, $4  }
0x18: {  	_ = 	snop  }
0x19: {  	v1 =	vmov s7  }
0x1a: {  	s8 =	sshra.s32 s6, $0x2;
	v1 =	vsub.s32 v0, v1  }
0x1b: {  	s7 =	sadd.s32 $0x10, s7;
	s6 =	sadd.s32 $0x40, s6;
	[tilespmem:s8+$0x4B00] =	vst v1  }
0x1c: {  	v0 =	vimm.s32 $0x3D090;
	v1 =	vimm.s32 $0x1;
	s6 =	simm.s32 $0x40;
	s7 =	simm.s32 $0x0  }
.LBB2_5:
0x1d: {  	p0 =	sne.s32 s6, $0x12BC0;
	[tilespmem:s7+$0xE100] =	vst v0;
	s8 =	smov.u32 s6;
	s6 =	sadd.s32 $0x40, s6  }
.Ltmp2:
0x1e: {  	[tilespmem:s7+$0x12C00] =	vst v1;
	(pc) =	sbr.rel @p0 .LBB2_5-.Ltmp2, $2  }
0x1f: {  	_ =	sdelay $0x2  }
0x20: {  	s7 =	sshra.s32 s8, $0x2  }
0x21: {  	[tilespmem:s7+$0xE100] =	vst v0  }
0x22: {  	[tilespmem:s7+$0x12C00] =	vst v1;
	s6 =	simm.s32 $0x0  }
0x23: {  	s31 =	simm.s32 $0x4B00;
	s8 =	simm.s32 $0x1;
	[bflag:$0x0] =	sbarrier.arrive $0xFFFF  }
0x24: {  	[spmem:s2] =	stream.indirect.scatter [tilespmem:s31], [sflag:$0x1], $0x1, s6, s31, $0xb8;
	[tilespmem:$0x1B410] =	vst v63  }
0x25: {  	_ =	swait.ge [sflag:s8], $0x4B00  }
0x26: {  	[sflag:s8] =	ssyncset.done $0x0  }
0x27: {  	[sflag:s8] =	ssyncadd.s32 $0xFFFFB500  }
0x28: {  	s9 =	simm.s32 $0x9600;
	[bflag:$0x0] =	sbarrier.arrive $0xFFFF  }
0x29: {  	[tilespmem:s9], [sflag:$0x1] =	stream.indirect.gather [spmem:s2], $0x1, s6, s31, $0xb8;
	[tilespmem:$0x1B410] =	vst v63  }
0x2a: {  	_ =	swait.ge [sflag:s8], $0x4B00  }
0x2b: {  	[sflag:s8] =	ssyncset.done $0x0  }
0x2c: {  	s11 =	simm.s32 $0x0;
	[sflag:s8] =	ssyncadd.s32 $0xFFFFB500  }
0x2d: {  	v1 =	vld [tilespmem:s11+$0x4B00]  }
0x2e: {  	v2 =	vld [tilespmem:s11+$0x9600];
	_ =	sdelay $0x4  }
0x2f: {  	v0 =	vimm.s32 $0x0;
	vm0 =	vlt.s32 v1, v2  }
0x30: {  	v2 =	vsel vm0, $0x1, v0  }
0x31: {  	(xrf0) =	vadd.scan.msk.s32 $0xffff, v2;
	_ =	sdelay $0x2  }
0x32: {  	v2 =	vmov s6  }
0x33: {  	v2 =	vadd.s32 $0xFFFFFFFF, v2  }
0x34: {  	v2 =	vbroadcast v2, $0x0  }
0x35: {  	v3, _, _ =	vpop (xrf0)  }
0x36: {  	v4 =	vld [tilespmem:s11+$0x0];
	v2 =	vadd.s32 v3, v2;
	(v2sf) =	vpush v3, $0xF;
	_ =	sdelay $0x3  }
0x37: {  	s9 =	simm.s32 $0xE100  }
0x38: {  	s7 =	simm.s32 $0x12C00;
	[tilespmem:v2+s9+$0x0] =	vst.idx.msk vm0, v4  }
0x39: {  	s8 =	simm.s32 $0x10;
	[tilespmem:v2+s7+$0x0] =	vst.idx.msk vm0, v1;
	v2 =	vnsel vm0, $0x3D090, v4  }
0x3a: {  	s10 =	simm.s32 $0x80;
	v1 =	vld [tilespmem:s8+$0x4B00];
	[tilespmem:s11+$0x9600] =	vst v2  }
.LBB2_7:
0x3b: {  	p0 =	sne.s32 s10, $0x12BC0;
	v2 =	vld [tilespmem:s8+$0x9600]  }
0x3c: {  	v3 =	vld [tilespmem:s8+$0x0];
	_ =	sdelay $0x3  }
0x3d: {  	vm0 =	vlt.s32 v1, v2  }
0x3e: {  	v2 =	vsel vm0, $0x1, v0;
	v4 =	vnsel vm0, $0x3D090, v3  }
0x3f: {  	(xrf0) =	vadd.scan.msk.s32 $0xffff, v2;
	s11 =	spop (v2sf)  }
0x40: {  	s6 =	sadd.s32 s6, s11  }
0x41: {  	v2 =	vmov s6  }
0x42: {  	v2 =	vadd.s32 $0xFFFFFFFF, v2  }
0x43: {  	v2 =	vbroadcast v2, $0x0;
	_ =	sdelay $0x1  }
0x44: {  	v5, _, _ =	vpop (xrf0)  }
0x45: {  	v2 =	vadd.s32 v5, v2;
	(v2sf) =	vpush v5, $0xF;
	_ =	sdelay $0x2  }
.Ltmp3:
0x46: {  	(pc) =	sbr.rel @p0 .LBB2_7-.Ltmp3, $4  }
0x47: {  	_ = 	snop  }
0x48: {  	[tilespmem:v2+s9+$0x0] =	vst.idx.msk vm0, v3  }
0x49: {  	s11 =	sshra.s32 s10, $0x2;
	[tilespmem:v2+s7+$0x0] =	vst.idx.msk vm0, v1  }
0x4a: {  	s10 =	sadd.s32 $0x40, s10;
	v1 =	vld [tilespmem:s11+$0x4B00];
	[tilespmem:s8+$0x9600] =	vst v4;
	s8 =	smov.u32 s11  }
0x4b: {  	v2 =	vld [tilespmem:s8+$0x9600];
	_ =	sdelay $0x4  }
0x4c: {  	vm0 =	vlt.s32 v1, v2  }
0x4d: {  	v0 =	vsel vm0, $0x1, v0  }
0x4e: {  	(xrf0) =	vadd.scan.msk.s32 $0xffff, v0;
	_ =	sdelay $0x5  }
0x4f: {  	v0, _, _ =	vpop (xrf0)  }
0x50: {  	s10 =	spop (v2sf);
	(v2sf) =	vpush v0, $0xF  }
0x51: {  	s6 =	sadd.s32 s6, s10  }
0x52: {  	v62 =	vmov s6  }
0x53: {  	v2 =	vadd.s32 $0xFFFFFFFF, v62  }
0x54: {  	v2 =	vbroadcast v2, $0x0;
	_ =	sdelay $0x1  }
0x55: {  	v3 =	vld [tilespmem:s8+$0x0];
	v0 =	vadd.s32 v0, v2;
	_ =	sdelay $0x4  }
0x56: {  	[tilespmem:v0+s9+$0x0] =	vst.idx.msk vm0, v3  }
0x57: {  	v63 =	vnsel vm0, $0x3D090, v3;
	[tilespmem:v0+s7+$0x0] =	vst.idx.msk vm0, v1  }
0x58: {  	s26 =	simm.s32 $0x9600;
	s28 =	simm.s32 $0x4B00;
	[tilespmem:s8+$0x9600] =	vst v63  }
0x59: {  	[spmem:s2] =	stream.indirect.scatter [tilespmem:s28], [sflag:$0x1], $0x1, s26, s28, $0xb8;
	[tilespmem:$0x1B410] =	vst v63  }
0x5a: {  	s25 =	spop (v2sf)  }
0x5b: {  	s6 =	sadd.s32 s6, s25  }
0x5c: {  	p1 =	slt.s32 s6, $0x1  }
0x5d: {  	p0 =	slt.u32 @!p1 s6, $0x3C1  }
0x5e: {  	p5 =	por p1, p0  }
0x5f: {  	p0 =	slt.u32 @!p5 s6, $0x781  }
0x60: {  	p6 =	por p5, p0  }
0x61: {  	s7 =	simm.s32 @!p1 $0x0;
	p0 =	slt.u32 @!p6 s6, $0xB41  }
0x62: {  	s7 =	simm.s32 @p1 $0x1;
	p1 =	por p6, p0  }
0x63: {  	[smem:$0x7EC] =	sst s7;
	s7 =	simm.s32 @!p1 $0x0;
	p0 =	slt.u32 @!p1 s6, $0xF01  }
0x64: {  	s7 =	simm.s32 @p1 $0x1;
	p1 =	por p1, p0  }
0x65: {  	p0 =	slt.u32 @!p1 s6, $0x12C1  }
0x66: {  	p2 =	por p1, p0  }
0x67: {  	[smem:$0x7F2] =	sst s7;
	s7 =	simm.s32 @!p1 $0x0;
	p0 =	slt.u32 @!p2 s6, $0x1681  }
0x68: {  	s7 =	simm.s32 @p1 $0x1;
	p1 =	por p2, p0  }
0x69: {  	[smem:$0x7F5] =	sst s7;
	s7 =	simm.s32 @!p1 $0x0;
	p0 =	slt.u32 @!p1 s6, $0x1A41  }
0x6a: {  	s7 =	simm.s32 @p1 $0x1;
	p4 =	por p1, p0  }
0x6b: {  	[smem:$0x7FD] =	sst s7;
	p0 =	slt.u32 @!p4 s6, $0x1E01;
	s7 =	simm.s32 @!p4 $0x0  }
0x6c: {  	s7 =	simm.s32 @p4 $0x1;
	p4 =	por p4, p0  }
0x6d: {  	[smem:$0x7ED] =	sst s7;
	p0 =	slt.u32 @!p4 s6, $0x21C1;
	s7 =	simm.s32 @!p4 $0x0  }
0x6e: {  	s7 =	simm.s32 @p4 $0x1;
	p1 =	por p4, p0  }
0x6f: {  	[smem:$0x7EE] =	sst s7;
	p0 =	slt.u32 @!p1 s6, $0x2581;
	s7 =	simm.s32 @!p1 $0x0  }
0x70: {  	s11 =	simm.s32 $0xD5C0;
	s7 =	simm.s32 @p1 $0x1;
	p3 =	por p1, p0  }
0x71: {  	[smem:$0x7EF] =	sst s7;
	p0 =	slt.u32 @!p3 s6, $0x2941;
	s7 =	simm.s32 @!p3 $0x0  }
0x72: {  	s10 =	simm.s32 $0x120C0;
	s7 =	simm.s32 @p3 $0x1;
	p1 =	por p3, p0  }
0x73: {  	[smem:$0x7F0] =	sst s7;
	p0 =	slt.u32 @!p1 s6, $0x2D01;
	s7 =	simm.s32 @!p1 $0x0  }
0x74: {  	p3 =	por p2, p2;
	s7 =	simm.s32 @p1 $0x1;
	p2 =	por p1, p0  }
0x75: {  	[smem:$0x7F1] =	sst s7;
	p0 =	slt.u32 @!p2 s6, $0x30C1;
	s7 =	simm.s32 @!p2 $0x0  }
0x76: {  	s12 =	simm.s32 @!p5 $0x0;
	s7 =	simm.s32 @p2 $0x1;
	p2 =	por p2, p0  }
0x77: {  	s12 =	simm.s32 @p5 $0x1;
	s29 =	sld [smem:$0x7F2];
	p0 =	slt.u32 @!p2 s6, $0x3481  }
0x78: {  	[smem:$0x7F3] =	sst s7;
	s7 =	simm.s32 @!p2 $0x0;
	p4 =	por p2, p0  }
0x79: {  	s30 =	sld [smem:$0x7F5];
	s7 =	simm.s32 @p2 $0x1;
	s8 =	simm.s32 @!p4 $0x0  }
0x7a: {  	[smem:$0x7F4] =	sst s7;
	p0 =	slt.u32 @!p4 s6, $0x3841;
	s8 =	simm.s32 @p4 $0x1  }
0x7b: {  	s7 =	simm.s32 $0x1;
	p4 =	por p4, p0;
	[smem:$0x7F6] =	sst s8  }
0x7c: {  	p0 =	slt.u32 @!p4 s6, $0x3C01;
	s8 =	simm.s32 @!p4 $0x0;
	_ =	swait.ge [sflag:s7], $0x4B00  }
0x7d: {  	s8 =	simm.s32 @p4 $0x1;
	p4 =	por p4, p0;
	[sflag:s7] =	ssyncset.done $0x0  }
0x7e: {  	[smem:$0x7F7] =	sst s8;
	s9 =	simm.s32 @!p4 $0x0;
	[sflag:s7] =	ssyncadd.s32 $0xFFFFB500  }
0x7f: {  	p1 =	seq.s32 s29, $0x1;
	s9 =	simm.s32 @p4 $0x1;
	[bflag:$0x0] =	sbarrier.arrive $0xFFFF  }
0x80: {  	p2 =	seq.s32 s30, $0x1;
	p0 =	slt.u32 @!p4 s6, $0x3FC1;
	[smem:$0x7F8] =	sst s9  }
0x81: {  	p0 =	por p4, p0;
	[smem:$0x7FA] =	sst s12;
	s12 =	simm.s32 @!p6 $0x0  }
0x82: {  	s9 =	simm.s32 @!p0 $0x0;
	s31 =	sld [smem:$0x7FD];
	s12 =	simm.s32 @p6 $0x1  }
0x83: {  	s9 =	simm.s32 @p0 $0x1;
	[smem:$0x7FB] =	sst s12;
	s12 =	simm.s32 @!p3 $0x0  }
0x84: {  	s8 =	simm.s32 $0x0;
	[smem:$0x7F9] =	sst s9;
	s12 =	simm.s32 @p3 $0x1  }
0x85: {  	s9 =	simm.s32 $0x3C0;
	p4 =	seq.s32 s31, $0x1;
	[smem:$0x7FC] =	sst s12  }
.LBB2_9:
0x86: {  	s12 =	sld [smem:$0x7EC];
	_ =	sdelay $0x2  }
0x87: {  	p0 =	seq.s32 s12, $0x1  }
0x88: {  	s12 =	simm.s32 @!p0 $0x3C0;
	s13 =	simm.s32 @!p0 $0xE100;
	s14 =	simm.s32 @!p0 $0x9600  }
0x89: {  	[tilespmem:s14], [sflag:$0x1] =	stream.indirect.gather @!p0 [spmem:s2], $0x1, s13, s12, $0xb8;
	[tilespmem:$0x1B410] =	vst v63  }
0x8a: {  	s12 =	simm.s32 @!p0 $0x1  }
0x8b: {  	_ =	swait.ge @!p0 [sflag:s12], $0x3C0  }
0x8c: {  	s13 =	simm.s32 @!p5 $0xE4C0;
	[sflag:s12] =	ssyncset.done @!p0 $0x0  }
0x8d: {  	s14 =	simm.s32 @!p5 $0x99C0;
	[sflag:s12] =	ssyncadd.s32 @!p0 $0xFFFFFC40;
	s12 =	simm.s32 @!p5 $0x3C0  }
0x8e: {  	[tilespmem:s14], [sflag:$0x1] =	stream.indirect.gather @!p5 [spmem:s2], $0x1, s13, s12, $0xb8;
	[tilespmem:$0x1B410] =	vst v63  }
0x8f: {  	s12 =	simm.s32 @!p5 $0x1  }
0x90: {  	_ =	swait.ge @!p5 [sflag:s12], $0x3C0  }
0x91: {  	s13 =	simm.s32 @!p6 $0xE880;
	[sflag:s12] =	ssyncset.done @!p5 $0x0  }
0x92: {  	s14 =	simm.s32 @!p6 $0x9D80;
	[sflag:s12] =	ssyncadd.s32 @!p5 $0xFFFFFC40;
	s12 =	simm.s32 @!p6 $0x3C0  }
0x93: {  	[tilespmem:s14], [sflag:$0x1] =	stream.indirect.gather @!p6 [spmem:s2], $0x1, s13, s12, $0xb8;
	[tilespmem:$0x1B410] =	vst v63  }
0x94: {  	s12 =	simm.s32 @!p6 $0x1  }
0x95: {  	_ =	swait.ge @!p6 [sflag:s12], $0x3C0  }
0x96: {  	s13 =	simm.s32 @!p1 $0xEC40;
	[sflag:s12] =	ssyncset.done @!p6 $0x0  }
0x97: {  	s14 =	simm.s32 @!p1 $0xA140;
	[sflag:s12] =	ssyncadd.s32 @!p6 $0xFFFFFC40;
	s12 =	simm.s32 @!p1 $0x3C0  }
0x98: {  	[tilespmem:s14], [sflag:$0x1] =	stream.indirect.gather @!p1 [spmem:s2], $0x1, s13, s12, $0xb8;
	[tilespmem:$0x1B410] =	vst v63  }
0x99: {  	s12 =	simm.s32 @!p1 $0x1  }
0x9a: {  	_ =	swait.ge @!p1 [sflag:s12], $0x3C0  }
0x9b: {  	s13 =	simm.s32 @!p2 $0xF000;
	[sflag:s12] =	ssyncset.done @!p1 $0x0  }
0x9c: {  	s14 =	simm.s32 @!p2 $0xA500;
	[sflag:s12] =	ssyncadd.s32 @!p1 $0xFFFFFC40;
	s12 =	simm.s32 @!p2 $0x3C0  }
0x9d: {  	[tilespmem:s14], [sflag:$0x1] =	stream.indirect.gather @!p2 [spmem:s2], $0x1, s13, s12, $0xb8;
	[tilespmem:$0x1B410] =	vst v63  }
0x9e: {  	s12 =	simm.s32 @!p2 $0x1  }
0x9f: {  	_ =	swait.ge @!p2 [sflag:s12], $0x3C0  }
0xa0: {  	s13 =	simm.s32 @!p3 $0xF3C0;
	[sflag:s12] =	ssyncset.done @!p2 $0x0  }
0xa1: {  	s14 =	simm.s32 @!p3 $0xA8C0;
	[sflag:s12] =	ssyncadd.s32 @!p2 $0xFFFFFC40;
	s12 =	simm.s32 @!p3 $0x3C0  }
0xa2: {  	[tilespmem:s14], [sflag:$0x1] =	stream.indirect.gather @!p3 [spmem:s2], $0x1, s13, s12, $0xb8;
	[tilespmem:$0x1B410] =	vst v63  }
0xa3: {  	s12 =	simm.s32 @!p3 $0x1  }
0xa4: {  	_ =	swait.ge @!p3 [sflag:s12], $0x3C0  }
0xa5: {  	s13 =	simm.s32 @!p4 $0xF780;
	[sflag:s12] =	ssyncset.done @!p3 $0x0  }
0xa6: {  	s14 =	simm.s32 @!p4 $0xAC80;
	[sflag:s12] =	ssyncadd.s32 @!p3 $0xFFFFFC40;
	s12 =	simm.s32 @!p4 $0x3C0  }
0xa7: {  	[tilespmem:s14], [sflag:$0x1] =	stream.indirect.gather @!p4 [spmem:s2], $0x1, s13, s12, $0xb8;
	[tilespmem:$0x1B410] =	vst v63  }
0xa8: {  	s12 =	simm.s32 @!p4 $0x1  }
0xa9: {  	_ =	swait.ge @!p4 [sflag:s12], $0x3C0  }
0xaa: {  	s21 =	sld [smem:$0x7ED];
	_ =	sdelay $0x1  }
0xab: {  	[sflag:s12] =	ssyncset.done @!p4 $0x0  }
0xac: {  	[sflag:s12] =	ssyncadd.s32 @!p4 $0xFFFFFC40;
	p5 =	seq.s32 s21, $0x1  }
0xad: {  	s12 =	simm.s32 @!p5 $0x3C0;
	s13 =	simm.s32 @!p5 $0xFB40;
	s14 =	simm.s32 @!p5 $0xB040  }
0xae: {  	[tilespmem:s14], [sflag:$0x1] =	stream.indirect.gather @!p5 [spmem:s2], $0x1, s13, s12, $0xb8;
	[tilespmem:$0x1B410] =	vst v63  }
0xaf: {  	s12 =	simm.s32 @!p5 $0x1  }
0xb0: {  	s20 =	sld [smem:$0x7F8];
	_ =	swait.ge @!p5 [sflag:s12], $0x3C0  }
0xb1: {  	s23 =	sld [smem:$0x7EE];
	_ =	sdelay $0x1  }
0xb2: {  	[sflag:s12] =	ssyncset.done @!p5 $0x0  }
0xb3: {  	s22 =	sld [smem:$0x7EF];
	[sflag:s12] =	ssyncadd.s32 @!p5 $0xFFFFFC40;
	p2 =	seq.s32 s23, $0x1  }
0xb4: {  	s12 =	simm.s32 @!p2 $0x3C0;
	s13 =	simm.s32 @!p2 $0xFF00;
	s14 =	simm.s32 @!p2 $0xB400  }
0xb5: {  	[tilespmem:s14], [sflag:$0x1] =	stream.indirect.gather @!p2 [spmem:s2], $0x1, s13, s12, $0xb8;
	[tilespmem:$0x1B410] =	vst v63  }
0xb6: {  	s12 =	simm.s32 @!p2 $0x1  }
0xb7: {  	p5 =	seq.s32 s22, $0x1;
	_ =	swait.ge @!p2 [sflag:s12], $0x3C0  }
0xb8: {  	s13 =	simm.s32 @!p5 $0x102C0;
	[sflag:s12] =	ssyncset.done @!p2 $0x0  }
0xb9: {  	s14 =	simm.s32 @!p5 $0xB7C0;
	[sflag:s12] =	ssyncadd.s32 @!p2 $0xFFFFFC40;
	s12 =	simm.s32 @!p5 $0x3C0  }
0xba: {  	[tilespmem:s14], [sflag:$0x1] =	stream.indirect.gather @!p5 [spmem:s2], $0x1, s13, s12, $0xb8;
	[tilespmem:$0x1B410] =	vst v63  }
0xbb: {  	s12 =	simm.s32 @!p5 $0x1  }
0xbc: {  	_ =	swait.ge @!p5 [sflag:s12], $0x3C0  }
0xbd: {  	s25 =	sld [smem:$0x7F0];
	_ =	sdelay $0x1  }
0xbe: {  	[sflag:s12] =	ssyncset.done @!p5 $0x0  }
0xbf: {  	s24 =	sld [smem:$0x7F1];
	[sflag:s12] =	ssyncadd.s32 @!p5 $0xFFFFFC40;
	p2 =	seq.s32 s25, $0x1  }
0xc0: {  	s12 =	simm.s32 @!p2 $0x3C0;
	s13 =	simm.s32 @!p2 $0x10680;
	s14 =	simm.s32 @!p2 $0xBB80  }
0xc1: {  	[tilespmem:s14], [sflag:$0x1] =	stream.indirect.gather @!p2 [spmem:s2], $0x1, s13, s12, $0xb8;
	[tilespmem:$0x1B410] =	vst v63  }
0xc2: {  	s12 =	simm.s32 @!p2 $0x1  }
0xc3: {  	p5 =	seq.s32 s24, $0x1;
	_ =	swait.ge @!p2 [sflag:s12], $0x3C0  }
0xc4: {  	s13 =	simm.s32 @!p5 $0x10A40;
	[sflag:s12] =	ssyncset.done @!p2 $0x0  }
0xc5: {  	s14 =	simm.s32 @!p5 $0xBF40;
	[sflag:s12] =	ssyncadd.s32 @!p2 $0xFFFFFC40;
	s12 =	simm.s32 @!p5 $0x3C0  }
0xc6: {  	[tilespmem:s14], [sflag:$0x1] =	stream.indirect.gather @!p5 [spmem:s2], $0x1, s13, s12, $0xb8;
	[tilespmem:$0x1B410] =	vst v63  }
0xc7: {  	s12 =	simm.s32 @!p5 $0x1  }
0xc8: {  	_ =	swait.ge @!p5 [sflag:s12], $0x3C0  }
0xc9: {  	s28 =	sld [smem:$0x7F3];
	_ =	sdelay $0x1  }
0xca: {  	[sflag:s12] =	ssyncset.done @!p5 $0x0  }
0xcb: {  	s26 =	sld [smem:$0x7F4];
	[sflag:s12] =	ssyncadd.s32 @!p5 $0xFFFFFC40;
	p5 =	seq.s32 s28, $0x1  }
0xcc: {  	s12 =	simm.s32 @!p5 $0x3C0;
	s13 =	simm.s32 @!p5 $0x10E00;
	s14 =	simm.s32 @!p5 $0xC300  }
0xcd: {  	[tilespmem:s14], [sflag:$0x1] =	stream.indirect.gather @!p5 [spmem:s2], $0x1, s13, s12, $0xb8;
	[tilespmem:$0x1B410] =	vst v63  }
0xce: {  	s12 =	simm.s32 @!p5 $0x1  }
0xcf: {  	p6 =	por p1, p1;
	p1 =	seq.s32 s26, $0x1;
	_ =	swait.ge @!p5 [sflag:s12], $0x3C0  }
0xd0: {  	s13 =	simm.s32 @!p1 $0x111C0;
	[sflag:s12] =	ssyncset.done @!p5 $0x0  }
0xd1: {  	s14 =	simm.s32 @!p1 $0xC6C0;
	[sflag:s12] =	ssyncadd.s32 @!p5 $0xFFFFFC40;
	s12 =	simm.s32 @!p1 $0x3C0  }
0xd2: {  	[tilespmem:s14], [sflag:$0x1] =	stream.indirect.gather @!p1 [spmem:s2], $0x1, s13, s12, $0xb8;
	[tilespmem:$0x1B410] =	vst v63  }
0xd3: {  	s12 =	simm.s32 @!p1 $0x1  }
0xd4: {  	_ =	swait.ge @!p1 [sflag:s12], $0x3C0  }
0xd5: {  	s29 =	sld [smem:$0x7F6];
	_ =	sdelay $0x1  }
0xd6: {  	[sflag:s12] =	ssyncset.done @!p1 $0x0  }
0xd7: {  	[sflag:s12] =	ssyncadd.s32 @!p1 $0xFFFFFC40;
	p5 =	seq.s32 s29, $0x1  }
0xd8: {  	s12 =	simm.s32 @!p5 $0x3C0;
	s13 =	simm.s32 @!p5 $0x11580;
	s14 =	simm.s32 @!p5 $0xCA80  }
0xd9: {  	[tilespmem:s14], [sflag:$0x1] =	stream.indirect.gather @!p5 [spmem:s2], $0x1, s13, s12, $0xb8;
	[tilespmem:$0x1B410] =	vst v63  }
0xda: {  	s12 =	simm.s32 @!p5 $0x1  }
0xdb: {  	_ =	swait.ge @!p5 [sflag:s12], $0x3C0  }
0xdc: {  	s30 =	sld [smem:$0x7F7];
	_ =	sdelay $0x1  }
0xdd: {  	[sflag:s12] =	ssyncset.done @!p5 $0x0  }
0xde: {  	[sflag:s12] =	ssyncadd.s32 @!p5 $0xFFFFFC40;
	p1 =	seq.s32 s30, $0x1  }
0xdf: {  	s12 =	simm.s32 @!p1 $0x3C0;
	s13 =	simm.s32 @!p1 $0x11940;
	s14 =	simm.s32 @!p1 $0xCE40  }
0xe0: {  	[tilespmem:s14], [sflag:$0x1] =	stream.indirect.gather @!p1 [spmem:s2], $0x1, s13, s12, $0xb8;
	[tilespmem:$0x1B410] =	vst v63  }
0xe1: {  	s12 =	simm.s32 @!p1 $0x1  }
0xe2: {  	p0 =	seq.s32 s20, $0x1;
	_ =	swait.ge @!p1 [sflag:s12], $0x3C0  }
0xe3: {  	s13 =	simm.s32 @!p0 $0x11D00;
	[sflag:s12] =	ssyncset.done @!p1 $0x0  }
0xe4: {  	s14 =	simm.s32 @!p0 $0xD200;
	[sflag:s12] =	ssyncadd.s32 @!p1 $0xFFFFFC40;
	s12 =	simm.s32 @!p0 $0x3C0  }
0xe5: {  	[tilespmem:s14], [sflag:$0x1] =	stream.indirect.gather @!p0 [spmem:s2], $0x1, s13, s12, $0xb8;
	[tilespmem:$0x1B410] =	vst v63  }
0xe6: {  	s12 =	simm.s32 @!p0 $0x1  }
0xe7: {  	_ =	swait.ge @!p0 [sflag:s12], $0x3C0  }
0xe8: {  	s31 =	sld [smem:$0x7F9];
	_ =	sdelay $0x1  }
0xe9: {  	[sflag:s12] =	ssyncset.done @!p0 $0x0  }
0xea: {  	[sflag:s12] =	ssyncadd.s32 @!p0 $0xFFFFFC40;
	p0 =	seq.s32 s31, $0x1  }
.Ltmp4:
0xeb: {  	_ = 	snop;
	(pc) =	sbr.rel @p0 .LBB2_10-.Ltmp4, $1  }
0xec: {  	_ =	sdelay $0x3  }
0xed: {  	[tilespmem:s11], [sflag:$0x1] =	stream.indirect.gather [spmem:s2], $0x1, s10, s9, $0xb8;
	[tilespmem:$0x1B410] =	vst v63  }
0xee: {  	p1 =	slt.u32 s6, $0x4381  }
0xef: {  	_ =	swait.ge [sflag:s7], $0x3C0;
	s12 =	simm.s32 @!p1 $0x3C0;
	s13 =	simm.s32 @!p1 $0x12480  }
0xf0: {  	s14 =	simm.s32 @!p1 $0xD980;
	p0 =	slt.u32 @!p1 s6, $0x4741;
	[sflag:s7] =	ssyncset.done $0x0  }
0xf1: {  	p2 =	por @!p1 $0x1, $0x1;
	p3 =	por @!p1 $0x0, $0x0;
	[sflag:s7] =	ssyncadd.s32 $0xFFFFFC40  }
0xf2: {  	[tilespmem:s14], [sflag:$0x1] =	stream.indirect.gather @!p1 [spmem:s2], $0x1, s13, s12, $0xb8;
	[tilespmem:$0x1B410] =	vst v63  }
0xf3: {  	p6 =	por p0, p1;
	p0 =	por !p0, p1;
	s12 =	simm.s32 @!p1 $0x1  }
0xf4: {  	p4 =	por @!p6 $0x1, $0x1;
	s13 =	simm.s32 @!p6 $0x12840;
	_ =	swait.ge @!p1 [sflag:s12], $0x3C0  }
0xf5: {  	s14 =	simm.s32 @!p6 $0xDD40;
	p5 =	por p4, p4;
	[sflag:s12] =	ssyncset.done @!p1 $0x0  }
0xf6: {  	p4 =	por @!p0 p2, p2;
	[sflag:s12] =	ssyncadd.s32 @!p1 $0xFFFFFC40;
	s12 =	simm.s32 @!p6 $0x0  }
0xf7: {  	p5 =	por @!p0 p3, p3;
	p3 =	por $0x0, $0x0;
	s12 =	simm.s32 @p6 $0x1  }
0xf8: {  	p3 =	por @!p1 p5, p5;
	[smem:$0x7D4] =	sst s12;
	s12 =	simm.s32 @!p6 $0x3C0  }
0xf9: {  	[tilespmem:s14], [sflag:$0x1] =	stream.indirect.gather @!p6 [spmem:s2], $0x1, s13, s12, $0xb8;
	[tilespmem:$0x1B410] =	vst v63  }
0xfa: {  	p0 =	por $0x1, $0x1;
	s12 =	simm.s32 @!p6 $0x1;
	s13 =	simm.s32 @!p3 $0x0  }
0xfb: {  	p0 =	por @!p1 p4, p4;
	_ =	swait.ge @!p6 [sflag:s12], $0x3C0;
	s13 =	simm.s32 @p3 $0x1  }
0xfc: {  	p2 =	por $0x1, $0x1;
	[smem:$0x7E8] =	sst s13;
	s13 =	simm.s32 @!p0 $0x0  }
0xfd: {  	p2 =	por @!p1 p4, p4;
	s13 =	simm.s32 @p0 $0x1  }
0xfe: {  	p0 =	por $0x1, $0x1;
	[smem:$0x7E9] =	sst s13;
	s13 =	simm.s32 @!p2 $0x0  }
0xff: {  	p0 =	por @!p1 p4, p4;
	s13 =	simm.s32 @p2 $0x1  }
0x100: {  	[smem:$0x7DA] =	sst s13;
	s13 =	simm.s32 @!p0 $0x0  }
0x101: {  	s13 =	simm.s32 @p0 $0x1;
	p0 =	por $0x1, $0x1  }
0x102: {  	p0 =	por @!p1 p4, p4  }
0x103: {  	[smem:$0x7DB] =	sst s13;
	s13 =	simm.s32 @!p0 $0x0  }
0x104: {  	s13 =	simm.s32 @p0 $0x1;
	p0 =	por $0x1, $0x1  }
0x105: {  	p0 =	por @!p1 p4, p4  }
0x106: {  	p2 =	por $0x1, $0x1;
	[smem:$0x7DC] =	sst s13;
	s13 =	simm.s32 @!p0 $0x0  }
0x107: {  	p2 =	por @!p1 p4, p4;
	s13 =	simm.s32 @p0 $0x1  }
0x108: {  	p0 =	por $0x1, $0x1;
	[smem:$0x7DD] =	sst s13;
	s13 =	simm.s32 @!p2 $0x0  }
0x109: {  	p0 =	por @!p1 p4, p4;
	s13 =	simm.s32 @p2 $0x1  }
0x10a: {  	p2 =	por $0x1, $0x1;
	[smem:$0x7DE] =	sst s13;
	s13 =	simm.s32 @!p0 $0x0  }
0x10b: {  	p2 =	por @!p1 p4, p4;
	s13 =	simm.s32 @p0 $0x1  }
0x10c: {  	p0 =	por $0x1, $0x1;
	[smem:$0x7DF] =	sst s13;
	s13 =	simm.s32 @!p2 $0x0  }
0x10d: {  	p0 =	por @!p1 p4, p4;
	s13 =	simm.s32 @p2 $0x1  }
0x10e: {  	p2 =	por $0x1, $0x1;
	[smem:$0x7E0] =	sst s13;
	s13 =	simm.s32 @!p0 $0x0  }
0x10f: {  	p2 =	por @!p1 p4, p4;
	s13 =	simm.s32 @p0 $0x1  }
0x110: {  	p3 =	por $0x1, $0x1;
	[smem:$0x7E1] =	sst s13;
	s13 =	simm.s32 @!p2 $0x0  }
0x111: {  	[sflag:s12] =	ssyncset.done @!p6 $0x0;
	p3 =	por @!p1 p4, p4;
	s13 =	simm.s32 @p2 $0x1  }
0x112: {  	p6 =	por $0x1, $0x1;
	[smem:$0x7E2] =	sst s13;
	s13 =	simm.s32 @!p3 $0x0  }
0x113: {  	p6 =	por @!p1 p4, p4;
	s13 =	simm.s32 @p3 $0x1  }
0x114: {  	p3 =	por $0x1, $0x1;
	[smem:$0x7E3] =	sst s13;
	s13 =	simm.s32 @!p6 $0x0  }
0x115: {  	p3 =	por @!p1 p4, p4;
	s13 =	simm.s32 @p6 $0x1  }
0x116: {  	[smem:$0x7E4] =	sst s13;
	s13 =	simm.s32 @!p3 $0x0  }
0x117: {  	s13 =	simm.s32 @p3 $0x1;
	p3 =	por $0x1, $0x1  }
0x118: {  	p3 =	por @!p1 p4, p4  }
0x119: {  	[smem:$0x7E5] =	sst s13;
	s13 =	simm.s32 @!p3 $0x0  }
0x11a: {  	s31 =	sld [smem:$0x7D4];
	s13 =	simm.s32 @p3 $0x1;
	p3 =	por $0x1, $0x1  }
0x11b: {  	p0 =	por $0x1, $0x1;
	p6 =	por $0x0, $0x0;
	p3 =	por @!p1 p4, p4  }
.Ltmp5:
0x11c: {  	[smem:$0x7E6] =	sst s13;
	s13 =	simm.s32 @!p3 $0x0;
	(pc) =	sbr.rel .LBB2_12-.Ltmp5, $4  }
0x11d: {  	p0 =	por @!p1 p4, p4;
	p6 =	por @!p1 p4, p4;
	s13 =	simm.s32 @p3 $0x1  }
0x11e: {  	p2 =	por $0x1, $0x1;
	[smem:$0x7E7] =	sst s13;
	s13 =	simm.s32 @!p6 $0x0  }
0x11f: {  	p2 =	por @!p1 p4, p4;
	p1 =	seq.s32 s31, $0x1;
	s13 =	simm.s32 @p6 $0x1  }
0x120: {  	[sflag:s12] =	ssyncadd.s32 @!p1 $0xFFFFFC40;
	[smem:$0x7EA] =	sst s13  }
.LBB2_10:
0x121: {  	s25 =	sld [smem:$0x7FB];
	_ =	sdelay $0x1  }
0x122: {  	s12 =	sld [smem:$0x7EC]  }
0x123: {  	p5 =	seq.s32 s25, $0x1  }
0x124: {  	s24 =	sld [smem:$0x7FA];
	p3 =	por @!p5 $0x0, $0x0  }
0x125: {  	p1 =	por p6, p6;
	p4 =	seq.s32 s12, $0x1;
	s12 =	simm.s32 @!p3 $0x0  }
0x126: {  	p0 =	por $0x0, $0x0;
	p2 =	por @!p4 $0x0, $0x0;
	s12 =	simm.s32 @p3 $0x1  }
0x127: {  	p0 =	por @!p4 p2, p2;
	p4 =	seq.s32 s24, $0x1;
	[smem:$0x7D5] =	sst s12  }
0x128: {  	p2 =	por @!p4 $0x0, $0x0;
	p6 =	por p0, p0;
	s12 =	sld [smem:$0x7D5]  }
0x129: {  	s26 =	sld [smem:$0x7F5];
	p6 =	por @!p4 p2, p2  }
0x12a: {  	p3 =	por p5, p5;
	p2 =	por @!p4 $0x1, $0x1;
	p5 =	por p6, p6  }
0x12b: {  	p0 =	por @!p4 p2, p2;
	p2 =	por @!p3 $0x1, $0x1;
	p4 =	seq.s32 s12, $0x1  }
0x12c: {  	p6 =	por @!p3 p2, p2;
	p5 =	por @!p3 p4, p4;
	p4 =	por @!p3 $0x1, $0x1  }
0x12d: {  	p0 =	por @!p3 p4, p4;
	p4 =	por p5, p5;
	p3 =	por @!p1 $0x0, $0x0  }
0x12e: {  	p4 =	por @!p1 p3, p3  }
0x12f: {  	p2 =	seq.s32 s26, $0x1;
	p3 =	por p4, p4;
	p4 =	por @!p1 $0x1, $0x1  }
0x130: {  	p5 =	por @!p1 p4, p4;
	p0 =	por @!p1 p4, p4;
	p4 =	por @!p1 $0x1, $0x1  }
0x131: {  	p6 =	por @!p1 p4, p4;
	p4 =	por p3, p3;
	p1 =	por @!p2 $0x0, $0x0  }
0x132: {  	p4 =	por @!p2 p1, p1;
	p1 =	por @!p2 $0x1, $0x1  }
0x133: {  	s28 =	sld [smem:$0x7FC];
	p5 =	por @!p2 p1, p1  }
0x134: {  	p1 =	por @!p2 $0x1, $0x1;
	s12 =	simm.s32 @!p5 $0x0  }
0x135: {  	p0 =	por @!p2 p1, p1;
	p6 =	por @!p2 p1, p1;
	s12 =	simm.s32 @p5 $0x1  }
0x136: {  	p1 =	seq.s32 s28, $0x1;
	[smem:$0x7E0] =	sst s12;
	s12 =	simm.s32 @!p6 $0x0  }
0x137: {  	p1 =	por @!p1 $0x0, $0x0;
	s12 =	simm.s32 @p6 $0x1  }
0x138: {  	[smem:$0x7D8] =	sst s12;
	s12 =	simm.s32 @!p1 $0x0  }
0x139: {  	s29 =	sld [smem:$0x7FC];
	s12 =	simm.s32 @p1 $0x1  }
0x13a: {  	[smem:$0x7D6] =	sst s12  }
0x13b: {  	s30 =	sld [smem:$0x7D6];
	_ =	sdelay $0x1  }
0x13c: {  	p5 =	por p4, p4;
	s31 =	sld [smem:$0x7E0];
	p1 =	por @!p2 $0x1, $0x1  }
0x13d: {  	p3 =	por @!p2 p1, p1;
	p2 =	seq.s32 s29, $0x1;
	p1 =	seq.s32 s30, $0x1  }
0x13e: {  	s13 =	sld [smem:$0x7D8];
	p5 =	por @!p2 p1, p1  }
0x13f: {  	s14 =	sld [smem:$0x7FD];
	s12 =	simm.s32 @!p5 $0x0  }
0x140: {  	s18 =	sld [smem:$0x7FD];
	s12 =	simm.s32 @p5 $0x1;
	p5 =	por @!p2 $0x1, $0x1  }
0x141: {  	p6 =	seq.s32 s31, $0x1;
	p1 =	seq.s32 s13, $0x1;
	p4 =	por @!p2 p5, p5  }
0x142: {  	[smem:$0x7EB] =	sst s12;
	p6 =	por @!p2 p5, p5;
	s12 =	simm.s32 @!p4 $0x0  }
0x143: {  	p0 =	por @!p2 p5, p5;
	p1 =	por @!p2 p5, p5;
	s12 =	simm.s32 @p4 $0x1  }
0x144: {  	p5 =	por p3, p3;
	p4 =	por @!p2 $0x1, $0x1;
	[smem:$0x7DF] =	sst s12  }
0x145: {  	s12 =	simm.s32 @!p1 $0x0;
	p5 =	por @!p2 p4, p4;
	p2 =	seq.s32 s14, $0x1  }
0x146: {  	s15 =	sld [smem:$0x7EB];
	s12 =	simm.s32 @p1 $0x1;
	p3 =	por @!p2 $0x1, $0x1  }
0x147: {  	[smem:$0x7D8] =	sst s12;
	s12 =	simm.s32 @!p3 $0x0  }
0x148: {  	s16 =	sld [smem:$0x7DF];
	s12 =	simm.s32 @p3 $0x1  }
0x149: {  	[smem:$0x7D7] =	sst s12  }
0x14a: {  	s17 =	sld [smem:$0x7D7]  }
0x14b: {  	p1 =	por @!p2 $0x0, $0x0;
	p4 =	seq.s32 s15, $0x1  }
0x14c: {  	s20 =	sld [smem:$0x7FD];
	p4 =	por @!p2 p1, p1;
	p1 =	seq.s32 s18, $0x1  }
0x14d: {  	p3 =	seq.s32 s16, $0x1;
	s19 =	sld [smem:$0x7D7];
	p2 =	seq.s32 s17, $0x1  }
0x14e: {  	p3 =	por @!p1 p2, p2  }
0x14f: {  	s21 =	sld [smem:$0x7D8];
	s12 =	simm.s32 @!p3 $0x0  }
0x150: {  	p1 =	seq.s32 s20, $0x1;
	s12 =	simm.s32 @p3 $0x1;
	p3 =	seq.s32 s19, $0x1  }
0x151: {  	p6 =	por @!p1 p3, p3  }
0x152: {  	p2 =	seq.s32 s21, $0x1;
	[smem:$0x7DF] =	sst s12;
	s12 =	simm.s32 @!p6 $0x0  }
0x153: {  	s26 =	sld [smem:$0x7FD];
	p2 =	por @!p1 p3, p3;
	s12 =	simm.s32 @p6 $0x1  }
0x154: {  	[smem:$0x7E0] =	sst s12;
	s12 =	simm.s32 @!p2 $0x0  }
0x155: {  	s24 =	sld [smem:$0x7EB];
	p5 =	por @!p1 p3, p3;
	s12 =	simm.s32 @p2 $0x1  }
0x156: {  	[smem:$0x7D8] =	sst s12;
	s12 =	simm.s32 @!p5 $0x0  }
0x157: {  	s25 =	sld [smem:$0x7D7];
	s12 =	simm.s32 @p5 $0x1  }
0x158: {  	[smem:$0x7E2] =	sst s12;
	s12 =	simm.s32 @!p4 $0x0  }
0x159: {  	s23 =	sld [smem:$0x7ED];
	s12 =	simm.s32 @p4 $0x1  }
0x15a: {  	p0 =	por @!p1 p3, p3;
	p1 =	seq.s32 s25, $0x1;
	[smem:$0x7E3] =	sst s12  }
0x15b: {  	p6 =	seq.s32 s26, $0x1;
	p5 =	seq.s32 s24, $0x1;
	s28 =	sld [smem:$0x7E3]  }
0x15c: {  	p5 =	por @!p6 p1, p1  }
0x15d: {  	p2 =	seq.s32 s23, $0x1;
	s12 =	simm.s32 @!p5 $0x0  }
0x15e: {  	p1 =	por @!p2 $0x0, $0x0;
	s12 =	simm.s32 @p5 $0x1;
	p5 =	seq.s32 s28, $0x1  }
0x15f: {  	s29 =	sld [smem:$0x7DF];
	p5 =	por @!p2 p1, p1  }
0x160: {  	[smem:$0x7EB] =	sst s12;
	p1 =	por @!p2 $0x1, $0x1;
	s12 =	simm.s32 @!p5 $0x0  }
0x161: {  	p4 =	por @!p2 p1, p1;
	s12 =	simm.s32 @p5 $0x1  }
0x162: {  	[smem:$0x7E3] =	sst s12;
	s12 =	simm.s32 @!p4 $0x0  }
0x163: {  	s30 =	sld [smem:$0x7E0];
	s12 =	simm.s32 @p4 $0x1;
	p4 =	seq.s32 s29, $0x1  }
0x164: {  	s22 =	sld [smem:$0x7EE];
	p4 =	por @!p2 p1, p1  }
0x165: {  	[smem:$0x7DE] =	sst s12;
	s12 =	simm.s32 @!p4 $0x0  }
0x166: {  	s13 =	sld [smem:$0x7E2];
	s12 =	simm.s32 @p4 $0x1;
	p4 =	seq.s32 s30, $0x1  }
0x167: {  	s31 =	sld [smem:$0x7D8];
	p4 =	por @!p2 p1, p1  }
0x168: {  	p3 =	seq.s32 s22, $0x1;
	[smem:$0x7DF] =	sst s12;
	s12 =	simm.s32 @!p4 $0x0  }
0x169: {  	s14 =	sld [smem:$0x7EB];
	s12 =	simm.s32 @p4 $0x1;
	p4 =	seq.s32 s13, $0x1  }
0x16a: {  	p6 =	seq.s32 s31, $0x1;
	s15 =	sld [smem:$0x7E3];
	p4 =	por @!p2 p1, p1  }
0x16b: {  	p0 =	por @!p2 p1, p1;
	[smem:$0x7E0] =	sst s12;
	s12 =	simm.s32 @!p4 $0x0  }
0x16c: {  	p6 =	por @!p2 p1, p1;
	s12 =	simm.s32 @p4 $0x1;
	p4 =	seq.s32 s14, $0x1  }
0x16d: {  	s16 =	sld [smem:$0x7DE];
	p5 =	seq.s32 s15, $0x1;
	p4 =	por @!p2 p1, p1  }
0x16e: {  	[smem:$0x7E2] =	sst s12;
	p2 =	por @!p3 $0x0, $0x0;
	s12 =	simm.s32 @!p4 $0x0  }
0x16f: {  	s17 =	sld [smem:$0x7DF];
	p5 =	por @!p3 p2, p2;
	s12 =	simm.s32 @p4 $0x1  }
0x170: {  	p4 =	por @!p3 $0x1, $0x1;
	p2 =	por p5, p5;
	p5 =	seq.s32 s16, $0x1  }
0x171: {  	p5 =	por @!p3 p4, p4  }
0x172: {  	[smem:$0x7EB] =	sst s12;
	s12 =	simm.s32 @!p5 $0x0  }
0x173: {  	s18 =	sld [smem:$0x7E0];
	s12 =	simm.s32 @p5 $0x1;
	p5 =	seq.s32 s17, $0x1  }
0x174: {  	p5 =	por @!p3 p4, p4  }
0x175: {  	[smem:$0x7DE] =	sst s12;
	s12 =	simm.s32 @!p5 $0x0  }
0x176: {  	s19 =	sld [smem:$0x7E2];
	s12 =	simm.s32 @p5 $0x1;
	p5 =	seq.s32 s18, $0x1  }
0x177: {  	p5 =	por @!p3 p4, p4  }
0x178: {  	[smem:$0x7DF] =	sst s12;
	s12 =	simm.s32 @!p5 $0x0  }
0x179: {  	s20 =	sld [smem:$0x7EB];
	s12 =	simm.s32 @p5 $0x1;
	p5 =	seq.s32 s19, $0x1  }
0x17a: {  	p5 =	por @!p3 p4, p4  }
0x17b: {  	[smem:$0x7E0] =	sst s12;
	s12 =	simm.s32 @!p5 $0x0  }
0x17c: {  	s12 =	simm.s32 @p5 $0x1;
	p5 =	seq.s32 s20, $0x1  }
0x17d: {  	p5 =	por @!p3 p4, p4  }
0x17e: {  	[smem:$0x7E2] =	sst s12;
	s12 =	simm.s32 @!p5 $0x0  }
0x17f: {  	s21 =	sld [smem:$0x7EF];
	s12 =	simm.s32 @p5 $0x1  }
0x180: {  	[smem:$0x7EB] =	sst s12;
	s12 =	simm.s32 @!p2 $0x0  }
0x181: {  	s22 =	sld [smem:$0x7E3];
	s12 =	simm.s32 @p2 $0x1  }
0x182: {  	[smem:$0x7E4] =	sst s12  }
0x183: {  	p1 =	por @!p3 $0x1, $0x1;
	s23 =	sld [smem:$0x7E4]  }
0x184: {  	p0 =	por @!p3 p4, p4;
	p6 =	por @!p3 p4, p4;
	p4 =	seq.s32 s22, $0x1  }
0x185: {  	s31 =	sld [smem:$0x7F0];
	p4 =	por @!p3 p1, p1;
	p5 =	seq.s32 s21, $0x1  }
0x186: {  	p1 =	por @!p5 $0x0, $0x0;
	s12 =	simm.s32 @!p4 $0x0;
	p3 =	seq.s32 s23, $0x1  }
0x187: {  	s24 =	sld [smem:$0x7DE];
	s12 =	simm.s32 @p4 $0x1;
	p3 =	por @!p5 p1, p1  }
0x188: {  	[smem:$0x7E3] =	sst s12;
	p1 =	por @!p5 $0x1, $0x1;
	s12 =	simm.s32 @!p3 $0x0  }
0x189: {  	s25 =	sld [smem:$0x7DF];
	p2 =	por @!p5 p1, p1;
	s12 =	simm.s32 @p3 $0x1  }
0x18a: {  	[smem:$0x7E4] =	sst s12;
	s12 =	simm.s32 @!p2 $0x0  }
0x18b: {  	s26 =	sld [smem:$0x7E0];
	s12 =	simm.s32 @p2 $0x1;
	p2 =	seq.s32 s24, $0x1  }
0x18c: {  	s28 =	sld [smem:$0x7E2];
	p2 =	por @!p5 p1, p1  }
0x18d: {  	[smem:$0x7DD] =	sst s12;
	s12 =	simm.s32 @!p2 $0x0  }
0x18e: {  	s29 =	sld [smem:$0x7EB];
	s12 =	simm.s32 @p2 $0x1;
	p2 =	seq.s32 s25, $0x1  }
0x18f: {  	s30 =	sld [smem:$0x7E3];
	p2 =	por @!p5 p1, p1  }
0x190: {  	p4 =	seq.s32 s26, $0x1;
	[smem:$0x7DE] =	sst s12;
	s12 =	simm.s32 @!p2 $0x0  }
0x191: {  	p4 =	por @!p5 p1, p1;
	p0 =	por @!p5 p1, p1;
	s12 =	simm.s32 @p2 $0x1  }
0x192: {  	p3 =	seq.s32 s29, $0x1;
	[smem:$0x7DF] =	sst s12;
	s12 =	simm.s32 @!p0 $0x0  }
0x193: {  	p3 =	por @!p5 p1, p1;
	s13 =	sld [smem:$0x7E4];
	s12 =	simm.s32 @p0 $0x1  }
0x194: {  	p6 =	por @!p5 p1, p1;
	[smem:$0x7E1] =	sst s12;
	s12 =	simm.s32 @!p3 $0x0  }
0x195: {  	p2 =	seq.s32 s28, $0x1;
	s12 =	simm.s32 @p3 $0x1;
	p3 =	seq.s32 s30, $0x1  }
0x196: {  	p2 =	por @!p5 p1, p1;
	p3 =	por @!p5 p1, p1;
	p1 =	seq.s32 s31, $0x1  }
0x197: {  	s14 =	sld [smem:$0x7DD];
	p5 =	seq.s32 s13, $0x1;
	p0 =	por @!p1 $0x0, $0x0  }
0x198: {  	s15 =	sld [smem:$0x7DE];
	p5 =	por @!p1 p0, p0  }
0x199: {  	[smem:$0x7EB] =	sst s12;
	s12 =	simm.s32 @!p5 $0x0  }
0x19a: {  	p0 =	seq.s32 s14, $0x1;
	s12 =	simm.s32 @p5 $0x1;
	p5 =	por @!p1 $0x1, $0x1  }
0x19b: {  	p0 =	por @!p1 p5, p5  }
0x19c: {  	[smem:$0x7DC] =	sst s12;
	s12 =	simm.s32 @!p0 $0x0  }
0x19d: {  	s16 =	sld [smem:$0x7DF];
	s12 =	simm.s32 @p0 $0x1;
	p0 =	seq.s32 s15, $0x1  }
0x19e: {  	p0 =	por @!p1 p5, p5  }
0x19f: {  	[smem:$0x7DD] =	sst s12;
	s12 =	simm.s32 @!p0 $0x0  }
0x1a0: {  	s12 =	simm.s32 @p0 $0x1;
	p0 =	seq.s32 s16, $0x1  }
0x1a1: {  	s17 =	sld [smem:$0x7E1];
	p0 =	por @!p1 p5, p5  }
0x1a2: {  	[smem:$0x7DE] =	sst s12;
	s12 =	simm.s32 @!p0 $0x0  }
0x1a3: {  	p4 =	por @!p1 p5, p5;
	s12 =	simm.s32 @p0 $0x1  }
0x1a4: {  	[smem:$0x7DF] =	sst s12;
	s12 =	simm.s32 @!p4 $0x0  }
0x1a5: {  	s12 =	simm.s32 @p4 $0x1;
	p4 =	seq.s32 s17, $0x1  }
0x1a6: {  	p4 =	por @!p1 p5, p5  }
0x1a7: {  	[smem:$0x7E0] =	sst s12;
	s12 =	simm.s32 @!p4 $0x0  }
0x1a8: {  	p2 =	por @!p1 p5, p5;
	s12 =	simm.s32 @p4 $0x1  }
0x1a9: {  	[smem:$0x7E1] =	sst s12;
	s12 =	simm.s32 @!p2 $0x0  }
0x1aa: {  	s19 =	sld [smem:$0x7F1];
	p3 =	por @!p1 p5, p5;
	s12 =	simm.s32 @p2 $0x1  }
0x1ab: {  	[smem:$0x7E2] =	sst s12;
	s12 =	simm.s32 @!p3 $0x0  }
0x1ac: {  	s20 =	sld [smem:$0x7DC];
	s12 =	simm.s32 @p3 $0x1;
	p3 =	por @!p1 $0x1, $0x1  }
0x1ad: {  	[smem:$0x7E3] =	sst s12;
	s12 =	simm.s32 @!p3 $0x0  }
0x1ae: {  	s21 =	sld [smem:$0x7E4];
	s12 =	simm.s32 @p3 $0x1  }
0x1af: {  	p3 =	seq.s32 s20, $0x1;
	[smem:$0x7D9] =	sst s12  }
0x1b0: {  	s12 =	simm.s32 @!p3 $0x0;
	s22 =	sld [smem:$0x7D9]  }
0x1b1: {  	s18 =	sld [smem:$0x7EB];
	s12 =	simm.s32 @p3 $0x1  }
0x1b2: {  	p0 =	por p6, p6;
	[smem:$0x7E5] =	sst s12  }
0x1b3: {  	p4 =	seq.s32 s21, $0x1;
	s23 =	sld [smem:$0x7E5];
	p6 =	seq.s32 s22, $0x1  }
0x1b4: {  	p0 =	por @!p1 p5, p5;
	p2 =	seq.s32 s18, $0x1;
	p4 =	por @!p1 p6, p6  }
0x1b5: {  	p2 =	por @!p1 p5, p5;
	p5 =	seq.s32 s19, $0x1;
	s12 =	simm.s32 @!p4 $0x0  }
0x1b6: {  	p1 =	por @!p5 $0x0, $0x0;
	s12 =	simm.s32 @p4 $0x1;
	p4 =	seq.s32 s23, $0x1  }
0x1b7: {  	s25 =	sld [smem:$0x7DE];
	p4 =	por @!p5 p1, p1  }
0x1b8: {  	[smem:$0x7E4] =	sst s12;
	p1 =	por @!p5 $0x1, $0x1;
	s12 =	simm.s32 @!p4 $0x0  }
0x1b9: {  	p3 =	por @!p5 p1, p1;
	s12 =	simm.s32 @p4 $0x1  }
0x1ba: {  	[smem:$0x7E5] =	sst s12;
	s12 =	simm.s32 @!p3 $0x0  }
0x1bb: {  	s26 =	sld [smem:$0x7DF];
	s12 =	simm.s32 @p3 $0x1;
	p3 =	seq.s32 s25, $0x1  }
0x1bc: {  	p3 =	por @!p5 p1, p1  }
0x1bd: {  	[smem:$0x7DC] =	sst s12;
	s12 =	simm.s32 @!p3 $0x0  }
0x1be: {  	s28 =	sld [smem:$0x7E0];
	s12 =	simm.s32 @p3 $0x1;
	p3 =	seq.s32 s26, $0x1  }
0x1bf: {  	p3 =	por @!p5 p1, p1  }
0x1c0: {  	[smem:$0x7DE] =	sst s12;
	s12 =	simm.s32 @!p3 $0x0  }
0x1c1: {  	s29 =	sld [smem:$0x7E1];
	s12 =	simm.s32 @p3 $0x1;
	p3 =	seq.s32 s28, $0x1  }
0x1c2: {  	p3 =	por @!p5 p1, p1  }
0x1c3: {  	[smem:$0x7DF] =	sst s12;
	s12 =	simm.s32 @!p3 $0x0  }
0x1c4: {  	s30 =	sld [smem:$0x7E2];
	s12 =	simm.s32 @p3 $0x1;
	p3 =	seq.s32 s29, $0x1  }
0x1c5: {  	p3 =	por @!p5 p1, p1  }
0x1c6: {  	[smem:$0x7E0] =	sst s12;
	s12 =	simm.s32 @!p3 $0x0  }
0x1c7: {  	s12 =	simm.s32 @p3 $0x1;
	p3 =	seq.s32 s30, $0x1  }
0x1c8: {  	s31 =	sld [smem:$0x7E3];
	p3 =	por @!p5 p1, p1  }
0x1c9: {  	[smem:$0x7E1] =	sst s12;
	s12 =	simm.s32 @!p3 $0x0  }
0x1ca: {  	p2 =	por @!p5 p1, p1;
	s12 =	simm.s32 @p3 $0x1  }
0x1cb: {  	[smem:$0x7E2] =	sst s12;
	s12 =	simm.s32 @!p2 $0x0  }
0x1cc: {  	s13 =	sld [smem:$0x7E4];
	s12 =	simm.s32 @p2 $0x1;
	p2 =	seq.s32 s31, $0x1  }
0x1cd: {  	s24 =	sld [smem:$0x7DD];
	p2 =	por @!p5 p1, p1  }
0x1ce: {  	[smem:$0x7EB] =	sst s12;
	s12 =	simm.s32 @!p2 $0x0  }
0x1cf: {  	s14 =	sld [smem:$0x7F3];
	s12 =	simm.s32 @p2 $0x1;
	p2 =	seq.s32 s13, $0x1  }
0x1d0: {  	p0 =	por @!p5 p1, p1;
	s15 =	sld [smem:$0x7E5];
	p2 =	por @!p5 p1, p1  }
0x1d1: {  	p4 =	seq.s32 s24, $0x1;
	[smem:$0x7E3] =	sst s12;
	s12 =	simm.s32 @!p2 $0x0  }
0x1d2: {  	p4 =	por @!p5 p1, p1;
	s12 =	simm.s32 @p2 $0x1;
	p2 =	seq.s32 s14, $0x1  }
0x1d3: {  	s16 =	sld [smem:$0x7DC];
	p5 =	seq.s32 s15, $0x1;
	p6 =	por @!p2 $0x0, $0x0  }
0x1d4: {  	p5 =	por @!p2 p6, p6  }
0x1d5: {  	[smem:$0x7E4] =	sst s12;
	s12 =	simm.s32 @!p5 $0x0  }
0x1d6: {  	p1 =	por @!p2 $0x1, $0x1;
	s12 =	simm.s32 @p5 $0x1;
	p5 =	seq.s32 s16, $0x1  }
0x1d7: {  	s18 =	sld [smem:$0x7DF];
	p5 =	por @!p2 p1, p1  }
0x1d8: {  	[smem:$0x7DB] =	sst s12;
	s12 =	simm.s32 @!p5 $0x0  }
0x1d9: {  	s20 =	sld [smem:$0x7E1];
	p4 =	por @!p2 p1, p1;
	s12 =	simm.s32 @p5 $0x1  }
0x1da: {  	p3 =	seq.s32 s18, $0x1;
	[smem:$0x7DC] =	sst s12;
	s12 =	simm.s32 @!p4 $0x0  }
0x1db: {  	p3 =	por @!p2 p1, p1;
	s12 =	simm.s32 @p4 $0x1  }
0x1dc: {  	[smem:$0x7DD] =	sst s12;
	s12 =	simm.s32 @!p3 $0x0  }
0x1dd: {  	s21 =	sld [smem:$0x7E2];
	s12 =	simm.s32 @p3 $0x1;
	p3 =	seq.s32 s20, $0x1  }
0x1de: {  	p3 =	por @!p2 p1, p1  }
0x1df: {  	[smem:$0x7DF] =	sst s12;
	s12 =	simm.s32 @!p3 $0x0  }
0x1e0: {  	s22 =	sld [smem:$0x7EB];
	s12 =	simm.s32 @p3 $0x1;
	p3 =	seq.s32 s21, $0x1  }
0x1e1: {  	p3 =	por @!p2 p1, p1  }
0x1e2: {  	[smem:$0x7E1] =	sst s12;
	s12 =	simm.s32 @!p3 $0x0  }
0x1e3: {  	s23 =	sld [smem:$0x7E3];
	s12 =	simm.s32 @p3 $0x1;
	p3 =	seq.s32 s22, $0x1  }
0x1e4: {  	p3 =	por @!p2 p1, p1  }
0x1e5: {  	[smem:$0x7E2] =	sst s12;
	s12 =	simm.s32 @!p3 $0x0  }
0x1e6: {  	s24 =	sld [smem:$0x7E4];
	s12 =	simm.s32 @p3 $0x1;
	p3 =	seq.s32 s23, $0x1  }
0x1e7: {  	s25 =	sld [smem:$0x7F4];
	p3 =	por @!p2 p1, p1  }
0x1e8: {  	[smem:$0x7EB] =	sst s12;
	s12 =	simm.s32 @!p3 $0x0  }
0x1e9: {  	s26 =	sld [smem:$0x7DB];
	s12 =	simm.s32 @p3 $0x1;
	p3 =	seq.s32 s24, $0x1  }
0x1ea: {  	s17 =	sld [smem:$0x7DE];
	p3 =	por @!p2 p1, p1  }
0x1eb: {  	[smem:$0x7E3] =	sst s12;
	s12 =	simm.s32 @!p3 $0x0  }
0x1ec: {  	s28 =	sld [smem:$0x7E5];
	p5 =	seq.s32 s26, $0x1;
	s12 =	simm.s32 @p3 $0x1  }
0x1ed: {  	[smem:$0x7E4] =	sst s12;
	s12 =	simm.s32 @!p5 $0x0  }
0x1ee: {  	s19 =	sld [smem:$0x7E0];
	s12 =	simm.s32 @p5 $0x1  }
0x1ef: {  	[smem:$0x7E6] =	sst s12  }
0x1f0: {  	p6 =	seq.s32 s17, $0x1;
	p0 =	por @!p2 p1, p1;
	s29 =	sld [smem:$0x7E6]  }
0x1f1: {  	p6 =	por @!p2 p1, p1;
	s30 =	sld [smem:$0x7DB];
	p4 =	seq.s32 s19, $0x1  }
0x1f2: {  	p4 =	por @!p2 p1, p1;
	p3 =	seq.s32 s25, $0x1;
	p5 =	seq.s32 s28, $0x1  }
0x1f3: {  	p5 =	por @!p2 p1, p1;
	p2 =	por @!p3 $0x0, $0x0;
	p1 =	seq.s32 s29, $0x1  }
0x1f4: {  	p1 =	por @!p3 p2, p2  }
0x1f5: {  	s31 =	sld [smem:$0x7DC];
	s12 =	simm.s32 @!p1 $0x0  }
0x1f6: {  	p2 =	seq.s32 s30, $0x1;
	s12 =	simm.s32 @p1 $0x1;
	p1 =	por @!p3 $0x1, $0x1  }
0x1f7: {  	p2 =	por @!p3 p1, p1  }
0x1f8: {  	[smem:$0x7E6] =	sst s12;
	s12 =	simm.s32 @!p2 $0x0  }
0x1f9: {  	s13 =	sld [smem:$0x7DD];
	s12 =	simm.s32 @p2 $0x1;
	p2 =	seq.s32 s31, $0x1  }
0x1fa: {  	p2 =	por @!p3 p1, p1  }
0x1fb: {  	[smem:$0x7DB] =	sst s12;
	s12 =	simm.s32 @!p2 $0x0  }
0x1fc: {  	s12 =	simm.s32 @p2 $0x1;
	p2 =	seq.s32 s13, $0x1  }
0x1fd: {  	s14 =	sld [smem:$0x7DF];
	p2 =	por @!p3 p1, p1  }
0x1fe: {  	[smem:$0x7DC] =	sst s12;
	s12 =	simm.s32 @!p2 $0x0  }
0x1ff: {  	p6 =	por @!p3 p1, p1;
	s12 =	simm.s32 @p2 $0x1  }
0x200: {  	p2 =	seq.s32 s14, $0x1;
	[smem:$0x7DD] =	sst s12;
	s12 =	simm.s32 @!p6 $0x0  }
0x201: {  	s15 =	sld [smem:$0x7E1];
	p2 =	por @!p3 p1, p1;
	s12 =	simm.s32 @p6 $0x1  }
0x202: {  	[smem:$0x7DE] =	sst s12;
	s12 =	simm.s32 @!p2 $0x0  }
0x203: {  	s16 =	sld [smem:$0x7E2];
	p4 =	por @!p3 p1, p1;
	s12 =	simm.s32 @p2 $0x1  }
0x204: {  	p2 =	seq.s32 s15, $0x1;
	[smem:$0x7DF] =	sst s12;
	s12 =	simm.s32 @!p4 $0x0  }
0x205: {  	p2 =	por @!p3 p1, p1;
	s12 =	simm.s32 @p4 $0x1  }
0x206: {  	[smem:$0x7E0] =	sst s12;
	s12 =	simm.s32 @!p2 $0x0  }
0x207: {  	s17 =	sld [smem:$0x7EB];
	s12 =	simm.s32 @p2 $0x1;
	p2 =	seq.s32 s16, $0x1  }
0x208: {  	p2 =	por @!p3 p1, p1  }
0x209: {  	[smem:$0x7E1] =	sst s12;
	s12 =	simm.s32 @!p2 $0x0  }
0x20a: {  	s18 =	sld [smem:$0x7E3];
	s12 =	simm.s32 @p2 $0x1;
	p2 =	seq.s32 s17, $0x1  }
0x20b: {  	s20 =	sld [smem:$0x7F6];
	p2 =	por @!p3 p1, p1  }
0x20c: {  	[smem:$0x7E2] =	sst s12;
	s12 =	simm.s32 @!p2 $0x0  }
0x20d: {  	s19 =	sld [smem:$0x7E4];
	s12 =	simm.s32 @p2 $0x1;
	p2 =	seq.s32 s18, $0x1  }
0x20e: {  	s21 =	sld [smem:$0x7E6];
	p2 =	por @!p3 p1, p1  }
0x20f: {  	p0 =	por @!p3 p1, p1;
	[smem:$0x7EB] =	sst s12;
	s12 =	simm.s32 @!p2 $0x0  }
0x210: {  	p5 =	por @!p3 p1, p1;
	s22 =	sld [smem:$0x7DB];
	s12 =	simm.s32 @p2 $0x1  }
0x211: {  	p2 =	seq.s32 s20, $0x1;
	[smem:$0x7E3] =	sst s12;
	s12 =	simm.s32 @!p5 $0x0  }
0x212: {  	p4 =	seq.s32 s21, $0x1;
	s12 =	simm.s32 @p5 $0x1;
	p5 =	por @!p2 $0x0, $0x0  }
0x213: {  	s23 =	sld [smem:$0x7DC];
	p6 =	seq.s32 s19, $0x1;
	p4 =	por @!p2 p5, p5  }
0x214: {  	p6 =	por @!p3 p1, p1;
	[smem:$0x7E5] =	sst s12;
	s12 =	simm.s32 @!p4 $0x0  }
0x215: {  	p1 =	por @!p2 $0x1, $0x1;
	s12 =	simm.s32 @p4 $0x1;
	p4 =	seq.s32 s22, $0x1  }
0x216: {  	p4 =	por @!p2 p1, p1  }
0x217: {  	[smem:$0x7DA] =	sst s12;
	s12 =	simm.s32 @!p4 $0x0  }
0x218: {  	s24 =	sld [smem:$0x7DD];
	s12 =	simm.s32 @p4 $0x1;
	p4 =	seq.s32 s23, $0x1  }
0x219: {  	p4 =	por @!p2 p1, p1  }
0x21a: {  	[smem:$0x7DB] =	sst s12;
	s12 =	simm.s32 @!p4 $0x0  }
0x21b: {  	s25 =	sld [smem:$0x7DE];
	s12 =	simm.s32 @p4 $0x1;
	p4 =	seq.s32 s24, $0x1  }
0x21c: {  	p4 =	por @!p2 p1, p1  }
0x21d: {  	[smem:$0x7DC] =	sst s12;
	s12 =	simm.s32 @!p4 $0x0  }
0x21e: {  	s26 =	sld [smem:$0x7DF];
	s12 =	simm.s32 @p4 $0x1;
	p4 =	seq.s32 s25, $0x1  }
0x21f: {  	p4 =	por @!p2 p1, p1  }
0x220: {  	[smem:$0x7DD] =	sst s12;
	s12 =	simm.s32 @!p4 $0x0  }
0x221: {  	s28 =	sld [smem:$0x7E0];
	s12 =	simm.s32 @p4 $0x1;
	p4 =	seq.s32 s26, $0x1  }
0x222: {  	p4 =	por @!p2 p1, p1  }
0x223: {  	[smem:$0x7DE] =	sst s12;
	s12 =	simm.s32 @!p4 $0x0  }
0x224: {  	s29 =	sld [smem:$0x7E1];
	s12 =	simm.s32 @p4 $0x1;
	p4 =	seq.s32 s28, $0x1  }
0x225: {  	p4 =	por @!p2 p1, p1  }
0x226: {  	[smem:$0x7DF] =	sst s12;
	s12 =	simm.s32 @!p4 $0x0  }
0x227: {  	s30 =	sld [smem:$0x7E2];
	s12 =	simm.s32 @p4 $0x1;
	p4 =	seq.s32 s29, $0x1  }
0x228: {  	p4 =	por @!p2 p1, p1  }
0x229: {  	[smem:$0x7E0] =	sst s12;
	s12 =	simm.s32 @!p4 $0x0  }
0x22a: {  	s31 =	sld [smem:$0x7EB];
	s12 =	simm.s32 @p4 $0x1;
	p4 =	seq.s32 s30, $0x1  }
0x22b: {  	p4 =	por @!p2 p1, p1  }
0x22c: {  	[smem:$0x7E1] =	sst s12;
	s12 =	simm.s32 @!p4 $0x0  }
0x22d: {  	s13 =	sld [smem:$0x7E3];
	s12 =	simm.s32 @p4 $0x1;
	p4 =	seq.s32 s31, $0x1  }
0x22e: {  	s15 =	sld [smem:$0x7F7];
	p4 =	por @!p2 p1, p1  }
0x22f: {  	[smem:$0x7E2] =	sst s12;
	s12 =	simm.s32 @!p4 $0x0  }
0x230: {  	s17 =	sld [smem:$0x7E6];
	s12 =	simm.s32 @p4 $0x1;
	p4 =	seq.s32 s13, $0x1  }
0x231: {  	s14 =	sld [smem:$0x7E5];
	p4 =	por @!p2 p1, p1  }
0x232: {  	[smem:$0x7EB] =	sst s12;
	s12 =	simm.s32 @!p4 $0x0  }
0x233: {  	p6 =	por @!p2 p1, p1;
	s16 =	sld [smem:$0x7DA];
	s12 =	simm.s32 @p4 $0x1  }
0x234: {  	p4 =	seq.s32 s14, $0x1;
	[smem:$0x7E3] =	sst s12;
	s12 =	simm.s32 @!p6 $0x0  }
0x235: {  	s18 =	sld [smem:$0x7DA];
	p4 =	por @!p2 p1, p1;
	s12 =	simm.s32 @p6 $0x1  }
0x236: {  	p0 =	por @!p2 p1, p1;
	[smem:$0x7E4] =	sst s12;
	s12 =	simm.s32 @!p4 $0x0  }
0x237: {  	p5 =	seq.s32 s16, $0x1;
	s12 =	simm.s32 @p4 $0x1;
	p4 =	seq.s32 s17, $0x1  }
0x238: {  	s19 =	sld [smem:$0x7DB];
	p6 =	seq.s32 s15, $0x1;
	p4 =	por @!p2 p1, p1  }
0x239: {  	[smem:$0x7E5] =	sst s12;
	p1 =	por @!p6 $0x0, $0x0;
	s12 =	simm.s32 @!p4 $0x0  }
0x23a: {  	p2 =	por @!p6 $0x1, $0x1;
	p5 =	por @!p6 p1, p1;
	s12 =	simm.s32 @p4 $0x1  }
0x23b: {  	p1 =	seq.s32 s18, $0x1;
	[smem:$0x7E6] =	sst s12;
	s12 =	simm.s32 @!p5 $0x0  }
0x23c: {  	p1 =	por @!p6 p2, p2;
	s12 =	simm.s32 @p5 $0x1  }
0x23d: {  	[smem:$0x7EA] =	sst s12;
	s12 =	simm.s32 @!p1 $0x0  }
0x23e: {  	s20 =	sld [smem:$0x7DC];
	s12 =	simm.s32 @p1 $0x1;
	p1 =	seq.s32 s19, $0x1  }
0x23f: {  	p1 =	por @!p6 p2, p2  }
0x240: {  	[smem:$0x7DA] =	sst s12;
	s12 =	simm.s32 @!p1 $0x0  }
0x241: {  	s21 =	sld [smem:$0x7DD];
	s12 =	simm.s32 @p1 $0x1;
	p1 =	seq.s32 s20, $0x1  }
0x242: {  	p1 =	por @!p6 p2, p2  }
0x243: {  	[smem:$0x7DB] =	sst s12;
	s12 =	simm.s32 @!p1 $0x0  }
0x244: {  	s22 =	sld [smem:$0x7DE];
	s12 =	simm.s32 @p1 $0x1;
	p1 =	seq.s32 s21, $0x1  }
0x245: {  	p1 =	por @!p6 p2, p2  }
0x246: {  	[smem:$0x7DC] =	sst s12;
	s12 =	simm.s32 @!p1 $0x0  }
0x247: {  	s23 =	sld [smem:$0x7DF];
	s12 =	simm.s32 @p1 $0x1;
	p1 =	seq.s32 s22, $0x1  }
0x248: {  	p1 =	por @!p6 p2, p2  }
0x249: {  	[smem:$0x7DD] =	sst s12;
	s12 =	simm.s32 @!p1 $0x0  }
0x24a: {  	s24 =	sld [smem:$0x7E0];
	s12 =	simm.s32 @p1 $0x1;
	p1 =	seq.s32 s23, $0x1  }
0x24b: {  	p1 =	por @!p6 p2, p2  }
0x24c: {  	[smem:$0x7DE] =	sst s12;
	s12 =	simm.s32 @!p1 $0x0  }
0x24d: {  	s25 =	sld [smem:$0x7E1];
	s12 =	simm.s32 @p1 $0x1;
	p1 =	seq.s32 s24, $0x1  }
0x24e: {  	p1 =	por @!p6 p2, p2  }
0x24f: {  	[smem:$0x7DF] =	sst s12;
	s12 =	simm.s32 @!p1 $0x0  }
0x250: {  	s26 =	sld [smem:$0x7E2];
	s12 =	simm.s32 @p1 $0x1;
	p1 =	seq.s32 s25, $0x1  }
0x251: {  	p1 =	por @!p6 p2, p2  }
0x252: {  	[smem:$0x7E0] =	sst s12;
	s12 =	simm.s32 @!p1 $0x0  }
0x253: {  	s28 =	sld [smem:$0x7EB];
	s12 =	simm.s32 @p1 $0x1;
	p1 =	seq.s32 s26, $0x1  }
0x254: {  	p1 =	por @!p6 p2, p2  }
0x255: {  	[smem:$0x7E1] =	sst s12;
	s12 =	simm.s32 @!p1 $0x0  }
0x256: {  	s29 =	sld [smem:$0x7E3];
	s12 =	simm.s32 @p1 $0x1;
	p1 =	seq.s32 s28, $0x1  }
0x257: {  	p1 =	por @!p6 p2, p2  }
0x258: {  	[smem:$0x7E2] =	sst s12;
	s12 =	simm.s32 @!p1 $0x0  }
0x259: {  	s30 =	sld [smem:$0x7E4];
	s12 =	simm.s32 @p1 $0x1;
	p1 =	seq.s32 s29, $0x1  }
0x25a: {  	s13 =	sld [smem:$0x7F8];
	p1 =	por @!p6 p2, p2  }
0x25b: {  	[smem:$0x7EB] =	sst s12;
	s12 =	simm.s32 @!p1 $0x0  }
0x25c: {  	s31 =	sld [smem:$0x7E5];
	s12 =	simm.s32 @p1 $0x1;
	p1 =	seq.s32 s30, $0x1  }
0x25d: {  	s14 =	sld [smem:$0x7E6];
	p1 =	por @!p6 p2, p2  }
0x25e: {  	p0 =	por @!p6 p2, p2;
	[smem:$0x7E3] =	sst s12;
	s12 =	simm.s32 @!p1 $0x0  }
0x25f: {  	s15 =	sld [smem:$0x7DA];
	s12 =	simm.s32 @p1 $0x1;
	p1 =	seq.s32 s31, $0x1  }
0x260: {  	p4 =	seq.s32 s13, $0x1;
	p5 =	seq.s32 s14, $0x1;
	p1 =	por @!p6 p2, p2  }
0x261: {  	p5 =	por @!p6 p2, p2;
	[smem:$0x7E4] =	sst s12;
	s12 =	simm.s32 @!p1 $0x0  }
0x262: {  	s16 =	sld [smem:$0x7DB];
	p2 =	seq.s32 s15, $0x1;
	s12 =	simm.s32 @p1 $0x1  }
0x263: {  	p1 =	por @!p4 $0x1, $0x1;
	[smem:$0x7E5] =	sst s12;
	s12 =	simm.s32 @!p5 $0x0  }
0x264: {  	p2 =	por @!p4 p1, p1;
	s12 =	simm.s32 @p5 $0x1  }
0x265: {  	[smem:$0x7E6] =	sst s12;
	s12 =	simm.s32 @!p2 $0x0  }
0x266: {  	s17 =	sld [smem:$0x7DC];
	s12 =	simm.s32 @p2 $0x1;
	p2 =	seq.s32 s16, $0x1  }
0x267: {  	p2 =	por @!p4 p1, p1  }
0x268: {  	[smem:$0x7DA] =	sst s12;
	s12 =	simm.s32 @!p2 $0x0  }
0x269: {  	s18 =	sld [smem:$0x7DD];
	s12 =	simm.s32 @p2 $0x1;
	p2 =	seq.s32 s17, $0x1  }
0x26a: {  	p2 =	por @!p4 p1, p1  }
0x26b: {  	[smem:$0x7DB] =	sst s12;
	s12 =	simm.s32 @!p2 $0x0  }
0x26c: {  	s19 =	sld [smem:$0x7DE];
	s12 =	simm.s32 @p2 $0x1;
	p2 =	seq.s32 s18, $0x1  }
0x26d: {  	p2 =	por @!p4 p1, p1  }
0x26e: {  	[smem:$0x7DC] =	sst s12;
	s12 =	simm.s32 @!p2 $0x0  }
0x26f: {  	s20 =	sld [smem:$0x7DF];
	s12 =	simm.s32 @p2 $0x1;
	p2 =	seq.s32 s19, $0x1  }
0x270: {  	p2 =	por @!p4 p1, p1  }
0x271: {  	[smem:$0x7DD] =	sst s12;
	s12 =	simm.s32 @!p2 $0x0  }
0x272: {  	s21 =	sld [smem:$0x7E0];
	s12 =	simm.s32 @p2 $0x1;
	p2 =	seq.s32 s20, $0x1  }
0x273: {  	p2 =	por @!p4 p1, p1  }
0x274: {  	[smem:$0x7DE] =	sst s12;
	s12 =	simm.s32 @!p2 $0x0  }
0x275: {  	s22 =	sld [smem:$0x7E1];
	s12 =	simm.s32 @p2 $0x1;
	p2 =	seq.s32 s21, $0x1  }
0x276: {  	p2 =	por @!p4 p1, p1  }
0x277: {  	[smem:$0x7DF] =	sst s12;
	s12 =	simm.s32 @!p2 $0x0  }
0x278: {  	s23 =	sld [smem:$0x7E2];
	s12 =	simm.s32 @p2 $0x1;
	p2 =	seq.s32 s22, $0x1  }
0x279: {  	p2 =	por @!p4 p1, p1  }
0x27a: {  	[smem:$0x7E0] =	sst s12;
	s12 =	simm.s32 @!p2 $0x0  }
0x27b: {  	s24 =	sld [smem:$0x7EB];
	s12 =	simm.s32 @p2 $0x1;
	p2 =	seq.s32 s23, $0x1  }
0x27c: {  	p2 =	por @!p4 p1, p1  }
0x27d: {  	[smem:$0x7E1] =	sst s12;
	s12 =	simm.s32 @!p2 $0x0  }
0x27e: {  	s25 =	sld [smem:$0x7E3];
	s12 =	simm.s32 @p2 $0x1;
	p2 =	seq.s32 s24, $0x1  }
0x27f: {  	p2 =	por @!p4 p1, p1  }
0x280: {  	[smem:$0x7E2] =	sst s12;
	s12 =	simm.s32 @!p2 $0x0  }
0x281: {  	s26 =	sld [smem:$0x7E4];
	s12 =	simm.s32 @p2 $0x1;
	p2 =	seq.s32 s25, $0x1  }
0x282: {  	p2 =	por @!p4 p1, p1  }
0x283: {  	[smem:$0x7EB] =	sst s12;
	s12 =	simm.s32 @!p2 $0x0  }
0x284: {  	s28 =	sld [smem:$0x7E5];
	s12 =	simm.s32 @p2 $0x1;
	p2 =	seq.s32 s26, $0x1  }
0x285: {  	p2 =	por @!p4 p1, p1  }
0x286: {  	[smem:$0x7E3] =	sst s12;
	s12 =	simm.s32 @!p2 $0x0  }
0x287: {  	s29 =	sld [smem:$0x7E6];
	s12 =	simm.s32 @p2 $0x1;
	p2 =	seq.s32 s28, $0x1  }
0x288: {  	s30 =	sld [smem:$0x7EA];
	p2 =	por @!p4 p1, p1  }
0x289: {  	[smem:$0x7E4] =	sst s12;
	s12 =	simm.s32 @!p2 $0x0  }
0x28a: {  	s12 =	simm.s32 @p2 $0x1;
	p2 =	seq.s32 s29, $0x1  }
0x28b: {  	p2 =	por @!p4 p1, p1  }
0x28c: {  	p6 =	seq.s32 s30, $0x1;
	[smem:$0x7E5] =	sst s12;
	s12 =	simm.s32 @!p2 $0x0  }
0x28d: {  	s12 =	simm.s32 @p2 $0x1;
	p2 =	por p6, p6  }
0x28e: {  	p0 =	por @!p4 p1, p1;
	p5 =	por p6, p6;
	p2 =	por @!p4 p1, p1  }
0x28f: {  	[smem:$0x7E6] =	sst s12;
	p1 =	por @!p4 $0x0, $0x0;
	s12 =	simm.s32 @!p2 $0x0  }
0x290: {  	p5 =	por @!p4 p1, p1;
	s12 =	simm.s32 @p2 $0x1  }
0x291: {  	[smem:$0x7E7] =	sst s12;
	s12 =	simm.s32 @!p5 $0x0  }
0x292: {  	p1 =	por p6, p6;
	s12 =	simm.s32 @p5 $0x1;
	p5 =	por @!p4 $0x0, $0x0  }
0x293: {  	p1 =	por @!p4 p5, p5  }
0x294: {  	[smem:$0x7E8] =	sst s12;
	s12 =	simm.s32 @!p1 $0x0  }
0x295: {  	s31 =	sld [smem:$0x7EB];
	p6 =	por @!p4 p5, p5;
	s12 =	simm.s32 @p1 $0x1  }
0x296: {  	[smem:$0x7E9] =	sst s12;
	s12 =	simm.s32 @!p6 $0x0  }
0x297: {  	s12 =	simm.s32 @p6 $0x1  }
0x298: {  	p2 =	seq.s32 s31, $0x1;
	[smem:$0x7EA] =	sst s12  }
.LBB2_12:
0x299: {  	s12 =	simm.s32 $0x0  }
0x29a: {  	s13 =	simm.s32 $0x40;
	v0 =	vld [tilespmem:s12+$0x12C00]  }
.LBB2_13:
0x29b: {  	p1 =	sne.s32 s13, $0x12BC0;
	v1 =	vld [tilespmem:s12+$0x9600]  }
0x29c: {  	v2 =	vld [tilespmem:s12+$0xE100];
	_ =	sdelay $0x1  }
.Ltmp6:
0x29d: {  	(pc) =	sbr.rel @p1 .LBB2_13-.Ltmp6, $4  }
0x29e: {  	_ = 	snop  }
0x29f: {  	vm0 =	vlt.s32 v0, v1  }
0x2a0: {  	s14 =	sshra.s32 s13, $0x2;
	v1 =	vnsel vm0, $0x3D090, v2  }
0x2a1: {  	s13 =	sadd.s32 $0x40, s13;
	v0 =	vld [tilespmem:s14+$0x12C00];
	[tilespmem:s12+$0x9600] =	vst v1;
	s12 =	smov.u32 s14  }
0x2a2: {  	v1 =	vld [tilespmem:s12+$0x9600]  }
0x2a3: {  	v2 =	vld [tilespmem:s12+$0xE100];
	_ =	sdelay $0x1  }
0x2a4: {  	s25 =	sld [smem:$0x7EC];
	_ =	sdelay $0x1  }
0x2a5: {  	vm0 =	vlt.s32 v0, v1  }
0x2a6: {  	p1 =	seq.s32 s25, $0x1;
	v0 =	vnsel vm0, $0x3D090, v2  }
0x2a7: {  	s13 =	simm.s32 @!p1 $0x9600;
	s14 =	simm.s32 @!p1 $0x12C00;
	[tilespmem:s12+$0x9600] =	vst v0;
	s12 =	simm.s32 @!p1 $0x3C0  }
0x2a8: {  	[spmem:s2] =	stream.indirect.scatter @!p1 [tilespmem:s14], [sflag:$0x1], $0x1, s13, s12, $0xb8;
	[tilespmem:$0x1B410] =	vst v63  }
0x2a9: {  	s12 =	simm.s32 @!p1 $0x1  }
0x2aa: {  	_ =	swait.ge @!p1 [sflag:s12], $0x3C0  }
0x2ab: {  	s26 =	sld [smem:$0x7E1];
	_ =	sdelay $0x1  }
0x2ac: {  	[sflag:s12] =	ssyncset.done @!p1 $0x0  }
0x2ad: {  	[sflag:s12] =	ssyncadd.s32 @!p1 $0xFFFFFC40;
	p5 =	seq.s32 s26, $0x1  }
0x2ae: {  	s12 =	simm.s32 @p5 $0x3C0;
	s13 =	simm.s32 @p5 $0x99C0;
	s14 =	simm.s32 @p5 $0x12FC0  }
0x2af: {  	[spmem:s2] =	stream.indirect.scatter @p5 [tilespmem:s14], [sflag:$0x1], $0x1, s13, s12, $0xb8;
	[tilespmem:$0x1B410] =	vst v63  }
0x2b0: {  	s12 =	simm.s32 @p5 $0x1  }
0x2b1: {  	_ =	swait.ge @p5 [sflag:s12], $0x3C0  }
0x2b2: {  	s13 =	simm.s32 @p0 $0x9D80;
	[sflag:s12] =	ssyncset.done @p5 $0x0  }
0x2b3: {  	s14 =	simm.s32 @p0 $0x13380;
	[sflag:s12] =	ssyncadd.s32 @p5 $0xFFFFFC40;
	s12 =	simm.s32 @p0 $0x3C0  }
0x2b4: {  	[spmem:s2] =	stream.indirect.scatter @p0 [tilespmem:s14], [sflag:$0x1], $0x1, s13, s12, $0xb8;
	[tilespmem:$0x1B410] =	vst v63  }
0x2b5: {  	s12 =	simm.s32 @p0 $0x1  }
0x2b6: {  	_ =	swait.ge @p0 [sflag:s12], $0x3C0  }
0x2b7: {  	s28 =	sld [smem:$0x7E0];
	_ =	sdelay $0x1  }
0x2b8: {  	[sflag:s12] =	ssyncset.done @p0 $0x0  }
0x2b9: {  	[sflag:s12] =	ssyncadd.s32 @p0 $0xFFFFFC40;
	p5 =	seq.s32 s28, $0x1  }
0x2ba: {  	s12 =	simm.s32 @p5 $0x3C0;
	s13 =	simm.s32 @p5 $0xA140;
	s14 =	simm.s32 @p5 $0x13740  }
0x2bb: {  	[spmem:s2] =	stream.indirect.scatter @p5 [tilespmem:s14], [sflag:$0x1], $0x1, s13, s12, $0xb8;
	[tilespmem:$0x1B410] =	vst v63  }
0x2bc: {  	s12 =	simm.s32 @p5 $0x1  }
0x2bd: {  	_ =	swait.ge @p5 [sflag:s12], $0x3C0  }
0x2be: {  	s29 =	sld [smem:$0x7E2];
	_ =	sdelay $0x1  }
0x2bf: {  	[sflag:s12] =	ssyncset.done @p5 $0x0  }
0x2c0: {  	[sflag:s12] =	ssyncadd.s32 @p5 $0xFFFFFC40;
	p0 =	seq.s32 s29, $0x1  }
0x2c1: {  	s12 =	simm.s32 @p0 $0x3C0;
	s13 =	simm.s32 @p0 $0xA500;
	s14 =	simm.s32 @p0 $0x13B00  }
0x2c2: {  	[spmem:s2] =	stream.indirect.scatter @p0 [tilespmem:s14], [sflag:$0x1], $0x1, s13, s12, $0xb8;
	[tilespmem:$0x1B410] =	vst v63  }
0x2c3: {  	s12 =	simm.s32 @p0 $0x1  }
0x2c4: {  	_ =	swait.ge @p0 [sflag:s12], $0x3C0  }
0x2c5: {  	s30 =	sld [smem:$0x7DF];
	_ =	sdelay $0x1  }
0x2c6: {  	[sflag:s12] =	ssyncset.done @p0 $0x0  }
0x2c7: {  	[sflag:s12] =	ssyncadd.s32 @p0 $0xFFFFFC40;
	p0 =	seq.s32 s30, $0x1  }
0x2c8: {  	s12 =	simm.s32 @p0 $0x3C0;
	s13 =	simm.s32 @p0 $0xA8C0;
	s14 =	simm.s32 @p0 $0x13EC0  }
0x2c9: {  	[spmem:s2] =	stream.indirect.scatter @p0 [tilespmem:s14], [sflag:$0x1], $0x1, s13, s12, $0xb8;
	[tilespmem:$0x1B410] =	vst v63  }
0x2ca: {  	s12 =	simm.s32 @p0 $0x1  }
0x2cb: {  	_ =	swait.ge @p0 [sflag:s12], $0x3C0  }
0x2cc: {  	s13 =	simm.s32 @p2 $0xAC80;
	[sflag:s12] =	ssyncset.done @p0 $0x0  }
0x2cd: {  	s14 =	simm.s32 @p2 $0x14280;
	[sflag:s12] =	ssyncadd.s32 @p0 $0xFFFFFC40;
	s12 =	simm.s32 @p2 $0x3C0  }
0x2ce: {  	[spmem:s2] =	stream.indirect.scatter @p2 [tilespmem:s14], [sflag:$0x1], $0x1, s13, s12, $0xb8;
	[tilespmem:$0x1B410] =	vst v63  }
0x2cf: {  	s12 =	simm.s32 @p2 $0x1  }
0x2d0: {  	_ =	swait.ge @p2 [sflag:s12], $0x3C0  }
0x2d1: {  	s31 =	sld [smem:$0x7DE];
	_ =	sdelay $0x1  }
0x2d2: {  	[sflag:s12] =	ssyncset.done @p2 $0x0  }
0x2d3: {  	[sflag:s12] =	ssyncadd.s32 @p2 $0xFFFFFC40;
	p0 =	seq.s32 s31, $0x1  }
0x2d4: {  	s12 =	simm.s32 @p0 $0x3C0;
	s13 =	simm.s32 @p0 $0xB040;
	s14 =	simm.s32 @p0 $0x14640  }
0x2d5: {  	[spmem:s2] =	stream.indirect.scatter @p0 [tilespmem:s14], [sflag:$0x1], $0x1, s13, s12, $0xb8;
	[tilespmem:$0x1B410] =	vst v63  }
0x2d6: {  	s12 =	simm.s32 @p0 $0x1  }
0x2d7: {  	_ =	swait.ge @p0 [sflag:s12], $0x3C0  }
0x2d8: {  	s13 =	sld [smem:$0x7E3];
	_ =	sdelay $0x1  }
0x2d9: {  	[sflag:s12] =	ssyncset.done @p0 $0x0  }
0x2da: {  	[sflag:s12] =	ssyncadd.s32 @p0 $0xFFFFFC40;
	p0 =	seq.s32 s13, $0x1  }
0x2db: {  	s12 =	simm.s32 @p0 $0x3C0;
	s13 =	simm.s32 @p0 $0xB400;
	s14 =	simm.s32 @p0 $0x14A00  }
0x2dc: {  	[spmem:s2] =	stream.indirect.scatter @p0 [tilespmem:s14], [sflag:$0x1], $0x1, s13, s12, $0xb8;
	[tilespmem:$0x1B410] =	vst v63  }
0x2dd: {  	s12 =	simm.s32 @p0 $0x1  }
0x2de: {  	_ =	swait.ge @p0 [sflag:s12], $0x3C0  }
0x2df: {  	s14 =	sld [smem:$0x7DD];
	_ =	sdelay $0x1  }
0x2e0: {  	[sflag:s12] =	ssyncset.done @p0 $0x0  }
0x2e1: {  	[sflag:s12] =	ssyncadd.s32 @p0 $0xFFFFFC40;
	p5 =	seq.s32 s14, $0x1  }
0x2e2: {  	s12 =	simm.s32 @p5 $0x3C0;
	s13 =	simm.s32 @p5 $0xB7C0;
	s14 =	simm.s32 @p5 $0x14DC0  }
0x2e3: {  	[spmem:s2] =	stream.indirect.scatter @p5 [tilespmem:s14], [sflag:$0x1], $0x1, s13, s12, $0xb8;
	[tilespmem:$0x1B410] =	vst v63  }
0x2e4: {  	s12 =	simm.s32 @p5 $0x1  }
0x2e5: {  	_ =	swait.ge @p5 [sflag:s12], $0x3C0  }
0x2e6: {  	s15 =	sld [smem:$0x7E4];
	_ =	sdelay $0x1  }
0x2e7: {  	[sflag:s12] =	ssyncset.done @p5 $0x0  }
0x2e8: {  	[sflag:s12] =	ssyncadd.s32 @p5 $0xFFFFFC40;
	p0 =	seq.s32 s15, $0x1  }
0x2e9: {  	s12 =	simm.s32 @p0 $0x3C0;
	s13 =	simm.s32 @p0 $0xBB80;
	s14 =	simm.s32 @p0 $0x15180  }
0x2ea: {  	[spmem:s2] =	stream.indirect.scatter @p0 [tilespmem:s14], [sflag:$0x1], $0x1, s13, s12, $0xb8;
	[tilespmem:$0x1B410] =	vst v63  }
0x2eb: {  	s12 =	simm.s32 @p0 $0x1  }
0x2ec: {  	_ =	swait.ge @p0 [sflag:s12], $0x3C0  }
0x2ed: {  	s16 =	sld [smem:$0x7DC];
	_ =	sdelay $0x1  }
0x2ee: {  	[sflag:s12] =	ssyncset.done @p0 $0x0  }
0x2ef: {  	[sflag:s12] =	ssyncadd.s32 @p0 $0xFFFFFC40;
	p0 =	seq.s32 s16, $0x1  }
0x2f0: {  	s12 =	simm.s32 @p0 $0x3C0;
	s13 =	simm.s32 @p0 $0xBF40;
	s14 =	simm.s32 @p0 $0x15540  }
0x2f1: {  	[spmem:s2] =	stream.indirect.scatter @p0 [tilespmem:s14], [sflag:$0x1], $0x1, s13, s12, $0xb8;
	[tilespmem:$0x1B410] =	vst v63  }
0x2f2: {  	s12 =	simm.s32 @p0 $0x1  }
0x2f3: {  	_ =	swait.ge @p0 [sflag:s12], $0x3C0  }
0x2f4: {  	s17 =	sld [smem:$0x7E5];
	_ =	sdelay $0x1  }
0x2f5: {  	[sflag:s12] =	ssyncset.done @p0 $0x0  }
0x2f6: {  	[sflag:s12] =	ssyncadd.s32 @p0 $0xFFFFFC40;
	p0 =	seq.s32 s17, $0x1  }
0x2f7: {  	s12 =	simm.s32 @p0 $0x3C0;
	s13 =	simm.s32 @p0 $0xC300;
	s14 =	simm.s32 @p0 $0x15900  }
0x2f8: {  	[spmem:s2] =	stream.indirect.scatter @p0 [tilespmem:s14], [sflag:$0x1], $0x1, s13, s12, $0xb8;
	[tilespmem:$0x1B410] =	vst v63  }
0x2f9: {  	s12 =	simm.s32 @p0 $0x1  }
0x2fa: {  	_ =	swait.ge @p0 [sflag:s12], $0x3C0  }
0x2fb: {  	s18 =	sld [smem:$0x7DB];
	_ =	sdelay $0x1  }
0x2fc: {  	[sflag:s12] =	ssyncset.done @p0 $0x0  }
0x2fd: {  	[sflag:s12] =	ssyncadd.s32 @p0 $0xFFFFFC40;
	p0 =	seq.s32 s18, $0x1  }
0x2fe: {  	s12 =	simm.s32 @p0 $0x3C0;
	s13 =	simm.s32 @p0 $0xC6C0;
	s14 =	simm.s32 @p0 $0x15CC0  }
0x2ff: {  	[spmem:s2] =	stream.indirect.scatter @p0 [tilespmem:s14], [sflag:$0x1], $0x1, s13, s12, $0xb8;
	[tilespmem:$0x1B410] =	vst v63  }
0x300: {  	s12 =	simm.s32 @p0 $0x1  }
0x301: {  	_ =	swait.ge @p0 [sflag:s12], $0x3C0  }
0x302: {  	s19 =	sld [smem:$0x7E6];
	_ =	sdelay $0x1  }
0x303: {  	[sflag:s12] =	ssyncset.done @p0 $0x0  }
0x304: {  	[sflag:s12] =	ssyncadd.s32 @p0 $0xFFFFFC40;
	p0 =	seq.s32 s19, $0x1  }
0x305: {  	s12 =	simm.s32 @p0 $0x3C0;
	s13 =	simm.s32 @p0 $0xCA80;
	s14 =	simm.s32 @p0 $0x16080  }
0x306: {  	[spmem:s2] =	stream.indirect.scatter @p0 [tilespmem:s14], [sflag:$0x1], $0x1, s13, s12, $0xb8;
	[tilespmem:$0x1B410] =	vst v63  }
0x307: {  	s12 =	simm.s32 @p0 $0x1  }
0x308: {  	_ =	swait.ge @p0 [sflag:s12], $0x3C0  }
0x309: {  	s20 =	sld [smem:$0x7DA];
	_ =	sdelay $0x1  }
0x30a: {  	[sflag:s12] =	ssyncset.done @p0 $0x0  }
0x30b: {  	[sflag:s12] =	ssyncadd.s32 @p0 $0xFFFFFC40;
	p0 =	seq.s32 s20, $0x1  }
0x30c: {  	s12 =	simm.s32 @p0 $0x3C0;
	s13 =	simm.s32 @p0 $0xCE40;
	s14 =	simm.s32 @p0 $0x16440  }
0x30d: {  	[spmem:s2] =	stream.indirect.scatter @p0 [tilespmem:s14], [sflag:$0x1], $0x1, s13, s12, $0xb8;
	[tilespmem:$0x1B410] =	vst v63  }
0x30e: {  	s12 =	simm.s32 @p0 $0x1  }
0x30f: {  	_ =	swait.ge @p0 [sflag:s12], $0x3C0  }
0x310: {  	s21 =	sld [smem:$0x7E7];
	_ =	sdelay $0x1  }
0x311: {  	[sflag:s12] =	ssyncset.done @p0 $0x0  }
0x312: {  	[sflag:s12] =	ssyncadd.s32 @p0 $0xFFFFFC40;
	p0 =	seq.s32 s21, $0x1  }
0x313: {  	s12 =	simm.s32 @p0 $0x3C0;
	s13 =	simm.s32 @p0 $0xD200;
	s14 =	simm.s32 @p0 $0x16800  }
0x314: {  	[spmem:s2] =	stream.indirect.scatter @p0 [tilespmem:s14], [sflag:$0x1], $0x1, s13, s12, $0xb8;
	[tilespmem:$0x1B410] =	vst v63  }
0x315: {  	s12 =	simm.s32 @p0 $0x1  }
0x316: {  	_ =	swait.ge @p0 [sflag:s12], $0x3C0  }
0x317: {  	s22 =	sld [smem:$0x7E9];
	_ =	sdelay $0x1  }
0x318: {  	[sflag:s12] =	ssyncset.done @p0 $0x0  }
0x319: {  	[sflag:s12] =	ssyncadd.s32 @p0 $0xFFFFFC40;
	p0 =	seq.s32 s22, $0x1  }
0x31a: {  	s12 =	simm.s32 @p0 $0x3C0;
	s13 =	simm.s32 @p0 $0xD5C0;
	s14 =	simm.s32 @p0 $0x16BC0  }
0x31b: {  	[spmem:s2] =	stream.indirect.scatter @p0 [tilespmem:s14], [sflag:$0x1], $0x1, s13, s12, $0xb8;
	[tilespmem:$0x1B410] =	vst v63  }
0x31c: {  	s12 =	simm.s32 @p0 $0x1  }
0x31d: {  	_ =	swait.ge @p0 [sflag:s12], $0x3C0  }
0x31e: {  	s23 =	sld [smem:$0x7EA];
	_ =	sdelay $0x1  }
0x31f: {  	[sflag:s12] =	ssyncset.done @p0 $0x0  }
0x320: {  	[sflag:s12] =	ssyncadd.s32 @p0 $0xFFFFFC40;
	p0 =	seq.s32 s23, $0x1  }
0x321: {  	s12 =	simm.s32 @p0 $0x3C0;
	s13 =	simm.s32 @p0 $0xD980;
	s14 =	simm.s32 @p0 $0x16F80  }
0x322: {  	[spmem:s2] =	stream.indirect.scatter @p0 [tilespmem:s14], [sflag:$0x1], $0x1, s13, s12, $0xb8;
	[tilespmem:$0x1B410] =	vst v63  }
0x323: {  	s12 =	simm.s32 @p0 $0x1  }
0x324: {  	_ =	swait.ge @p0 [sflag:s12], $0x3C0  }
0x325: {  	s24 =	sld [smem:$0x7E8];
	_ =	sdelay $0x1  }
0x326: {  	[sflag:s12] =	ssyncset.done @p0 $0x0  }
0x327: {  	[sflag:s12] =	ssyncadd.s32 @p0 $0xFFFFFC40;
	p0 =	seq.s32 s24, $0x1  }
0x328: {  	s12 =	simm.s32 @p0 $0x3C0;
	s13 =	simm.s32 @p0 $0xDD40;
	s14 =	simm.s32 @p0 $0x17340  }
0x329: {  	[spmem:s2] =	stream.indirect.scatter @p0 [tilespmem:s14], [sflag:$0x1], $0x1, s13, s12, $0xb8;
	[tilespmem:$0x1B410] =	vst v63  }
0x32a: {  	s12 =	simm.s32 @p0 $0x1  }
0x32b: {  	_ =	swait.ge @p0 [sflag:s12], $0x3C0  }
0x32c: {  	[sflag:s12] =	ssyncset.done @p0 $0x0  }
0x32d: {  	[sflag:s12] =	ssyncadd.s32 @p0 $0xFFFFFC40  }
0x32e: {  	[bflag:$0x0] =	sbarrier.arrive $0xFFFF  }
0x32f: {  	s25 =	sld [smem:$0x7FA]  }
0x330: {  	s26 =	sld [smem:$0x7FB]  }
0x331: {  	s8 =	sadd.s32 $0x1, s8;
	s28 =	sld [smem:$0x7F2]  }
0x332: {  	p0 =	sne.s32 s8, $0xB;
	s29 =	sld [smem:$0x7F5]  }
.Ltmp7:
0x333: {  	s30 =	sld [smem:$0x7FC];
	(pc) =	sbr.rel @p0 .LBB2_9-.Ltmp7, $3  }
0x334: {  	s31 =	sld [smem:$0x7FD];
	_ =	sdelay $0x1  }
0x335: {  	p5 =	seq.s32 s25, $0x1;
	p6 =	seq.s32 s26, $0x1;
	p1 =	seq.s32 s28, $0x1  }
0x336: {  	p2 =	seq.s32 s29, $0x1;
	p3 =	seq.s32 s30, $0x1;
	p4 =	seq.s32 s31, $0x1  }
0x337: {  	s2 =	simm.s32 $0x9600;
	s30 =	simm.s32 $0x1  }
0x338: {  	[tilespmem:s2], [sflag:$0x1] =	stream.linear.gather [spmem:s5], $0x3D10, $0x38;
	[tilespmem:$0x1B410] =	vst v63  }
0x339: {  	_ =	swait.ge [sflag:s30], $0x3D10  }
0x33a: {  	s4 =	sshrl.u32 s4, $0x3;
	[sflag:s30] =	ssyncset.done $0x0  }
0x33b: {  	s31 =	simm.s32 $0x0;
	s3 =	sadd.s32 s3, s4;
	[sflag:s30] =	ssyncadd.s32 $0xFFFFC2F0  }
0x33c: {  	[hbm4b:s3+s31] =	stream.linear.scatter [tilespmem:s2], [sflag:$0x1], $0x3D10, $0x38;
	[tilespmem:$0x1B410] =	vst v63  }
0x33d: {  	_ =	swait.ge [sflag:s30], $0x3D10  }
0x33e: {  	[sflag:s30] =	ssyncset.done $0x0  }
0x33f: {  	[sflag:s30] =	ssyncadd.s32 $0xFFFFC2F0  }
0x340: {  	_ =	sfence.sel $0x180000  }
0x341: {  	[bflag:$0x0] =	sbarrier.arrive $0xFFFF  }
0x342: {  	p0 =	sne.s32 s1, $0x0;
	_ =	strace $0x9000004A  }
0x343: {  	s0 =	sadd.s32 @!p0 $0x100000, s0;
	[bflag:$0x2] =	sbarrier.arrive $0xFFFF  }
0x344: {  	[sflag:s0] =	ssyncadd.tile.s32 @!p0 $0x1;
	_ =	shalt  }
.Lfunc_end2:
_tile_overlayer_lowered:
.L_overlay_start_2:
0x345: {  	(tag) =	ssettag $0x2  }
0x346: {  	s0 =	rddreg [dreg:$0x0];
	s2 =	stileid.u32  }
0x347: {  	s1 =	rddreg [dreg:$0x1];
	p0 =	sne.s32 s2, $0x0  }
0x348: {  	s3 =	rddreg [dreg:$0x2];
	[bflag:$0x3] =	sbarrier.arrive $0xFFFF;
	s2 =	simm.s32 @!p0 $0x1C01  }
0x349: {  	[timem:s3], [sflag:s2] =	dma.local @!p0 [hbm:s0], s1  }
0x34a: {  	s0 =	simm.s32 @!p0 $0x1  }
0x34b: {  	_ =	swait.ge @!p0 [sflag:s0], s1  }
0x34c: {  	s1 =	ssub.s32 @!p0 $0x0, s1;
	[sflag:s0] =	ssyncset.done @!p0 $0x0  }
0x34d: {  	[sflag:s0] =	ssyncadd.s32 @!p0 s1  }
0x34e: {  	[bflag:$0x3] =	sbarrier.arrive $0xFFFF  }
0x34f: {  	_ =	shalt  }

// kernel: kernel.13.cloned.1.call-start
scs
__scs_entry_jumppad:
0x0: {  	(pc) =	sbr.rel $0x88, $3  }
0x1: {  	(tag) =	ssettag $0x0;
	lr =	simm.s32 $0x1  }
0x2: {  	[smem:$0x3F98] =	sst lr;
	_ =	strace $0xD0000000  }
0x3: {  	_ = 	snop  }
0x4: {  	_ = 	snop  }
0x5: {  	_ = 	snop  }
0x6: {  	_ = 	snop  }
0x7: {  	_ = 	snop  }
__scs_overlays_trampoline_lowered:
0x8: {  	[smem:$0x3FA7] =	sst s0  }
0x9: {  	[smem:$0x3FA8] =	sst s1  }
0xa: {  	[smem:$0x3FA9] =	sst s2  }
0xb: {  	[smem:$0x3FAA] =	sst s3  }
0xc: {  	[smem:$0x3FAB] =	sst s4  }
0xd: {  	[smem:$0x3FAC] =	sst s5  }
0xe: {  	[smem:$0x3FAD] =	sst s6  }
0xf: {  	[smem:$0x3FAE] =	sst s7  }
0x10: {  	[smem:$0x3FAF] =	sst s8  }
0x11: {  	[smem:$0x3FB0] =	sst s9;
	s0 =	simm.s32 @!p0 $0x0  }
0x12: {  	s1 =	sld [smem:$0x3F96];
	s0 =	simm.s32 @p0 $0x1  }
0x13: {  	[smem:$0x3FB1] =	sst s0;
	s0 =	simm.s32 @!p1 $0x0  }
0x14: {  	s2 =	sld [smem:$0x3F95];
	s0 =	simm.s32 @p1 $0x1  }
0x15: {  	[smem:$0x3FB2] =	sst s0;
	s0 =	simm.s32 @!p2 $0x0  }
0x16: {  	s3 =	sld [smem:$0x3FDB];
	s0 =	simm.s32 @p2 $0x1  }
0x17: {  	s4 =	simm.s32 $0x1BF5;
	[smem:$0x3FB4] =	sst s0  }
0x18: {  	s0 =	sld [smem:$0x3F97];
	_ =	swait.ge [sflag:s4], $0x0  }
0x19: {  	s7 =	sld [smem:$0x3F98]  }
0x1a: {  	s8 =	sadd.s32 $0xFFFFE003, lr  }
0x1b: {  	s9 =	sadd.s32 $0xFFFFFEF7, lr;
	s5 =	simm.s32 $0xFFFFFFFF;
	p2 =	slt.u32 s8, $0xFFFFF086  }
0x1c: {  	p1 =	slt.u32 s9, $0xF7A;
	s5 =	simm.s32 @!p2 $0x0  }
0x1d: {  	s5 =	simm.s32 @p1 $0x1;
	p0 =	seq.s32 s7, s2  }
0x1e: {  	s7 =	smul.u32 @!p0 $0xF7A, s2;
	p2 =	seq.s32 @!p0 s5, $0x0  }
0x1f: {  	s9 =	smul.u32 $0xF7A, s1;
	s8 =	simm.s32 @!p0 $0x1BF5;
	p2 =	por !p2, p0  }
0x20: {  	[sflag:s8] =	ssyncset.s32 @!p0 $0xFFFFF086;
	s6 =	sadd.s32 @!p0 s3, s7;
	s7 =	simm.s32 @!p0 $0x108  }
0x21: {  	s3 =	sadd.s32 s3, s9;
	s6 =	sadd.s32 @!p0 $0x88, s6;
	s7 =	simm.s32 @p2 $0x1082  }
0x22: {  	[simem:s7], [sflag:s8] =	dma.local @!p0 [hbm:s6], $0xF7A  }
0x23: {  	s9 =	sor.u32 $0xD0000000, s2;
	s6 =	simm.s32 $0x108;
	_ =	swait.ge @!p0 [sflag:s8], $0x0  }
0x24: {  	s3 =	sadd.s32 $0x88, s3;
	s6 =	simm.s32 @!p1 $0x1082;
	[sflag:s4] =	ssyncset.s32 $0xFFFFF086  }
0x25: {  	[simem:s6], [sflag:s4] =	dma.local [hbm:s3], $0xF7A  }
0x26: {  	[smem:$0x3F98] =	sst s1;
	(tag) =	ssettag s2;
	_ =	strace s9  }
0x27: {  	s1 =	sld [smem:$0x3FA8]  }
0x28: {  	s2 =	sld [smem:$0x3FA9]  }
0x29: {  	s4 =	sld [smem:$0x3FAB]  }
0x2a: {  	p0 =	seq.s32 s5, $0x0;
	s5 =	sld [smem:$0x3FAC]  }
0x2b: {  	s6 =	sld [smem:$0x3FAD]  }
0x2c: {  	s7 =	sld [smem:$0x3FAE]  }
0x2d: {  	s3 =	simm.s32 $0x108;
	s8 =	sld [smem:$0x3FAF]  }
0x2e: {  	s3 =	simm.s32 @!p0 $0x1082;
	s9 =	sld [smem:$0x3FB0]  }
0x2f: {  	lr =	sadd.s32 s0, s3;
	s0 =	sld [smem:$0x3FA7]  }
0x30: {  	s3 =	sld [smem:$0x3FAA]  }
0x31: {  	[smem:$0x3FB3] =	sst s10  }
0x32: {  	s10 =	sld [smem:$0x3FB1];
	_ =	sdelay $0x3  }
0x33: {  	p0 =	seq.s32 s10, $0x1;
	s10 =	sld [smem:$0x3FB3];
	_ =	sdelay $0x3  }
0x34: {  	[smem:$0x3FB3] =	sst s10  }
0x35: {  	s10 =	sld [smem:$0x3FB2];
	_ =	sdelay $0x3  }
0x36: {  	p1 =	seq.s32 s10, $0x1;
	s10 =	sld [smem:$0x3FB3];
	_ =	sdelay $0x3  }
0x37: {  	[smem:$0x3FB3] =	sst s10  }
0x38: {  	s10 =	sld [smem:$0x3FB4]  }
0x39: {  	_ = 	snop;
	(pc) =	sbr.ind lr, $3  }
0x3a: {  	_ = 	snop  }
0x3b: {  	_ = 	snop  }
0x3c: {  	p2 =	seq.s32 s10, $0x1;
	s10 =	sld [smem:$0x3FB3]  }
0x3d: {  	_ =	shalt  }
0x3e: {  	_ =	shalt  }
0x3f: {  	_ =	shalt  }
0x40: {  	_ =	shalt  }
0x41: {  	_ =	shalt  }
0x42: {  	_ =	shalt  }
0x43: {  	_ =	shalt  }
0x44: {  	_ =	shalt  }
0x45: {  	_ =	shalt  }
0x46: {  	_ =	shalt  }
0x47: {  	_ =	shalt  }
0x48: {  	_ =	shalt  }
0x49: {  	_ =	shalt  }
0x4a: {  	_ =	shalt  }
0x4b: {  	_ =	shalt  }
0x4c: {  	_ =	shalt  }
0x4d: {  	_ =	shalt  }
0x4e: {  	_ =	shalt  }
0x4f: {  	_ =	shalt  }
0x50: {  	_ =	shalt  }
0x51: {  	_ =	shalt  }
0x52: {  	_ =	shalt  }
0x53: {  	_ =	shalt  }
0x54: {  	_ =	shalt  }
0x55: {  	_ =	shalt  }
0x56: {  	_ =	shalt  }
0x57: {  	_ =	shalt  }
0x58: {  	_ =	shalt  }
0x59: {  	_ =	shalt  }
0x5a: {  	_ =	shalt  }
0x5b: {  	_ =	shalt  }
0x5c: {  	_ =	shalt  }
0x5d: {  	_ =	shalt  }
0x5e: {  	_ =	shalt  }
0x5f: {  	_ =	shalt  }
0x60: {  	_ =	shalt  }
0x61: {  	_ =	shalt  }
0x62: {  	_ =	shalt  }
0x63: {  	_ =	shalt  }
0x64: {  	_ =	shalt  }
0x65: {  	_ =	shalt  }
0x66: {  	_ =	shalt  }
0x67: {  	_ =	shalt  }
0x68: {  	_ =	shalt  }
0x69: {  	_ =	shalt  }
0x6a: {  	_ =	shalt  }
0x6b: {  	_ =	shalt  }
0x6c: {  	_ =	shalt  }
0x6d: {  	_ =	shalt  }
0x6e: {  	_ =	shalt  }
0x6f: {  	_ =	shalt  }
0x70: {  	_ =	shalt  }
0x71: {  	_ =	shalt  }
0x72: {  	_ =	shalt  }
0x73: {  	_ =	shalt  }
0x74: {  	_ =	shalt  }
0x75: {  	_ =	shalt  }
0x76: {  	_ =	shalt  }
0x77: {  	_ =	shalt  }
0x78: {  	_ =	shalt  }
0x79: {  	_ =	shalt  }
0x7a: {  	_ =	shalt  }
0x7b: {  	_ =	shalt  }
0x7c: {  	_ =	shalt  }
0x7d: {  	_ =	shalt  }
0x7e: {  	_ =	shalt  }
0x7f: {  	_ =	shalt  }
0x80: {  	_ =	shalt  }
0x81: {  	_ =	shalt  }
0x82: {  	_ =	shalt  }
0x83: {  	_ =	shalt  }
0x84: {  	_ =	shalt  }
0x85: {  	_ =	shalt  }
0x86: {  	_ =	shalt  }
0x87: {  	_ =	shalt  }
.Lfunc_end0:
.L_simem_size_0:
called_computation.3_lowered:
.L_overlay_start_0:
0x88: {  	s2 =	sld [smem:$0x3FD9]  }
0x89: {  	s3 =	sld [smem:$0x3FFE];
	_ =	sdelay $0x1  }
0x8a: {  	s1 =	srdreg.scid  }
0x8b: {  	s0 =	sand.u32 $0x1, s1  }
0x8c: {  	s17 =	sshll.u32 s0, $0xA;
	s2 =	sadd.s32 s3, s2  }
0x8d: {  	s2 =	sadd.s32 s2, s17  }
0x8e: {  	[smem:$0x3FBF] =	sst s2  }
0x8f: {  	_ = 	snop  }
0x90: {  	s2 =	sld [smem:$0x3FD0];
	(tm) =	ssettm $0x1  }
0x91: {  	s18 =	sld [smem:$0x3FFB];
	_ =	sdelay $0x3  }
0x92: {  	_ =	strace s18  }
0x93: {  	s3 =	sld [smem:$0x3FFC];
	_ =	sdelay $0x3  }
0x94: {  	_ =	strace s3  }
0x95: {  	s3 =	sld [smem:$0x3FFD];
	_ =	sdelay $0x3  }
0x96: {  	_ =	strace s3  }
0x97: {  	_ =	strace $0x8FFFFFFF  }
0x98: {  	s19 =	sld [smem:$0x3FDB];
	_ =	sdelay $0x1  }
0x99: {  	s4 =	simm.s32 $_scs_section_size  }
0x9a: {  	s5 =	simm.s32 $_size__tile_overlayer_lowered;
	s6 =	simm.s32 $_tile_overlayer_lowered  }
0x9b: {  	s22 =	simm.s32 $0x1BFF;
	s21 =	sshll.u32 s6, $0x1;
	s3 =	sadd.s32 s4, s19  }
0x9c: {  	s7 =	simm.s32 $0x0;
	s20 =	sshll.u32 s5, $0x1;
	s5 =	sadd.s32 s21, s3  }
0x9d: {  	[timem:s7], [sflag:s22] =	dma.local [hbm:s5], s20  }
0x9e: {  	_ =	swait.ge [sflag:s22], s20  }
0x9f: {  	s4 =	ssub.s32 $0x0, s20;
	[sflag:s22] =	ssyncset.done $0x0  }
0xa0: {  	[sflag:s22] =	ssyncadd.s32 s4;
	_ =	sdelay $0x1  }
0xa1: {  	s23 =	simm.s32 $0x1B8B  }
0xa2: {  	_ =	swait.ge [sflag:s23], $0x1  }
0xa3: {  	[sflag:s23] =	ssyncset.done $0x0  }
0xa4: {  	s25 =	simm.s32 $0x1B8E;
	s24 =	sld [smem:$0x3FFE];
	[sflag:s23] =	ssyncadd.s32 $0xFFFFFFFF  }
0xa5: {  	s26 =	simm.s32 $execute0_lowered;
	[smem:$0x3FD2] =	sst s25  }
0xa6: {  	s5 =	sshll.u32 s26, $0x1;
	_ =	strace $0x8000004C;
	[dreg:$0x1] =	wrdreg $0xFFFFFFFF  }
0xa7: {  	s28 =	simm.s32 $_size_execute0_lowered;
	s3 =	sadd.s32 s3, s5;
	[dreg:$0x0] =	wrdreg $0x0  }
0xa8: {  	s5 =	sshll.u32 s28, $0x1;
	[dreg:$0x2] =	wrdreg s3  }
0xa9: {  	[dreg:$0x3] =	wrdreg s5  }
0xaa: {  	[dreg:$0x4] =	wrdreg $0xC0  }
0xab: {  	_ =	task [dreg:s7], $0x5FFFF  }
0xac: {  	[dreg:$0x1] =	wrdreg $0xFFFFFFFF  }
0xad: {  	[dreg:$0x0] =	wrdreg $0x60  }
0xae: {  	[dreg:$0x2] =	wrdreg s24  }
0xaf: {  	[dreg:$0x3] =	wrdreg s2  }
0xb0: {  	[dreg:$0x4] =	wrdreg $0x9  }
0xb1: {  	_ =	task.clear_ibuf [dreg:s7], $0x5FFFF;
	_ =	strace $0x9000004C  }
0xb2: {  	s29 =	simm.s32 $0x9;
	_ =	strace $0x8000004E  }
0xb3: {  	_ =	swait.ge [sflag:s29], $0x1  }
0xb4: {  	[sflag:s29] =	ssyncadd.s32 $0xFFFFFFFF  }
0xb5: {  	_ =	strace $0x9000004E  }
0xb6: {  	_ =	sfence  }
0xb7: {  	s30 =	sld [smem:$0x0];
	_ =	sdelay $0x2  }
0xb8: {  	s31 =	sshll.u32 s1, $0xD;
	s1 =	sshrl.u32 s1, $0x2  }
0xb9: {  	s3 =	sand.u32 $0x4000, s31;
	s1 =	sadd.s32 s1, s30  }
0xba: {  	s0 =	sor.u32 s3, s0;
	s1 =	sshll.u32 s1, $0x11  }
0xbb: {  	s0 =	sor.u32 s1, s0  }
0xbc: {  	s0 =	sadd.s32 $0x8F2B, s0  }
0xbd: {  	[sflag:s0] =	ssyncadd.remote.s32 $0x1  }
0xbe: {  	_ =	sfence.sel $0xFFFF  }
0xbf: {  	[dreg:$0x0] =	wrdreg $0xFFFFFFFF;
	(pc) =	sbr.abs _section_cstart, $3  }
0xc0: {  	[dreg:$0x1] =	wrdreg $0xFFFFFFFF  }
0xc1: {  	_ =	task.clear_ibuf [dreg:s7], $0x2FFFF;
	_ =	strace $0x9FFFFFFF  }
0xc2: {  	(tm) =	ssettm $0x7FFFFFFF  }
0xc3: {  	_ =	shalt  }
tec
execute0_lowered:
.L_overlay_start_1:
0x0: {  	(tag) =	ssettag $0x1  }
0x1: {  	s7 =	rddreg [dreg:$0x0]  }
0x2: {  	s2 =	rddreg [dreg:$0x1]  }
0x3: {  	s0 =	rddreg [dreg:$0x2]  }
0x4: {  	s4 =	srdreg.scid;
	s1 =	stileid.u32  }
0x5: {  	s3 =	simm.s32 $0x0;
	s12 =	simm.s32 $0x3;
	s13 =	simm.s32 $0x100  }
0x6: {  	s14 =	simm.s32 $0x400;
	s15 =	simm.s32 $0x200;
	s16 =	simm.s32 $0x300  }
0x7: {  	s17 =	simm.s32 $0x8400;
	s18 =	simm.s32 $0x1;
	s19 =	simm.s32 $0x2  }
0x8: {  	s20 =	simm.s32 $0x0;
	s6 =	sand.u32 $0x1, s4;
	s30 =	sshll.u32 s1, $0x1  }
.Ltmp0:
0x9: {  	[smem:$0x7FF] =	sst s3;
	s5 =	sadd.s32 $0x97E400, s7;
	(pc) =	sbr.rel .LBB2_1-.Ltmp0, $4  }
0xa: {  	s7 =	sadd.s32 $0x986000, s7;
	s4 =	sor.u32 s6, s30;
	s8 =	ssub.s32 $0x2, s6  }
0xb: {  	_ =	strace $0x8000004D;
	s31 =	sshll.u32 s4, $0x5;
	s9 =	sshrl.u32 s8, $0x1  }
0xc: {  	s10 =	sor.u32 $0x60, s4;
	s6 =	sadd.s32 s5, s31;
	s11 =	ssub.s32 s8, s9  }
0xd: {  	s9 =	sor.u32 $0x40, s4;
	s8 =	sadd.s32 $0x400, s6;
	s11 =	smax.u32 s11, $0x1  }
.LBB2_14:
0xe: {  	s20 =	sadd.s32 $0x1, s20  }
0xf: {  	p0 =	sne.s32 s20, s11  }
.Ltmp1:
0x10: {  	_ = 	snop;
	(pc) =	sbr.rel @!p0 .LBB2_15-.Ltmp1, $1  }
0x11: {  	_ =	sdelay $0x3  }
.LBB2_1:
0x12: {  	[tilespmem:s3], [sflag:$0x3] =	stream.linear.gather [hbm4b:s6+s3], $0x100, $0x38;
	[tilespmem:$0x10400] =	vst v63  }
0x13: {  	_ =	swait.ge [sflag:s12], $0x100  }
0x14: {  	[sflag:s12] =	ssyncset.done $0x0  }
0x15: {  	s21 =	simm.s32 $0x0;
	[sflag:s12] =	ssyncadd.s32 $0xFFFFFF00  }
0x16: {  	v0 =	vld [tilespmem:s21+$0x0]  }
0x17: {  	s22 =	simm.s32 $0x40  }
.LBB2_2:
0x18: {  	p0 =	sne.s32 s22, $0x3C0  }
.Ltmp2:
0x19: {  	_ = 	snop;
	(pc) =	sbr.rel @p0 .LBB2_2-.Ltmp2, $4  }
0x1a: {  	_ = 	snop  }
0x1b: {  	s23 =	sshra.s32 s22, $0x2;
	s22 =	sadd.s32 $0x40, s22;
	vm0 =	vlt.s32 v0, $0x1;
	v1 =	vsub.s32 $0x0, v0;
	v2 =	vadd.s32 $0x493DF, v0  }
0x1c: {  	v0 =	vld [tilespmem:s23+$0x0];
	v1 =	vsel vm0, v1, v2  }
0x1d: {  	[tilespmem:s21+$0x100] =	vst v1;
	s21 =	smov.u32 s23  }
0x1e: {  	_ =	sdelay $0x2  }
0x1f: {  	vm0 =	vlt.s32 v0, $0x1;
	v1 =	vsub.s32 $0x0, v0;
	v0 =	vadd.s32 $0x493DF, v0  }
0x20: {  	v0 =	vsel vm0, v1, v0  }
0x21: {  	[tilespmem:s21+$0x100] =	vst v0  }
0x22: {  	[tilespmem:s14], [sflag:$0x1] =	stream.indirect.gather [hbm4b:s7+s13], $0x80, s13, s13, $0xb8;
	[tilespmem:$0x10400] =	vst v63  }
0x23: {  	s31 =	simm.s32 $0x0  }
0x24: {  	[tilespmem:s15], [sflag:$0x3] =	stream.linear.gather [hbm4b:s8+s31], $0x100, $0x38;
	[tilespmem:$0x10400] =	vst v63  }
0x25: {  	_ =	swait.ge [sflag:s12], $0x100  }
0x26: {  	[sflag:s12] =	ssyncset.done $0x0  }
0x27: {  	s21 =	simm.s32 $0x0;
	[sflag:s12] =	ssyncadd.s32 $0xFFFFFF00  }
0x28: {  	v0 =	vld [tilespmem:s21+$0x200]  }
0x29: {  	s22 =	simm.s32 $0x40  }
.LBB2_4:
0x2a: {  	p0 =	sne.s32 s22, $0x3C0  }
.Ltmp3:
0x2b: {  	_ = 	snop;
	(pc) =	sbr.rel @p0 .LBB2_4-.Ltmp3, $4  }
0x2c: {  	_ = 	snop  }
0x2d: {  	s23 =	sshra.s32 s22, $0x2;
	s22 =	sadd.s32 $0x40, s22;
	vm0 =	vlt.s32 v0, $0x1;
	v1 =	vsub.s32 $0x0, v0;
	v2 =	vadd.s32 $0x493DF, v0  }
0x2e: {  	v0 =	vld [tilespmem:s23+$0x200];
	v1 =	vsel vm0, v1, v2  }
0x2f: {  	[tilespmem:s21+$0x300] =	vst v1;
	s21 =	smov.u32 s23  }
0x30: {  	_ =	sdelay $0x2  }
0x31: {  	vm0 =	vlt.s32 v0, $0x1;
	v1 =	vsub.s32 $0x0, v0;
	v63 =	vadd.s32 $0x493DF, v0  }
0x32: {  	v0 =	vsel vm0, v1, v63  }
0x33: {  	[tilespmem:s21+$0x300] =	vst v0;
	s21 =	simm.s32 $0x0  }
0x34: {  	[tilespmem:s17], [sflag:$0x2] =	stream.indirect.gather [hbm4b:s7+s13], $0x80, s16, s13, $0xb8;
	[tilespmem:$0x10400] =	vst v63  }
.LBB2_6:
0x35: {  	s22 =	sshll.u32 s21, $0x6  }
0x36: {  	s23 =	sor.u32 s4, s22  }
0x37: {  	s24 =	smin.u32 s23, $0x3D0  }
0x38: {  	s24 =	sshll.u32 s24, $0x8  }
0x39: {  	_ =	swait.ge [sflag:s18], $0x8000;
	s24 =	smin.u32 s24, $0x3CF90  }
0x3a: {  	p0 =	seq.s32 s21, $0xF;
	[sflag:s18] =	ssyncset.done $0x0;
	s24 =	sshll.u32 s24, $0x4  }
.Ltmp4:
0x3b: {  	[sflag:s18] =	ssyncadd.s32 $0xFFFF8000;
	s24 =	sadd.s32 s2, s24;
	(pc) =	sbr.rel @p0 .LBB2_10-.Ltmp4, $4  }
0x3c: {  	[hbm4b:s24+s3] =	stream.linear.scatter [tilespmem:s14], [sflag:$0x3], $0x8000, $0x38;
	[tilespmem:$0x10400] =	vst v63  }
0x3d: {  	_ =	swait.ge [sflag:s12], $0x8000  }
0x3e: {  	[sflag:s12] =	ssyncset.done $0x0  }
0x3f: {  	[sflag:s12] =	ssyncadd.s32 $0xFFFF8000  }
0x40: {  	s24 =	sadd.s32 s9, s22  }
0x41: {  	s24 =	smin.u32 s24, $0x3D0  }
0x42: {  	s24 =	sshll.u32 s24, $0x8  }
0x43: {  	s24 =	smin.u32 s24, $0x3CF90  }
0x44: {  	s24 =	sshrl.u32 s24, $0x3  }
0x45: {  	s25 =	simm.s32 $0x0;
	s24 =	sadd.s32 s5, s24  }
0x46: {  	[tilespmem:s25], [sflag:$0x3] =	stream.linear.gather [hbm4b:s24+s25], $0x100, $0x38;
	[tilespmem:$0x10400] =	vst v63  }
0x47: {  	_ =	swait.ge [sflag:s12], $0x100  }
0x48: {  	[sflag:s12] =	ssyncset.done $0x0  }
0x49: {  	s24 =	simm.s32 $0x0;
	[sflag:s12] =	ssyncadd.s32 $0xFFFFFF00  }
0x4a: {  	v0 =	vld [tilespmem:s24+$0x0]  }
0x4b: {  	s25 =	simm.s32 $0x40  }
.LBB2_8:
0x4c: {  	p1 =	sne.s32 s25, $0x3C0  }
.Ltmp5:
0x4d: {  	_ = 	snop;
	(pc) =	sbr.rel @p1 .LBB2_8-.Ltmp5, $4  }
0x4e: {  	_ = 	snop  }
0x4f: {  	s26 =	sshra.s32 s25, $0x2;
	s25 =	sadd.s32 $0x40, s25;
	vm0 =	vlt.s32 v0, $0x1;
	v1 =	vsub.s32 $0x0, v0;
	v2 =	vadd.s32 $0x493DF, v0  }
0x50: {  	v0 =	vld [tilespmem:s26+$0x0];
	v1 =	vsel vm0, v1, v2  }
0x51: {  	[tilespmem:s24+$0x100] =	vst v1;
	s24 =	smov.u32 s26  }
0x52: {  	_ =	sdelay $0x2  }
0x53: {  	vm0 =	vlt.s32 v0, $0x1;
	v1 =	vsub.s32 $0x0, v0;
	v63 =	vadd.s32 $0x493DF, v0  }
0x54: {  	v0 =	vsel vm0, v1, v63  }
0x55: {  	[tilespmem:s24+$0x100] =	vst v0  }
0x56: {  	[tilespmem:s14], [sflag:$0x1] =	stream.indirect.gather [hbm4b:s7+s13], $0x80, s13, s13, $0xb8;
	[tilespmem:$0x10400] =	vst v63  }
.LBB2_10:
0x57: {  	s23 =	sor.u32 $0x20, s23  }
0x58: {  	s23 =	smin.u32 s23, $0x3D0  }
0x59: {  	s23 =	sshll.u32 s23, $0x8  }
0x5a: {  	_ =	swait.ge [sflag:s19], $0x8000;
	s23 =	smin.u32 s23, $0x3CF90  }
0x5b: {  	[sflag:s19] =	ssyncset.done $0x0;
	s23 =	sshll.u32 s23, $0x4  }
.Ltmp6:
0x5c: {  	[sflag:s19] =	ssyncadd.s32 $0xFFFF8000;
	s23 =	sadd.s32 s2, s23;
	(pc) =	sbr.rel @p0 .LBB2_14-.Ltmp6, $4  }
0x5d: {  	[hbm4b:s23+s3] =	stream.linear.scatter [tilespmem:s17], [sflag:$0x3], $0x8000, $0x38;
	[tilespmem:$0x10400] =	vst v63  }
0x5e: {  	_ =	swait.ge [sflag:s12], $0x8000  }
0x5f: {  	[sflag:s12] =	ssyncset.done $0x0  }
0x60: {  	[sflag:s12] =	ssyncadd.s32 $0xFFFF8000  }
0x61: {  	s22 =	sadd.s32 s10, s22  }
0x62: {  	s22 =	smin.u32 s22, $0x3D0  }
0x63: {  	s22 =	sshll.u32 s22, $0x8  }
0x64: {  	s22 =	smin.u32 s22, $0x3CF90  }
0x65: {  	s22 =	sshrl.u32 s22, $0x3  }
0x66: {  	s23 =	simm.s32 $0x0;
	s22 =	sadd.s32 s5, s22  }
0x67: {  	[tilespmem:s15], [sflag:$0x3] =	stream.linear.gather [hbm4b:s22+s23], $0x100, $0x38;
	[tilespmem:$0x10400] =	vst v63  }
0x68: {  	_ =	swait.ge [sflag:s12], $0x100  }
0x69: {  	[sflag:s12] =	ssyncset.done $0x0  }
0x6a: {  	s22 =	simm.s32 $0x0;
	[sflag:s12] =	ssyncadd.s32 $0xFFFFFF00  }
0x6b: {  	v0 =	vld [tilespmem:s22+$0x200]  }
0x6c: {  	s23 =	simm.s32 $0x40  }
.LBB2_12:
0x6d: {  	p0 =	sne.s32 s23, $0x3C0  }
.Ltmp7:
0x6e: {  	_ = 	snop;
	(pc) =	sbr.rel @p0 .LBB2_12-.Ltmp7, $4  }
0x6f: {  	_ = 	snop  }
0x70: {  	s24 =	sshra.s32 s23, $0x2;
	s23 =	sadd.s32 $0x40, s23;
	vm0 =	vlt.s32 v0, $0x1;
	v1 =	vsub.s32 $0x0, v0;
	v2 =	vadd.s32 $0x493DF, v0  }
0x71: {  	v0 =	vld [tilespmem:s24+$0x200];
	v1 =	vsel vm0, v1, v2  }
0x72: {  	[tilespmem:s22+$0x300] =	vst v1;
	s22 =	smov.u32 s24  }
0x73: {  	_ =	sdelay $0x1  }
.Ltmp8:
0x74: {  	_ = 	snop;
	(pc) =	sbr.rel .LBB2_6-.Ltmp8, $4  }
0x75: {  	vm0 =	vlt.s32 v0, $0x1;
	v1 =	vsub.s32 $0x0, v0;
	v63 =	vadd.s32 $0x493DF, v0  }
0x76: {  	v0 =	vsel vm0, v1, v63  }
0x77: {  	s21 =	sadd.s32 $0x1, s21;
	[tilespmem:s22+$0x300] =	vst v0  }
0x78: {  	[tilespmem:s17], [sflag:$0x2] =	stream.indirect.gather [hbm4b:s7+s13], $0x80, s16, s13, $0xb8;
	[tilespmem:$0x10400] =	vst v63  }
.LBB2_15:
0x79: {  	_ =	sfence.sel $0x180000  }
0x7a: {  	[bflag:$0x0] =	sbarrier.arrive $0xFFFF  }
0x7b: {  	p0 =	sne.s32 s1, $0x0;
	_ =	strace $0x9000004D  }
0x7c: {  	s0 =	sadd.s32 @!p0 $0x100000, s0;
	[bflag:$0x2] =	sbarrier.arrive $0xFFFF  }
0x7d: {  	[sflag:s0] =	ssyncadd.tile.s32 @!p0 $0x1;
	_ =	shalt  }
.Lfunc_end2:
_tile_overlayer_lowered:
.L_overlay_start_2:
0x7e: {  	(tag) =	ssettag $0x2  }
0x7f: {  	s0 =	rddreg [dreg:$0x0];
	s2 =	stileid.u32  }
0x80: {  	s1 =	rddreg [dreg:$0x1];
	p0 =	sne.s32 s2, $0x0  }
0x81: {  	s3 =	rddreg [dreg:$0x2];
	[bflag:$0x3] =	sbarrier.arrive $0xFFFF;
	s2 =	simm.s32 @!p0 $0x1C03  }
0x82: {  	[timem:s3], [sflag:s2] =	dma.local @!p0 [hbm:s0], s1  }
0x83: {  	s0 =	simm.s32 @!p0 $0x3  }
0x84: {  	_ =	swait.ge @!p0 [sflag:s0], s1  }
0x85: {  	s1 =	ssub.s32 @!p0 $0x0, s1;
	[sflag:s0] =	ssyncset.done @!p0 $0x0  }
0x86: {  	[sflag:s0] =	ssyncadd.s32 @!p0 s1  }
0x87: {  	[bflag:$0x3] =	sbarrier.arrive $0xFFFF  }
0x88: {  	_ =	shalt  }

// kernel: kernel.7.cloned.1.call-start
scs
__scs_entry_jumppad:
0x0: {  	(pc) =	sbr.rel $0x88, $3  }
0x1: {  	(tag) =	ssettag $0x0;
	lr =	simm.s32 $0x1  }
0x2: {  	[smem:$0x3F98] =	sst lr;
	_ =	strace $0xD0000000  }
0x3: {  	_ = 	snop  }
0x4: {  	_ = 	snop  }
0x5: {  	_ = 	snop  }
0x6: {  	_ = 	snop  }
0x7: {  	_ = 	snop  }
__scs_overlays_trampoline_lowered:
0x8: {  	[smem:$0x3FA7] =	sst s0  }
0x9: {  	[smem:$0x3FA8] =	sst s1  }
0xa: {  	[smem:$0x3FA9] =	sst s2  }
0xb: {  	[smem:$0x3FAA] =	sst s3  }
0xc: {  	[smem:$0x3FAB] =	sst s4  }
0xd: {  	[smem:$0x3FAC] =	sst s5  }
0xe: {  	[smem:$0x3FAD] =	sst s6  }
0xf: {  	[smem:$0x3FAE] =	sst s7  }
0x10: {  	[smem:$0x3FAF] =	sst s8  }
0x11: {  	[smem:$0x3FB0] =	sst s9;
	s0 =	simm.s32 @!p0 $0x0  }
0x12: {  	s1 =	sld [smem:$0x3F96];
	s0 =	simm.s32 @p0 $0x1  }
0x13: {  	[smem:$0x3FB1] =	sst s0;
	s0 =	simm.s32 @!p1 $0x0  }
0x14: {  	s2 =	sld [smem:$0x3F95];
	s0 =	simm.s32 @p1 $0x1  }
0x15: {  	[smem:$0x3FB2] =	sst s0;
	s0 =	simm.s32 @!p2 $0x0  }
0x16: {  	s3 =	sld [smem:$0x3FDB];
	s0 =	simm.s32 @p2 $0x1  }
0x17: {  	s4 =	simm.s32 $0x1BF5;
	[smem:$0x3FB4] =	sst s0  }
0x18: {  	s0 =	sld [smem:$0x3F97];
	_ =	swait.ge [sflag:s4], $0x0  }
0x19: {  	s7 =	sld [smem:$0x3F98]  }
0x1a: {  	s8 =	sadd.s32 $0xFFFFE003, lr  }
0x1b: {  	s9 =	sadd.s32 $0xFFFFFEF7, lr;
	s5 =	simm.s32 $0xFFFFFFFF;
	p2 =	slt.u32 s8, $0xFFFFF086  }
0x1c: {  	p1 =	slt.u32 s9, $0xF7A;
	s5 =	simm.s32 @!p2 $0x0  }
0x1d: {  	s5 =	simm.s32 @p1 $0x1;
	p0 =	seq.s32 s7, s2  }
0x1e: {  	s7 =	smul.u32 @!p0 $0xF7A, s2;
	p2 =	seq.s32 @!p0 s5, $0x0  }
0x1f: {  	s9 =	smul.u32 $0xF7A, s1;
	s8 =	simm.s32 @!p0 $0x1BF5;
	p2 =	por !p2, p0  }
0x20: {  	[sflag:s8] =	ssyncset.s32 @!p0 $0xFFFFF086;
	s6 =	sadd.s32 @!p0 s3, s7;
	s7 =	simm.s32 @!p0 $0x108  }
0x21: {  	s3 =	sadd.s32 s3, s9;
	s6 =	sadd.s32 @!p0 $0x88, s6;
	s7 =	simm.s32 @p2 $0x1082  }
0x22: {  	[simem:s7], [sflag:s8] =	dma.local @!p0 [hbm:s6], $0xF7A  }
0x23: {  	s9 =	sor.u32 $0xD0000000, s2;
	s6 =	simm.s32 $0x108;
	_ =	swait.ge @!p0 [sflag:s8], $0x0  }
0x24: {  	s3 =	sadd.s32 $0x88, s3;
	s6 =	simm.s32 @!p1 $0x1082;
	[sflag:s4] =	ssyncset.s32 $0xFFFFF086  }
0x25: {  	[simem:s6], [sflag:s4] =	dma.local [hbm:s3], $0xF7A  }
0x26: {  	[smem:$0x3F98] =	sst s1;
	(tag) =	ssettag s2;
	_ =	strace s9  }
0x27: {  	s1 =	sld [smem:$0x3FA8]  }
0x28: {  	s2 =	sld [smem:$0x3FA9]  }
0x29: {  	s4 =	sld [smem:$0x3FAB]  }
0x2a: {  	p0 =	seq.s32 s5, $0x0;
	s5 =	sld [smem:$0x3FAC]  }
0x2b: {  	s6 =	sld [smem:$0x3FAD]  }
0x2c: {  	s7 =	sld [smem:$0x3FAE]  }
0x2d: {  	s3 =	simm.s32 $0x108;
	s8 =	sld [smem:$0x3FAF]  }
0x2e: {  	s3 =	simm.s32 @!p0 $0x1082;
	s9 =	sld [smem:$0x3FB0]  }
0x2f: {  	lr =	sadd.s32 s0, s3;
	s0 =	sld [smem:$0x3FA7]  }
0x30: {  	s3 =	sld [smem:$0x3FAA]  }
0x31: {  	[smem:$0x3FB3] =	sst s10  }
0x32: {  	s10 =	sld [smem:$0x3FB1];
	_ =	sdelay $0x3  }
0x33: {  	p0 =	seq.s32 s10, $0x1;
	s10 =	sld [smem:$0x3FB3];
	_ =	sdelay $0x3  }
0x34: {  	[smem:$0x3FB3] =	sst s10  }
0x35: {  	s10 =	sld [smem:$0x3FB2];
	_ =	sdelay $0x3  }
0x36: {  	p1 =	seq.s32 s10, $0x1;
	s10 =	sld [smem:$0x3FB3];
	_ =	sdelay $0x3  }
0x37: {  	[smem:$0x3FB3] =	sst s10  }
0x38: {  	s10 =	sld [smem:$0x3FB4]  }
0x39: {  	_ = 	snop;
	(pc) =	sbr.ind lr, $3  }
0x3a: {  	_ = 	snop  }
0x3b: {  	_ = 	snop  }
0x3c: {  	p2 =	seq.s32 s10, $0x1;
	s10 =	sld [smem:$0x3FB3]  }
0x3d: {  	_ =	shalt  }
0x3e: {  	_ =	shalt  }
0x3f: {  	_ =	shalt  }
0x40: {  	_ =	shalt  }
0x41: {  	_ =	shalt  }
0x42: {  	_ =	shalt  }
0x43: {  	_ =	shalt  }
0x44: {  	_ =	shalt  }
0x45: {  	_ =	shalt  }
0x46: {  	_ =	shalt  }
0x47: {  	_ =	shalt  }
0x48: {  	_ =	shalt  }
0x49: {  	_ =	shalt  }
0x4a: {  	_ =	shalt  }
0x4b: {  	_ =	shalt  }
0x4c: {  	_ =	shalt  }
0x4d: {  	_ =	shalt  }
0x4e: {  	_ =	shalt  }
0x4f: {  	_ =	shalt  }
0x50: {  	_ =	shalt  }
0x51: {  	_ =	shalt  }
0x52: {  	_ =	shalt  }
0x53: {  	_ =	shalt  }
0x54: {  	_ =	shalt  }
0x55: {  	_ =	shalt  }
0x56: {  	_ =	shalt  }
0x57: {  	_ =	shalt  }
0x58: {  	_ =	shalt  }
0x59: {  	_ =	shalt  }
0x5a: {  	_ =	shalt  }
0x5b: {  	_ =	shalt  }
0x5c: {  	_ =	shalt  }
0x5d: {  	_ =	shalt  }
0x5e: {  	_ =	shalt  }
0x5f: {  	_ =	shalt  }
0x60: {  	_ =	shalt  }
0x61: {  	_ =	shalt  }
0x62: {  	_ =	shalt  }
0x63: {  	_ =	shalt  }
0x64: {  	_ =	shalt  }
0x65: {  	_ =	shalt  }
0x66: {  	_ =	shalt  }
0x67: {  	_ =	shalt  }
0x68: {  	_ =	shalt  }
0x69: {  	_ =	shalt  }
0x6a: {  	_ =	shalt  }
0x6b: {  	_ =	shalt  }
0x6c: {  	_ =	shalt  }
0x6d: {  	_ =	shalt  }
0x6e: {  	_ =	shalt  }
0x6f: {  	_ =	shalt  }
0x70: {  	_ =	shalt  }
0x71: {  	_ =	shalt  }
0x72: {  	_ =	shalt  }
0x73: {  	_ =	shalt  }
0x74: {  	_ =	shalt  }
0x75: {  	_ =	shalt  }
0x76: {  	_ =	shalt  }
0x77: {  	_ =	shalt  }
0x78: {  	_ =	shalt  }
0x79: {  	_ =	shalt  }
0x7a: {  	_ =	shalt  }
0x7b: {  	_ =	shalt  }
0x7c: {  	_ =	shalt  }
0x7d: {  	_ =	shalt  }
0x7e: {  	_ =	shalt  }
0x7f: {  	_ =	shalt  }
0x80: {  	_ =	shalt  }
0x81: {  	_ =	shalt  }
0x82: {  	_ =	shalt  }
0x83: {  	_ =	shalt  }
0x84: {  	_ =	shalt  }
0x85: {  	_ =	shalt  }
0x86: {  	_ =	shalt  }
0x87: {  	_ =	shalt  }
.Lfunc_end0:
.L_simem_size_0:
called_computation.1_lowered:
.L_overlay_start_0:
0x88: {  	s2 =	sld [smem:$0x3FD9]  }
0x89: {  	s3 =	sld [smem:$0x3FFE];
	_ =	sdelay $0x1  }
0x8a: {  	s1 =	srdreg.scid  }
0x8b: {  	s0 =	sand.u32 $0x1, s1  }
0x8c: {  	s17 =	sshll.u32 s0, $0xA;
	s2 =	sadd.s32 s3, s2  }
0x8d: {  	s2 =	sadd.s32 s2, s17  }
0x8e: {  	[smem:$0x3FBF] =	sst s2  }
0x8f: {  	_ = 	snop  }
0x90: {  	s2 =	sld [smem:$0x3FC8]  }
0x91: {  	s18 =	sld [smem:$0x3FD0];
	(tm) =	ssettm $0x1  }
0x92: {  	s4 =	sld [smem:$0x3FFB];
	_ =	sdelay $0x3  }
0x93: {  	_ =	strace s4  }
0x94: {  	s4 =	sld [smem:$0x3FFC];
	_ =	sdelay $0x3  }
0x95: {  	_ =	strace s4  }
0x96: {  	s4 =	sld [smem:$0x3FFD];
	_ =	sdelay $0x3  }
0x97: {  	_ =	strace s4  }
0x98: {  	_ =	strace $0x8FFFFFFF  }
0x99: {  	s19 =	sld [smem:$0x3FDB];
	_ =	sdelay $0x1  }
0x9a: {  	s5 =	simm.s32 $_scs_section_size  }
0x9b: {  	s6 =	simm.s32 $_size__tile_overlayer_lowered;
	s7 =	simm.s32 $_tile_overlayer_lowered  }
0x9c: {  	s22 =	simm.s32 $0x1BFF;
	s21 =	sshll.u32 s7, $0x1;
	s4 =	sadd.s32 s5, s19  }
0x9d: {  	s8 =	simm.s32 $0x0;
	s20 =	sshll.u32 s6, $0x1;
	s6 =	sadd.s32 s21, s4  }
0x9e: {  	[timem:s8], [sflag:s22] =	dma.local [hbm:s6], s20  }
0x9f: {  	_ =	swait.ge [sflag:s22], s20  }
0xa0: {  	s5 =	ssub.s32 $0x0, s20;
	[sflag:s22] =	ssyncset.done $0x0  }
0xa1: {  	[sflag:s22] =	ssyncadd.s32 s5;
	_ =	sdelay $0x1  }
0xa2: {  	s23 =	simm.s32 $0x1B8B  }
0xa3: {  	_ =	swait.ge [sflag:s23], $0x1  }
0xa4: {  	[sflag:s23] =	ssyncset.done $0x0  }
0xa5: {  	s25 =	simm.s32 $0x1B8E;
	s24 =	sld [smem:$0x3FFE];
	[sflag:s23] =	ssyncadd.s32 $0xFFFFFFFF  }
0xa6: {  	s26 =	simm.s32 $execute0_lowered;
	[smem:$0x3FD2] =	sst s25  }
0xa7: {  	s6 =	sshll.u32 s26, $0x1;
	_ =	strace $0x80000046;
	[dreg:$0x1] =	wrdreg $0xFFFFFFFF  }
0xa8: {  	s28 =	simm.s32 $_size_execute0_lowered;
	s4 =	sadd.s32 s4, s6;
	[dreg:$0x0] =	wrdreg $0x0  }
0xa9: {  	s6 =	sshll.u32 s28, $0x1;
	[dreg:$0x2] =	wrdreg s4  }
0xaa: {  	[dreg:$0x3] =	wrdreg s6  }
0xab: {  	[dreg:$0x4] =	wrdreg $0xC0  }
0xac: {  	_ =	task [dreg:s8], $0x5FFFF  }
0xad: {  	[dreg:$0x1] =	wrdreg $0xFFFFFFFF  }
0xae: {  	[dreg:$0x0] =	wrdreg $0x60  }
0xaf: {  	[dreg:$0x2] =	wrdreg s18  }
0xb0: {  	[dreg:$0x3] =	wrdreg s2  }
0xb1: {  	[dreg:$0x4] =	wrdreg s24  }
0xb2: {  	[dreg:$0x5] =	wrdreg $0x9  }
0xb3: {  	_ =	task.clear_ibuf [dreg:s8], $0x6FFFF;
	_ =	strace $0x90000046  }
0xb4: {  	s29 =	simm.s32 $0x9;
	_ =	strace $0x80000048  }
0xb5: {  	_ =	swait.ge [sflag:s29], $0x1  }
0xb6: {  	[sflag:s29] =	ssyncadd.s32 $0xFFFFFFFF  }
0xb7: {  	_ =	strace $0x90000048  }
0xb8: {  	_ =	sfence  }
0xb9: {  	s30 =	sld [smem:$0x0];
	_ =	sdelay $0x2  }
0xba: {  	s31 =	sshll.u32 s1, $0xD;
	s1 =	sshrl.u32 s1, $0x2  }
0xbb: {  	s3 =	sand.u32 $0x4000, s31;
	s1 =	sadd.s32 s1, s30  }
0xbc: {  	s0 =	sor.u32 s3, s0;
	s1 =	sshll.u32 s1, $0x11  }
0xbd: {  	s0 =	sor.u32 s1, s0  }
0xbe: {  	s0 =	sadd.s32 $0x8F2B, s0  }
0xbf: {  	[sflag:s0] =	ssyncadd.remote.s32 $0x1  }
0xc0: {  	_ =	sfence.sel $0xFFFF  }
0xc1: {  	[dreg:$0x0] =	wrdreg $0xFFFFFFFF;
	(pc) =	sbr.abs _section_cstart, $3  }
0xc2: {  	[dreg:$0x1] =	wrdreg $0xFFFFFFFF  }
0xc3: {  	_ =	task.clear_ibuf [dreg:s8], $0x2FFFF;
	_ =	strace $0x9FFFFFFF  }
0xc4: {  	(tm) =	ssettm $0x7FFFFFFF  }
0xc5: {  	_ =	shalt  }
tec
execute0_lowered:
.L_overlay_start_1:
0x0: {  	(tag) =	ssettag $0x1  }
0x1: {  	s1 =	rddreg [dreg:$0x0]  }
0x2: {  	s3 =	rddreg [dreg:$0x1]  }
0x3: {  	s0 =	rddreg [dreg:$0x2]  }
0x4: {  	s2 =	srdreg.scid;
	s19 =	stileid.u32  }
0x5: {  	s4 =	simm.s32 $0x0;
	s22 =	simm.s32 $0x1E0;
	s23 =	simm.s32 $0x400  }
0x6: {  	s24 =	simm.s32 $0x200;
	s28 =	simm.s32 $0x2;
	s29 =	simm.s32 $0x0  }
0x7: {  	s2 =	sand.u32 $0x1, s2;
	s5 =	sshll.u32 s19, $0x1;
	s14 =	smul.u32 $0x4B00, s19  }
0x8: {  	[smem:$0x7FF] =	sst s4;
	s6 =	sadd.s32 $0x14E00, s0;
	s19 =	smul.u32 $0x4B000, s19  }
0x9: {  	s15 =	sadd.s32 $0x1E400, s0;
	s9 =	sor.u32 s2, s5;
	s17 =	smul.u32 $0x2580, s2  }
0xa: {  	_ =	strace $0x80000047;
	s8 =	ssub.s32 $0x2, s2;
	s2 =	smul.u32 $0x25800, s2  }
0xb: {  	s5 =	sadd.s32 $0x2200, s0;
	s0 =	sadd.s32 $0x4CE400, s0;
	s7 =	smul.u32 $0x2580, s9  }
0xc: {  	s10 =	sshrl.u32 s8, $0x1;
	s13 =	smul.u32 $0x25800, s9;
	s31 =	sadd.s32 s19, s15  }
0xd: {  	s12 =	ssub.s32 s8, s10;
	s20 =	sadd.s32 s17, s14;
	s17 =	sadd.s32 s2, s31  }
0xe: {  	s11 =	sshrl.u32 s7, $0x3;
	s16 =	sadd.s32 $0x21C00, s13;
	s18 =	sadd.s32 $0x23A00, s13  }
0xf: {  	s30 =	sadd.s32 $0x5A0, s20;
	s17 =	sadd.s32 $0x1E00, s17;
	s25 =	sadd.s32 $0x3C, s11  }
0x10: {  	s7 =	sadd.s32 s5, s11;
	s9 =	sadd.s32 s6, s11;
	s11 =	smax.u32 s12, $0x1  }
0x11: {  	s12 =	sadd.s32 s15, s16;
	s13 =	sadd.s32 s15, s18;
	s14 =	sadd.s32 s0, s16  }
0x12: {  	s15 =	sadd.s32 s0, s18;
	s21 =	sshrl.u32 s30, $0x3;
	s0 =	sadd.s32 s19, s0  }
0x13: {  	s18 =	sadd.s32 $0x3C0, s20;
	[dreg:$0x4] =	wrdreg s7;
	s26 =	sadd.s32 s5, s25  }
0x14: {  	s10 =	sadd.s32 s6, s25;
	s16 =	sadd.s32 s21, s5;
	s19 =	sadd.s32 s21, s6  }
0x15: {  	s0 =	sadd.s32 s2, s0;
	s21 =	simm.s32 $0x3;
	s25 =	simm.s32 $0xF400  }
0x16: {  	[dreg:$0x5] =	wrdreg s26;
	s20 =	sadd.s32 $0x1E00, s0;
	s26 =	simm.s32 $0x1  }
.LBB2_1:
0x17: {  	s0 =	rddreg [dreg:$0x4]  }
0x18: {  	[tilespmem:s4], [sflag:$0x3] =	stream.linear.gather [hbm4b:s0+s4], $0x1E0, $0x38;
	[tilespmem:$0x1E400] =	vst v63  }
0x19: {  	_ =	swait.ge [sflag:s21], $0x1E0  }
0x1a: {  	[sflag:s21] =	ssyncset.done $0x0  }
0x1b: {  	[sflag:s21] =	ssyncadd.s32 $0xFFFFFE20  }
0x1c: {  	[tilespmem:s23], [sflag:$0x1] =	stream.indirect.gather [hbm4b:s1+s22], $0x80, s4, s22, $0xb8;
	[tilespmem:$0x1E400] =	vst v63  }
0x1d: {  	s8 =	rddreg [dreg:$0x5]  }
0x1e: {  	[tilespmem:s24], [sflag:$0x3] =	stream.linear.gather [hbm4b:s8+s4], $0x1E0, $0x38;
	[tilespmem:$0x1E400] =	vst v63  }
0x1f: {  	_ =	swait.ge [sflag:s21], $0x1E0  }
0x20: {  	[sflag:s21] =	ssyncset.done $0x0  }
0x21: {  	[sflag:s21] =	ssyncadd.s32 $0xFFFFFE20  }
0x22: {  	[tilespmem:s25], [sflag:$0x2] =	stream.indirect.gather [hbm4b:s1+s22], $0x80, s24, s22, $0xb8;
	[tilespmem:$0x1E400] =	vst v63  }
0x23: {  	_ =	swait.ge [sflag:s26], $0xF000  }
0x24: {  	[sflag:s26] =	ssyncset.done $0x0  }
0x25: {  	s2 =	sadd.s32 $0xFFFFE200, s17;
	[sflag:s26] =	ssyncadd.s32 $0xFFFF1000  }
0x26: {  	[hbm4b:s2+s4] =	stream.linear.scatter [tilespmem:s23], [sflag:$0x3], $0xF000, $0x38;
	[tilespmem:$0x1E400] =	vst v63  }
0x27: {  	_ =	swait.ge [sflag:s21], $0xF000  }
0x28: {  	s30 =	sshrl.u32 s18, $0x3;
	[sflag:s21] =	ssyncset.done $0x0  }
0x29: {  	s7 =	sadd.s32 s5, s30;
	[sflag:s21] =	ssyncadd.s32 $0xFFFF1000  }
0x2a: {  	[tilespmem:s4], [sflag:$0x3] =	stream.linear.gather [hbm4b:s7+s4], $0x1E0, $0x38;
	[tilespmem:$0x1E400] =	vst v63  }
0x2b: {  	_ =	swait.ge [sflag:s21], $0x1E0  }
0x2c: {  	[sflag:s21] =	ssyncset.done $0x0  }
0x2d: {  	[sflag:s21] =	ssyncadd.s32 $0xFFFFFE20  }
0x2e: {  	[tilespmem:s23], [sflag:$0x1] =	stream.indirect.gather [hbm4b:s1+s22], $0x80, s4, s22, $0xb8;
	[tilespmem:$0x1E400] =	vst v63  }
0x2f: {  	_ =	swait.ge [sflag:s28], $0xF000  }
0x30: {  	[sflag:s28] =	ssyncset.done $0x0  }
0x31: {  	[sflag:s28] =	ssyncadd.s32 $0xFFFF1000  }
0x32: {  	[hbm4b:s17+s4] =	stream.linear.scatter [tilespmem:s25], [sflag:$0x3], $0xF000, $0x38;
	[tilespmem:$0x1E400] =	vst v63  }
0x33: {  	_ =	swait.ge [sflag:s21], $0xF000  }
0x34: {  	[sflag:s21] =	ssyncset.done $0x0  }
0x35: {  	s8 =	sadd.s32 $0x0, s16;
	[sflag:s21] =	ssyncadd.s32 $0xFFFF1000  }
0x36: {  	[tilespmem:s24], [sflag:$0x3] =	stream.linear.gather [hbm4b:s8+s4], $0x1E0, $0x38;
	[tilespmem:$0x1E400] =	vst v63  }
0x37: {  	_ =	swait.ge [sflag:s21], $0x1E0  }
0x38: {  	s31 =	simm.s32 $0x78;
	[sflag:s21] =	ssyncset.done $0x0  }
0x39: {  	s0 =	sadd.s32 $0x3C00, s17;
	s2 =	sadd.s32 $0x3C0, s18;
	[sflag:s21] =	ssyncadd.s32 $0xFFFFFE20  }
.LBB2_2:
0x3a: {  	[tilespmem:s25], [sflag:$0x2] =	stream.indirect.gather [hbm4b:s1+s22], $0x80, s24, s22, $0xb8;
	[tilespmem:$0x1E400] =	vst v63  }
0x3b: {  	s7 =	smov.u32 s31  }
0x3c: {  	p0 =	sne.s32 s31, $0x3C0;
	s31 =	sadd.s32 $0x78, s31;
	_ =	swait.ge [sflag:s26], $0xF000  }
0x3d: {  	[sflag:s26] =	ssyncset.done $0x0  }
0x3e: {  	s8 =	sadd.s32 $0xFFFFE200, s0;
	[sflag:s26] =	ssyncadd.s32 $0xFFFF1000  }
0x3f: {  	[hbm4b:s8+s4] =	stream.linear.scatter [tilespmem:s23], [sflag:$0x3], $0xF000, $0x38;
	[tilespmem:$0x1E400] =	vst v63  }
0x40: {  	_ =	swait.ge [sflag:s21], $0xF000  }
0x41: {  	s8 =	sshrl.u32 s2, $0x3;
	[sflag:s21] =	ssyncset.done $0x0  }
0x42: {  	s8 =	sadd.s32 s5, s8;
	[sflag:s21] =	ssyncadd.s32 $0xFFFF1000  }
0x43: {  	[tilespmem:s4], [sflag:$0x3] =	stream.linear.gather [hbm4b:s8+s4], $0x1E0, $0x38;
	[tilespmem:$0x1E400] =	vst v63  }
0x44: {  	_ =	swait.ge [sflag:s21], $0x1E0  }
0x45: {  	[sflag:s21] =	ssyncset.done $0x0  }
0x46: {  	[sflag:s21] =	ssyncadd.s32 $0xFFFFFE20  }
0x47: {  	[tilespmem:s23], [sflag:$0x1] =	stream.indirect.gather [hbm4b:s1+s22], $0x80, s4, s22, $0xb8;
	[tilespmem:$0x1E400] =	vst v63  }
0x48: {  	_ =	swait.ge [sflag:s28], $0xF000  }
0x49: {  	[sflag:s28] =	ssyncset.done $0x0  }
0x4a: {  	[sflag:s28] =	ssyncadd.s32 $0xFFFF1000  }
0x4b: {  	[hbm4b:s0+s4] =	stream.linear.scatter [tilespmem:s25], [sflag:$0x3], $0xF000, $0x38;
	[tilespmem:$0x1E400] =	vst v63  }
0x4c: {  	_ =	swait.ge [sflag:s21], $0xF000  }
0x4d: {  	[sflag:s21] =	ssyncset.done $0x0  }
.Ltmp0:
0x4e: {  	s7 =	sadd.s32 s7, s16;
	[sflag:s21] =	ssyncadd.s32 $0xFFFF1000;
	(pc) =	sbr.rel @p0 .LBB2_2-.Ltmp0, $4  }
0x4f: {  	[tilespmem:s24], [sflag:$0x3] =	stream.linear.gather [hbm4b:s7+s4], $0x1E0, $0x38;
	[tilespmem:$0x1E400] =	vst v63  }
0x50: {  	_ =	swait.ge [sflag:s21], $0x1E0  }
0x51: {  	[sflag:s21] =	ssyncset.done $0x0  }
0x52: {  	s2 =	sadd.s32 $0x3C0, s2;
	s0 =	sadd.s32 $0x3C00, s0;
	[sflag:s21] =	ssyncadd.s32 $0xFFFFFE20  }
0x53: {  	[tilespmem:s25], [sflag:$0x2] =	stream.indirect.gather [hbm4b:s1+s22], $0x80, s24, s22, $0xb8;
	[tilespmem:$0x1E400] =	vst v63  }
0x54: {  	_ =	swait.ge [sflag:s26], $0xF000  }
0x55: {  	[sflag:s26] =	ssyncset.done $0x0  }
0x56: {  	s0 =	simm.s32 $0x0;
	[sflag:s26] =	ssyncadd.s32 $0xFFFF1000  }
0x57: {  	[hbm4b:s12+s0] =	stream.linear.scatter [tilespmem:s23], [sflag:$0x3], $0xF000, $0x38;
	[tilespmem:$0x1E400] =	vst v63  }
0x58: {  	_ =	swait.ge [sflag:s21], $0xF000  }
0x59: {  	[sflag:s21] =	ssyncset.done $0x0  }
0x5a: {  	[sflag:s21] =	ssyncadd.s32 $0xFFFF1000  }
0x5b: {  	_ =	swait.ge [sflag:s28], $0xF000  }
0x5c: {  	[sflag:s28] =	ssyncset.done $0x0  }
0x5d: {  	[sflag:s28] =	ssyncadd.s32 $0xFFFF1000  }
0x5e: {  	[hbm4b:s13+s0] =	stream.linear.scatter [tilespmem:s25], [sflag:$0x3], $0xF000, $0x38;
	[tilespmem:$0x1E400] =	vst v63  }
0x5f: {  	_ =	swait.ge [sflag:s21], $0xF000  }
0x60: {  	[sflag:s21] =	ssyncset.done $0x0  }
0x61: {  	[sflag:s21] =	ssyncadd.s32 $0xFFFF1000  }
0x62: {  	[tilespmem:s0], [sflag:$0x3] =	stream.linear.gather [hbm4b:s9+s0], $0x1E0, $0x38;
	[tilespmem:$0x1E400] =	vst v63  }
0x63: {  	_ =	swait.ge [sflag:s21], $0x1E0  }
0x64: {  	[sflag:s21] =	ssyncset.done $0x0  }
0x65: {  	[sflag:s21] =	ssyncadd.s32 $0xFFFFFE20  }
0x66: {  	[tilespmem:s23], [sflag:$0x1] =	stream.indirect.gather [hbm4b:s3+s22], $0x80, s0, s22, $0xb8;
	[tilespmem:$0x1E400] =	vst v63  }
0x67: {  	_ = 	snop  }
0x68: {  	[tilespmem:s24], [sflag:$0x3] =	stream.linear.gather [hbm4b:s10+s0], $0x1E0, $0x38;
	[tilespmem:$0x1E400] =	vst v63  }
0x69: {  	_ =	swait.ge [sflag:s21], $0x1E0  }
0x6a: {  	[sflag:s21] =	ssyncset.done $0x0  }
0x6b: {  	[sflag:s21] =	ssyncadd.s32 $0xFFFFFE20  }
0x6c: {  	[tilespmem:s25], [sflag:$0x2] =	stream.indirect.gather [hbm4b:s3+s22], $0x80, s24, s22, $0xb8;
	[tilespmem:$0x1E400] =	vst v63  }
0x6d: {  	_ =	swait.ge [sflag:s26], $0xF000  }
0x6e: {  	[sflag:s26] =	ssyncset.done $0x0  }
0x6f: {  	s7 =	sadd.s32 $0xFFFFE200, s20;
	[sflag:s26] =	ssyncadd.s32 $0xFFFF1000  }
0x70: {  	[hbm4b:s7+s4] =	stream.linear.scatter [tilespmem:s23], [sflag:$0x3], $0xF000, $0x38;
	[tilespmem:$0x1E400] =	vst v63  }
0x71: {  	_ =	swait.ge [sflag:s21], $0xF000  }
0x72: {  	[sflag:s21] =	ssyncset.done $0x0  }
0x73: {  	s8 =	sadd.s32 s6, s30;
	[sflag:s21] =	ssyncadd.s32 $0xFFFF1000  }
0x74: {  	[tilespmem:s4], [sflag:$0x3] =	stream.linear.gather [hbm4b:s8+s4], $0x1E0, $0x38;
	[tilespmem:$0x1E400] =	vst v63  }
0x75: {  	_ =	swait.ge [sflag:s21], $0x1E0  }
0x76: {  	[sflag:s21] =	ssyncset.done $0x0  }
0x77: {  	[sflag:s21] =	ssyncadd.s32 $0xFFFFFE20  }
0x78: {  	[tilespmem:s23], [sflag:$0x1] =	stream.indirect.gather [hbm4b:s3+s22], $0x80, s4, s22, $0xb8;
	[tilespmem:$0x1E400] =	vst v63  }
0x79: {  	_ =	swait.ge [sflag:s28], $0xF000  }
0x7a: {  	[sflag:s28] =	ssyncset.done $0x0  }
0x7b: {  	[sflag:s28] =	ssyncadd.s32 $0xFFFF1000  }
0x7c: {  	[hbm4b:s20+s4] =	stream.linear.scatter [tilespmem:s25], [sflag:$0x3], $0xF000, $0x38;
	[tilespmem:$0x1E400] =	vst v63  }
0x7d: {  	_ =	swait.ge [sflag:s21], $0xF000  }
0x7e: {  	[sflag:s21] =	ssyncset.done $0x0  }
0x7f: {  	s31 =	sadd.s32 $0x0, s19;
	[sflag:s21] =	ssyncadd.s32 $0xFFFF1000  }
0x80: {  	[tilespmem:s24], [sflag:$0x3] =	stream.linear.gather [hbm4b:s31+s4], $0x1E0, $0x38;
	[tilespmem:$0x1E400] =	vst v63  }
0x81: {  	_ =	swait.ge [sflag:s21], $0x1E0  }
0x82: {  	s30 =	simm.s32 $0x78;
	[sflag:s21] =	ssyncset.done $0x0  }
0x83: {  	s2 =	sadd.s32 $0x3C0, s18;
	s0 =	sadd.s32 $0x3C00, s20;
	[sflag:s21] =	ssyncadd.s32 $0xFFFFFE20  }
.LBB2_4:
0x84: {  	[tilespmem:s25], [sflag:$0x2] =	stream.indirect.gather [hbm4b:s3+s22], $0x80, s24, s22, $0xb8;
	[tilespmem:$0x1E400] =	vst v63  }
0x85: {  	s7 =	smov.u32 s30  }
0x86: {  	p0 =	sne.s32 s30, $0x3C0;
	s30 =	sadd.s32 $0x78, s30;
	_ =	swait.ge [sflag:s26], $0xF000  }
0x87: {  	[sflag:s26] =	ssyncset.done $0x0  }
0x88: {  	s8 =	sadd.s32 $0xFFFFE200, s0;
	[sflag:s26] =	ssyncadd.s32 $0xFFFF1000  }
0x89: {  	[hbm4b:s8+s4] =	stream.linear.scatter [tilespmem:s23], [sflag:$0x3], $0xF000, $0x38;
	[tilespmem:$0x1E400] =	vst v63  }
0x8a: {  	_ =	swait.ge [sflag:s21], $0xF000  }
0x8b: {  	s8 =	sshrl.u32 s2, $0x3;
	[sflag:s21] =	ssyncset.done $0x0  }
0x8c: {  	s8 =	sadd.s32 s6, s8;
	[sflag:s21] =	ssyncadd.s32 $0xFFFF1000  }
0x8d: {  	[tilespmem:s4], [sflag:$0x3] =	stream.linear.gather [hbm4b:s8+s4], $0x1E0, $0x38;
	[tilespmem:$0x1E400] =	vst v63  }
0x8e: {  	_ =	swait.ge [sflag:s21], $0x1E0  }
0x8f: {  	[sflag:s21] =	ssyncset.done $0x0  }
0x90: {  	[sflag:s21] =	ssyncadd.s32 $0xFFFFFE20  }
0x91: {  	[tilespmem:s23], [sflag:$0x1] =	stream.indirect.gather [hbm4b:s3+s22], $0x80, s4, s22, $0xb8;
	[tilespmem:$0x1E400] =	vst v63  }
0x92: {  	_ =	swait.ge [sflag:s28], $0xF000  }
0x93: {  	[sflag:s28] =	ssyncset.done $0x0  }
0x94: {  	[sflag:s28] =	ssyncadd.s32 $0xFFFF1000  }
0x95: {  	[hbm4b:s0+s4] =	stream.linear.scatter [tilespmem:s25], [sflag:$0x3], $0xF000, $0x38;
	[tilespmem:$0x1E400] =	vst v63  }
0x96: {  	_ =	swait.ge [sflag:s21], $0xF000  }
0x97: {  	[sflag:s21] =	ssyncset.done $0x0  }
.Ltmp1:
0x98: {  	s7 =	sadd.s32 s7, s19;
	[sflag:s21] =	ssyncadd.s32 $0xFFFF1000;
	(pc) =	sbr.rel @p0 .LBB2_4-.Ltmp1, $4  }
0x99: {  	[tilespmem:s24], [sflag:$0x3] =	stream.linear.gather [hbm4b:s7+s4], $0x1E0, $0x38;
	[tilespmem:$0x1E400] =	vst v63  }
0x9a: {  	_ =	swait.ge [sflag:s21], $0x1E0  }
0x9b: {  	[sflag:s21] =	ssyncset.done $0x0  }
0x9c: {  	s2 =	sadd.s32 $0x3C0, s2;
	s0 =	sadd.s32 $0x3C00, s0;
	[sflag:s21] =	ssyncadd.s32 $0xFFFFFE20  }
0x9d: {  	[tilespmem:s25], [sflag:$0x2] =	stream.indirect.gather [hbm4b:s3+s22], $0x80, s24, s22, $0xb8;
	[tilespmem:$0x1E400] =	vst v63  }
0x9e: {  	_ =	swait.ge [sflag:s26], $0xF000  }
0x9f: {  	[sflag:s26] =	ssyncset.done $0x0  }
0xa0: {  	[sflag:s26] =	ssyncadd.s32 $0xFFFF1000  }
0xa1: {  	[hbm4b:s14+s4] =	stream.linear.scatter [tilespmem:s23], [sflag:$0x3], $0xF000, $0x38;
	[tilespmem:$0x1E400] =	vst v63  }
0xa2: {  	_ =	swait.ge [sflag:s21], $0xF000  }
0xa3: {  	[sflag:s21] =	ssyncset.done $0x0  }
0xa4: {  	[sflag:s21] =	ssyncadd.s32 $0xFFFF1000  }
0xa5: {  	s29 =	sadd.s32 $0x1, s29;
	_ =	swait.ge [sflag:s28], $0xF000  }
0xa6: {  	p0 =	sne.s32 s29, s11;
	[sflag:s28] =	ssyncset.done $0x0  }
.Ltmp2:
0xa7: {  	[sflag:s28] =	ssyncadd.s32 $0xFFFF1000;
	(pc) =	sbr.rel @p0 .LBB2_1-.Ltmp2, $4  }
0xa8: {  	[hbm4b:s15+s4] =	stream.linear.scatter [tilespmem:s25], [sflag:$0x3], $0xF000, $0x38;
	[tilespmem:$0x1E400] =	vst v63  }
0xa9: {  	_ =	swait.ge [sflag:s21], $0xF000  }
0xaa: {  	[sflag:s21] =	ssyncset.done $0x0  }
0xab: {  	[sflag:s21] =	ssyncadd.s32 $0xFFFF1000  }
0xac: {  	_ =	sfence.sel $0x180000  }
0xad: {  	[bflag:$0x0] =	sbarrier.arrive $0xFFFF  }
0xae: {  	_ =	strace $0x90000047  }
0xaf: {  	s0 =	stileid.u32;
	[bflag:$0x2] =	sbarrier.arrive $0xFFFF  }
0xb0: {  	p0 =	sne.s32 s0, $0x0;
	s0 =	rddreg [dreg:$0x3]  }
0xb1: {  	s0 =	sadd.s32 @!p0 $0x100000, s0  }
0xb2: {  	[sflag:s0] =	ssyncadd.tile.s32 @!p0 $0x1;
	_ =	shalt  }
.Lfunc_end2:
_tile_overlayer_lowered:
.L_overlay_start_2:
0xb3: {  	(tag) =	ssettag $0x2  }
0xb4: {  	s0 =	rddreg [dreg:$0x0];
	s2 =	stileid.u32  }
0xb5: {  	s1 =	rddreg [dreg:$0x1];
	p0 =	sne.s32 s2, $0x0  }
0xb6: {  	s3 =	rddreg [dreg:$0x2];
	[bflag:$0x3] =	sbarrier.arrive $0xFFFF;
	s2 =	simm.s32 @!p0 $0x1C03  }
0xb7: {  	[timem:s3], [sflag:s2] =	dma.local @!p0 [hbm:s0], s1  }
0xb8: {  	s0 =	simm.s32 @!p0 $0x3  }
0xb9: {  	_ =	swait.ge @!p0 [sflag:s0], s1  }
0xba: {  	s1 =	ssub.s32 @!p0 $0x0, s1;
	[sflag:s0] =	ssyncset.done @!p0 $0x0  }
0xbb: {  	[sflag:s0] =	ssyncadd.s32 @!p0 s1  }
0xbc: {  	[bflag:$0x3] =	sbarrier.arrive $0xFFFF  }
0xbd: {  	_ =	shalt  }

// kernel: sparse-core-data-format-call.cloned.1.call-start
scs
called_computation_lowered:
.L_overlay_start_0:
0x0: {  	s2 =	sld [smem:$0x3FD9]  }
0x1: {  	s3 =	sld [smem:$0x3FFE];
	_ =	sdelay $0x1  }
0x2: {  	s1 =	srdreg.scid  }
0x3: {  	s0 =	sand.u32 $0x1, s1  }
0x4: {  	s18 =	sshll.u32 s0, $0xA;
	s2 =	sadd.s32 s3, s2  }
0x5: {  	s2 =	sadd.s32 s2, s18  }
0x6: {  	[smem:$0x3FBF] =	sst s2  }
0x7: {  	_ = 	snop  }
0x8: {  	s2 =	sld [smem:$0x3FD0];
	(tm) =	ssettm $0x1  }
0x9: {  	s19 =	sld [smem:$0x3FFB];
	_ =	sdelay $0x3  }
0xa: {  	_ =	strace s19  }
0xb: {  	s3 =	sld [smem:$0x3FFC];
	_ =	sdelay $0x3  }
0xc: {  	_ =	strace s3  }
0xd: {  	s3 =	sld [smem:$0x3FFD];
	_ =	sdelay $0x3  }
0xe: {  	_ =	strace s3  }
0xf: {  	_ =	strace $0x8FFFFFFF  }
0x10: {  	s20 =	sld [smem:$0x3FDB];
	_ =	sdelay $0x1  }
0x11: {  	s4 =	simm.s32 $_scs_section_size  }
0x12: {  	s5 =	simm.s32 $_size__tile_overlayer_lowered;
	s6 =	simm.s32 $_tile_overlayer_lowered  }
0x13: {  	s23 =	simm.s32 $0x1BFF;
	s22 =	sshll.u32 s6, $0x1;
	s3 =	sadd.s32 s4, s20  }
0x14: {  	s7 =	simm.s32 $0x0;
	s21 =	sshll.u32 s5, $0x1;
	s5 =	sadd.s32 s22, s3  }
0x15: {  	[timem:s7], [sflag:s23] =	dma.local [hbm:s5], s21  }
0x16: {  	_ =	swait.ge [sflag:s23], s21  }
0x17: {  	s4 =	ssub.s32 $0x0, s21;
	[sflag:s23] =	ssyncset.done $0x0  }
0x18: {  	[sflag:s23] =	ssyncadd.s32 s4;
	_ =	sdelay $0x1  }
0x19: {  	s24 =	simm.s32 $0x1B8B  }
0x1a: {  	_ =	swait.ge [sflag:s24], $0x1  }
0x1b: {  	[sflag:s24] =	ssyncset.done $0x0  }
0x1c: {  	s26 =	simm.s32 $0x1B8E;
	s25 =	sld [smem:$0x3FFE];
	[sflag:s24] =	ssyncadd.s32 $0xFFFFFFFF  }
0x1d: {  	s27 =	simm.s32 $execute0_lowered;
	[smem:$0x3FD2] =	sst s26  }
0x1e: {  	s5 =	sshll.u32 s27, $0x1;
	_ =	strace $0x8000004F;
	[dreg:$0x1] =	wrdreg $0xFFFFFFFF  }
0x1f: {  	s28 =	simm.s32 $_size_execute0_lowered;
	s3 =	sadd.s32 s3, s5;
	[dreg:$0x0] =	wrdreg $0x0  }
0x20: {  	s5 =	sshll.u32 s28, $0x1;
	[dreg:$0x2] =	wrdreg s3  }
0x21: {  	[dreg:$0x3] =	wrdreg s5  }
0x22: {  	[dreg:$0x4] =	wrdreg $0xC0  }
0x23: {  	_ =	task [dreg:s7], $0x5FFFF  }
0x24: {  	[dreg:$0x1] =	wrdreg $0xFFFFFFFF  }
0x25: {  	[dreg:$0x0] =	wrdreg $0x60  }
0x26: {  	[dreg:$0x2] =	wrdreg s25  }
0x27: {  	[dreg:$0x3] =	wrdreg s2  }
0x28: {  	[dreg:$0x4] =	wrdreg $0x9  }
0x29: {  	_ =	task.clear_ibuf [dreg:s7], $0x5FFFF;
	_ =	strace $0x9000004F  }
0x2a: {  	s29 =	simm.s32 $0x9;
	_ =	strace $0x80000051  }
0x2b: {  	_ =	swait.ge [sflag:s29], $0x1  }
0x2c: {  	[sflag:s29] =	ssyncadd.s32 $0xFFFFFFFF  }
0x2d: {  	_ =	strace $0x90000051  }
0x2e: {  	_ =	sfence  }
0x2f: {  	s30 =	sld [smem:$0x0];
	_ =	sdelay $0x2  }
0x30: {  	s31 =	sshll.u32 s1, $0xD;
	s1 =	sshrl.u32 s1, $0x2  }
0x31: {  	s3 =	sand.u32 $0x4000, s31;
	s1 =	sadd.s32 s1, s30  }
0x32: {  	s0 =	sor.u32 s3, s0;
	s1 =	sshll.u32 s1, $0x11  }
0x33: {  	s0 =	sor.u32 s1, s0  }
0x34: {  	s0 =	sadd.s32 $0x8F2B, s0  }
0x35: {  	[sflag:s0] =	ssyncadd.remote.s32 $0x1  }
0x36: {  	_ =	sfence.sel $0xFFFF  }
0x37: {  	[dreg:$0x0] =	wrdreg $0xFFFFFFFF;
	(pc) =	sbr.abs _section_cstart, $3  }
0x38: {  	[dreg:$0x1] =	wrdreg $0xFFFFFFFF  }
0x39: {  	_ =	task.clear_ibuf [dreg:s7], $0x2FFFF;
	_ =	strace $0x9FFFFFFF  }
0x3a: {  	(tm) =	ssettm $0x7FFFFFFF  }
0x3b: {  	_ =	shalt  }
tec
execute0_lowered:
.L_overlay_start_1:
0x0: {  	(tag) =	ssettag $0x1  }
0x1: {  	s0 =	srdreg.scid;
	s6 =	rddreg [dreg:$0x0]  }
0x2: {  	s2 =	rddreg [dreg:$0x1];
	s4 =	simm.s32 $0x1;
	s7 =	simm.s32 $0x2  }
0x3: {  	s8 =	simm.s32 $0x0;
	s9 =	simm.s32 $0x0;
	s1 =	sshll.u32 s0, $0x4  }
0x4: {  	s16 =	simm.s32 $0x0;
	s0 =	stileid.u32;
	s1 =	sand.u32 $0x10, s1  }
0x5: {  	s15 =	simm.s32 $0x0;
	s10 =	simm.s32 $0x0;
	s3 =	sor.u32 s0, s1  }
.Ltmp0:
0x6: {  	s11 =	simm.s32 $0x0;
	s5 =	ssub.s32 $0x51, s3;
	(pc) =	sbr.rel .LBB1_1-.Ltmp0, $4  }
0x7: {  	s13 =	simm.s32 $0x0;
	s14 =	simm.s32 $0x0;
	s5 =	sshrl.u32 s5, $0x5  }
0x8: {  	s1 =	rddreg [dreg:$0x2];
	_ =	strace $0x80000050;
	s5 =	smul.u32 $0x28, s5  }
0x9: {  	s23 =	simm.s32 $0x0;
	s6 =	sadd.s32 $0x2200, s6;
	[sflag:s4] =	ssyncpa.u1 $0x0  }
0xa: {  	s12 =	smov.u32 s3;
	[sflag:s7] =	ssyncpa.u1 $0x0;
	s7 =	sor.u32 $0x1, s5  }
.LBB1_11:
0xb: {  	s20 =	sand.u32 $0x1FFFFFF, s11;
	p0 =	sgt.s32 s10, $0x31;
	s21 =	smov.u32 s10  }
0xc: {  	s22 =	smulhi.u32 $0x1A36E2F, s20;
	s21 =	simm.s32 @!p0 $0x31  }
0xd: {  	s17 =	sadd.s32 s17, s21  }
0xe: {  	s27 =	sshrl.u32 s22, $0x5;
	s28 =	sadd.s32 $0xFFFFFFCF, s17  }
0xf: {  	s17 =	ssub.s32 $0x32, s17;
	s21 =	smul.u32 $0x1388, s27;
	p0 =	sgt.s32 s28, $0x0  }
0x10: {  	s29 =	smul.u32 $0x13880, s10;
	s17 =	simm.s32 @p0 $0x0  }
0x11: {  	s20 =	ssub.s32 s20, s21;
	s17 =	smul.u32 s17, s18  }
0x12: {  	s31 =	sadd.s32 s2, s29;
	s30 =	sshll.u32 s20, $0x4  }
0x13: {  	s19 =	sor.u32 $0x8000, s19;
	s17 =	sand.u32 $0x3FFFFF80, s17;
	s18 =	sadd.s32 s30, s31  }
0x14: {  	[hbm4b:s18+s8] =	stream.linear.scatter [tilespmem:s19], [sflag:$0x2], s17, $0x38;
	[tilespmem:$0x10000] =	vst v63  }
.LBB1_12:
0x15: {  	p0 =	slt.u32 s14, $0x2  }
0x16: {  	p1 =	sgt.s32 @!p0 s16, $0x31  }
0x17: {  	s17 =	smov.u32 s16;
	s18 =	sshra.s32 @!p0 s16, $0x1F;
	p1 =	por !p1, p0  }
0x18: {  	s19 =	sshra.s32 @!p0 s15, $0x1F;
	s17 =	simm.s32 @p1 $0x31;
	p1 =	sgt.s32 @!p0 s15, $0x1308  }
0x19: {  	s16 =	sand.u32 @!p0 s18, s16;
	s18 =	smov.u32 s15;
	p1 =	por !p1, p0  }
0x1a: {  	s15 =	sand.u32 @!p0 s19, s15;
	s18 =	simm.s32 @p1 $0x1308  }
0x1b: {  	s19 =	smov.u32 s13;
	s16 =	ssub.s32 @!p0 s17, s16;
	s15 =	ssub.s32 @!p0 s18, s15  }
0x1c: {  	s17 =	sadd.s32 @!p0 $0xFFFFFFCF, s16;
	s16 =	ssub.s32 @!p0 $0x32, s16;
	s15 =	sadd.s32 @!p0 $0xFFFFECF8, s15  }
0x1d: {  	p1 =	sgt.s32 @!p0 s17, $0x0;
	p2 =	sgt.s32 @!p0 s15, $0x7F;
	s15 =	sshll.u32 @!p0 s15, $0x7  }
0x1e: {  	p1 =	por !p1, p0;
	s15 =	ssub.s32 @!p0 $0x4000, s15;
	p2 =	por !p2, p0  }
0x1f: {  	s17 =	sadd.s32 $0x20, s12;
	s16 =	simm.s32 @!p1 $0x0;
	s15 =	simm.s32 @!p2 $0x0  }
0x20: {  	p1 =	sgt.s32 s17, $0x31;
	s15 =	smul.u32 @!p0 s16, s15;
	s16 =	sadd.s32 $0x80, s13  }
0x21: {  	s19 =	smov.u32 @p1 s16  }
0x22: {  	s17 =	smov.u32 @p1 s3;
	p1 =	sgt.s32 s19, $0x1387  }
0x23: {  	s19 =	simm.s32 @p1 $0x0;
	p1 =	sne.s32 s14, s7  }
.Ltmp1:
0x24: {  	s9 =	sadd.s32 $0x4000, s9;
	s18 =	simm.s32 @!p0 $0x2;
	(pc) =	sbr.rel @!p1 .LBB1_13-.Ltmp1, $4  }
0x25: {  	s16 =	smov.u32 s10;
	s10 =	smov.u32 s12;
	s15 =	sand.u32 @!p0 $0x3FFFFF80, s15  }
0x26: {  	s12 =	smov.u32 s17;
	_ =	swait.ge @!p0 [sflag:s18], s15;
	s20 =	ssub.s32 @!p0 $0x0, s15  }
0x27: {  	s15 =	smov.u32 s11;
	s14 =	sadd.s32 $0x1, s14;
	[sflag:s18] =	ssyncset.done @!p0 $0x0  }
0x28: {  	s11 =	smov.u32 s13;
	s13 =	smov.u32 s19;
	[sflag:s18] =	ssyncadd.s32 @!p0 s20  }
.LBB1_1:
0x29: {  	p0 =	sge.u32 s14, s5  }
0x2a: {  	s18 =	smov.u32 s13;
	p1 =	sgt.s32 @!p0 s13, $0x1308;
	s17 =	sand.u32 @!p0 $0x1FFFFFF, s12  }
0x2b: {  	s19 =	sshra.s32 @!p0 s13, $0x1F;
	s20 =	sshra.s32 @!p0 s12, $0x1F;
	p1 =	por !p1, p0  }
0x2c: {  	s19 =	sand.u32 @!p0 s19, s13;
	s18 =	simm.s32 @p1 $0x1308;
	p1 =	sgt.s32 @!p0 s12, $0x37  }
0x2d: {  	s18 =	ssub.s32 @!p0 s18, s19;
	p1 =	por !p1, p0;
	s19 =	smov.u32 s12  }
0x2e: {  	s21 =	smulhi.u32 @!p0 $0x4924925, s17;
	s20 =	sand.u32 @!p0 s20, s12;
	s19 =	simm.s32 @p1 $0x37  }
0x2f: {  	s18 =	sadd.s32 @!p0 $0xFFFFECF8, s18;
	s19 =	ssub.s32 @!p0 s19, s20  }
0x30: {  	s20 =	smul.u32 @!p0 $0x38, s21;
	p1 =	sgt.s32 @!p0 s18, $0x7F;
	s21 =	sadd.s32 @!p0 $0xFFFFFFC9, s19  }
0x31: {  	s18 =	sshll.u32 @!p0 s18, $0x7;
	s19 =	ssub.s32 @!p0 $0x38, s19;
	p2 =	sgt.s32 @!p0 s21, $0x0  }
0x32: {  	s18 =	ssub.s32 @!p0 $0x4000, s18;
	p1 =	por !p1, p0;
	p2 =	por !p2, p0  }
0x33: {  	s18 =	simm.s32 @!p1 $0x0;
	s19 =	simm.s32 @!p2 $0x0  }
0x34: {  	s21 =	sxor.u32 @!p0 $0xFFFFFFFF, s14;
	s18 =	smul.u32 @!p0 s19, s18  }
0x35: {  	s17 =	ssub.s32 @!p0 s17, s20;
	s19 =	sshll.u32 @!p0 s21, $0xE;
	s21 =	smul.u32 @!p0 $0x380, s13  }
0x36: {  	s31 =	sadd.s32 $0xFFFFFFFF, s14;
	s17 =	sshll.u32 @!p0 s17, $0x4  }
0x37: {  	s19 =	sand.u32 @!p0 $0x4000, s19;
	s18 =	sand.u32 @!p0 $0x3FFFFF80, s18;
	s20 =	sadd.s32 @!p0 s6, s21  }
0x38: {  	s21 =	simm.s32 @!p0 $0x1C00;
	s17 =	sadd.s32 @!p0 s17, s20;
	s20 =	simm.s32 @!p0 $0x80  }
0x39: {  	[tilespmem:s19], [sflag:$0x1] =	stream.strided.gather @!p0 [hbm4b:s17+s20], s18, s21, s20, $0x38;
	[tilespmem:$0x10000] =	vst v63  }
0x3a: {  	p0 =	sge.u32 s31, s5  }
.Ltmp2:
0x3b: {  	_ = 	snop;
	(pc) =	sbr.rel @p0 .LBB1_12-.Ltmp2, $1  }
0x3c: {  	_ =	sdelay $0x3  }
0x3d: {  	p0 =	sgt.s32 s11, $0x1308;
	s17 =	smov.u32 s11;
	s18 =	sshra.s32 s11, $0x1F  }
0x3e: {  	s19 =	ssub.s32 $0x0, s10;
	s17 =	simm.s32 @!p0 $0x1308;
	s18 =	sand.u32 s18, s11  }
0x3f: {  	s20 =	sshra.s32 s10, $0x1F;
	s21 =	smov.u32 s10;
	s18 =	ssub.s32 s17, s18  }
0x40: {  	p0 =	sgt.s32 s10, $0x37;
	s17 =	sand.u32 s19, s20;
	s18 =	sadd.s32 $0xFFFFECF8, s18  }
0x41: {  	s21 =	simm.s32 @!p0 $0x37;
	p0 =	sgt.s32 s18, $0x7F;
	s18 =	sshll.u32 s18, $0x7  }
0x42: {  	s20 =	sadd.s32 $0x80, s11;
	s19 =	sadd.s32 s17, s21;
	s18 =	ssub.s32 $0x4000, s18  }
0x43: {  	s21 =	sadd.s32 $0x1, s10;
	s18 =	simm.s32 @p0 $0x0;
	p0 =	slt.s32 s20, $0x1388  }
0x44: {  	s30 =	sadd.s32 $0xFFFFFFC9, s19;
	s20 =	simm.s32 @!p0 $0x1388;
	p0 =	slt.s32 s21, $0x32  }
0x45: {  	s19 =	ssub.s32 $0x38, s19;
	s20 =	ssub.s32 s20, s11;
	s21 =	simm.s32 @!p0 $0x32  }
0x46: {  	p1 =	sgt.s32 s30, $0x0;
	s21 =	ssub.s32 s21, s10;
	p0 =	slt.s32 s20, $0x1  }
0x47: {  	s19 =	simm.s32 @p1 $0x0;
	p1 =	slt.s32 @!p0 s21, $0x1  }
0x48: {  	s19 =	smul.u32 s19, s18;
	p0 =	por p0, p1  }
.Ltmp3:
0x49: {  	_ = 	snop;
	(pc) =	sbr.rel @p0 .LBB1_11-.Ltmp3, $4  }
0x4a: {  	s19 =	sand.u32 $0x3FFFFF80, s19  }
0x4b: {  	_ =	swait.ge [sflag:s4], s19  }
0x4c: {  	s31 =	sshll.u32 s14, $0xE;
	s22 =	ssub.s32 $0x0, s19;
	[sflag:s4] =	ssyncset.done $0x0  }
0x4d: {  	s19 =	sand.u32 $0x4000, s31;
	[sflag:s4] =	ssyncadd.s32 s22  }
0x4e: {  	s22 =	sshll.u32 s9, $0x2  }
0x4f: {  	s22 =	sand.u32 $0x10000, s22  }
0x50: {  	s22 =	sshrl.u32 s22, $0x2  }
0x51: {  	s24 =	simm.s32 $0x0;
	s25 =	simm.s32 $0x0;
	s22 =	sadd.s32 $0x8040, s22  }
.LBB1_4:
0x52: {  	s27 =	sshll.u32 s25, $0x7  }
0x53: {  	p1 =	sne.s32 s21, $0x1;
	s27 =	sadd.s32 s27, s19  }
.Ltmp4:
0x54: {  	v0 =	vmov s27;
	(pc) =	sbr.rel @!p1 .LBB1_5-.Ltmp4, $3  }
0x55: {  	_ =	sdelay $0x1  }
0x56: {  	s26 =	sand.u32 $0x3F80, s24;
	s28 =	sand.u32 $0x380, s23  }
0x57: {  	p0 =	por $0x0, $0x0;
	s26 =	sadd.s32 s26, s22;
	s27 =	sadd.s32 $0xFFFFFFFF, s21  }
0x58: {  	_ =	sdelay $0x3  }
0x59: {  	v6 =	vld.idx.msk [tilespmem:v0+s28+$0x70 ss:$0x1], $0xffff  }
0x5a: {  	v7 =	vld.idx.msk [tilespmem:v0+s28+$0x0 ss:$0x1], $0xffff  }
0x5b: {  	v1 =	vld.idx.msk [tilespmem:v0+s28+$0x10 ss:$0x1], $0xffff;
	p1 =	sne.s32 s27, $0x1  }
.Ltmp5:
0x5c: {  	v2 =	vld.idx.msk [tilespmem:v0+s28+$0x20 ss:$0x1], $0xffff;
	(pc) =	sbr.rel @!p1 .LBB1_7-.Ltmp5, $4  }
0x5d: {  	v3 =	vld.idx.msk [tilespmem:v0+s28+$0x30 ss:$0x1], $0xffff  }
0x5e: {  	v4 =	vld.idx.msk [tilespmem:v0+s28+$0x40 ss:$0x1], $0xffff  }
0x5f: {  	v5 =	vld.idx.msk [tilespmem:v0+s28+$0x50 ss:$0x1], $0xffff;
	s30 =	simm.s32 $0x80;
	s31 =	sadd.s32 $0xFFFFFFFF, s27;
	[tilespmem:s26+$0x30] =	vst v6  }
0x60: {  	p0 =	por $0x1, $0x1;
	s27 =	smov.u32 s26;
	s29 =	sand.u32 $0x380, s30;
	[tilespmem:s26+$0xFFFFFFC0] =	vst v7;
	v6 =	vld.idx.msk [tilespmem:v0+s28+$0x60 ss:$0x1], $0xffff  }
.LBB1_8:
0x61: {  	p1 =	sne.s32 s31, $0x1;
	v7 =	vld.idx.msk [tilespmem:v0+s29+$0x70 ss:$0x1], $0xffff;
	[tilespmem:s27+$0xFFFFFFD0] =	vst v1  }
0x62: {  	v8 =	vld.idx.msk [tilespmem:v0+s29+$0x0 ss:$0x1], $0xffff;
	[tilespmem:s27+$0xFFFFFFE0] =	vst v2  }
0x63: {  	v1 =	vld.idx.msk [tilespmem:v0+s29+$0x10 ss:$0x1], $0xffff;
	[tilespmem:s27+$0xFFFFFFF0] =	vst v3  }
.Ltmp6:
0x64: {  	v2 =	vld.idx.msk [tilespmem:v0+s29+$0x20 ss:$0x1], $0xffff;
	[tilespmem:s27+$0x0] =	vst v4;
	(pc) =	sbr.rel @p1 .LBB1_8-.Ltmp6, $4  }
0x65: {  	v3 =	vld.idx.msk [tilespmem:v0+s29+$0x30 ss:$0x1], $0xffff;
	[tilespmem:s27+$0x10] =	vst v5  }
0x66: {  	v4 =	vld.idx.msk [tilespmem:v0+s29+$0x40 ss:$0x1], $0xffff;
	[tilespmem:s27+$0x20] =	vst v6;
	s27 =	sadd.s32 $0x4000, s27  }
0x67: {  	s30 =	sadd.s32 $0x80, s30;
	v5 =	vld.idx.msk [tilespmem:v0+s29+$0x50 ss:$0x1], $0xffff;
	[tilespmem:s27+$0x30] =	vst v7  }
0x68: {  	s31 =	sadd.s32 $0xFFFFFFFF, s31;
	[tilespmem:s27+$0xFFFFFFC0] =	vst v8;
	v6 =	vld.idx.msk [tilespmem:v0+s29+$0x60 ss:$0x1], $0xffff;
	s29 =	sand.u32 $0x380, s30  }
0x69: {  	s28 =	smov.u32 s29  }
.LBB1_10:
0x6a: {  	_ =	sdelay $0x2  }
0x6b: {  	[tilespmem:s27+$0xFFFFFFD0] =	vst @p0 v1  }
0x6c: {  	v56 =	vld.idx.msk [tilespmem:v0+s28+$0x70 ss:$0x1], $0xffff;
	[tilespmem:s27+$0xFFFFFFE0] =	vst @p0 v2  }
0x6d: {  	v57 =	vld.idx.msk [tilespmem:v0+s28+$0x0 ss:$0x1], $0xffff;
	[tilespmem:s27+$0xFFFFFFF0] =	vst @p0 v3  }
0x6e: {  	v58 =	vld.idx.msk [tilespmem:v0+s28+$0x10 ss:$0x1], $0xffff;
	[tilespmem:s27+$0x0] =	vst @p0 v4  }
0x6f: {  	v59 =	vld.idx.msk [tilespmem:v0+s28+$0x20 ss:$0x1], $0xffff;
	s29 =	sadd.s32 @p0 $0x4000, s27;
	[tilespmem:s27+$0x10] =	vst @p0 v5  }
0x70: {  	v60 =	vld.idx.msk [tilespmem:v0+s28+$0x30 ss:$0x1], $0xffff;
	s26 =	smov.u32 @p0 s29;
	[tilespmem:s27+$0x20] =	vst @p0 v6  }
0x71: {  	v61 =	vld.idx.msk [tilespmem:v0+s28+$0x40 ss:$0x1], $0xffff;
	[tilespmem:s26+$0x30] =	vst v56  }
0x72: {  	v62 =	vld.idx.msk [tilespmem:v0+s28+$0x50 ss:$0x1], $0xffff;
	s25 =	sadd.s32 $0x1, s25;
	[tilespmem:s26+$0xFFFFFFC0] =	vst v57  }
0x73: {  	v63 =	vld.idx.msk [tilespmem:v0+s28+$0x60 ss:$0x1], $0xffff;
	p0 =	sne.s32 s25, s20;
	[tilespmem:s26+$0xFFFFFFD0] =	vst v58  }
.Ltmp7:
0x74: {  	[tilespmem:s26+$0xFFFFFFE0] =	vst v59;
	(pc) =	sbr.rel @p0 .LBB1_4-.Ltmp7, $4  }
.Ltmp8:
0x75: {  	[tilespmem:s26+$0xFFFFFFF0] =	vst v60;
	(pc) =	sbr.rel @!p0 .LBB1_11-.Ltmp8, $4  }
0x76: {  	[tilespmem:s26+$0x0] =	vst v61  }
0x77: {  	[tilespmem:s26+$0x10] =	vst v62  }
0x78: {  	s24 =	sadd.s32 $0x80, s24;
	[tilespmem:s26+$0x20] =	vst v63  }
0x79: {  	_ = 	snop  }
.LBB1_5:
.Ltmp9:
0x7a: {  	(pc) =	sbr.rel .LBB1_10-.Ltmp9, $2  }
0x7b: {  	_ =	sdelay $0x2  }
0x7c: {  	s27 =	smov.u32 s26  }
.LBB1_7:
.Ltmp10:
0x7d: {  	(pc) =	sbr.rel .LBB1_10-.Ltmp10, $2  }
0x7e: {  	_ =	sdelay $0x2  }
0x7f: {  	s28 =	smov.u32 s29;
	s27 =	smov.u32 s26  }
.LBB1_13:
0x80: {  	_ =	sfence.sel $0x180000  }
0x81: {  	s2 =	simm.s32 $0x1;
	[bflag:$0x0] =	sbarrier.arrive $0xFFFF  }
0x82: {  	s31 =	simm.s32 $0x2;
	[sflag:s2] =	ssyncpa.u1 $0x1  }
0x83: {  	[sflag:s31] =	ssyncpa.u1 $0x1  }
0x84: {  	p0 =	sne.s32 s0, $0x0;
	_ =	strace $0x90000050  }
0x85: {  	s0 =	sadd.s32 @!p0 $0x100000, s1;
	[bflag:$0x2] =	sbarrier.arrive $0xFFFF  }
0x86: {  	[sflag:s0] =	ssyncadd.tile.s32 @!p0 $0x1;
	_ =	shalt  }
.Lfunc_end1:
_tile_overlayer_lowered:
.L_overlay_start_2:
0x87: {  	(tag) =	ssettag $0x2  }
0x88: {  	s0 =	rddreg [dreg:$0x0];
	s2 =	stileid.u32  }
0x89: {  	s1 =	rddreg [dreg:$0x1];
	p0 =	sne.s32 s2, $0x0  }
0x8a: {  	s3 =	rddreg [dreg:$0x2];
	[bflag:$0x3] =	sbarrier.arrive $0xFFFF;
	s2 =	simm.s32 @!p0 $0x1C01  }
0x8b: {  	[timem:s3], [sflag:s2] =	dma.local @!p0 [hbm:s0], s1  }
0x8c: {  	s0 =	simm.s32 @!p0 $0x1  }
0x8d: {  	_ =	swait.ge @!p0 [sflag:s0], s1  }
0x8e: {  	s1 =	ssub.s32 @!p0 $0x0, s1;
	[sflag:s0] =	ssyncset.done @!p0 $0x0  }
0x8f: {  	[sflag:s0] =	ssyncadd.s32 @!p0 s1  }
0x90: {  	[bflag:$0x3] =	sbarrier.arrive $0xFFFF  }
0x91: {  	_ =	shalt  }

</sc_bundles>
